<compile_context>
chip_gen: v7x
topology: tpu7x:2x2x1
jax: 0.10.2.dev20260603
libtpu: 0.0.44.dev20260713+nightly
codegen_flags: <defaults>
</compile_context>

<pallas_src>
import functools

import jax
import jax.numpy as jnp
from jax import lax
from jax.experimental import pallas as pl
from jax.experimental.pallas import tpu as pltpu
from jax.experimental.pallas import tpu_sc as plsc

NC = 2
NS = 16
NW = NC * NS
LANES = 16
CH = 128


def _mesh():
    return plsc.VectorSubcoreMesh(
        core_axis_name="c", subcore_axis_name="s", num_cores=NC, num_subcores=NS
    )


def _make_deg_y(n_pad, e_pad, d):
    rows_per_sub = n_pad // NS
    rows_per_tile = n_pad // NW
    n_chunks_tot = e_pad // CH
    n_chunks = n_chunks_tot // NS

    @functools.partial(
        pl.kernel,
        out_type=[
            jax.ShapeDtypeStruct((n_pad, d), jnp.float32),
            jax.ShapeDtypeStruct((n_pad,), jnp.float32),
        ],
        mesh=_mesh(),
        scratch_types=[
            pltpu.VMEM_SHARED((n_pad,), jnp.float32),
            pltpu.VMEM((rows_per_sub,), jnp.float32),
            pltpu.VMEM((rows_per_sub,), jnp.float32),
            pltpu.VMEM((CH,), jnp.float32),
            pltpu.VMEM((n_chunks, CH), jnp.int32),
            pltpu.VMEM((rows_per_tile, d), jnp.float32),
        ],
    )
    def deg_y(rows_hbm, x_hbm, y_hbm, inv_hbm, deg_sh, buf_a, buf_b, ones_v,
              idx_v, xblk):
        c = lax.axis_index("c")
        s = lax.axis_index("s")

        pltpu.sync_copy(rows_hbm.at[pl.ds(s * n_chunks, n_chunks)], idx_v)

        def zero_loop(i, carry):
            buf_a[pl.ds(i * LANES, LANES)] = jnp.zeros((LANES,), jnp.float32)
            return carry

        lax.fori_loop(0, rows_per_sub // LANES, zero_loop, None)
        pltpu.sync_copy(buf_a, deg_sh.at[pl.ds(s * rows_per_sub, rows_per_sub)])

        def ones_loop(i, carry):
            ones_v[pl.ds(i * LANES, LANES)] = jnp.ones((LANES,), jnp.float32)
            return carry

        lax.fori_loop(0, CH // LANES, ones_loop, None)
        plsc.subcore_barrier()

        def acc(k, carry):
            pltpu.sync_copy(ones_v, deg_sh.at[idx_v.at[k]], add=True)
            return carry

        lax.fori_loop(0, n_chunks, acc, None)
        plsc.subcore_barrier()

        pltpu.sync_copy(deg_sh.at[pl.ds(s * rows_per_sub, rows_per_sub)], buf_a)

        def inv_loop(i, carry):
            v = buf_a[pl.ds(i * LANES, LANES)]
            buf_b[pl.ds(i * LANES, LANES)] = 1.0 / (v + 1.0)
            return carry

        lax.fori_loop(0, rows_per_sub // LANES, inv_loop, None)

        @pl.when(c == 0)
        def _():
            pltpu.sync_copy(buf_b, inv_hbm.at[pl.ds(s * rows_per_sub, rows_per_sub)])

        w = s * NC + c
        rowbase = w * rows_per_tile
        pltpu.sync_copy(x_hbm.at[pl.ds(rowbase, rows_per_tile)], xblk)

        def y_loop(g, carry):
            inv16 = buf_b[pl.ds(c * rows_per_tile + g * LANES, LANES)]
            for j in range(LANES):
                iv = inv16[j]
                r = g * LANES + j
                for cc in range(d // LANES):
                    xv = xblk[r, pl.ds(cc * LANES, LANES)]
                    xblk[r, pl.ds(cc * LANES, LANES)] = xv * iv
            return carry

        lax.fori_loop(0, rows_per_tile // LANES, y_loop, None)
        pltpu.sync_copy(xblk, y_hbm.at[pl.ds(rowbase, rows_per_tile)])

    return deg_y


def _make_spmm(n_pad, e_pad, d, ch):
    rows_per_sub = n_pad // NS
    chunks_per_tile = e_pad // ch // NW
    zrows = 16

    @functools.partial(
        pl.kernel,
        out_type=jax.ShapeDtypeStruct((NC * n_pad, d), jnp.float32),
        mesh=_mesh(),
        scratch_types=[
            pltpu.VMEM_SHARED((n_pad, d), jnp.float32),
            pltpu.VMEM((zrows, d), jnp.float32),
            pltpu.VMEM((ch,), jnp.int32),
            pltpu.VMEM((ch,), jnp.int32),
            pltpu.VMEM((ch,), jnp.int32),
            pltpu.VMEM((ch,), jnp.int32),
            pltpu.VMEM((ch, d), jnp.float32),
            pltpu.VMEM((ch, d), jnp.float32),
            pltpu.SemaphoreType.DMA,
            pltpu.SemaphoreType.DMA,
            pltpu.SemaphoreType.DMA,
            pltpu.SemaphoreType.DMA,
        ],
    )
    def spmm(rows_hbm, cols_hbm, y_hbm, p_hbm, s_sh, zb, r0, c0, r1, c1,
             g0, g1, sem0, sem1, isem0, isem1):
        c = lax.axis_index("c")
        s = lax.axis_index("s")
        w = s * NC + c
        base = w * chunks_per_tile * ch
        n_pairs = chunks_per_tile // 2

        def idx_start(k, rbuf, cbuf, isem):
            pltpu.async_copy(rows_hbm.at[pl.ds(base + k * ch, ch)], rbuf, isem)
            pltpu.async_copy(cols_hbm.at[pl.ds(base + k * ch, ch)], cbuf, isem)

        def idx_wait(rbuf, cbuf, isem):
            pltpu.make_async_copy(rows_hbm.at[pl.ds(base, ch)], rbuf, isem).wait()
            pltpu.make_async_copy(cols_hbm.at[pl.ds(base, ch)], cbuf, isem).wait()

        pltpu.sync_copy(rows_hbm.at[pl.ds(base, ch)], r0)
        pltpu.sync_copy(cols_hbm.at[pl.ds(base, ch)], c0)
        pltpu.async_copy(y_hbm.at[c0], g0, sem0)
        idx_start(1, r1, c1, isem1)

        for r in range(zrows):
            for cc in range(d // LANES):
                zb[r, pl.ds(cc * LANES, LANES)] = jnp.zeros((LANES,), jnp.float32)

        def zero_loop(i, carry):
            pltpu.sync_copy(zb, s_sh.at[pl.ds(s * rows_per_sub + i * zrows, zrows)])
            return carry

        lax.fori_loop(0, rows_per_sub // zrows, zero_loop, None)
        plsc.subcore_barrier()

        def pair(j, carry):
            k0 = 2 * j
            idx_wait(r1, c1, isem1)
            pltpu.async_copy(y_hbm.at[c1], g1, sem1)
            pltpu.make_async_copy(y_hbm.at[c0], g0, sem0).wait()
            pltpu.sync_copy(g0, s_sh.at[r0], add=True)

            @pl.when(j < n_pairs - 1)
            def _():
                idx_start(k0 + 2, r0, c0, isem0)

            pltpu.make_async_copy(y_hbm.at[c1], g1, sem1).wait()

            @pl.when(j < n_pairs - 1)
            def _():
                idx_wait(r0, c0, isem0)
                pltpu.async_copy(y_hbm.at[c0], g0, sem0)

            pltpu.sync_copy(g1, s_sh.at[r1], add=True)

            @pl.when(j < n_pairs - 1)
            def _():
                idx_start(k0 + 3, r1, c1, isem1)

            return carry

        lax.fori_loop(0, n_pairs, pair, None)
        plsc.subcore_barrier()

        pltpu.sync_copy(
            s_sh.at[pl.ds(s * rows_per_sub, rows_per_sub)],
            p_hbm.at[pl.ds(c * n_pad + s * rows_per_sub, rows_per_sub)],
        )

    return spmm


def _combine_body(x_ref, p0_ref, p1_ref, inv_ref, w_ref, b_ref, o_ref):
    inv = inv_ref[...]
    support = (p0_ref[...] + p1_ref[...]) * inv + (inv * inv) * x_ref[...]
    o_ref[...] = (
        lax.dot_general(
            support, w_ref[...], (((1,), (1,)), ((), ())),
            preferred_element_type=jnp.float32,
        )
        + b_ref[...]
    )


def _combine(x_pad, p0, p1, inv, W, b2, blk):
    n_pad, d = x_pad.shape
    grid = (n_pad // blk,)
    bs = pl.BlockSpec((blk, d), lambda i: (i, 0))
    return pl.pallas_call(
        _combine_body,
        grid=grid,
        in_specs=[
            bs, bs, bs,
            pl.BlockSpec((blk, 1), lambda i: (i, 0)),
            pl.BlockSpec((d, d), lambda i: (0, 0)),
            pl.BlockSpec((1, d), lambda i: (0, 0)),
        ],
        out_specs=bs,
        out_shape=jax.ShapeDtypeStruct((n_pad, d), jnp.float32),
    )(x_pad, p0, p1, inv, W, b2)


def kernel(x, edge_index, W, b):
    n, d = x.shape
    e = edge_index.shape[1]
    n_pad = ((n + 8 * NW - 1) // (8 * NW)) * (8 * NW)
    ept = -(-e // NW)
    ept = -(-ept // (2 * CH)) * (2 * CH)
    e_pad = ept * NW

    rows = edge_index[0].astype(jnp.int32)
    cols = edge_index[1].astype(jnp.int32)
    pad_idx = (n + jnp.arange(e_pad - e, dtype=jnp.int32) % (n_pad - n))
    rows_p = jnp.concatenate([rows, pad_idx])
    cols_p = jnp.concatenate([cols, pad_idx])
    x_pad = jnp.pad(x, ((0, n_pad - n), (0, 0)))

    bch = 128
    y_pad, inv = _make_deg_y(n_pad, e_pad, d)(rows_p.reshape(-1, CH), x_pad)
    p = _make_spmm(n_pad, e_pad, d, bch)(rows_p, cols_p, y_pad)
    out_pad = _combine(
        x_pad, p[:n_pad], p[n_pad:], inv.reshape(-1, 1), W, b.reshape(1, -1),
        blk=1024,
    )
    return out_pad[:n]

# --- scband reference (transcript-rebuilt; emitter-appended) ---
"""Pipeline reference for scband-sgc-69114613730233 (READ-ONLY COPY).

The authoritative reference and input builder live on the scoring server;
editing this copy changes nothing except your own understanding.
"""

import jax, jax.numpy as jnp
import numpy as np

N = 10000
E = 320000
D_IN = 128
D_OUT = 128
K = 2


def setup_inputs(seed: int = 0) -> dict:
    key = jax.random.key(seed)
    k1, k2, k3, k4 = jax.random.split(key, 4)
    x = jax.random.normal(k1, (N, D_IN), dtype=jnp.float32)
    edge_index = jax.random.randint(k2, (2, E), 0, N)
    s = 1.0 / np.sqrt(D_IN)
    W = jax.random.uniform(k3, (D_OUT, D_IN), minval=-s, maxval=s, dtype=jnp.float32)
    b = jax.random.uniform(k4, (D_OUT,), minval=-s, maxval=s, dtype=jnp.float32)
    return {"x": x, "edge_index": edge_index, "W": W, "b": b}


def reference(x, edge_index, W, b):
    n = x.shape[0]
    row = edge_index[0]
    col = edge_index[1]
    # adj_hat = A + I (self-loops appended as extra COO entries)
    loop = jnp.arange(n, dtype=row.dtype)
    rows = jnp.concatenate([row, loop])
    cols = jnp.concatenate([col, loop])
    vals = jnp.ones(rows.shape[0], dtype=x.dtype)
    # deg = sparse row-sum of adj_hat
    deg = jax.ops.segment_sum(vals, rows, num_segments=n)
    deg_inv_sqrt = jnp.power(deg, -0.5)
    # D^{-1/2} A_hat D^{-1/2}: per-edge value scaling
    ev = deg_inv_sqrt[rows] * vals * deg_inv_sqrt[cols]
    # sparse .pow(k) is elementwise on stored values (faithful to torch code)
    ev = ev ** K
    # spmm: support[i] = sum_j ev_ij * x[j]
    support = jax.ops.segment_sum(x[cols] * ev[:, None], rows, num_segments=n)
    # nn.Linear
    output = support @ W.T + b
    return output

if __name__ == "__main__":
    import jax
    _d = setup_inputs()
    print(jax.jit(kernel)(*tuple(_d.values())))

</pallas_src>

<mosaic_0001>
#map = affine_map<(d0, d1) -> (0)>
#map1 = affine_map<(d0, d1) -> (0, 0)>
module attributes {stable_mosaic.version = 14 : i64} {
  func.func @spmm(%arg0: i32, %arg1: i32, %arg2: memref<327680xi32, #tpu.memory_space<hbm>>, %arg3: memref<327680xi32, #tpu.memory_space<hbm>>, %arg4: memref<10240x128xf32, #tpu.memory_space<hbm>>, %arg5: memref<20480x128xf32, #tpu.memory_space<hbm>>, %arg6: memref<10240x128xf32, #tpu.memory_space<vmem_shared>>, %arg7: memref<16x128xf32, #tpu.memory_space<vmem>>, %arg8: memref<128xi32, #tpu.memory_space<vmem>>, %arg9: memref<128xi32, #tpu.memory_space<vmem>>, %arg10: memref<128xi32, #tpu.memory_space<vmem>>, %arg11: memref<128xi32, #tpu.memory_space<vmem>>, %arg12: memref<128x128xf32, #tpu.memory_space<vmem>>, %arg13: memref<128x128xf32, #tpu.memory_space<vmem>>, %arg14: memref<!tpu.dma_semaphore, #tpu.memory_space<semaphore_mem>>, %arg15: memref<!tpu.dma_semaphore, #tpu.memory_space<semaphore_mem>>, %arg16: memref<!tpu.dma_semaphore, #tpu.memory_space<semaphore_mem>>, %arg17: memref<!tpu.dma_semaphore, #tpu.memory_space<semaphore_mem>>) attributes {dimension_semantics = [#tpu.dimension_semantics<core_parallel>, #tpu.dimension_semantics<subcore_parallel>], iteration_bounds = array<i64: 2, 16>, scalar_prefetch = 0 : i64, scratch_operands = 12 : i64, tpu.core_type = #tpu.core_type<sc_vector_subcore>, window_params = [{transform_indices = #map}, {transform_indices = #map}, {transform_indices = #map1}, {transform_indices = #map1}]} {
    %mul3A = arith.constant 2 : i32
    %mul3A_0 = arith.muli %arg1, %mul3A : i32
    %add3A = arith.addi %mul3A_0, %arg0 : i32
    %mul3A_1 = arith.constant 80 : i32
    %mul3A_2 = arith.muli %add3A, %mul3A_1 : i32
    %mul3A_3 = arith.constant 128 : i32
    %mul3A_4 = arith.muli %mul3A_2, %mul3A_3 : i32
    "tpu.region"() ({
      %run_scoped3A = tpu.sem_alloc : memref<!tpu.dma_semaphore, #tpu.memory_space<semaphore_mem>>
      %dma_start3A_1054 = tpu.memref_slice %arg2[%mul3A_4] : memref<327680xi32, #tpu.memory_space<hbm>> -> memref<128xi32, #tpu.memory_space<hbm>>
      %dma_start3A_1055 = tpu.memref_slice %arg2[%mul3A_4] : memref<327680xi32, #tpu.memory_space<hbm>> -> memref<128xi32, #tpu.memory_space<hbm>>
      tpu.enqueue_dma source(%dma_start3A_1055 : memref<128xi32, #tpu.memory_space<hbm>>) target(%arg8 : memref<128xi32, #tpu.memory_space<vmem>>) target_semaphore(%run_scoped3A : memref<!tpu.dma_semaphore, #tpu.memory_space<semaphore_mem>>)
      %dma_wait3A = tpu.memref_slice %arg2[%mul3A_4] : memref<327680xi32, #tpu.memory_space<hbm>> -> memref<128xi32, #tpu.memory_space<hbm>>
      %dma_wait3A_1056 = tpu.memref_slice %arg2[%mul3A_4] : memref<327680xi32, #tpu.memory_space<hbm>> -> memref<128xi32, #tpu.memory_space<hbm>>
      tpu.wait_dma2 semaphore(%run_scoped3A : memref<!tpu.dma_semaphore, #tpu.memory_space<semaphore_mem>>) src(%dma_wait3A_1056 : memref<128xi32, #tpu.memory_space<hbm>>) dst(%arg8 : memref<128xi32, #tpu.memory_space<vmem>>)
      tpu.yield
    }) : () -> ()
    "tpu.region"() ({
      %run_scoped3A = tpu.sem_alloc : memref<!tpu.dma_semaphore, #tpu.memory_space<semaphore_mem>>
      %dma_start3A_1054 = tpu.memref_slice %arg3[%mul3A_4] : memref<327680xi32, #tpu.memory_space<hbm>> -> memref<128xi32, #tpu.memory_space<hbm>>
      %dma_start3A_1055 = tpu.memref_slice %arg3[%mul3A_4] : memref<327680xi32, #tpu.memory_space<hbm>> -> memref<128xi32, #tpu.memory_space<hbm>>
      tpu.enqueue_dma source(%dma_start3A_1055 : memref<128xi32, #tpu.memory_space<hbm>>) target(%arg9 : memref<128xi32, #tpu.memory_space<vmem>>) target_semaphore(%run_scoped3A : memref<!tpu.dma_semaphore, #tpu.memory_space<semaphore_mem>>)
      %dma_wait3A = tpu.memref_slice %arg3[%mul3A_4] : memref<327680xi32, #tpu.memory_space<hbm>> -> memref<128xi32, #tpu.memory_space<hbm>>
      %dma_wait3A_1056 = tpu.memref_slice %arg3[%mul3A_4] : memref<327680xi32, #tpu.memory_space<hbm>> -> memref<128xi32, #tpu.memory_space<hbm>>
      tpu.wait_dma2 semaphore(%run_scoped3A : memref<!tpu.dma_semaphore, #tpu.memory_space<semaphore_mem>>) src(%dma_wait3A_1056 : memref<128xi32, #tpu.memory_space<hbm>>) dst(%arg9 : memref<128xi32, #tpu.memory_space<vmem>>)
      tpu.yield
    }) : () -> ()
    %dma_start3A = arith.constant 0 : i32
    %dma_start3A_5 = arith.constant 0 : i32
    %dma_start3A_6 = tpu.memref_slice %arg4[%dma_start3A, %dma_start3A_5] : memref<10240x128xf32, #tpu.memory_space<hbm>> -> memref<10240x128xf32, #tpu.memory_space<hbm>>
    tpu.enqueue_indirect_dma source(%dma_start3A_6 : memref<10240x128xf32, #tpu.memory_space<hbm>>) target(%arg12 : memref<128x128xf32, #tpu.memory_space<vmem>>) offsets(%arg9 : memref<128xi32, #tpu.memory_space<vmem>>) semaphore(%arg14 : memref<!tpu.dma_semaphore, #tpu.memory_space<semaphore_mem>>)
    %add3A_7 = arith.constant 128 : i32
    %add3A_8 = arith.addi %mul3A_4, %add3A_7 : i32
    %dma_start3A_9 = tpu.memref_slice %arg2[%add3A_8] : memref<327680xi32, #tpu.memory_space<hbm>> -> memref<128xi32, #tpu.memory_space<hbm>>
    %dma_start3A_10 = tpu.memref_slice %arg2[%add3A_8] : memref<327680xi32, #tpu.memory_space<hbm>> -> memref<128xi32, #tpu.memory_space<hbm>>
    tpu.enqueue_dma source(%dma_start3A_10 : memref<128xi32, #tpu.memory_space<hbm>>) target(%arg10 : memref<128xi32, #tpu.memory_space<vmem>>) target_semaphore(%arg17 : memref<!tpu.dma_semaphore, #tpu.memory_space<semaphore_mem>>)
    %add3A_11 = arith.constant 128 : i32
    %add3A_12 = arith.addi %mul3A_4, %add3A_11 : i32
    %dma_start3A_13 = tpu.memref_slice %arg3[%add3A_12] : memref<327680xi32, #tpu.memory_space<hbm>> -> memref<128xi32, #tpu.memory_space<hbm>>
    %dma_start3A_14 = tpu.memref_slice %arg3[%add3A_12] : memref<327680xi32, #tpu.memory_space<hbm>> -> memref<128xi32, #tpu.memory_space<hbm>>
    tpu.enqueue_dma source(%dma_start3A_14 : memref<128xi32, #tpu.memory_space<hbm>>) target(%arg11 : memref<128xi32, #tpu.memory_space<vmem>>) target_semaphore(%arg17 : memref<!tpu.dma_semaphore, #tpu.memory_space<semaphore_mem>>)
    %broadcast_in_dim3A = arith.constant 0.000000e+00 : f32
    %broadcast_in_dim3A_15 = vector.broadcast %broadcast_in_dim3A : f32 to vector<16xf32>
    %swap3A = arith.constant 0 : i32
    %swap3A_16 = arith.index_cast %swap3A : i32 to index
    %swap3A_17 = arith.constant 0 : index
    %swap3A_18 = tpu.vector_load %arg7[%swap3A_16, %swap3A_17] {strides = array<i32>} : memref<16x128xf32, #tpu.memory_space<vmem>>, vector<1x16xf32>,
    %swap3A_19 = vector.shape_cast %swap3A_18 : vector<1x16xf32> to vector<16xf32>
    %swap3A_20 = vector.shape_cast %broadcast_in_dim3A_15 : vector<16xf32> to vector<1x16xf32>
    tpu.vector_store %arg7[%swap3A_16, %swap3A_17], %swap3A_20 {strides = array<i32>} : memref<16x128xf32, #tpu.memory_space<vmem>>, vector<1x16xf32>,
    %broadcast_in_dim3A_21 = arith.constant 0.000000e+00 : f32
    %broadcast_in_dim3A_22 = vector.broadcast %broadcast_in_dim3A_21 : f32 to vector<16xf32>
    %swap3A_23 = arith.constant 0 : i32
    %swap3A_24 = arith.index_cast %swap3A_23 : i32 to index
    %swap3A_25 = arith.constant 16 : index
    %swap3A_26 = tpu.vector_load %arg7[%swap3A_24, %swap3A_25] {strides = array<i32>} : memref<16x128xf32, #tpu.memory_space<vmem>>, vector<1x16xf32>,
    %swap3A_27 = vector.shape_cast %swap3A_26 : vector<1x16xf32> to vector<16xf32>
    %swap3A_28 = vector.shape_cast %broadcast_in_dim3A_22 : vector<16xf32> to vector<1x16xf32>
    tpu.vector_store %arg7[%swap3A_24, %swap3A_25], %swap3A_28 {strides = array<i32>} : memref<16x128xf32, #tpu.memory_space<vmem>>, vector<1x16xf32>,
    %broadcast_in_dim3A_29 = arith.constant 0.000000e+00 : f32
    %broadcast_in_dim3A_30 = vector.broadcast %broadcast_in_dim3A_29 : f32 to vector<16xf32>
    %swap3A_31 = arith.constant 0 : i32
    %swap3A_32 = arith.index_cast %swap3A_31 : i32 to index
    %swap3A_33 = arith.constant 32 : index
    %swap3A_34 = tpu.vector_load %arg7[%swap3A_32, %swap3A_33] {strides = array<i32>} : memref<16x128xf32, #tpu.memory_space<vmem>>, vector<1x16xf32>,
    %swap3A_35 = vector.shape_cast %swap3A_34 : vector<1x16xf32> to vector<16xf32>
    %swap3A_36 = vector.shape_cast %broadcast_in_dim3A_30 : vector<16xf32> to vector<1x16xf32>
    tpu.vector_store %arg7[%swap3A_32, %swap3A_33], %swap3A_36 {strides = array<i32>} : memref<16x128xf32, #tpu.memory_space<vmem>>, vector<1x16xf32>,
    %broadcast_in_dim3A_37 = arith.constant 0.000000e+00 : f32
    %broadcast_in_dim3A_38 = vector.broadcast %broadcast_in_dim3A_37 : f32 to vector<16xf32>
    %swap3A_39 = arith.constant 0 : i32
    %swap3A_40 = arith.index_cast %swap3A_39 : i32 to index
    %swap3A_41 = arith.constant 48 : index
    %swap3A_42 = tpu.vector_load %arg7[%swap3A_40, %swap3A_41] {strides = array<i32>} : memref<16x128xf32, #tpu.memory_space<vmem>>, vector<1x16xf32>,
    %swap3A_43 = vector.shape_cast %swap3A_42 : vector<1x16xf32> to vector<16xf32>
    %swap3A_44 = vector.shape_cast %broadcast_in_dim3A_38 : vector<16xf32> to vector<1x16xf32>
    tpu.vector_store %arg7[%swap3A_40, %swap3A_41], %swap3A_44 {strides = array<i32>} : memref<16x128xf32, #tpu.memory_space<vmem>>, vector<1x16xf32>,
    %broadcast_in_dim3A_45 = arith.constant 0.000000e+00 : f32
    %broadcast_in_dim3A_46 = vector.broadcast %broadcast_in_dim3A_45 : f32 to vector<16xf32>
    %swap3A_47 = arith.constant 0 : i32
    %swap3A_48 = arith.index_cast %swap3A_47 : i32 to index
    %swap3A_49 = arith.constant 64 : index
    %swap3A_50 = tpu.vector_load %arg7[%swap3A_48, %swap3A_49] {strides = array<i32>} : memref<16x128xf32, #tpu.memory_space<vmem>>, vector<1x16xf32>,
    %swap3A_51 = vector.shape_cast %swap3A_50 : vector<1x16xf32> to vector<16xf32>
    %swap3A_52 = vector.shape_cast %broadcast_in_dim3A_46 : vector<16xf32> to vector<1x16xf32>
    tpu.vector_store %arg7[%swap3A_48, %swap3A_49], %swap3A_52 {strides = array<i32>} : memref<16x128xf32, #tpu.memory_space<vmem>>, vector<1x16xf32>,
    %broadcast_in_dim3A_53 = arith.constant 0.000000e+00 : f32
    %broadcast_in_dim3A_54 = vector.broadcast %broadcast_in_dim3A_53 : f32 to vector<16xf32>
    %swap3A_55 = arith.constant 0 : i32
    %swap3A_56 = arith.index_cast %swap3A_55 : i32 to index
    %swap3A_57 = arith.constant 80 : index
    %swap3A_58 = tpu.vector_load %arg7[%swap3A_56, %swap3A_57] {strides = array<i32>} : memref<16x128xf32, #tpu.memory_space<vmem>>, vector<1x16xf32>,
    %swap3A_59 = vector.shape_cast %swap3A_58 : vector<1x16xf32> to vector<16xf32>
    %swap3A_60 = vector.shape_cast %broadcast_in_dim3A_54 : vector<16xf32> to vector<1x16xf32>
    tpu.vector_store %arg7[%swap3A_56, %swap3A_57], %swap3A_60 {strides = array<i32>} : memref<16x128xf32, #tpu.memory_space<vmem>>, vector<1x16xf32>,
    %broadcast_in_dim3A_61 = arith.constant 0.000000e+00 : f32
    %broadcast_in_dim3A_62 = vector.broadcast %broadcast_in_dim3A_61 : f32 to vector<16xf32>
    %swap3A_63 = arith.constant 0 : i32
    %swap3A_64 = arith.index_cast %swap3A_63 : i32 to index
    %swap3A_65 = arith.constant 96 : index
    %swap3A_66 = tpu.vector_load %arg7[%swap3A_64, %swap3A_65] {strides = array<i32>} : memref<16x128xf32, #tpu.memory_space<vmem>>, vector<1x16xf32>,
    %swap3A_67 = vector.shape_cast %swap3A_66 : vector<1x16xf32> to vector<16xf32>
    %swap3A_68 = vector.shape_cast %broadcast_in_dim3A_62 : vector<16xf32> to vector<1x16xf32>
    tpu.vector_store %arg7[%swap3A_64, %swap3A_65], %swap3A_68 {strides = array<i32>} : memref<16x128xf32, #tpu.memory_space<vmem>>, vector<1x16xf32>,
    %broadcast_in_dim3A_69 = arith.constant 0.000000e+00 : f32
    %broadcast_in_dim3A_70 = vector.broadcast %broadcast_in_dim3A_69 : f32 to vector<16xf32>
    %swap3A_71 = arith.constant 0 : i32
    %swap3A_72 = arith.index_cast %swap3A_71 : i32 to index
    %swap3A_73 = arith.constant 112 : index
    %swap3A_74 = tpu.vector_load %arg7[%swap3A_72, %swap3A_73] {strides = array<i32>} : memref<16x128xf32, #tpu.memory_space<vmem>>, vector<1x16xf32>,
    %swap3A_75 = vector.shape_cast %swap3A_74 : vector<1x16xf32> to vector<16xf32>
    %swap3A_76 = vector.shape_cast %broadcast_in_dim3A_70 : vector<16xf32> to vector<1x16xf32>
    tpu.vector_store %arg7[%swap3A_72, %swap3A_73], %swap3A_76 {strides = array<i32>} : memref<16x128xf32, #tpu.memory_space<vmem>>, vector<1x16xf32>,
    %broadcast_in_dim3A_77 = arith.constant 0.000000e+00 : f32
    %broadcast_in_dim3A_78 = vector.broadcast %broadcast_in_dim3A_77 : f32 to vector<16xf32>
    %swap3A_79 = arith.constant 1 : i32
    %swap3A_80 = arith.index_cast %swap3A_79 : i32 to index
    %swap3A_81 = arith.constant 0 : index
    %swap3A_82 = tpu.vector_load %arg7[%swap3A_80, %swap3A_81] {strides = array<i32>} : memref<16x128xf32, #tpu.memory_space<vmem>>, vector<1x16xf32>,
    %swap3A_83 = vector.shape_cast %swap3A_82 : vector<1x16xf32> to vector<16xf32>
    %swap3A_84 = vector.shape_cast %broadcast_in_dim3A_78 : vector<16xf32> to vector<1x16xf32>
    tpu.vector_store %arg7[%swap3A_80, %swap3A_81], %swap3A_84 {strides = array<i32>} : memref<16x128xf32, #tpu.memory_space<vmem>>, vector<1x16xf32>,
    %broadcast_in_dim3A_85 = arith.constant 0.000000e+00 : f32
    %broadcast_in_dim3A_86 = vector.broadcast %broadcast_in_dim3A_85 : f32 to vector<16xf32>
    %swap3A_87 = arith.constant 1 : i32
    %swap3A_88 = arith.index_cast %swap3A_87 : i32 to index
    %swap3A_89 = arith.constant 16 : index
    %swap3A_90 = tpu.vector_load %arg7[%swap3A_88, %swap3A_89] {strides = array<i32>} : memref<16x128xf32, #tpu.memory_space<vmem>>, vector<1x16xf32>,
    %swap3A_91 = vector.shape_cast %swap3A_90 : vector<1x16xf32> to vector<16xf32>
    %swap3A_92 = vector.shape_cast %broadcast_in_dim3A_86 : vector<16xf32> to vector<1x16xf32>
    tpu.vector_store %arg7[%swap3A_88, %swap3A_89], %swap3A_92 {strides = array<i32>} : memref<16x128xf32, #tpu.memory_space<vmem>>, vector<1x16xf32>,
    %broadcast_in_dim3A_93 = arith.constant 0.000000e+00 : f32
    %broadcast_in_dim3A_94 = vector.broadcast %broadcast_in_dim3A_93 : f32 to vector<16xf32>
    %swap3A_95 = arith.constant 1 : i32
    %swap3A_96 = arith.index_cast %swap3A_95 : i32 to index
    %swap3A_97 = arith.constant 32 : index
    %swap3A_98 = tpu.vector_load %arg7[%swap3A_96, %swap3A_97] {strides = array<i32>} : memref<16x128xf32, #tpu.memory_space<vmem>>, vector<1x16xf32>,
    %swap3A_99 = vector.shape_cast %swap3A_98 : vector<1x16xf32> to vector<16xf32>
    %swap3A_100 = vector.shape_cast %broadcast_in_dim3A_94 : vector<16xf32> to vector<1x16xf32>
    tpu.vector_store %arg7[%swap3A_96, %swap3A_97], %swap3A_100 {strides = array<i32>} : memref<16x128xf32, #tpu.memory_space<vmem>>, vector<1x16xf32>,
    %broadcast_in_dim3A_101 = arith.constant 0.000000e+00 : f32
    %broadcast_in_dim3A_102 = vector.broadcast %broadcast_in_dim3A_101 : f32 to vector<16xf32>
    %swap3A_103 = arith.constant 1 : i32
    %swap3A_104 = arith.index_cast %swap3A_103 : i32 to index
    %swap3A_105 = arith.constant 48 : index
    %swap3A_106 = tpu.vector_load %arg7[%swap3A_104, %swap3A_105] {strides = array<i32>} : memref<16x128xf32, #tpu.memory_space<vmem>>, vector<1x16xf32>,
    %swap3A_107 = vector.shape_cast %swap3A_106 : vector<1x16xf32> to vector<16xf32>
    %swap3A_108 = vector.shape_cast %broadcast_in_dim3A_102 : vector<16xf32> to vector<1x16xf32>
    tpu.vector_store %arg7[%swap3A_104, %swap3A_105], %swap3A_108 {strides = array<i32>} : memref<16x128xf32, #tpu.memory_space<vmem>>, vector<1x16xf32>,
    %broadcast_in_dim3A_109 = arith.constant 0.000000e+00 : f32
    %broadcast_in_dim3A_110 = vector.broadcast %broadcast_in_dim3A_109 : f32 to vector<16xf32>
    %swap3A_111 = arith.constant 1 : i32
    %swap3A_112 = arith.index_cast %swap3A_111 : i32 to index
    %swap3A_113 = arith.constant 64 : index
    %swap3A_114 = tpu.vector_load %arg7[%swap3A_112, %swap3A_113] {strides = array<i32>} : memref<16x128xf32, #tpu.memory_space<vmem>>, vector<1x16xf32>,
    %swap3A_115 = vector.shape_cast %swap3A_114 : vector<1x16xf32> to vector<16xf32>
    %swap3A_116 = vector.shape_cast %broadcast_in_dim3A_110 : vector<16xf32> to vector<1x16xf32>
    tpu.vector_store %arg7[%swap3A_112, %swap3A_113], %swap3A_116 {strides = array<i32>} : memref<16x128xf32, #tpu.memory_space<vmem>>, vector<1x16xf32>,
    %broadcast_in_dim3A_117 = arith.constant 0.000000e+00 : f32
    %broadcast_in_dim3A_118 = vector.broadcast %broadcast_in_dim3A_117 : f32 to vector<16xf32>
    %swap3A_119 = arith.constant 1 : i32
    %swap3A_120 = arith.index_cast %swap3A_119 : i32 to index
    %swap3A_121 = arith.constant 80 : index
    %swap3A_122 = tpu.vector_load %arg7[%swap3A_120, %swap3A_121] {strides = array<i32>} : memref<16x128xf32, #tpu.memory_space<vmem>>, vector<1x16xf32>,
    %swap3A_123 = vector.shape_cast %swap3A_122 : vector<1x16xf32> to vector<16xf32>
    %swap3A_124 = vector.shape_cast %broadcast_in_dim3A_118 : vector<16xf32> to vector<1x16xf32>
    tpu.vector_store %arg7[%swap3A_120, %swap3A_121], %swap3A_124 {strides = array<i32>} : memref<16x128xf32, #tpu.memory_space<vmem>>, vector<1x16xf32>,
    %broadcast_in_dim3A_125 = arith.constant 0.000000e+00 : f32
    %broadcast_in_dim3A_126 = vector.broadcast %broadcast_in_dim3A_125 : f32 to vector<16xf32>
    %swap3A_127 = arith.constant 1 : i32
    %swap3A_128 = arith.index_cast %swap3A_127 : i32 to index
    %swap3A_129 = arith.constant 96 : index
    %swap3A_130 = tpu.vector_load %arg7[%swap3A_128, %swap3A_129] {strides = array<i32>} : memref<16x128xf32, #tpu.memory_space<vmem>>, vector<1x16xf32>,
    %swap3A_131 = vector.shape_cast %swap3A_130 : vector<1x16xf32> to vector<16xf32>
    %swap3A_132 = vector.shape_cast %broadcast_in_dim3A_126 : vector<16xf32> to vector<1x16xf32>
    tpu.vector_store %arg7[%swap3A_128, %swap3A_129], %swap3A_132 {strides = array<i32>} : memref<16x128xf32, #tpu.memory_space<vmem>>, vector<1x16xf32>,
    %broadcast_in_dim3A_133 = arith.constant 0.000000e+00 : f32
    %broadcast_in_dim3A_134 = vector.broadcast %broadcast_in_dim3A_133 : f32 to vector<16xf32>
    %swap3A_135 = arith.constant 1 : i32
    %swap3A_136 = arith.index_cast %swap3A_135 : i32 to index
    %swap3A_137 = arith.constant 112 : index
    %swap3A_138 = tpu.vector_load %arg7[%swap3A_136, %swap3A_137] {strides = array<i32>} : memref<16x128xf32, #tpu.memory_space<vmem>>, vector<1x16xf32>,
    %swap3A_139 = vector.shape_cast %swap3A_138 : vector<1x16xf32> to vector<16xf32>
    %swap3A_140 = vector.shape_cast %broadcast_in_dim3A_134 : vector<16xf32> to vector<1x16xf32>
    tpu.vector_store %arg7[%swap3A_136, %swap3A_137], %swap3A_140 {strides = array<i32>} : memref<16x128xf32, #tpu.memory_space<vmem>>, vector<1x16xf32>,
    %broadcast_in_dim3A_141 = arith.constant 0.000000e+00 : f32
    %broadcast_in_dim3A_142 = vector.broadcast %broadcast_in_dim3A_141 : f32 to vector<16xf32>
    %swap3A_143 = arith.constant 2 : i32
    %swap3A_144 = arith.index_cast %swap3A_143 : i32 to index
    %swap3A_145 = arith.constant 0 : index
    %swap3A_146 = tpu.vector_load %arg7[%swap3A_144, %swap3A_145] {strides = array<i32>} : memref<16x128xf32, #tpu.memory_space<vmem>>, vector<1x16xf32>,
    %swap3A_147 = vector.shape_cast %swap3A_146 : vector<1x16xf32> to vector<16xf32>
    %swap3A_148 = vector.shape_cast %broadcast_in_dim3A_142 : vector<16xf32> to vector<1x16xf32>
    tpu.vector_store %arg7[%swap3A_144, %swap3A_145], %swap3A_148 {strides = array<i32>} : memref<16x128xf32, #tpu.memory_space<vmem>>, vector<1x16xf32>,
    %broadcast_in_dim3A_149 = arith.constant 0.000000e+00 : f32
    %broadcast_in_dim3A_150 = vector.broadcast %broadcast_in_dim3A_149 : f32 to vector<16xf32>
    %swap3A_151 = arith.constant 2 : i32
    %swap3A_152 = arith.index_cast %swap3A_151 : i32 to index
    %swap3A_153 = arith.constant 16 : index
    %swap3A_154 = tpu.vector_load %arg7[%swap3A_152, %swap3A_153] {strides = array<i32>} : memref<16x128xf32, #tpu.memory_space<vmem>>, vector<1x16xf32>,
    %swap3A_155 = vector.shape_cast %swap3A_154 : vector<1x16xf32> to vector<16xf32>
    %swap3A_156 = vector.shape_cast %broadcast_in_dim3A_150 : vector<16xf32> to vector<1x16xf32>
    tpu.vector_store %arg7[%swap3A_152, %swap3A_153], %swap3A_156 {strides = array<i32>} : memref<16x128xf32, #tpu.memory_space<vmem>>, vector<1x16xf32>,
    %broadcast_in_dim3A_157 = arith.constant 0.000000e+00 : f32
    %broadcast_in_dim3A_158 = vector.broadcast %broadcast_in_dim3A_157 : f32 to vector<16xf32>
    %swap3A_159 = arith.constant 2 : i32
    %swap3A_160 = arith.index_cast %swap3A_159 : i32 to index
    %swap3A_161 = arith.constant 32 : index
    %swap3A_162 = tpu.vector_load %arg7[%swap3A_160, %swap3A_161] {strides = array<i32>} : memref<16x128xf32, #tpu.memory_space<vmem>>, vector<1x16xf32>,
    %swap3A_163 = vector.shape_cast %swap3A_162 : vector<1x16xf32> to vector<16xf32>
    %swap3A_164 = vector.shape_cast %broadcast_in_dim3A_158 : vector<16xf32> to vector<1x16xf32>
    tpu.vector_store %arg7[%swap3A_160, %swap3A_161], %swap3A_164 {strides = array<i32>} : memref<16x128xf32, #tpu.memory_space<vmem>>, vector<1x16xf32>,
    %broadcast_in_dim3A_165 = arith.constant 0.000000e+00 : f32
    %broadcast_in_dim3A_166 = vector.broadcast %broadcast_in_dim3A_165 : f32 to vector<16xf32>
    %swap3A_167 = arith.constant 2 : i32
    %swap3A_168 = arith.index_cast %swap3A_167 : i32 to index
    %swap3A_169 = arith.constant 48 : index
    %swap3A_170 = tpu.vector_load %arg7[%swap3A_168, %swap3A_169] {strides = array<i32>} : memref<16x128xf32, #tpu.memory_space<vmem>>, vector<1x16xf32>,
    %swap3A_171 = vector.shape_cast %swap3A_170 : vector<1x16xf32> to vector<16xf32>
    %swap3A_172 = vector.shape_cast %broadcast_in_dim3A_166 : vector<16xf32> to vector<1x16xf32>
    tpu.vector_store %arg7[%swap3A_168, %swap3A_169], %swap3A_172 {strides = array<i32>} : memref<16x128xf32, #tpu.memory_space<vmem>>, vector<1x16xf32>,
    %broadcast_in_dim3A_173 = arith.constant 0.000000e+00 : f32
    %broadcast_in_dim3A_174 = vector.broadcast %broadcast_in_dim3A_173 : f32 to vector<16xf32>
    %swap3A_175 = arith.constant 2 : i32
    %swap3A_176 = arith.index_cast %swap3A_175 : i32 to index
    %swap3A_177 = arith.constant 64 : index
    %swap3A_178 = tpu.vector_load %arg7[%swap3A_176, %swap3A_177] {strides = array<i32>} : memref<16x128xf32, #tpu.memory_space<vmem>>, vector<1x16xf32>,
    %swap3A_179 = vector.shape_cast %swap3A_178 : vector<1x16xf32> to vector<16xf32>
    %swap3A_180 = vector.shape_cast %broadcast_in_dim3A_174 : vector<16xf32> to vector<1x16xf32>
    tpu.vector_store %arg7[%swap3A_176, %swap3A_177], %swap3A_180 {strides = array<i32>} : memref<16x128xf32, #tpu.memory_space<vmem>>, vector<1x16xf32>,
    %broadcast_in_dim3A_181 = arith.constant 0.000000e+00 : f32
    %broadcast_in_dim3A_182 = vector.broadcast %broadcast_in_dim3A_181 : f32 to vector<16xf32>
    %swap3A_183 = arith.constant 2 : i32
    %swap3A_184 = arith.index_cast %swap3A_183 : i32 to index
    %swap3A_185 = arith.constant 80 : index
    %swap3A_186 = tpu.vector_load %arg7[%swap3A_184, %swap3A_185] {strides = array<i32>} : memref<16x128xf32, #tpu.memory_space<vmem>>, vector<1x16xf32>,
    %swap3A_187 = vector.shape_cast %swap3A_186 : vector<1x16xf32> to vector<16xf32>
    %swap3A_188 = vector.shape_cast %broadcast_in_dim3A_182 : vector<16xf32> to vector<1x16xf32>
    tpu.vector_store %arg7[%swap3A_184, %swap3A_185], %swap3A_188 {strides = array<i32>} : memref<16x128xf32, #tpu.memory_space<vmem>>, vector<1x16xf32>,
    %broadcast_in_dim3A_189 = arith.constant 0.000000e+00 : f32
    %broadcast_in_dim3A_190 = vector.broadcast %broadcast_in_dim3A_189 : f32 to vector<16xf32>
    %swap3A_191 = arith.constant 2 : i32
    %swap3A_192 = arith.index_cast %swap3A_191 : i32 to index
    %swap3A_193 = arith.constant 96 : index
    %swap3A_194 = tpu.vector_load %arg7[%swap3A_192, %swap3A_193] {strides = array<i32>} : memref<16x128xf32, #tpu.memory_space<vmem>>, vector<1x16xf32>,
    %swap3A_195 = vector.shape_cast %swap3A_194 : vector<1x16xf32> to vector<16xf32>
    %swap3A_196 = vector.shape_cast %broadcast_in_dim3A_190 : vector<16xf32> to vector<1x16xf32>
    tpu.vector_store %arg7[%swap3A_192, %swap3A_193], %swap3A_196 {strides = array<i32>} : memref<16x128xf32, #tpu.memory_space<vmem>>, vector<1x16xf32>,
    %broadcast_in_dim3A_197 = arith.constant 0.000000e+00 : f32
    %broadcast_in_dim3A_198 = vector.broadcast %broadcast_in_dim3A_197 : f32 to vector<16xf32>
    %swap3A_199 = arith.constant 2 : i32
    %swap3A_200 = arith.index_cast %swap3A_199 : i32 to index
    %swap3A_201 = arith.constant 112 : index
    %swap3A_202 = tpu.vector_load %arg7[%swap3A_200, %swap3A_201] {strides = array<i32>} : memref<16x128xf32, #tpu.memory_space<vmem>>, vector<1x16xf32>,
    %swap3A_203 = vector.shape_cast %swap3A_202 : vector<1x16xf32> to vector<16xf32>
    %swap3A_204 = vector.shape_cast %broadcast_in_dim3A_198 : vector<16xf32> to vector<1x16xf32>
    tpu.vector_store %arg7[%swap3A_200, %swap3A_201], %swap3A_204 {strides = array<i32>} : memref<16x128xf32, #tpu.memory_space<vmem>>, vector<1x16xf32>,
    %broadcast_in_dim3A_205 = arith.constant 0.000000e+00 : f32
    %broadcast_in_dim3A_206 = vector.broadcast %broadcast_in_dim3A_205 : f32 to vector<16xf32>
    %swap3A_207 = arith.constant 3 : i32
    %swap3A_208 = arith.index_cast %swap3A_207 : i32 to index
    %swap3A_209 = arith.constant 0 : index
    %swap3A_210 = tpu.vector_load %arg7[%swap3A_208, %swap3A_209] {strides = array<i32>} : memref<16x128xf32, #tpu.memory_space<vmem>>, vector<1x16xf32>,
    %swap3A_211 = vector.shape_cast %swap3A_210 : vector<1x16xf32> to vector<16xf32>
    %swap3A_212 = vector.shape_cast %broadcast_in_dim3A_206 : vector<16xf32> to vector<1x16xf32>
    tpu.vector_store %arg7[%swap3A_208, %swap3A_209], %swap3A_212 {strides = array<i32>} : memref<16x128xf32, #tpu.memory_space<vmem>>, vector<1x16xf32>,
    %broadcast_in_dim3A_213 = arith.constant 0.000000e+00 : f32
    %broadcast_in_dim3A_214 = vector.broadcast %broadcast_in_dim3A_213 : f32 to vector<16xf32>
    %swap3A_215 = arith.constant 3 : i32
    %swap3A_216 = arith.index_cast %swap3A_215 : i32 to index
    %swap3A_217 = arith.constant 16 : index
    %swap3A_218 = tpu.vector_load %arg7[%swap3A_216, %swap3A_217] {strides = array<i32>} : memref<16x128xf32, #tpu.memory_space<vmem>>, vector<1x16xf32>,
    %swap3A_219 = vector.shape_cast %swap3A_218 : vector<1x16xf32> to vector<16xf32>
    %swap3A_220 = vector.shape_cast %broadcast_in_dim3A_214 : vector<16xf32> to vector<1x16xf32>
    tpu.vector_store %arg7[%swap3A_216, %swap3A_217], %swap3A_220 {strides = array<i32>} : memref<16x128xf32, #tpu.memory_space<vmem>>, vector<1x16xf32>,
    %broadcast_in_dim3A_221 = arith.constant 0.000000e+00 : f32
    %broadcast_in_dim3A_222 = vector.broadcast %broadcast_in_dim3A_221 : f32 to vector<16xf32>
    %swap3A_223 = arith.constant 3 : i32
    %swap3A_224 = arith.index_cast %swap3A_223 : i32 to index
    %swap3A_225 = arith.constant 32 : index
    %swap3A_226 = tpu.vector_load %arg7[%swap3A_224, %swap3A_225] {strides = array<i32>} : memref<16x128xf32, #tpu.memory_space<vmem>>, vector<1x16xf32>,
    %swap3A_227 = vector.shape_cast %swap3A_226 : vector<1x16xf32> to vector<16xf32>
    %swap3A_228 = vector.shape_cast %broadcast_in_dim3A_222 : vector<16xf32> to vector<1x16xf32>
    tpu.vector_store %arg7[%swap3A_224, %swap3A_225], %swap3A_228 {strides = array<i32>} : memref<16x128xf32, #tpu.memory_space<vmem>>, vector<1x16xf32>,
    %broadcast_in_dim3A_229 = arith.constant 0.000000e+00 : f32
    %broadcast_in_dim3A_230 = vector.broadcast %broadcast_in_dim3A_229 : f32 to vector<16xf32>
    %swap3A_231 = arith.constant 3 : i32
    %swap3A_232 = arith.index_cast %swap3A_231 : i32 to index
    %swap3A_233 = arith.constant 48 : index
    %swap3A_234 = tpu.vector_load %arg7[%swap3A_232, %swap3A_233] {strides = array<i32>} : memref<16x128xf32, #tpu.memory_space<vmem>>, vector<1x16xf32>,
    %swap3A_235 = vector.shape_cast %swap3A_234 : vector<1x16xf32> to vector<16xf32>
    %swap3A_236 = vector.shape_cast %broadcast_in_dim3A_230 : vector<16xf32> to vector<1x16xf32>
    tpu.vector_store %arg7[%swap3A_232, %swap3A_233], %swap3A_236 {strides = array<i32>} : memref<16x128xf32, #tpu.memory_space<vmem>>, vector<1x16xf32>,
    %broadcast_in_dim3A_237 = arith.constant 0.000000e+00 : f32
    %broadcast_in_dim3A_238 = vector.broadcast %broadcast_in_dim3A_237 : f32 to vector<16xf32>
    %swap3A_239 = arith.constant 3 : i32
    %swap3A_240 = arith.index_cast %swap3A_239 : i32 to index
    %swap3A_241 = arith.constant 64 : index
    %swap3A_242 = tpu.vector_load %arg7[%swap3A_240, %swap3A_241] {strides = array<i32>} : memref<16x128xf32, #tpu.memory_space<vmem>>, vector<1x16xf32>,
    %swap3A_243 = vector.shape_cast %swap3A_242 : vector<1x16xf32> to vector<16xf32>
    %swap3A_244 = vector.shape_cast %broadcast_in_dim3A_238 : vector<16xf32> to vector<1x16xf32>
    tpu.vector_store %arg7[%swap3A_240, %swap3A_241], %swap3A_244 {strides = array<i32>} : memref<16x128xf32, #tpu.memory_space<vmem>>, vector<1x16xf32>,
    %broadcast_in_dim3A_245 = arith.constant 0.000000e+00 : f32
    %broadcast_in_dim3A_246 = vector.broadcast %broadcast_in_dim3A_245 : f32 to vector<16xf32>
    %swap3A_247 = arith.constant 3 : i32
    %swap3A_248 = arith.index_cast %swap3A_247 : i32 to index
    %swap3A_249 = arith.constant 80 : index
    %swap3A_250 = tpu.vector_load %arg7[%swap3A_248, %swap3A_249] {strides = array<i32>} : memref<16x128xf32, #tpu.memory_space<vmem>>, vector<1x16xf32>,
    %swap3A_251 = vector.shape_cast %swap3A_250 : vector<1x16xf32> to vector<16xf32>
    %swap3A_252 = vector.shape_cast %broadcast_in_dim3A_246 : vector<16xf32> to vector<1x16xf32>
    tpu.vector_store %arg7[%swap3A_248, %swap3A_249], %swap3A_252 {strides = array<i32>} : memref<16x128xf32, #tpu.memory_space<vmem>>, vector<1x16xf32>,
    %broadcast_in_dim3A_253 = arith.constant 0.000000e+00 : f32
    %broadcast_in_dim3A_254 = vector.broadcast %broadcast_in_dim3A_253 : f32 to vector<16xf32>
    %swap3A_255 = arith.constant 3 : i32
    %swap3A_256 = arith.index_cast %swap3A_255 : i32 to index
    %swap3A_257 = arith.constant 96 : index
    %swap3A_258 = tpu.vector_load %arg7[%swap3A_256, %swap3A_257] {strides = array<i32>} : memref<16x128xf32, #tpu.memory_space<vmem>>, vector<1x16xf32>,
    %swap3A_259 = vector.shape_cast %swap3A_258 : vector<1x16xf32> to vector<16xf32>
    %swap3A_260 = vector.shape_cast %broadcast_in_dim3A_254 : vector<16xf32> to vector<1x16xf32>
    tpu.vector_store %arg7[%swap3A_256, %swap3A_257], %swap3A_260 {strides = array<i32>} : memref<16x128xf32, #tpu.memory_space<vmem>>, vector<1x16xf32>,
    %broadcast_in_dim3A_261 = arith.constant 0.000000e+00 : f32
    %broadcast_in_dim3A_262 = vector.broadcast %broadcast_in_dim3A_261 : f32 to vector<16xf32>
    %swap3A_263 = arith.constant 3 : i32
    %swap3A_264 = arith.index_cast %swap3A_263 : i32 to index
    %swap3A_265 = arith.constant 112 : index
    %swap3A_266 = tpu.vector_load %arg7[%swap3A_264, %swap3A_265] {strides = array<i32>} : memref<16x128xf32, #tpu.memory_space<vmem>>, vector<1x16xf32>,
    %swap3A_267 = vector.shape_cast %swap3A_266 : vector<1x16xf32> to vector<16xf32>
    %swap3A_268 = vector.shape_cast %broadcast_in_dim3A_262 : vector<16xf32> to vector<1x16xf32>
    tpu.vector_store %arg7[%swap3A_264, %swap3A_265], %swap3A_268 {strides = array<i32>} : memref<16x128xf32, #tpu.memory_space<vmem>>, vector<1x16xf32>,
    %broadcast_in_dim3A_269 = arith.constant 0.000000e+00 : f32
    %broadcast_in_dim3A_270 = vector.broadcast %broadcast_in_dim3A_269 : f32 to vector<16xf32>
    %swap3A_271 = arith.constant 4 : i32
    %swap3A_272 = arith.index_cast %swap3A_271 : i32 to index
    %swap3A_273 = arith.constant 0 : index
    %swap3A_274 = tpu.vector_load %arg7[%swap3A_272, %swap3A_273] {strides = array<i32>} : memref<16x128xf32, #tpu.memory_space<vmem>>, vector<1x16xf32>,
    %swap3A_275 = vector.shape_cast %swap3A_274 : vector<1x16xf32> to vector<16xf32>
    %swap3A_276 = vector.shape_cast %broadcast_in_dim3A_270 : vector<16xf32> to vector<1x16xf32>
    tpu.vector_store %arg7[%swap3A_272, %swap3A_273], %swap3A_276 {strides = array<i32>} : memref<16x128xf32, #tpu.memory_space<vmem>>, vector<1x16xf32>,
    %broadcast_in_dim3A_277 = arith.constant 0.000000e+00 : f32
    %broadcast_in_dim3A_278 = vector.broadcast %broadcast_in_dim3A_277 : f32 to vector<16xf32>
    %swap3A_279 = arith.constant 4 : i32
    %swap3A_280 = arith.index_cast %swap3A_279 : i32 to index
    %swap3A_281 = arith.constant 16 : index
    %swap3A_282 = tpu.vector_load %arg7[%swap3A_280, %swap3A_281] {strides = array<i32>} : memref<16x128xf32, #tpu.memory_space<vmem>>, vector<1x16xf32>,
    %swap3A_283 = vector.shape_cast %swap3A_282 : vector<1x16xf32> to vector<16xf32>
    %swap3A_284 = vector.shape_cast %broadcast_in_dim3A_278 : vector<16xf32> to vector<1x16xf32>
    tpu.vector_store %arg7[%swap3A_280, %swap3A_281], %swap3A_284 {strides = array<i32>} : memref<16x128xf32, #tpu.memory_space<vmem>>, vector<1x16xf32>,
    %broadcast_in_dim3A_285 = arith.constant 0.000000e+00 : f32
    %broadcast_in_dim3A_286 = vector.broadcast %broadcast_in_dim3A_285 : f32 to vector<16xf32>
    %swap3A_287 = arith.constant 4 : i32
    %swap3A_288 = arith.index_cast %swap3A_287 : i32 to index
    %swap3A_289 = arith.constant 32 : index
    %swap3A_290 = tpu.vector_load %arg7[%swap3A_288, %swap3A_289] {strides = array<i32>} : memref<16x128xf32, #tpu.memory_space<vmem>>, vector<1x16xf32>,
    %swap3A_291 = vector.shape_cast %swap3A_290 : vector<1x16xf32> to vector<16xf32>
    %swap3A_292 = vector.shape_cast %broadcast_in_dim3A_286 : vector<16xf32> to vector<1x16xf32>
    tpu.vector_store %arg7[%swap3A_288, %swap3A_289], %swap3A_292 {strides = array<i32>} : memref<16x128xf32, #tpu.memory_space<vmem>>, vector<1x16xf32>,
    %broadcast_in_dim3A_293 = arith.constant 0.000000e+00 : f32
    %broadcast_in_dim3A_294 = vector.broadcast %broadcast_in_dim3A_293 : f32 to vector<16xf32>
    %swap3A_295 = arith.constant 4 : i32
    %swap3A_296 = arith.index_cast %swap3A_295 : i32 to index
    %swap3A_297 = arith.constant 48 : index
    %swap3A_298 = tpu.vector_load %arg7[%swap3A_296, %swap3A_297] {strides = array<i32>} : memref<16x128xf32, #tpu.memory_space<vmem>>, vector<1x16xf32>,
    %swap3A_299 = vector.shape_cast %swap3A_298 : vector<1x16xf32> to vector<16xf32>
    %swap3A_300 = vector.shape_cast %broadcast_in_dim3A_294 : vector<16xf32> to vector<1x16xf32>
    tpu.vector_store %arg7[%swap3A_296, %swap3A_297], %swap3A_300 {strides = array<i32>} : memref<16x128xf32, #tpu.memory_space<vmem>>, vector<1x16xf32>,
    %broadcast_in_dim3A_301 = arith.constant 0.000000e+00 : f32
    %broadcast_in_dim3A_302 = vector.broadcast %broadcast_in_dim3A_301 : f32 to vector<16xf32>
    %swap3A_303 = arith.constant 4 : i32
    %swap3A_304 = arith.index_cast %swap3A_303 : i32 to index
    %swap3A_305 = arith.constant 64 : index
    %swap3A_306 = tpu.vector_load %arg7[%swap3A_304, %swap3A_305] {strides = array<i32>} : memref<16x128xf32, #tpu.memory_space<vmem>>, vector<1x16xf32>,
    %swap3A_307 = vector.shape_cast %swap3A_306 : vector<1x16xf32> to vector<16xf32>
    %swap3A_308 = vector.shape_cast %broadcast_in_dim3A_302 : vector<16xf32> to vector<1x16xf32>
    tpu.vector_store %arg7[%swap3A_304, %swap3A_305], %swap3A_308 {strides = array<i32>} : memref<16x128xf32, #tpu.memory_space<vmem>>, vector<1x16xf32>,
    %broadcast_in_dim3A_309 = arith.constant 0.000000e+00 : f32
    %broadcast_in_dim3A_310 = vector.broadcast %broadcast_in_dim3A_309 : f32 to vector<16xf32>
    %swap3A_311 = arith.constant 4 : i32
    %swap3A_312 = arith.index_cast %swap3A_311 : i32 to index
    %swap3A_313 = arith.constant 80 : index
    %swap3A_314 = tpu.vector_load %arg7[%swap3A_312, %swap3A_313] {strides = array<i32>} : memref<16x128xf32, #tpu.memory_space<vmem>>, vector<1x16xf32>,
    %swap3A_315 = vector.shape_cast %swap3A_314 : vector<1x16xf32> to vector<16xf32>
    %swap3A_316 = vector.shape_cast %broadcast_in_dim3A_310 : vector<16xf32> to vector<1x16xf32>
    tpu.vector_store %arg7[%swap3A_312, %swap3A_313], %swap3A_316 {strides = array<i32>} : memref<16x128xf32, #tpu.memory_space<vmem>>, vector<1x16xf32>,
    %broadcast_in_dim3A_317 = arith.constant 0.000000e+00 : f32
    %broadcast_in_dim3A_318 = vector.broadcast %broadcast_in_dim3A_317 : f32 to vector<16xf32>
    %swap3A_319 = arith.constant 4 : i32
    %swap3A_320 = arith.index_cast %swap3A_319 : i32 to index
    %swap3A_321 = arith.constant 96 : index
    %swap3A_322 = tpu.vector_load %arg7[%swap3A_320, %swap3A_321] {strides = array<i32>} : memref<16x128xf32, #tpu.memory_space<vmem>>, vector<1x16xf32>,
    %swap3A_323 = vector.shape_cast %swap3A_322 : vector<1x16xf32> to vector<16xf32>
    %swap3A_324 = vector.shape_cast %broadcast_in_dim3A_318 : vector<16xf32> to vector<1x16xf32>
    tpu.vector_store %arg7[%swap3A_320, %swap3A_321], %swap3A_324 {strides = array<i32>} : memref<16x128xf32, #tpu.memory_space<vmem>>, vector<1x16xf32>,
    %broadcast_in_dim3A_325 = arith.constant 0.000000e+00 : f32
    %broadcast_in_dim3A_326 = vector.broadcast %broadcast_in_dim3A_325 : f32 to vector<16xf32>
    %swap3A_327 = arith.constant 4 : i32
    %swap3A_328 = arith.index_cast %swap3A_327 : i32 to index
    %swap3A_329 = arith.constant 112 : index
    %swap3A_330 = tpu.vector_load %arg7[%swap3A_328, %swap3A_329] {strides = array<i32>} : memref<16x128xf32, #tpu.memory_space<vmem>>, vector<1x16xf32>,
    %swap3A_331 = vector.shape_cast %swap3A_330 : vector<1x16xf32> to vector<16xf32>
    %swap3A_332 = vector.shape_cast %broadcast_in_dim3A_326 : vector<16xf32> to vector<1x16xf32>
    tpu.vector_store %arg7[%swap3A_328, %swap3A_329], %swap3A_332 {strides = array<i32>} : memref<16x128xf32, #tpu.memory_space<vmem>>, vector<1x16xf32>,
    %broadcast_in_dim3A_333 = arith.constant 0.000000e+00 : f32
    %broadcast_in_dim3A_334 = vector.broadcast %broadcast_in_dim3A_333 : f32 to vector<16xf32>
    %swap3A_335 = arith.constant 5 : i32
    %swap3A_336 = arith.index_cast %swap3A_335 : i32 to index
    %swap3A_337 = arith.constant 0 : index
    %swap3A_338 = tpu.vector_load %arg7[%swap3A_336, %swap3A_337] {strides = array<i32>} : memref<16x128xf32, #tpu.memory_space<vmem>>, vector<1x16xf32>,
    %swap3A_339 = vector.shape_cast %swap3A_338 : vector<1x16xf32> to vector<16xf32>
    %swap3A_340 = vector.shape_cast %broadcast_in_dim3A_334 : vector<16xf32> to vector<1x16xf32>
    tpu.vector_store %arg7[%swap3A_336, %swap3A_337], %swap3A_340 {strides = array<i32>} : memref<16x128xf32, #tpu.memory_space<vmem>>, vector<1x16xf32>,
    %broadcast_in_dim3A_341 = arith.constant 0.000000e+00 : f32
    %broadcast_in_dim3A_342 = vector.broadcast %broadcast_in_dim3A_341 : f32 to vector<16xf32>
    %swap3A_343 = arith.constant 5 : i32
    %swap3A_344 = arith.index_cast %swap3A_343 : i32 to index
    %swap3A_345 = arith.constant 16 : index
    %swap3A_346 = tpu.vector_load %arg7[%swap3A_344, %swap3A_345] {strides = array<i32>} : memref<16x128xf32, #tpu.memory_space<vmem>>, vector<1x16xf32>,
    %swap3A_347 = vector.shape_cast %swap3A_346 : vector<1x16xf32> to vector<16xf32>
    %swap3A_348 = vector.shape_cast %broadcast_in_dim3A_342 : vector<16xf32> to vector<1x16xf32>
    tpu.vector_store %arg7[%swap3A_344, %swap3A_345], %swap3A_348 {strides = array<i32>} : memref<16x128xf32, #tpu.memory_space<vmem>>, vector<1x16xf32>,
    %broadcast_in_dim3A_349 = arith.constant 0.000000e+00 : f32
    %broadcast_in_dim3A_350 = vector.broadcast %broadcast_in_dim3A_349 : f32 to vector<16xf32>
    %swap3A_351 = arith.constant 5 : i32
    %swap3A_352 = arith.index_cast %swap3A_351 : i32 to index
    %swap3A_353 = arith.constant 32 : index
    %swap3A_354 = tpu.vector_load %arg7[%swap3A_352, %swap3A_353] {strides = array<i32>} : memref<16x128xf32, #tpu.memory_space<vmem>>, vector<1x16xf32>,
    %swap3A_355 = vector.shape_cast %swap3A_354 : vector<1x16xf32> to vector<16xf32>
    %swap3A_356 = vector.shape_cast %broadcast_in_dim3A_350 : vector<16xf32> to vector<1x16xf32>
    tpu.vector_store %arg7[%swap3A_352, %swap3A_353], %swap3A_356 {strides = array<i32>} : memref<16x128xf32, #tpu.memory_space<vmem>>, vector<1x16xf32>,
    %broadcast_in_dim3A_357 = arith.constant 0.000000e+00 : f32
    %broadcast_in_dim3A_358 = vector.broadcast %broadcast_in_dim3A_357 : f32 to vector<16xf32>
    %swap3A_359 = arith.constant 5 : i32
    %swap3A_360 = arith.index_cast %swap3A_359 : i32 to index
    %swap3A_361 = arith.constant 48 : index
    %swap3A_362 = tpu.vector_load %arg7[%swap3A_360, %swap3A_361] {strides = array<i32>} : memref<16x128xf32, #tpu.memory_space<vmem>>, vector<1x16xf32>,
    %swap3A_363 = vector.shape_cast %swap3A_362 : vector<1x16xf32> to vector<16xf32>
    %swap3A_364 = vector.shape_cast %broadcast_in_dim3A_358 : vector<16xf32> to vector<1x16xf32>
    tpu.vector_store %arg7[%swap3A_360, %swap3A_361], %swap3A_364 {strides = array<i32>} : memref<16x128xf32, #tpu.memory_space<vmem>>, vector<1x16xf32>,
    %broadcast_in_dim3A_365 = arith.constant 0.000000e+00 : f32
    %broadcast_in_dim3A_366 = vector.broadcast %broadcast_in_dim3A_365 : f32 to vector<16xf32>
    %swap3A_367 = arith.constant 5 : i32
    %swap3A_368 = arith.index_cast %swap3A_367 : i32 to index
    %swap3A_369 = arith.constant 64 : index
    %swap3A_370 = tpu.vector_load %arg7[%swap3A_368, %swap3A_369] {strides = array<i32>} : memref<16x128xf32, #tpu.memory_space<vmem>>, vector<1x16xf32>,
    %swap3A_371 = vector.shape_cast %swap3A_370 : vector<1x16xf32> to vector<16xf32>
    %swap3A_372 = vector.shape_cast %broadcast_in_dim3A_366 : vector<16xf32> to vector<1x16xf32>
    tpu.vector_store %arg7[%swap3A_368, %swap3A_369], %swap3A_372 {strides = array<i32>} : memref<16x128xf32, #tpu.memory_space<vmem>>, vector<1x16xf32>,
    %broadcast_in_dim3A_373 = arith.constant 0.000000e+00 : f32
    %broadcast_in_dim3A_374 = vector.broadcast %broadcast_in_dim3A_373 : f32 to vector<16xf32>
    %swap3A_375 = arith.constant 5 : i32
    %swap3A_376 = arith.index_cast %swap3A_375 : i32 to index
    %swap3A_377 = arith.constant 80 : index
    %swap3A_378 = tpu.vector_load %arg7[%swap3A_376, %swap3A_377] {strides = array<i32>} : memref<16x128xf32, #tpu.memory_space<vmem>>, vector<1x16xf32>,
    %swap3A_379 = vector.shape_cast %swap3A_378 : vector<1x16xf32> to vector<16xf32>
    %swap3A_380 = vector.shape_cast %broadcast_in_dim3A_374 : vector<16xf32> to vector<1x16xf32>
    tpu.vector_store %arg7[%swap3A_376, %swap3A_377], %swap3A_380 {strides = array<i32>} : memref<16x128xf32, #tpu.memory_space<vmem>>, vector<1x16xf32>,
    %broadcast_in_dim3A_381 = arith.constant 0.000000e+00 : f32
    %broadcast_in_dim3A_382 = vector.broadcast %broadcast_in_dim3A_381 : f32 to vector<16xf32>
    %swap3A_383 = arith.constant 5 : i32
    %swap3A_384 = arith.index_cast %swap3A_383 : i32 to index
    %swap3A_385 = arith.constant 96 : index
    %swap3A_386 = tpu.vector_load %arg7[%swap3A_384, %swap3A_385] {strides = array<i32>} : memref<16x128xf32, #tpu.memory_space<vmem>>, vector<1x16xf32>,
    %swap3A_387 = vector.shape_cast %swap3A_386 : vector<1x16xf32> to vector<16xf32>
    %swap3A_388 = vector.shape_cast %broadcast_in_dim3A_382 : vector<16xf32> to vector<1x16xf32>
    tpu.vector_store %arg7[%swap3A_384, %swap3A_385], %swap3A_388 {strides = array<i32>} : memref<16x128xf32, #tpu.memory_space<vmem>>, vector<1x16xf32>,
    %broadcast_in_dim3A_389 = arith.constant 0.000000e+00 : f32
    %broadcast_in_dim3A_390 = vector.broadcast %broadcast_in_dim3A_389 : f32 to vector<16xf32>
    %swap3A_391 = arith.constant 5 : i32
    %swap3A_392 = arith.index_cast %swap3A_391 : i32 to index
    %swap3A_393 = arith.constant 112 : index
    %swap3A_394 = tpu.vector_load %arg7[%swap3A_392, %swap3A_393] {strides = array<i32>} : memref<16x128xf32, #tpu.memory_space<vmem>>, vector<1x16xf32>,
    %swap3A_395 = vector.shape_cast %swap3A_394 : vector<1x16xf32> to vector<16xf32>
    %swap3A_396 = vector.shape_cast %broadcast_in_dim3A_390 : vector<16xf32> to vector<1x16xf32>
    tpu.vector_store %arg7[%swap3A_392, %swap3A_393], %swap3A_396 {strides = array<i32>} : memref<16x128xf32, #tpu.memory_space<vmem>>, vector<1x16xf32>,
    %broadcast_in_dim3A_397 = arith.constant 0.000000e+00 : f32
    %broadcast_in_dim3A_398 = vector.broadcast %broadcast_in_dim3A_397 : f32 to vector<16xf32>
    %swap3A_399 = arith.constant 6 : i32
    %swap3A_400 = arith.index_cast %swap3A_399 : i32 to index
    %swap3A_401 = arith.constant 0 : index
    %swap3A_402 = tpu.vector_load %arg7[%swap3A_400, %swap3A_401] {strides = array<i32>} : memref<16x128xf32, #tpu.memory_space<vmem>>, vector<1x16xf32>,
    %swap3A_403 = vector.shape_cast %swap3A_402 : vector<1x16xf32> to vector<16xf32>
    %swap3A_404 = vector.shape_cast %broadcast_in_dim3A_398 : vector<16xf32> to vector<1x16xf32>
    tpu.vector_store %arg7[%swap3A_400, %swap3A_401], %swap3A_404 {strides = array<i32>} : memref<16x128xf32, #tpu.memory_space<vmem>>, vector<1x16xf32>,
    %broadcast_in_dim3A_405 = arith.constant 0.000000e+00 : f32
    %broadcast_in_dim3A_406 = vector.broadcast %broadcast_in_dim3A_405 : f32 to vector<16xf32>
    %swap3A_407 = arith.constant 6 : i32
    %swap3A_408 = arith.index_cast %swap3A_407 : i32 to index
    %swap3A_409 = arith.constant 16 : index
    %swap3A_410 = tpu.vector_load %arg7[%swap3A_408, %swap3A_409] {strides = array<i32>} : memref<16x128xf32, #tpu.memory_space<vmem>>, vector<1x16xf32>,
    %swap3A_411 = vector.shape_cast %swap3A_410 : vector<1x16xf32> to vector<16xf32>
    %swap3A_412 = vector.shape_cast %broadcast_in_dim3A_406 : vector<16xf32> to vector<1x16xf32>
    tpu.vector_store %arg7[%swap3A_408, %swap3A_409], %swap3A_412 {strides = array<i32>} : memref<16x128xf32, #tpu.memory_space<vmem>>, vector<1x16xf32>,
    %broadcast_in_dim3A_413 = arith.constant 0.000000e+00 : f32
    %broadcast_in_dim3A_414 = vector.broadcast %broadcast_in_dim3A_413 : f32 to vector<16xf32>
    %swap3A_415 = arith.constant 6 : i32
    %swap3A_416 = arith.index_cast %swap3A_415 : i32 to index
    %swap3A_417 = arith.constant 32 : index
    %swap3A_418 = tpu.vector_load %arg7[%swap3A_416, %swap3A_417] {strides = array<i32>} : memref<16x128xf32, #tpu.memory_space<vmem>>, vector<1x16xf32>,
    %swap3A_419 = vector.shape_cast %swap3A_418 : vector<1x16xf32> to vector<16xf32>
    %swap3A_420 = vector.shape_cast %broadcast_in_dim3A_414 : vector<16xf32> to vector<1x16xf32>
    tpu.vector_store %arg7[%swap3A_416, %swap3A_417], %swap3A_420 {strides = array<i32>} : memref<16x128xf32, #tpu.memory_space<vmem>>, vector<1x16xf32>,
    %broadcast_in_dim3A_421 = arith.constant 0.000000e+00 : f32
    %broadcast_in_dim3A_422 = vector.broadcast %broadcast_in_dim3A_421 : f32 to vector<16xf32>
    %swap3A_423 = arith.constant 6 : i32
    %swap3A_424 = arith.index_cast %swap3A_423 : i32 to index
    %swap3A_425 = arith.constant 48 : index
    %swap3A_426 = tpu.vector_load %arg7[%swap3A_424, %swap3A_425] {strides = array<i32>} : memref<16x128xf32, #tpu.memory_space<vmem>>, vector<1x16xf32>,
    %swap3A_427 = vector.shape_cast %swap3A_426 : vector<1x16xf32> to vector<16xf32>
    %swap3A_428 = vector.shape_cast %broadcast_in_dim3A_422 : vector<16xf32> to vector<1x16xf32>
    tpu.vector_store %arg7[%swap3A_424, %swap3A_425], %swap3A_428 {strides = array<i32>} : memref<16x128xf32, #tpu.memory_space<vmem>>, vector<1x16xf32>,
    %broadcast_in_dim3A_429 = arith.constant 0.000000e+00 : f32
    %broadcast_in_dim3A_430 = vector.broadcast %broadcast_in_dim3A_429 : f32 to vector<16xf32>
    %swap3A_431 = arith.constant 6 : i32
    %swap3A_432 = arith.index_cast %swap3A_431 : i32 to index
    %swap3A_433 = arith.constant 64 : index
    %swap3A_434 = tpu.vector_load %arg7[%swap3A_432, %swap3A_433] {strides = array<i32>} : memref<16x128xf32, #tpu.memory_space<vmem>>, vector<1x16xf32>,
    %swap3A_435 = vector.shape_cast %swap3A_434 : vector<1x16xf32> to vector<16xf32>
    %swap3A_436 = vector.shape_cast %broadcast_in_dim3A_430 : vector<16xf32> to vector<1x16xf32>
    tpu.vector_store %arg7[%swap3A_432, %swap3A_433], %swap3A_436 {strides = array<i32>} : memref<16x128xf32, #tpu.memory_space<vmem>>, vector<1x16xf32>,
    %broadcast_in_dim3A_437 = arith.constant 0.000000e+00 : f32
    %broadcast_in_dim3A_438 = vector.broadcast %broadcast_in_dim3A_437 : f32 to vector<16xf32>
    %swap3A_439 = arith.constant 6 : i32
    %swap3A_440 = arith.index_cast %swap3A_439 : i32 to index
    %swap3A_441 = arith.constant 80 : index
    %swap3A_442 = tpu.vector_load %arg7[%swap3A_440, %swap3A_441] {strides = array<i32>} : memref<16x128xf32, #tpu.memory_space<vmem>>, vector<1x16xf32>,
    %swap3A_443 = vector.shape_cast %swap3A_442 : vector<1x16xf32> to vector<16xf32>
    %swap3A_444 = vector.shape_cast %broadcast_in_dim3A_438 : vector<16xf32> to vector<1x16xf32>
    tpu.vector_store %arg7[%swap3A_440, %swap3A_441], %swap3A_444 {strides = array<i32>} : memref<16x128xf32, #tpu.memory_space<vmem>>, vector<1x16xf32>,
    %broadcast_in_dim3A_445 = arith.constant 0.000000e+00 : f32
    %broadcast_in_dim3A_446 = vector.broadcast %broadcast_in_dim3A_445 : f32 to vector<16xf32>
    %swap3A_447 = arith.constant 6 : i32
    %swap3A_448 = arith.index_cast %swap3A_447 : i32 to index
    %swap3A_449 = arith.constant 96 : index
    %swap3A_450 = tpu.vector_load %arg7[%swap3A_448, %swap3A_449] {strides = array<i32>} : memref<16x128xf32, #tpu.memory_space<vmem>>, vector<1x16xf32>,
    %swap3A_451 = vector.shape_cast %swap3A_450 : vector<1x16xf32> to vector<16xf32>
    %swap3A_452 = vector.shape_cast %broadcast_in_dim3A_446 : vector<16xf32> to vector<1x16xf32>
    tpu.vector_store %arg7[%swap3A_448, %swap3A_449], %swap3A_452 {strides = array<i32>} : memref<16x128xf32, #tpu.memory_space<vmem>>, vector<1x16xf32>,
    %broadcast_in_dim3A_453 = arith.constant 0.000000e+00 : f32
    %broadcast_in_dim3A_454 = vector.broadcast %broadcast_in_dim3A_453 : f32 to vector<16xf32>
    %swap3A_455 = arith.constant 6 : i32
    %swap3A_456 = arith.index_cast %swap3A_455 : i32 to index
    %swap3A_457 = arith.constant 112 : index
    %swap3A_458 = tpu.vector_load %arg7[%swap3A_456, %swap3A_457] {strides = array<i32>} : memref<16x128xf32, #tpu.memory_space<vmem>>, vector<1x16xf32>,
    %swap3A_459 = vector.shape_cast %swap3A_458 : vector<1x16xf32> to vector<16xf32>
    %swap3A_460 = vector.shape_cast %broadcast_in_dim3A_454 : vector<16xf32> to vector<1x16xf32>
    tpu.vector_store %arg7[%swap3A_456, %swap3A_457], %swap3A_460 {strides = array<i32>} : memref<16x128xf32, #tpu.memory_space<vmem>>, vector<1x16xf32>,
    %broadcast_in_dim3A_461 = arith.constant 0.000000e+00 : f32
    %broadcast_in_dim3A_462 = vector.broadcast %broadcast_in_dim3A_461 : f32 to vector<16xf32>
    %swap3A_463 = arith.constant 7 : i32
    %swap3A_464 = arith.index_cast %swap3A_463 : i32 to index
    %swap3A_465 = arith.constant 0 : index
    %swap3A_466 = tpu.vector_load %arg7[%swap3A_464, %swap3A_465] {strides = array<i32>} : memref<16x128xf32, #tpu.memory_space<vmem>>, vector<1x16xf32>,
    %swap3A_467 = vector.shape_cast %swap3A_466 : vector<1x16xf32> to vector<16xf32>
    %swap3A_468 = vector.shape_cast %broadcast_in_dim3A_462 : vector<16xf32> to vector<1x16xf32>
    tpu.vector_store %arg7[%swap3A_464, %swap3A_465], %swap3A_468 {strides = array<i32>} : memref<16x128xf32, #tpu.memory_space<vmem>>, vector<1x16xf32>,
    %broadcast_in_dim3A_469 = arith.constant 0.000000e+00 : f32
    %broadcast_in_dim3A_470 = vector.broadcast %broadcast_in_dim3A_469 : f32 to vector<16xf32>
    %swap3A_471 = arith.constant 7 : i32
    %swap3A_472 = arith.index_cast %swap3A_471 : i32 to index
    %swap3A_473 = arith.constant 16 : index
    %swap3A_474 = tpu.vector_load %arg7[%swap3A_472, %swap3A_473] {strides = array<i32>} : memref<16x128xf32, #tpu.memory_space<vmem>>, vector<1x16xf32>,
    %swap3A_475 = vector.shape_cast %swap3A_474 : vector<1x16xf32> to vector<16xf32>
    %swap3A_476 = vector.shape_cast %broadcast_in_dim3A_470 : vector<16xf32> to vector<1x16xf32>
    tpu.vector_store %arg7[%swap3A_472, %swap3A_473], %swap3A_476 {strides = array<i32>} : memref<16x128xf32, #tpu.memory_space<vmem>>, vector<1x16xf32>,
    %broadcast_in_dim3A_477 = arith.constant 0.000000e+00 : f32
    %broadcast_in_dim3A_478 = vector.broadcast %broadcast_in_dim3A_477 : f32 to vector<16xf32>
    %swap3A_479 = arith.constant 7 : i32
    %swap3A_480 = arith.index_cast %swap3A_479 : i32 to index
    %swap3A_481 = arith.constant 32 : index
    %swap3A_482 = tpu.vector_load %arg7[%swap3A_480, %swap3A_481] {strides = array<i32>} : memref<16x128xf32, #tpu.memory_space<vmem>>, vector<1x16xf32>,
    %swap3A_483 = vector.shape_cast %swap3A_482 : vector<1x16xf32> to vector<16xf32>
    %swap3A_484 = vector.shape_cast %broadcast_in_dim3A_478 : vector<16xf32> to vector<1x16xf32>
    tpu.vector_store %arg7[%swap3A_480, %swap3A_481], %swap3A_484 {strides = array<i32>} : memref<16x128xf32, #tpu.memory_space<vmem>>, vector<1x16xf32>,
    %broadcast_in_dim3A_485 = arith.constant 0.000000e+00 : f32
    %broadcast_in_dim3A_486 = vector.broadcast %broadcast_in_dim3A_485 : f32 to vector<16xf32>
    %swap3A_487 = arith.constant 7 : i32
    %swap3A_488 = arith.index_cast %swap3A_487 : i32 to index
    %swap3A_489 = arith.constant 48 : index
    %swap3A_490 = tpu.vector_load %arg7[%swap3A_488, %swap3A_489] {strides = array<i32>} : memref<16x128xf32, #tpu.memory_space<vmem>>, vector<1x16xf32>,
    %swap3A_491 = vector.shape_cast %swap3A_490 : vector<1x16xf32> to vector<16xf32>
    %swap3A_492 = vector.shape_cast %broadcast_in_dim3A_486 : vector<16xf32> to vector<1x16xf32>
    tpu.vector_store %arg7[%swap3A_488, %swap3A_489], %swap3A_492 {strides = array<i32>} : memref<16x128xf32, #tpu.memory_space<vmem>>, vector<1x16xf32>,
    %broadcast_in_dim3A_493 = arith.constant 0.000000e+00 : f32
    %broadcast_in_dim3A_494 = vector.broadcast %broadcast_in_dim3A_493 : f32 to vector<16xf32>
    %swap3A_495 = arith.constant 7 : i32
    %swap3A_496 = arith.index_cast %swap3A_495 : i32 to index
    %swap3A_497 = arith.constant 64 : index
    %swap3A_498 = tpu.vector_load %arg7[%swap3A_496, %swap3A_497] {strides = array<i32>} : memref<16x128xf32, #tpu.memory_space<vmem>>, vector<1x16xf32>,
    %swap3A_499 = vector.shape_cast %swap3A_498 : vector<1x16xf32> to vector<16xf32>
    %swap3A_500 = vector.shape_cast %broadcast_in_dim3A_494 : vector<16xf32> to vector<1x16xf32>
    tpu.vector_store %arg7[%swap3A_496, %swap3A_497], %swap3A_500 {strides = array<i32>} : memref<16x128xf32, #tpu.memory_space<vmem>>, vector<1x16xf32>,
    %broadcast_in_dim3A_501 = arith.constant 0.000000e+00 : f32
    %broadcast_in_dim3A_502 = vector.broadcast %broadcast_in_dim3A_501 : f32 to vector<16xf32>
    %swap3A_503 = arith.constant 7 : i32
    %swap3A_504 = arith.index_cast %swap3A_503 : i32 to index
    %swap3A_505 = arith.constant 80 : index
    %swap3A_506 = tpu.vector_load %arg7[%swap3A_504, %swap3A_505] {strides = array<i32>} : memref<16x128xf32, #tpu.memory_space<vmem>>, vector<1x16xf32>,
    %swap3A_507 = vector.shape_cast %swap3A_506 : vector<1x16xf32> to vector<16xf32>
    %swap3A_508 = vector.shape_cast %broadcast_in_dim3A_502 : vector<16xf32> to vector<1x16xf32>
    tpu.vector_store %arg7[%swap3A_504, %swap3A_505], %swap3A_508 {strides = array<i32>} : memref<16x128xf32, #tpu.memory_space<vmem>>, vector<1x16xf32>,
    %broadcast_in_dim3A_509 = arith.constant 0.000000e+00 : f32
    %broadcast_in_dim3A_510 = vector.broadcast %broadcast_in_dim3A_509 : f32 to vector<16xf32>
    %swap3A_511 = arith.constant 7 : i32
    %swap3A_512 = arith.index_cast %swap3A_511 : i32 to index
    %swap3A_513 = arith.constant 96 : index
    %swap3A_514 = tpu.vector_load %arg7[%swap3A_512, %swap3A_513] {strides = array<i32>} : memref<16x128xf32, #tpu.memory_space<vmem>>, vector<1x16xf32>,
    %swap3A_515 = vector.shape_cast %swap3A_514 : vector<1x16xf32> to vector<16xf32>
    %swap3A_516 = vector.shape_cast %broadcast_in_dim3A_510 : vector<16xf32> to vector<1x16xf32>
    tpu.vector_store %arg7[%swap3A_512, %swap3A_513], %swap3A_516 {strides = array<i32>} : memref<16x128xf32, #tpu.memory_space<vmem>>, vector<1x16xf32>,
    %broadcast_in_dim3A_517 = arith.constant 0.000000e+00 : f32
    %broadcast_in_dim3A_518 = vector.broadcast %broadcast_in_dim3A_517 : f32 to vector<16xf32>
    %swap3A_519 = arith.constant 7 : i32
    %swap3A_520 = arith.index_cast %swap3A_519 : i32 to index
    %swap3A_521 = arith.constant 112 : index
    %swap3A_522 = tpu.vector_load %arg7[%swap3A_520, %swap3A_521] {strides = array<i32>} : memref<16x128xf32, #tpu.memory_space<vmem>>, vector<1x16xf32>,
    %swap3A_523 = vector.shape_cast %swap3A_522 : vector<1x16xf32> to vector<16xf32>
    %swap3A_524 = vector.shape_cast %broadcast_in_dim3A_518 : vector<16xf32> to vector<1x16xf32>
    tpu.vector_store %arg7[%swap3A_520, %swap3A_521], %swap3A_524 {strides = array<i32>} : memref<16x128xf32, #tpu.memory_space<vmem>>, vector<1x16xf32>,
    %broadcast_in_dim3A_525 = arith.constant 0.000000e+00 : f32
    %broadcast_in_dim3A_526 = vector.broadcast %broadcast_in_dim3A_525 : f32 to vector<16xf32>
    %swap3A_527 = arith.constant 8 : i32
    %swap3A_528 = arith.index_cast %swap3A_527 : i32 to index
    %swap3A_529 = arith.constant 0 : index
    %swap3A_530 = tpu.vector_load %arg7[%swap3A_528, %swap3A_529] {strides = array<i32>} : memref<16x128xf32, #tpu.memory_space<vmem>>, vector<1x16xf32>,
    %swap3A_531 = vector.shape_cast %swap3A_530 : vector<1x16xf32> to vector<16xf32>
    %swap3A_532 = vector.shape_cast %broadcast_in_dim3A_526 : vector<16xf32> to vector<1x16xf32>
    tpu.vector_store %arg7[%swap3A_528, %swap3A_529], %swap3A_532 {strides = array<i32>} : memref<16x128xf32, #tpu.memory_space<vmem>>, vector<1x16xf32>,
    %broadcast_in_dim3A_533 = arith.constant 0.000000e+00 : f32
    %broadcast_in_dim3A_534 = vector.broadcast %broadcast_in_dim3A_533 : f32 to vector<16xf32>
    %swap3A_535 = arith.constant 8 : i32
    %swap3A_536 = arith.index_cast %swap3A_535 : i32 to index
    %swap3A_537 = arith.constant 16 : index
    %swap3A_538 = tpu.vector_load %arg7[%swap3A_536, %swap3A_537] {strides = array<i32>} : memref<16x128xf32, #tpu.memory_space<vmem>>, vector<1x16xf32>,
    %swap3A_539 = vector.shape_cast %swap3A_538 : vector<1x16xf32> to vector<16xf32>
    %swap3A_540 = vector.shape_cast %broadcast_in_dim3A_534 : vector<16xf32> to vector<1x16xf32>
    tpu.vector_store %arg7[%swap3A_536, %swap3A_537], %swap3A_540 {strides = array<i32>} : memref<16x128xf32, #tpu.memory_space<vmem>>, vector<1x16xf32>,
    %broadcast_in_dim3A_541 = arith.constant 0.000000e+00 : f32
    %broadcast_in_dim3A_542 = vector.broadcast %broadcast_in_dim3A_541 : f32 to vector<16xf32>
    %swap3A_543 = arith.constant 8 : i32
    %swap3A_544 = arith.index_cast %swap3A_543 : i32 to index
    %swap3A_545 = arith.constant 32 : index
    %swap3A_546 = tpu.vector_load %arg7[%swap3A_544, %swap3A_545] {strides = array<i32>} : memref<16x128xf32, #tpu.memory_space<vmem>>, vector<1x16xf32>,
    %swap3A_547 = vector.shape_cast %swap3A_546 : vector<1x16xf32> to vector<16xf32>
    %swap3A_548 = vector.shape_cast %broadcast_in_dim3A_542 : vector<16xf32> to vector<1x16xf32>
    tpu.vector_store %arg7[%swap3A_544, %swap3A_545], %swap3A_548 {strides = array<i32>} : memref<16x128xf32, #tpu.memory_space<vmem>>, vector<1x16xf32>,
    %broadcast_in_dim3A_549 = arith.constant 0.000000e+00 : f32
    %broadcast_in_dim3A_550 = vector.broadcast %broadcast_in_dim3A_549 : f32 to vector<16xf32>
    %swap3A_551 = arith.constant 8 : i32
    %swap3A_552 = arith.index_cast %swap3A_551 : i32 to index
    %swap3A_553 = arith.constant 48 : index
    %swap3A_554 = tpu.vector_load %arg7[%swap3A_552, %swap3A_553] {strides = array<i32>} : memref<16x128xf32, #tpu.memory_space<vmem>>, vector<1x16xf32>,
    %swap3A_555 = vector.shape_cast %swap3A_554 : vector<1x16xf32> to vector<16xf32>
    %swap3A_556 = vector.shape_cast %broadcast_in_dim3A_550 : vector<16xf32> to vector<1x16xf32>
    tpu.vector_store %arg7[%swap3A_552, %swap3A_553], %swap3A_556 {strides = array<i32>} : memref<16x128xf32, #tpu.memory_space<vmem>>, vector<1x16xf32>,
    %broadcast_in_dim3A_557 = arith.constant 0.000000e+00 : f32
    %broadcast_in_dim3A_558 = vector.broadcast %broadcast_in_dim3A_557 : f32 to vector<16xf32>
    %swap3A_559 = arith.constant 8 : i32
    %swap3A_560 = arith.index_cast %swap3A_559 : i32 to index
    %swap3A_561 = arith.constant 64 : index
    %swap3A_562 = tpu.vector_load %arg7[%swap3A_560, %swap3A_561] {strides = array<i32>} : memref<16x128xf32, #tpu.memory_space<vmem>>, vector<1x16xf32>,
    %swap3A_563 = vector.shape_cast %swap3A_562 : vector<1x16xf32> to vector<16xf32>
    %swap3A_564 = vector.shape_cast %broadcast_in_dim3A_558 : vector<16xf32> to vector<1x16xf32>
    tpu.vector_store %arg7[%swap3A_560, %swap3A_561], %swap3A_564 {strides = array<i32>} : memref<16x128xf32, #tpu.memory_space<vmem>>, vector<1x16xf32>,
    %broadcast_in_dim3A_565 = arith.constant 0.000000e+00 : f32
    %broadcast_in_dim3A_566 = vector.broadcast %broadcast_in_dim3A_565 : f32 to vector<16xf32>
    %swap3A_567 = arith.constant 8 : i32
    %swap3A_568 = arith.index_cast %swap3A_567 : i32 to index
    %swap3A_569 = arith.constant 80 : index
    %swap3A_570 = tpu.vector_load %arg7[%swap3A_568, %swap3A_569] {strides = array<i32>} : memref<16x128xf32, #tpu.memory_space<vmem>>, vector<1x16xf32>,
    %swap3A_571 = vector.shape_cast %swap3A_570 : vector<1x16xf32> to vector<16xf32>
    %swap3A_572 = vector.shape_cast %broadcast_in_dim3A_566 : vector<16xf32> to vector<1x16xf32>
    tpu.vector_store %arg7[%swap3A_568, %swap3A_569], %swap3A_572 {strides = array<i32>} : memref<16x128xf32, #tpu.memory_space<vmem>>, vector<1x16xf32>,
    %broadcast_in_dim3A_573 = arith.constant 0.000000e+00 : f32
    %broadcast_in_dim3A_574 = vector.broadcast %broadcast_in_dim3A_573 : f32 to vector<16xf32>
    %swap3A_575 = arith.constant 8 : i32
    %swap3A_576 = arith.index_cast %swap3A_575 : i32 to index
    %swap3A_577 = arith.constant 96 : index
    %swap3A_578 = tpu.vector_load %arg7[%swap3A_576, %swap3A_577] {strides = array<i32>} : memref<16x128xf32, #tpu.memory_space<vmem>>, vector<1x16xf32>,
    %swap3A_579 = vector.shape_cast %swap3A_578 : vector<1x16xf32> to vector<16xf32>
    %swap3A_580 = vector.shape_cast %broadcast_in_dim3A_574 : vector<16xf32> to vector<1x16xf32>
    tpu.vector_store %arg7[%swap3A_576, %swap3A_577], %swap3A_580 {strides = array<i32>} : memref<16x128xf32, #tpu.memory_space<vmem>>, vector<1x16xf32>,
    %broadcast_in_dim3A_581 = arith.constant 0.000000e+00 : f32
    %broadcast_in_dim3A_582 = vector.broadcast %broadcast_in_dim3A_581 : f32 to vector<16xf32>
    %swap3A_583 = arith.constant 8 : i32
    %swap3A_584 = arith.index_cast %swap3A_583 : i32 to index
    %swap3A_585 = arith.constant 112 : index
    %swap3A_586 = tpu.vector_load %arg7[%swap3A_584, %swap3A_585] {strides = array<i32>} : memref<16x128xf32, #tpu.memory_space<vmem>>, vector<1x16xf32>,
    %swap3A_587 = vector.shape_cast %swap3A_586 : vector<1x16xf32> to vector<16xf32>
    %swap3A_588 = vector.shape_cast %broadcast_in_dim3A_582 : vector<16xf32> to vector<1x16xf32>
    tpu.vector_store %arg7[%swap3A_584, %swap3A_585], %swap3A_588 {strides = array<i32>} : memref<16x128xf32, #tpu.memory_space<vmem>>, vector<1x16xf32>,
    %broadcast_in_dim3A_589 = arith.constant 0.000000e+00 : f32
    %broadcast_in_dim3A_590 = vector.broadcast %broadcast_in_dim3A_589 : f32 to vector<16xf32>
    %swap3A_591 = arith.constant 9 : i32
    %swap3A_592 = arith.index_cast %swap3A_591 : i32 to index
    %swap3A_593 = arith.constant 0 : index
    %swap3A_594 = tpu.vector_load %arg7[%swap3A_592, %swap3A_593] {strides = array<i32>} : memref<16x128xf32, #tpu.memory_space<vmem>>, vector<1x16xf32>,
    %swap3A_595 = vector.shape_cast %swap3A_594 : vector<1x16xf32> to vector<16xf32>
    %swap3A_596 = vector.shape_cast %broadcast_in_dim3A_590 : vector<16xf32> to vector<1x16xf32>
    tpu.vector_store %arg7[%swap3A_592, %swap3A_593], %swap3A_596 {strides = array<i32>} : memref<16x128xf32, #tpu.memory_space<vmem>>, vector<1x16xf32>,
    %broadcast_in_dim3A_597 = arith.constant 0.000000e+00 : f32
    %broadcast_in_dim3A_598 = vector.broadcast %broadcast_in_dim3A_597 : f32 to vector<16xf32>
    %swap3A_599 = arith.constant 9 : i32
    %swap3A_600 = arith.index_cast %swap3A_599 : i32 to index
    %swap3A_601 = arith.constant 16 : index
    %swap3A_602 = tpu.vector_load %arg7[%swap3A_600, %swap3A_601] {strides = array<i32>} : memref<16x128xf32, #tpu.memory_space<vmem>>, vector<1x16xf32>,
    %swap3A_603 = vector.shape_cast %swap3A_602 : vector<1x16xf32> to vector<16xf32>
    %swap3A_604 = vector.shape_cast %broadcast_in_dim3A_598 : vector<16xf32> to vector<1x16xf32>
    tpu.vector_store %arg7[%swap3A_600, %swap3A_601], %swap3A_604 {strides = array<i32>} : memref<16x128xf32, #tpu.memory_space<vmem>>, vector<1x16xf32>,
    %broadcast_in_dim3A_605 = arith.constant 0.000000e+00 : f32
    %broadcast_in_dim3A_606 = vector.broadcast %broadcast_in_dim3A_605 : f32 to vector<16xf32>
    %swap3A_607 = arith.constant 9 : i32
    %swap3A_608 = arith.index_cast %swap3A_607 : i32 to index
    %swap3A_609 = arith.constant 32 : index
    %swap3A_610 = tpu.vector_load %arg7[%swap3A_608, %swap3A_609] {strides = array<i32>} : memref<16x128xf32, #tpu.memory_space<vmem>>, vector<1x16xf32>,
    %swap3A_611 = vector.shape_cast %swap3A_610 : vector<1x16xf32> to vector<16xf32>
    %swap3A_612 = vector.shape_cast %broadcast_in_dim3A_606 : vector<16xf32> to vector<1x16xf32>
    tpu.vector_store %arg7[%swap3A_608, %swap3A_609], %swap3A_612 {strides = array<i32>} : memref<16x128xf32, #tpu.memory_space<vmem>>, vector<1x16xf32>,
    %broadcast_in_dim3A_613 = arith.constant 0.000000e+00 : f32
    %broadcast_in_dim3A_614 = vector.broadcast %broadcast_in_dim3A_613 : f32 to vector<16xf32>
    %swap3A_615 = arith.constant 9 : i32
    %swap3A_616 = arith.index_cast %swap3A_615 : i32 to index
    %swap3A_617 = arith.constant 48 : index
    %swap3A_618 = tpu.vector_load %arg7[%swap3A_616, %swap3A_617] {strides = array<i32>} : memref<16x128xf32, #tpu.memory_space<vmem>>, vector<1x16xf32>,
    %swap3A_619 = vector.shape_cast %swap3A_618 : vector<1x16xf32> to vector<16xf32>
    %swap3A_620 = vector.shape_cast %broadcast_in_dim3A_614 : vector<16xf32> to vector<1x16xf32>
    tpu.vector_store %arg7[%swap3A_616, %swap3A_617], %swap3A_620 {strides = array<i32>} : memref<16x128xf32, #tpu.memory_space<vmem>>, vector<1x16xf32>,
    %broadcast_in_dim3A_621 = arith.constant 0.000000e+00 : f32
    %broadcast_in_dim3A_622 = vector.broadcast %broadcast_in_dim3A_621 : f32 to vector<16xf32>
    %swap3A_623 = arith.constant 9 : i32
    %swap3A_624 = arith.index_cast %swap3A_623 : i32 to index
    %swap3A_625 = arith.constant 64 : index
    %swap3A_626 = tpu.vector_load %arg7[%swap3A_624, %swap3A_625] {strides = array<i32>} : memref<16x128xf32, #tpu.memory_space<vmem>>, vector<1x16xf32>,
    %swap3A_627 = vector.shape_cast %swap3A_626 : vector<1x16xf32> to vector<16xf32>
    %swap3A_628 = vector.shape_cast %broadcast_in_dim3A_622 : vector<16xf32> to vector<1x16xf32>
    tpu.vector_store %arg7[%swap3A_624, %swap3A_625], %swap3A_628 {strides = array<i32>} : memref<16x128xf32, #tpu.memory_space<vmem>>, vector<1x16xf32>,
    %broadcast_in_dim3A_629 = arith.constant 0.000000e+00 : f32
    %broadcast_in_dim3A_630 = vector.broadcast %broadcast_in_dim3A_629 : f32 to vector<16xf32>
    %swap3A_631 = arith.constant 9 : i32
    %swap3A_632 = arith.index_cast %swap3A_631 : i32 to index
    %swap3A_633 = arith.constant 80 : index
    %swap3A_634 = tpu.vector_load %arg7[%swap3A_632, %swap3A_633] {strides = array<i32>} : memref<16x128xf32, #tpu.memory_space<vmem>>, vector<1x16xf32>,
    %swap3A_635 = vector.shape_cast %swap3A_634 : vector<1x16xf32> to vector<16xf32>
    %swap3A_636 = vector.shape_cast %broadcast_in_dim3A_630 : vector<16xf32> to vector<1x16xf32>
    tpu.vector_store %arg7[%swap3A_632, %swap3A_633], %swap3A_636 {strides = array<i32>} : memref<16x128xf32, #tpu.memory_space<vmem>>, vector<1x16xf32>,
    %broadcast_in_dim3A_637 = arith.constant 0.000000e+00 : f32
    %broadcast_in_dim3A_638 = vector.broadcast %broadcast_in_dim3A_637 : f32 to vector<16xf32>
    %swap3A_639 = arith.constant 9 : i32
    %swap3A_640 = arith.index_cast %swap3A_639 : i32 to index
    %swap3A_641 = arith.constant 96 : index
    %swap3A_642 = tpu.vector_load %arg7[%swap3A_640, %swap3A_641] {strides = array<i32>} : memref<16x128xf32, #tpu.memory_space<vmem>>, vector<1x16xf32>,
    %swap3A_643 = vector.shape_cast %swap3A_642 : vector<1x16xf32> to vector<16xf32>
    %swap3A_644 = vector.shape_cast %broadcast_in_dim3A_638 : vector<16xf32> to vector<1x16xf32>
    tpu.vector_store %arg7[%swap3A_640, %swap3A_641], %swap3A_644 {strides = array<i32>} : memref<16x128xf32, #tpu.memory_space<vmem>>, vector<1x16xf32>,
    %broadcast_in_dim3A_645 = arith.constant 0.000000e+00 : f32
    %broadcast_in_dim3A_646 = vector.broadcast %broadcast_in_dim3A_645 : f32 to vector<16xf32>
    %swap3A_647 = arith.constant 9 : i32
    %swap3A_648 = arith.index_cast %swap3A_647 : i32 to index
    %swap3A_649 = arith.constant 112 : index
    %swap3A_650 = tpu.vector_load %arg7[%swap3A_648, %swap3A_649] {strides = array<i32>} : memref<16x128xf32, #tpu.memory_space<vmem>>, vector<1x16xf32>,
    %swap3A_651 = vector.shape_cast %swap3A_650 : vector<1x16xf32> to vector<16xf32>
    %swap3A_652 = vector.shape_cast %broadcast_in_dim3A_646 : vector<16xf32> to vector<1x16xf32>
    tpu.vector_store %arg7[%swap3A_648, %swap3A_649], %swap3A_652 {strides = array<i32>} : memref<16x128xf32, #tpu.memory_space<vmem>>, vector<1x16xf32>,
    %broadcast_in_dim3A_653 = arith.constant 0.000000e+00 : f32
    %broadcast_in_dim3A_654 = vector.broadcast %broadcast_in_dim3A_653 : f32 to vector<16xf32>
    %swap3A_655 = arith.constant 10 : i32
    %swap3A_656 = arith.index_cast %swap3A_655 : i32 to index
    %swap3A_657 = arith.constant 0 : index
    %swap3A_658 = tpu.vector_load %arg7[%swap3A_656, %swap3A_657] {strides = array<i32>} : memref<16x128xf32, #tpu.memory_space<vmem>>, vector<1x16xf32>,
    %swap3A_659 = vector.shape_cast %swap3A_658 : vector<1x16xf32> to vector<16xf32>
    %swap3A_660 = vector.shape_cast %broadcast_in_dim3A_654 : vector<16xf32> to vector<1x16xf32>
    tpu.vector_store %arg7[%swap3A_656, %swap3A_657], %swap3A_660 {strides = array<i32>} : memref<16x128xf32, #tpu.memory_space<vmem>>, vector<1x16xf32>,
    %broadcast_in_dim3A_661 = arith.constant 0.000000e+00 : f32
    %broadcast_in_dim3A_662 = vector.broadcast %broadcast_in_dim3A_661 : f32 to vector<16xf32>
    %swap3A_663 = arith.constant 10 : i32
    %swap3A_664 = arith.index_cast %swap3A_663 : i32 to index
    %swap3A_665 = arith.constant 16 : index
    %swap3A_666 = tpu.vector_load %arg7[%swap3A_664, %swap3A_665] {strides = array<i32>} : memref<16x128xf32, #tpu.memory_space<vmem>>, vector<1x16xf32>,
    %swap3A_667 = vector.shape_cast %swap3A_666 : vector<1x16xf32> to vector<16xf32>
    %swap3A_668 = vector.shape_cast %broadcast_in_dim3A_662 : vector<16xf32> to vector<1x16xf32>
    tpu.vector_store %arg7[%swap3A_664, %swap3A_665], %swap3A_668 {strides = array<i32>} : memref<16x128xf32, #tpu.memory_space<vmem>>, vector<1x16xf32>,
    %broadcast_in_dim3A_669 = arith.constant 0.000000e+00 : f32
    %broadcast_in_dim3A_670 = vector.broadcast %broadcast_in_dim3A_669 : f32 to vector<16xf32>
    %swap3A_671 = arith.constant 10 : i32
    %swap3A_672 = arith.index_cast %swap3A_671 : i32 to index
    %swap3A_673 = arith.constant 32 : index
    %swap3A_674 = tpu.vector_load %arg7[%swap3A_672, %swap3A_673] {strides = array<i32>} : memref<16x128xf32, #tpu.memory_space<vmem>>, vector<1x16xf32>,
    %swap3A_675 = vector.shape_cast %swap3A_674 : vector<1x16xf32> to vector<16xf32>
    %swap3A_676 = vector.shape_cast %broadcast_in_dim3A_670 : vector<16xf32> to vector<1x16xf32>
    tpu.vector_store %arg7[%swap3A_672, %swap3A_673], %swap3A_676 {strides = array<i32>} : memref<16x128xf32, #tpu.memory_space<vmem>>, vector<1x16xf32>,
    %broadcast_in_dim3A_677 = arith.constant 0.000000e+00 : f32
    %broadcast_in_dim3A_678 = vector.broadcast %broadcast_in_dim3A_677 : f32 to vector<16xf32>
    %swap3A_679 = arith.constant 10 : i32
    %swap3A_680 = arith.index_cast %swap3A_679 : i32 to index
    %swap3A_681 = arith.constant 48 : index
    %swap3A_682 = tpu.vector_load %arg7[%swap3A_680, %swap3A_681] {strides = array<i32>} : memref<16x128xf32, #tpu.memory_space<vmem>>, vector<1x16xf32>,
    %swap3A_683 = vector.shape_cast %swap3A_682 : vector<1x16xf32> to vector<16xf32>
    %swap3A_684 = vector.shape_cast %broadcast_in_dim3A_678 : vector<16xf32> to vector<1x16xf32>
    tpu.vector_store %arg7[%swap3A_680, %swap3A_681], %swap3A_684 {strides = array<i32>} : memref<16x128xf32, #tpu.memory_space<vmem>>, vector<1x16xf32>,
    %broadcast_in_dim3A_685 = arith.constant 0.000000e+00 : f32
    %broadcast_in_dim3A_686 = vector.broadcast %broadcast_in_dim3A_685 : f32 to vector<16xf32>
    %swap3A_687 = arith.constant 10 : i32
    %swap3A_688 = arith.index_cast %swap3A_687 : i32 to index
    %swap3A_689 = arith.constant 64 : index
    %swap3A_690 = tpu.vector_load %arg7[%swap3A_688, %swap3A_689] {strides = array<i32>} : memref<16x128xf32, #tpu.memory_space<vmem>>, vector<1x16xf32>,
    %swap3A_691 = vector.shape_cast %swap3A_690 : vector<1x16xf32> to vector<16xf32>
    %swap3A_692 = vector.shape_cast %broadcast_in_dim3A_686 : vector<16xf32> to vector<1x16xf32>
    tpu.vector_store %arg7[%swap3A_688, %swap3A_689], %swap3A_692 {strides = array<i32>} : memref<16x128xf32, #tpu.memory_space<vmem>>, vector<1x16xf32>,
    %broadcast_in_dim3A_693 = arith.constant 0.000000e+00 : f32
    %broadcast_in_dim3A_694 = vector.broadcast %broadcast_in_dim3A_693 : f32 to vector<16xf32>
    %swap3A_695 = arith.constant 10 : i32
    %swap3A_696 = arith.index_cast %swap3A_695 : i32 to index
    %swap3A_697 = arith.constant 80 : index
    %swap3A_698 = tpu.vector_load %arg7[%swap3A_696, %swap3A_697] {strides = array<i32>} : memref<16x128xf32, #tpu.memory_space<vmem>>, vector<1x16xf32>,
    %swap3A_699 = vector.shape_cast %swap3A_698 : vector<1x16xf32> to vector<16xf32>
    %swap3A_700 = vector.shape_cast %broadcast_in_dim3A_694 : vector<16xf32> to vector<1x16xf32>
    tpu.vector_store %arg7[%swap3A_696, %swap3A_697], %swap3A_700 {strides = array<i32>} : memref<16x128xf32, #tpu.memory_space<vmem>>, vector<1x16xf32>,
    %broadcast_in_dim3A_701 = arith.constant 0.000000e+00 : f32
    %broadcast_in_dim3A_702 = vector.broadcast %broadcast_in_dim3A_701 : f32 to vector<16xf32>
    %swap3A_703 = arith.constant 10 : i32
    %swap3A_704 = arith.index_cast %swap3A_703 : i32 to index
    %swap3A_705 = arith.constant 96 : index
    %swap3A_706 = tpu.vector_load %arg7[%swap3A_704, %swap3A_705] {strides = array<i32>} : memref<16x128xf32, #tpu.memory_space<vmem>>, vector<1x16xf32>,
    %swap3A_707 = vector.shape_cast %swap3A_706 : vector<1x16xf32> to vector<16xf32>
    %swap3A_708 = vector.shape_cast %broadcast_in_dim3A_702 : vector<16xf32> to vector<1x16xf32>
    tpu.vector_store %arg7[%swap3A_704, %swap3A_705], %swap3A_708 {strides = array<i32>} : memref<16x128xf32, #tpu.memory_space<vmem>>, vector<1x16xf32>,
    %broadcast_in_dim3A_709 = arith.constant 0.000000e+00 : f32
    %broadcast_in_dim3A_710 = vector.broadcast %broadcast_in_dim3A_709 : f32 to vector<16xf32>
    %swap3A_711 = arith.constant 10 : i32
    %swap3A_712 = arith.index_cast %swap3A_711 : i32 to index
    %swap3A_713 = arith.constant 112 : index
    %swap3A_714 = tpu.vector_load %arg7[%swap3A_712, %swap3A_713] {strides = array<i32>} : memref<16x128xf32, #tpu.memory_space<vmem>>, vector<1x16xf32>,
    %swap3A_715 = vector.shape_cast %swap3A_714 : vector<1x16xf32> to vector<16xf32>
    %swap3A_716 = vector.shape_cast %broadcast_in_dim3A_710 : vector<16xf32> to vector<1x16xf32>
    tpu.vector_store %arg7[%swap3A_712, %swap3A_713], %swap3A_716 {strides = array<i32>} : memref<16x128xf32, #tpu.memory_space<vmem>>, vector<1x16xf32>,
    %broadcast_in_dim3A_717 = arith.constant 0.000000e+00 : f32
    %broadcast_in_dim3A_718 = vector.broadcast %broadcast_in_dim3A_717 : f32 to vector<16xf32>
    %swap3A_719 = arith.constant 11 : i32
    %swap3A_720 = arith.index_cast %swap3A_719 : i32 to index
    %swap3A_721 = arith.constant 0 : index
    %swap3A_722 = tpu.vector_load %arg7[%swap3A_720, %swap3A_721] {strides = array<i32>} : memref<16x128xf32, #tpu.memory_space<vmem>>, vector<1x16xf32>,
    %swap3A_723 = vector.shape_cast %swap3A_722 : vector<1x16xf32> to vector<16xf32>
    %swap3A_724 = vector.shape_cast %broadcast_in_dim3A_718 : vector<16xf32> to vector<1x16xf32>
    tpu.vector_store %arg7[%swap3A_720, %swap3A_721], %swap3A_724 {strides = array<i32>} : memref<16x128xf32, #tpu.memory_space<vmem>>, vector<1x16xf32>,
    %broadcast_in_dim3A_725 = arith.constant 0.000000e+00 : f32
    %broadcast_in_dim3A_726 = vector.broadcast %broadcast_in_dim3A_725 : f32 to vector<16xf32>
    %swap3A_727 = arith.constant 11 : i32
    %swap3A_728 = arith.index_cast %swap3A_727 : i32 to index
    %swap3A_729 = arith.constant 16 : index
    %swap3A_730 = tpu.vector_load %arg7[%swap3A_728, %swap3A_729] {strides = array<i32>} : memref<16x128xf32, #tpu.memory_space<vmem>>, vector<1x16xf32>,
    %swap3A_731 = vector.shape_cast %swap3A_730 : vector<1x16xf32> to vector<16xf32>
    %swap3A_732 = vector.shape_cast %broadcast_in_dim3A_726 : vector<16xf32> to vector<1x16xf32>
    tpu.vector_store %arg7[%swap3A_728, %swap3A_729], %swap3A_732 {strides = array<i32>} : memref<16x128xf32, #tpu.memory_space<vmem>>, vector<1x16xf32>,
    %broadcast_in_dim3A_733 = arith.constant 0.000000e+00 : f32
    %broadcast_in_dim3A_734 = vector.broadcast %broadcast_in_dim3A_733 : f32 to vector<16xf32>
    %swap3A_735 = arith.constant 11 : i32
    %swap3A_736 = arith.index_cast %swap3A_735 : i32 to index
    %swap3A_737 = arith.constant 32 : index
    %swap3A_738 = tpu.vector_load %arg7[%swap3A_736, %swap3A_737] {strides = array<i32>} : memref<16x128xf32, #tpu.memory_space<vmem>>, vector<1x16xf32>,
    %swap3A_739 = vector.shape_cast %swap3A_738 : vector<1x16xf32> to vector<16xf32>
    %swap3A_740 = vector.shape_cast %broadcast_in_dim3A_734 : vector<16xf32> to vector<1x16xf32>
    tpu.vector_store %arg7[%swap3A_736, %swap3A_737], %swap3A_740 {strides = array<i32>} : memref<16x128xf32, #tpu.memory_space<vmem>>, vector<1x16xf32>,
    %broadcast_in_dim3A_741 = arith.constant 0.000000e+00 : f32
    %broadcast_in_dim3A_742 = vector.broadcast %broadcast_in_dim3A_741 : f32 to vector<16xf32>
    %swap3A_743 = arith.constant 11 : i32
    %swap3A_744 = arith.index_cast %swap3A_743 : i32 to index
    %swap3A_745 = arith.constant 48 : index
    %swap3A_746 = tpu.vector_load %arg7[%swap3A_744, %swap3A_745] {strides = array<i32>} : memref<16x128xf32, #tpu.memory_space<vmem>>, vector<1x16xf32>,
    %swap3A_747 = vector.shape_cast %swap3A_746 : vector<1x16xf32> to vector<16xf32>
    %swap3A_748 = vector.shape_cast %broadcast_in_dim3A_742 : vector<16xf32> to vector<1x16xf32>
    tpu.vector_store %arg7[%swap3A_744, %swap3A_745], %swap3A_748 {strides = array<i32>} : memref<16x128xf32, #tpu.memory_space<vmem>>, vector<1x16xf32>,
    %broadcast_in_dim3A_749 = arith.constant 0.000000e+00 : f32
    %broadcast_in_dim3A_750 = vector.broadcast %broadcast_in_dim3A_749 : f32 to vector<16xf32>
    %swap3A_751 = arith.constant 11 : i32
    %swap3A_752 = arith.index_cast %swap3A_751 : i32 to index
    %swap3A_753 = arith.constant 64 : index
    %swap3A_754 = tpu.vector_load %arg7[%swap3A_752, %swap3A_753] {strides = array<i32>} : memref<16x128xf32, #tpu.memory_space<vmem>>, vector<1x16xf32>,
    %swap3A_755 = vector.shape_cast %swap3A_754 : vector<1x16xf32> to vector<16xf32>
    %swap3A_756 = vector.shape_cast %broadcast_in_dim3A_750 : vector<16xf32> to vector<1x16xf32>
    tpu.vector_store %arg7[%swap3A_752, %swap3A_753], %swap3A_756 {strides = array<i32>} : memref<16x128xf32, #tpu.memory_space<vmem>>, vector<1x16xf32>,
    %broadcast_in_dim3A_757 = arith.constant 0.000000e+00 : f32
    %broadcast_in_dim3A_758 = vector.broadcast %broadcast_in_dim3A_757 : f32 to vector<16xf32>
    %swap3A_759 = arith.constant 11 : i32
    %swap3A_760 = arith.index_cast %swap3A_759 : i32 to index
    %swap3A_761 = arith.constant 80 : index
    %swap3A_762 = tpu.vector_load %arg7[%swap3A_760, %swap3A_761] {strides = array<i32>} : memref<16x128xf32, #tpu.memory_space<vmem>>, vector<1x16xf32>,
    %swap3A_763 = vector.shape_cast %swap3A_762 : vector<1x16xf32> to vector<16xf32>
    %swap3A_764 = vector.shape_cast %broadcast_in_dim3A_758 : vector<16xf32> to vector<1x16xf32>
    tpu.vector_store %arg7[%swap3A_760, %swap3A_761], %swap3A_764 {strides = array<i32>} : memref<16x128xf32, #tpu.memory_space<vmem>>, vector<1x16xf32>,
    %broadcast_in_dim3A_765 = arith.constant 0.000000e+00 : f32
    %broadcast_in_dim3A_766 = vector.broadcast %broadcast_in_dim3A_765 : f32 to vector<16xf32>
    %swap3A_767 = arith.constant 11 : i32
    %swap3A_768 = arith.index_cast %swap3A_767 : i32 to index
    %swap3A_769 = arith.constant 96 : index
    %swap3A_770 = tpu.vector_load %arg7[%swap3A_768, %swap3A_769] {strides = array<i32>} : memref<16x128xf32, #tpu.memory_space<vmem>>, vector<1x16xf32>,
    %swap3A_771 = vector.shape_cast %swap3A_770 : vector<1x16xf32> to vector<16xf32>
    %swap3A_772 = vector.shape_cast %broadcast_in_dim3A_766 : vector<16xf32> to vector<1x16xf32>
    tpu.vector_store %arg7[%swap3A_768, %swap3A_769], %swap3A_772 {strides = array<i32>} : memref<16x128xf32, #tpu.memory_space<vmem>>, vector<1x16xf32>,
    %broadcast_in_dim3A_773 = arith.constant 0.000000e+00 : f32
    %broadcast_in_dim3A_774 = vector.broadcast %broadcast_in_dim3A_773 : f32 to vector<16xf32>
    %swap3A_775 = arith.constant 11 : i32
    %swap3A_776 = arith.index_cast %swap3A_775 : i32 to index
    %swap3A_777 = arith.constant 112 : index
    %swap3A_778 = tpu.vector_load %arg7[%swap3A_776, %swap3A_777] {strides = array<i32>} : memref<16x128xf32, #tpu.memory_space<vmem>>, vector<1x16xf32>,
    %swap3A_779 = vector.shape_cast %swap3A_778 : vector<1x16xf32> to vector<16xf32>
    %swap3A_780 = vector.shape_cast %broadcast_in_dim3A_774 : vector<16xf32> to vector<1x16xf32>
    tpu.vector_store %arg7[%swap3A_776, %swap3A_777], %swap3A_780 {strides = array<i32>} : memref<16x128xf32, #tpu.memory_space<vmem>>, vector<1x16xf32>,
    %broadcast_in_dim3A_781 = arith.constant 0.000000e+00 : f32
    %broadcast_in_dim3A_782 = vector.broadcast %broadcast_in_dim3A_781 : f32 to vector<16xf32>
    %swap3A_783 = arith.constant 12 : i32
    %swap3A_784 = arith.index_cast %swap3A_783 : i32 to index
    %swap3A_785 = arith.constant 0 : index
    %swap3A_786 = tpu.vector_load %arg7[%swap3A_784, %swap3A_785] {strides = array<i32>} : memref<16x128xf32, #tpu.memory_space<vmem>>, vector<1x16xf32>,
    %swap3A_787 = vector.shape_cast %swap3A_786 : vector<1x16xf32> to vector<16xf32>
    %swap3A_788 = vector.shape_cast %broadcast_in_dim3A_782 : vector<16xf32> to vector<1x16xf32>
    tpu.vector_store %arg7[%swap3A_784, %swap3A_785], %swap3A_788 {strides = array<i32>} : memref<16x128xf32, #tpu.memory_space<vmem>>, vector<1x16xf32>,
    %broadcast_in_dim3A_789 = arith.constant 0.000000e+00 : f32
    %broadcast_in_dim3A_790 = vector.broadcast %broadcast_in_dim3A_789 : f32 to vector<16xf32>
    %swap3A_791 = arith.constant 12 : i32
    %swap3A_792 = arith.index_cast %swap3A_791 : i32 to index
    %swap3A_793 = arith.constant 16 : index
    %swap3A_794 = tpu.vector_load %arg7[%swap3A_792, %swap3A_793] {strides = array<i32>} : memref<16x128xf32, #tpu.memory_space<vmem>>, vector<1x16xf32>,
    %swap3A_795 = vector.shape_cast %swap3A_794 : vector<1x16xf32> to vector<16xf32>
    %swap3A_796 = vector.shape_cast %broadcast_in_dim3A_790 : vector<16xf32> to vector<1x16xf32>
    tpu.vector_store %arg7[%swap3A_792, %swap3A_793], %swap3A_796 {strides = array<i32>} : memref<16x128xf32, #tpu.memory_space<vmem>>, vector<1x16xf32>,
    %broadcast_in_dim3A_797 = arith.constant 0.000000e+00 : f32
    %broadcast_in_dim3A_798 = vector.broadcast %broadcast_in_dim3A_797 : f32 to vector<16xf32>
    %swap3A_799 = arith.constant 12 : i32
    %swap3A_800 = arith.index_cast %swap3A_799 : i32 to index
    %swap3A_801 = arith.constant 32 : index
    %swap3A_802 = tpu.vector_load %arg7[%swap3A_800, %swap3A_801] {strides = array<i32>} : memref<16x128xf32, #tpu.memory_space<vmem>>, vector<1x16xf32>,
    %swap3A_803 = vector.shape_cast %swap3A_802 : vector<1x16xf32> to vector<16xf32>
    %swap3A_804 = vector.shape_cast %broadcast_in_dim3A_798 : vector<16xf32> to vector<1x16xf32>
    tpu.vector_store %arg7[%swap3A_800, %swap3A_801], %swap3A_804 {strides = array<i32>} : memref<16x128xf32, #tpu.memory_space<vmem>>, vector<1x16xf32>,
    %broadcast_in_dim3A_805 = arith.constant 0.000000e+00 : f32
    %broadcast_in_dim3A_806 = vector.broadcast %broadcast_in_dim3A_805 : f32 to vector<16xf32>
    %swap3A_807 = arith.constant 12 : i32
    %swap3A_808 = arith.index_cast %swap3A_807 : i32 to index
    %swap3A_809 = arith.constant 48 : index
    %swap3A_810 = tpu.vector_load %arg7[%swap3A_808, %swap3A_809] {strides = array<i32>} : memref<16x128xf32, #tpu.memory_space<vmem>>, vector<1x16xf32>,
    %swap3A_811 = vector.shape_cast %swap3A_810 : vector<1x16xf32> to vector<16xf32>
    %swap3A_812 = vector.shape_cast %broadcast_in_dim3A_806 : vector<16xf32> to vector<1x16xf32>
    tpu.vector_store %arg7[%swap3A_808, %swap3A_809], %swap3A_812 {strides = array<i32>} : memref<16x128xf32, #tpu.memory_space<vmem>>, vector<1x16xf32>,
    %broadcast_in_dim3A_813 = arith.constant 0.000000e+00 : f32
    %broadcast_in_dim3A_814 = vector.broadcast %broadcast_in_dim3A_813 : f32 to vector<16xf32>
    %swap3A_815 = arith.constant 12 : i32
    %swap3A_816 = arith.index_cast %swap3A_815 : i32 to index
    %swap3A_817 = arith.constant 64 : index
    %swap3A_818 = tpu.vector_load %arg7[%swap3A_816, %swap3A_817] {strides = array<i32>} : memref<16x128xf32, #tpu.memory_space<vmem>>, vector<1x16xf32>,
    %swap3A_819 = vector.shape_cast %swap3A_818 : vector<1x16xf32> to vector<16xf32>
    %swap3A_820 = vector.shape_cast %broadcast_in_dim3A_814 : vector<16xf32> to vector<1x16xf32>
    tpu.vector_store %arg7[%swap3A_816, %swap3A_817], %swap3A_820 {strides = array<i32>} : memref<16x128xf32, #tpu.memory_space<vmem>>, vector<1x16xf32>,
    %broadcast_in_dim3A_821 = arith.constant 0.000000e+00 : f32
    %broadcast_in_dim3A_822 = vector.broadcast %broadcast_in_dim3A_821 : f32 to vector<16xf32>
    %swap3A_823 = arith.constant 12 : i32
    %swap3A_824 = arith.index_cast %swap3A_823 : i32 to index
    %swap3A_825 = arith.constant 80 : index
    %swap3A_826 = tpu.vector_load %arg7[%swap3A_824, %swap3A_825] {strides = array<i32>} : memref<16x128xf32, #tpu.memory_space<vmem>>, vector<1x16xf32>,
    %swap3A_827 = vector.shape_cast %swap3A_826 : vector<1x16xf32> to vector<16xf32>
    %swap3A_828 = vector.shape_cast %broadcast_in_dim3A_822 : vector<16xf32> to vector<1x16xf32>
    tpu.vector_store %arg7[%swap3A_824, %swap3A_825], %swap3A_828 {strides = array<i32>} : memref<16x128xf32, #tpu.memory_space<vmem>>, vector<1x16xf32>,
    %broadcast_in_dim3A_829 = arith.constant 0.000000e+00 : f32
    %broadcast_in_dim3A_830 = vector.broadcast %broadcast_in_dim3A_829 : f32 to vector<16xf32>
    %swap3A_831 = arith.constant 12 : i32
    %swap3A_832 = arith.index_cast %swap3A_831 : i32 to index
    %swap3A_833 = arith.constant 96 : index
    %swap3A_834 = tpu.vector_load %arg7[%swap3A_832, %swap3A_833] {strides = array<i32>} : memref<16x128xf32, #tpu.memory_space<vmem>>, vector<1x16xf32>,
    %swap3A_835 = vector.shape_cast %swap3A_834 : vector<1x16xf32> to vector<16xf32>
    %swap3A_836 = vector.shape_cast %broadcast_in_dim3A_830 : vector<16xf32> to vector<1x16xf32>
    tpu.vector_store %arg7[%swap3A_832, %swap3A_833], %swap3A_836 {strides = array<i32>} : memref<16x128xf32, #tpu.memory_space<vmem>>, vector<1x16xf32>,
    %broadcast_in_dim3A_837 = arith.constant 0.000000e+00 : f32
    %broadcast_in_dim3A_838 = vector.broadcast %broadcast_in_dim3A_837 : f32 to vector<16xf32>
    %swap3A_839 = arith.constant 12 : i32
    %swap3A_840 = arith.index_cast %swap3A_839 : i32 to index
    %swap3A_841 = arith.constant 112 : index
    %swap3A_842 = tpu.vector_load %arg7[%swap3A_840, %swap3A_841] {strides = array<i32>} : memref<16x128xf32, #tpu.memory_space<vmem>>, vector<1x16xf32>,
    %swap3A_843 = vector.shape_cast %swap3A_842 : vector<1x16xf32> to vector<16xf32>
    %swap3A_844 = vector.shape_cast %broadcast_in_dim3A_838 : vector<16xf32> to vector<1x16xf32>
    tpu.vector_store %arg7[%swap3A_840, %swap3A_841], %swap3A_844 {strides = array<i32>} : memref<16x128xf32, #tpu.memory_space<vmem>>, vector<1x16xf32>,
    %broadcast_in_dim3A_845 = arith.constant 0.000000e+00 : f32
    %broadcast_in_dim3A_846 = vector.broadcast %broadcast_in_dim3A_845 : f32 to vector<16xf32>
    %swap3A_847 = arith.constant 13 : i32
    %swap3A_848 = arith.index_cast %swap3A_847 : i32 to index
    %swap3A_849 = arith.constant 0 : index
    %swap3A_850 = tpu.vector_load %arg7[%swap3A_848, %swap3A_849] {strides = array<i32>} : memref<16x128xf32, #tpu.memory_space<vmem>>, vector<1x16xf32>,
    %swap3A_851 = vector.shape_cast %swap3A_850 : vector<1x16xf32> to vector<16xf32>
    %swap3A_852 = vector.shape_cast %broadcast_in_dim3A_846 : vector<16xf32> to vector<1x16xf32>
    tpu.vector_store %arg7[%swap3A_848, %swap3A_849], %swap3A_852 {strides = array<i32>} : memref<16x128xf32, #tpu.memory_space<vmem>>, vector<1x16xf32>,
    %broadcast_in_dim3A_853 = arith.constant 0.000000e+00 : f32
    %broadcast_in_dim3A_854 = vector.broadcast %broadcast_in_dim3A_853 : f32 to vector<16xf32>
    %swap3A_855 = arith.constant 13 : i32
    %swap3A_856 = arith.index_cast %swap3A_855 : i32 to index
    %swap3A_857 = arith.constant 16 : index
    %swap3A_858 = tpu.vector_load %arg7[%swap3A_856, %swap3A_857] {strides = array<i32>} : memref<16x128xf32, #tpu.memory_space<vmem>>, vector<1x16xf32>,
    %swap3A_859 = vector.shape_cast %swap3A_858 : vector<1x16xf32> to vector<16xf32>
    %swap3A_860 = vector.shape_cast %broadcast_in_dim3A_854 : vector<16xf32> to vector<1x16xf32>
    tpu.vector_store %arg7[%swap3A_856, %swap3A_857], %swap3A_860 {strides = array<i32>} : memref<16x128xf32, #tpu.memory_space<vmem>>, vector<1x16xf32>,
    %broadcast_in_dim3A_861 = arith.constant 0.000000e+00 : f32
    %broadcast_in_dim3A_862 = vector.broadcast %broadcast_in_dim3A_861 : f32 to vector<16xf32>
    %swap3A_863 = arith.constant 13 : i32
    %swap3A_864 = arith.index_cast %swap3A_863 : i32 to index
    %swap3A_865 = arith.constant 32 : index
    %swap3A_866 = tpu.vector_load %arg7[%swap3A_864, %swap3A_865] {strides = array<i32>} : memref<16x128xf32, #tpu.memory_space<vmem>>, vector<1x16xf32>,
    %swap3A_867 = vector.shape_cast %swap3A_866 : vector<1x16xf32> to vector<16xf32>
    %swap3A_868 = vector.shape_cast %broadcast_in_dim3A_862 : vector<16xf32> to vector<1x16xf32>
    tpu.vector_store %arg7[%swap3A_864, %swap3A_865], %swap3A_868 {strides = array<i32>} : memref<16x128xf32, #tpu.memory_space<vmem>>, vector<1x16xf32>,
    %broadcast_in_dim3A_869 = arith.constant 0.000000e+00 : f32
    %broadcast_in_dim3A_870 = vector.broadcast %broadcast_in_dim3A_869 : f32 to vector<16xf32>
    %swap3A_871 = arith.constant 13 : i32
    %swap3A_872 = arith.index_cast %swap3A_871 : i32 to index
    %swap3A_873 = arith.constant 48 : index
    %swap3A_874 = tpu.vector_load %arg7[%swap3A_872, %swap3A_873] {strides = array<i32>} : memref<16x128xf32, #tpu.memory_space<vmem>>, vector<1x16xf32>,
    %swap3A_875 = vector.shape_cast %swap3A_874 : vector<1x16xf32> to vector<16xf32>
    %swap3A_876 = vector.shape_cast %broadcast_in_dim3A_870 : vector<16xf32> to vector<1x16xf32>
    tpu.vector_store %arg7[%swap3A_872, %swap3A_873], %swap3A_876 {strides = array<i32>} : memref<16x128xf32, #tpu.memory_space<vmem>>, vector<1x16xf32>,
    %broadcast_in_dim3A_877 = arith.constant 0.000000e+00 : f32
    %broadcast_in_dim3A_878 = vector.broadcast %broadcast_in_dim3A_877 : f32 to vector<16xf32>
    %swap3A_879 = arith.constant 13 : i32
    %swap3A_880 = arith.index_cast %swap3A_879 : i32 to index
    %swap3A_881 = arith.constant 64 : index
    %swap3A_882 = tpu.vector_load %arg7[%swap3A_880, %swap3A_881] {strides = array<i32>} : memref<16x128xf32, #tpu.memory_space<vmem>>, vector<1x16xf32>,
    %swap3A_883 = vector.shape_cast %swap3A_882 : vector<1x16xf32> to vector<16xf32>
    %swap3A_884 = vector.shape_cast %broadcast_in_dim3A_878 : vector<16xf32> to vector<1x16xf32>
    tpu.vector_store %arg7[%swap3A_880, %swap3A_881], %swap3A_884 {strides = array<i32>} : memref<16x128xf32, #tpu.memory_space<vmem>>, vector<1x16xf32>,
    %broadcast_in_dim3A_885 = arith.constant 0.000000e+00 : f32
    %broadcast_in_dim3A_886 = vector.broadcast %broadcast_in_dim3A_885 : f32 to vector<16xf32>
    %swap3A_887 = arith.constant 13 : i32
    %swap3A_888 = arith.index_cast %swap3A_887 : i32 to index
    %swap3A_889 = arith.constant 80 : index
    %swap3A_890 = tpu.vector_load %arg7[%swap3A_888, %swap3A_889] {strides = array<i32>} : memref<16x128xf32, #tpu.memory_space<vmem>>, vector<1x16xf32>,
    %swap3A_891 = vector.shape_cast %swap3A_890 : vector<1x16xf32> to vector<16xf32>
    %swap3A_892 = vector.shape_cast %broadcast_in_dim3A_886 : vector<16xf32> to vector<1x16xf32>
    tpu.vector_store %arg7[%swap3A_888, %swap3A_889], %swap3A_892 {strides = array<i32>} : memref<16x128xf32, #tpu.memory_space<vmem>>, vector<1x16xf32>,
    %broadcast_in_dim3A_893 = arith.constant 0.000000e+00 : f32
    %broadcast_in_dim3A_894 = vector.broadcast %broadcast_in_dim3A_893 : f32 to vector<16xf32>
    %swap3A_895 = arith.constant 13 : i32
    %swap3A_896 = arith.index_cast %swap3A_895 : i32 to index
    %swap3A_897 = arith.constant 96 : index
    %swap3A_898 = tpu.vector_load %arg7[%swap3A_896, %swap3A_897] {strides = array<i32>} : memref<16x128xf32, #tpu.memory_space<vmem>>, vector<1x16xf32>,
    %swap3A_899 = vector.shape_cast %swap3A_898 : vector<1x16xf32> to vector<16xf32>
    %swap3A_900 = vector.shape_cast %broadcast_in_dim3A_894 : vector<16xf32> to vector<1x16xf32>
    tpu.vector_store %arg7[%swap3A_896, %swap3A_897], %swap3A_900 {strides = array<i32>} : memref<16x128xf32, #tpu.memory_space<vmem>>, vector<1x16xf32>,
    %broadcast_in_dim3A_901 = arith.constant 0.000000e+00 : f32
    %broadcast_in_dim3A_902 = vector.broadcast %broadcast_in_dim3A_901 : f32 to vector<16xf32>
    %swap3A_903 = arith.constant 13 : i32
    %swap3A_904 = arith.index_cast %swap3A_903 : i32 to index
    %swap3A_905 = arith.constant 112 : index
    %swap3A_906 = tpu.vector_load %arg7[%swap3A_904, %swap3A_905] {strides = array<i32>} : memref<16x128xf32, #tpu.memory_space<vmem>>, vector<1x16xf32>,
    %swap3A_907 = vector.shape_cast %swap3A_906 : vector<1x16xf32> to vector<16xf32>
    %swap3A_908 = vector.shape_cast %broadcast_in_dim3A_902 : vector<16xf32> to vector<1x16xf32>
    tpu.vector_store %arg7[%swap3A_904, %swap3A_905], %swap3A_908 {strides = array<i32>} : memref<16x128xf32, #tpu.memory_space<vmem>>, vector<1x16xf32>,
    %broadcast_in_dim3A_909 = arith.constant 0.000000e+00 : f32
    %broadcast_in_dim3A_910 = vector.broadcast %broadcast_in_dim3A_909 : f32 to vector<16xf32>
    %swap3A_911 = arith.constant 14 : i32
    %swap3A_912 = arith.index_cast %swap3A_911 : i32 to index
    %swap3A_913 = arith.constant 0 : index
    %swap3A_914 = tpu.vector_load %arg7[%swap3A_912, %swap3A_913] {strides = array<i32>} : memref<16x128xf32, #tpu.memory_space<vmem>>, vector<1x16xf32>,
    %swap3A_915 = vector.shape_cast %swap3A_914 : vector<1x16xf32> to vector<16xf32>
    %swap3A_916 = vector.shape_cast %broadcast_in_dim3A_910 : vector<16xf32> to vector<1x16xf32>
    tpu.vector_store %arg7[%swap3A_912, %swap3A_913], %swap3A_916 {strides = array<i32>} : memref<16x128xf32, #tpu.memory_space<vmem>>, vector<1x16xf32>,
    %broadcast_in_dim3A_917 = arith.constant 0.000000e+00 : f32
    %broadcast_in_dim3A_918 = vector.broadcast %broadcast_in_dim3A_917 : f32 to vector<16xf32>
    %swap3A_919 = arith.constant 14 : i32
    %swap3A_920 = arith.index_cast %swap3A_919 : i32 to index
    %swap3A_921 = arith.constant 16 : index
    %swap3A_922 = tpu.vector_load %arg7[%swap3A_920, %swap3A_921] {strides = array<i32>} : memref<16x128xf32, #tpu.memory_space<vmem>>, vector<1x16xf32>,
    %swap3A_923 = vector.shape_cast %swap3A_922 : vector<1x16xf32> to vector<16xf32>
    %swap3A_924 = vector.shape_cast %broadcast_in_dim3A_918 : vector<16xf32> to vector<1x16xf32>
    tpu.vector_store %arg7[%swap3A_920, %swap3A_921], %swap3A_924 {strides = array<i32>} : memref<16x128xf32, #tpu.memory_space<vmem>>, vector<1x16xf32>,
    %broadcast_in_dim3A_925 = arith.constant 0.000000e+00 : f32
    %broadcast_in_dim3A_926 = vector.broadcast %broadcast_in_dim3A_925 : f32 to vector<16xf32>
    %swap3A_927 = arith.constant 14 : i32
    %swap3A_928 = arith.index_cast %swap3A_927 : i32 to index
    %swap3A_929 = arith.constant 32 : index
    %swap3A_930 = tpu.vector_load %arg7[%swap3A_928, %swap3A_929] {strides = array<i32>} : memref<16x128xf32, #tpu.memory_space<vmem>>, vector<1x16xf32>,
    %swap3A_931 = vector.shape_cast %swap3A_930 : vector<1x16xf32> to vector<16xf32>
    %swap3A_932 = vector.shape_cast %broadcast_in_dim3A_926 : vector<16xf32> to vector<1x16xf32>
    tpu.vector_store %arg7[%swap3A_928, %swap3A_929], %swap3A_932 {strides = array<i32>} : memref<16x128xf32, #tpu.memory_space<vmem>>, vector<1x16xf32>,
    %broadcast_in_dim3A_933 = arith.constant 0.000000e+00 : f32
    %broadcast_in_dim3A_934 = vector.broadcast %broadcast_in_dim3A_933 : f32 to vector<16xf32>
    %swap3A_935 = arith.constant 14 : i32
    %swap3A_936 = arith.index_cast %swap3A_935 : i32 to index
    %swap3A_937 = arith.constant 48 : index
    %swap3A_938 = tpu.vector_load %arg7[%swap3A_936, %swap3A_937] {strides = array<i32>} : memref<16x128xf32, #tpu.memory_space<vmem>>, vector<1x16xf32>,
    %swap3A_939 = vector.shape_cast %swap3A_938 : vector<1x16xf32> to vector<16xf32>
    %swap3A_940 = vector.shape_cast %broadcast_in_dim3A_934 : vector<16xf32> to vector<1x16xf32>
    tpu.vector_store %arg7[%swap3A_936, %swap3A_937], %swap3A_940 {strides = array<i32>} : memref<16x128xf32, #tpu.memory_space<vmem>>, vector<1x16xf32>,
    %broadcast_in_dim3A_941 = arith.constant 0.000000e+00 : f32
    %broadcast_in_dim3A_942 = vector.broadcast %broadcast_in_dim3A_941 : f32 to vector<16xf32>
    %swap3A_943 = arith.constant 14 : i32
    %swap3A_944 = arith.index_cast %swap3A_943 : i32 to index
    %swap3A_945 = arith.constant 64 : index
    %swap3A_946 = tpu.vector_load %arg7[%swap3A_944, %swap3A_945] {strides = array<i32>} : memref<16x128xf32, #tpu.memory_space<vmem>>, vector<1x16xf32>,
    %swap3A_947 = vector.shape_cast %swap3A_946 : vector<1x16xf32> to vector<16xf32>
    %swap3A_948 = vector.shape_cast %broadcast_in_dim3A_942 : vector<16xf32> to vector<1x16xf32>
    tpu.vector_store %arg7[%swap3A_944, %swap3A_945], %swap3A_948 {strides = array<i32>} : memref<16x128xf32, #tpu.memory_space<vmem>>, vector<1x16xf32>,
    %broadcast_in_dim3A_949 = arith.constant 0.000000e+00 : f32
    %broadcast_in_dim3A_950 = vector.broadcast %broadcast_in_dim3A_949 : f32 to vector<16xf32>
    %swap3A_951 = arith.constant 14 : i32
    %swap3A_952 = arith.index_cast %swap3A_951 : i32 to index
    %swap3A_953 = arith.constant 80 : index
    %swap3A_954 = tpu.vector_load %arg7[%swap3A_952, %swap3A_953] {strides = array<i32>} : memref<16x128xf32, #tpu.memory_space<vmem>>, vector<1x16xf32>,
    %swap3A_955 = vector.shape_cast %swap3A_954 : vector<1x16xf32> to vector<16xf32>
    %swap3A_956 = vector.shape_cast %broadcast_in_dim3A_950 : vector<16xf32> to vector<1x16xf32>
    tpu.vector_store %arg7[%swap3A_952, %swap3A_953], %swap3A_956 {strides = array<i32>} : memref<16x128xf32, #tpu.memory_space<vmem>>, vector<1x16xf32>,
    %broadcast_in_dim3A_957 = arith.constant 0.000000e+00 : f32
    %broadcast_in_dim3A_958 = vector.broadcast %broadcast_in_dim3A_957 : f32 to vector<16xf32>
    %swap3A_959 = arith.constant 14 : i32
    %swap3A_960 = arith.index_cast %swap3A_959 : i32 to index
    %swap3A_961 = arith.constant 96 : index
    %swap3A_962 = tpu.vector_load %arg7[%swap3A_960, %swap3A_961] {strides = array<i32>} : memref<16x128xf32, #tpu.memory_space<vmem>>, vector<1x16xf32>,
    %swap3A_963 = vector.shape_cast %swap3A_962 : vector<1x16xf32> to vector<16xf32>
    %swap3A_964 = vector.shape_cast %broadcast_in_dim3A_958 : vector<16xf32> to vector<1x16xf32>
    tpu.vector_store %arg7[%swap3A_960, %swap3A_961], %swap3A_964 {strides = array<i32>} : memref<16x128xf32, #tpu.memory_space<vmem>>, vector<1x16xf32>,
    %broadcast_in_dim3A_965 = arith.constant 0.000000e+00 : f32
    %broadcast_in_dim3A_966 = vector.broadcast %broadcast_in_dim3A_965 : f32 to vector<16xf32>
    %swap3A_967 = arith.constant 14 : i32
    %swap3A_968 = arith.index_cast %swap3A_967 : i32 to index
    %swap3A_969 = arith.constant 112 : index
    %swap3A_970 = tpu.vector_load %arg7[%swap3A_968, %swap3A_969] {strides = array<i32>} : memref<16x128xf32, #tpu.memory_space<vmem>>, vector<1x16xf32>,
    %swap3A_971 = vector.shape_cast %swap3A_970 : vector<1x16xf32> to vector<16xf32>
    %swap3A_972 = vector.shape_cast %broadcast_in_dim3A_966 : vector<16xf32> to vector<1x16xf32>
    tpu.vector_store %arg7[%swap3A_968, %swap3A_969], %swap3A_972 {strides = array<i32>} : memref<16x128xf32, #tpu.memory_space<vmem>>, vector<1x16xf32>,
    %broadcast_in_dim3A_973 = arith.constant 0.000000e+00 : f32
    %broadcast_in_dim3A_974 = vector.broadcast %broadcast_in_dim3A_973 : f32 to vector<16xf32>
    %swap3A_975 = arith.constant 15 : i32
    %swap3A_976 = arith.index_cast %swap3A_975 : i32 to index
    %swap3A_977 = arith.constant 0 : index
    %swap3A_978 = tpu.vector_load %arg7[%swap3A_976, %swap3A_977] {strides = array<i32>} : memref<16x128xf32, #tpu.memory_space<vmem>>, vector<1x16xf32>,
    %swap3A_979 = vector.shape_cast %swap3A_978 : vector<1x16xf32> to vector<16xf32>
    %swap3A_980 = vector.shape_cast %broadcast_in_dim3A_974 : vector<16xf32> to vector<1x16xf32>
    tpu.vector_store %arg7[%swap3A_976, %swap3A_977], %swap3A_980 {strides = array<i32>} : memref<16x128xf32, #tpu.memory_space<vmem>>, vector<1x16xf32>,
    %broadcast_in_dim3A_981 = arith.constant 0.000000e+00 : f32
    %broadcast_in_dim3A_982 = vector.broadcast %broadcast_in_dim3A_981 : f32 to vector<16xf32>
    %swap3A_983 = arith.constant 15 : i32
    %swap3A_984 = arith.index_cast %swap3A_983 : i32 to index
    %swap3A_985 = arith.constant 16 : index
    %swap3A_986 = tpu.vector_load %arg7[%swap3A_984, %swap3A_985] {strides = array<i32>} : memref<16x128xf32, #tpu.memory_space<vmem>>, vector<1x16xf32>,
    %swap3A_987 = vector.shape_cast %swap3A_986 : vector<1x16xf32> to vector<16xf32>
    %swap3A_988 = vector.shape_cast %broadcast_in_dim3A_982 : vector<16xf32> to vector<1x16xf32>
    tpu.vector_store %arg7[%swap3A_984, %swap3A_985], %swap3A_988 {strides = array<i32>} : memref<16x128xf32, #tpu.memory_space<vmem>>, vector<1x16xf32>,
    %broadcast_in_dim3A_989 = arith.constant 0.000000e+00 : f32
    %broadcast_in_dim3A_990 = vector.broadcast %broadcast_in_dim3A_989 : f32 to vector<16xf32>
    %swap3A_991 = arith.constant 15 : i32
    %swap3A_992 = arith.index_cast %swap3A_991 : i32 to index
    %swap3A_993 = arith.constant 32 : index
    %swap3A_994 = tpu.vector_load %arg7[%swap3A_992, %swap3A_993] {strides = array<i32>} : memref<16x128xf32, #tpu.memory_space<vmem>>, vector<1x16xf32>,
    %swap3A_995 = vector.shape_cast %swap3A_994 : vector<1x16xf32> to vector<16xf32>
    %swap3A_996 = vector.shape_cast %broadcast_in_dim3A_990 : vector<16xf32> to vector<1x16xf32>
    tpu.vector_store %arg7[%swap3A_992, %swap3A_993], %swap3A_996 {strides = array<i32>} : memref<16x128xf32, #tpu.memory_space<vmem>>, vector<1x16xf32>,
    %broadcast_in_dim3A_997 = arith.constant 0.000000e+00 : f32
    %broadcast_in_dim3A_998 = vector.broadcast %broadcast_in_dim3A_997 : f32 to vector<16xf32>
    %swap3A_999 = arith.constant 15 : i32
    %swap3A_1000 = arith.index_cast %swap3A_999 : i32 to index
    %swap3A_1001 = arith.constant 48 : index
    %swap3A_1002 = tpu.vector_load %arg7[%swap3A_1000, %swap3A_1001] {strides = array<i32>} : memref<16x128xf32, #tpu.memory_space<vmem>>, vector<1x16xf32>,
    %swap3A_1003 = vector.shape_cast %swap3A_1002 : vector<1x16xf32> to vector<16xf32>
    %swap3A_1004 = vector.shape_cast %broadcast_in_dim3A_998 : vector<16xf32> to vector<1x16xf32>
    tpu.vector_store %arg7[%swap3A_1000, %swap3A_1001], %swap3A_1004 {strides = array<i32>} : memref<16x128xf32, #tpu.memory_space<vmem>>, vector<1x16xf32>,
    %broadcast_in_dim3A_1005 = arith.constant 0.000000e+00 : f32
    %broadcast_in_dim3A_1006 = vector.broadcast %broadcast_in_dim3A_1005 : f32 to vector<16xf32>
    %swap3A_1007 = arith.constant 15 : i32
    %swap3A_1008 = arith.index_cast %swap3A_1007 : i32 to index
    %swap3A_1009 = arith.constant 64 : index
    %swap3A_1010 = tpu.vector_load %arg7[%swap3A_1008, %swap3A_1009] {strides = array<i32>} : memref<16x128xf32, #tpu.memory_space<vmem>>, vector<1x16xf32>,
    %swap3A_1011 = vector.shape_cast %swap3A_1010 : vector<1x16xf32> to vector<16xf32>
    %swap3A_1012 = vector.shape_cast %broadcast_in_dim3A_1006 : vector<16xf32> to vector<1x16xf32>
    tpu.vector_store %arg7[%swap3A_1008, %swap3A_1009], %swap3A_1012 {strides = array<i32>} : memref<16x128xf32, #tpu.memory_space<vmem>>, vector<1x16xf32>,
    %broadcast_in_dim3A_1013 = arith.constant 0.000000e+00 : f32
    %broadcast_in_dim3A_1014 = vector.broadcast %broadcast_in_dim3A_1013 : f32 to vector<16xf32>
    %swap3A_1015 = arith.constant 15 : i32
    %swap3A_1016 = arith.index_cast %swap3A_1015 : i32 to index
    %swap3A_1017 = arith.constant 80 : index
    %swap3A_1018 = tpu.vector_load %arg7[%swap3A_1016, %swap3A_1017] {strides = array<i32>} : memref<16x128xf32, #tpu.memory_space<vmem>>, vector<1x16xf32>,
    %swap3A_1019 = vector.shape_cast %swap3A_1018 : vector<1x16xf32> to vector<16xf32>
    %swap3A_1020 = vector.shape_cast %broadcast_in_dim3A_1014 : vector<16xf32> to vector<1x16xf32>
    tpu.vector_store %arg7[%swap3A_1016, %swap3A_1017], %swap3A_1020 {strides = array<i32>} : memref<16x128xf32, #tpu.memory_space<vmem>>, vector<1x16xf32>,
    %broadcast_in_dim3A_1021 = arith.constant 0.000000e+00 : f32
    %broadcast_in_dim3A_1022 = vector.broadcast %broadcast_in_dim3A_1021 : f32 to vector<16xf32>
    %swap3A_1023 = arith.constant 15 : i32
    %swap3A_1024 = arith.index_cast %swap3A_1023 : i32 to index
    %swap3A_1025 = arith.constant 96 : index
    %swap3A_1026 = tpu.vector_load %arg7[%swap3A_1024, %swap3A_1025] {strides = array<i32>} : memref<16x128xf32, #tpu.memory_space<vmem>>, vector<1x16xf32>,
    %swap3A_1027 = vector.shape_cast %swap3A_1026 : vector<1x16xf32> to vector<16xf32>
    %swap3A_1028 = vector.shape_cast %broadcast_in_dim3A_1022 : vector<16xf32> to vector<1x16xf32>
    tpu.vector_store %arg7[%swap3A_1024, %swap3A_1025], %swap3A_1028 {strides = array<i32>} : memref<16x128xf32, #tpu.memory_space<vmem>>, vector<1x16xf32>,
    %broadcast_in_dim3A_1029 = arith.constant 0.000000e+00 : f32
    %broadcast_in_dim3A_1030 = vector.broadcast %broadcast_in_dim3A_1029 : f32 to vector<16xf32>
    %swap3A_1031 = arith.constant 15 : i32
    %swap3A_1032 = arith.index_cast %swap3A_1031 : i32 to index
    %swap3A_1033 = arith.constant 112 : index
    %swap3A_1034 = tpu.vector_load %arg7[%swap3A_1032, %swap3A_1033] {strides = array<i32>} : memref<16x128xf32, #tpu.memory_space<vmem>>, vector<1x16xf32>,
    %swap3A_1035 = vector.shape_cast %swap3A_1034 : vector<1x16xf32> to vector<16xf32>
    %swap3A_1036 = vector.shape_cast %broadcast_in_dim3A_1030 : vector<16xf32> to vector<1x16xf32>
    tpu.vector_store %arg7[%swap3A_1032, %swap3A_1033], %swap3A_1036 {strides = array<i32>} : memref<16x128xf32, #tpu.memory_space<vmem>>, vector<1x16xf32>,
    %scan3A = arith.constant 0 : i32
    %scan3A_1037 = arith.constant 40 : i32
    %scan3A_1038 = arith.addi %scan3A, %scan3A_1037 : i32
    %scan3A_1039 = arith.constant 1 : i32
    scf.for %scan3A_1054 = %scan3A to %scan3A_1038 step %scan3A_1039  : i32 {
      %mul3A_1055 = arith.constant 640 : i32
      %mul3A_1056 = arith.muli %arg1, %mul3A_1055 : i32
      %mul3A_1057 = arith.constant 16 : i32
      %mul3A_1058 = arith.muli %scan3A_1054, %mul3A_1057 : i32
      %add3A_1059 = arith.addi %mul3A_1056, %mul3A_1058 : i32
      "tpu.region"() ({
        %run_scoped3A = tpu.sem_alloc : memref<!tpu.dma_semaphore, #tpu.memory_space<semaphore_mem>>
        %dma_start3A_1060 = arith.constant 0 : i32
        %dma_start3A_1061 = tpu.memref_slice %arg6[%add3A_1059, %dma_start3A_1060] : memref<10240x128xf32, #tpu.memory_space<vmem_shared>> -> memref<16x128xf32, #tpu.memory_space<vmem_shared>>
        %dma_start3A_1062 = arith.constant 0 : i32
        %dma_start3A_1063 = tpu.memref_slice %arg6[%add3A_1059, %dma_start3A_1062] : memref<10240x128xf32, #tpu.memory_space<vmem_shared>> -> memref<16x128xf32, #tpu.memory_space<vmem_shared>>
        tpu.enqueue_dma source(%arg7 : memref<16x128xf32, #tpu.memory_space<vmem>>) target(%dma_start3A_1063 : memref<16x128xf32, #tpu.memory_space<vmem_shared>>) target_semaphore(%run_scoped3A : memref<!tpu.dma_semaphore, #tpu.memory_space<semaphore_mem>>)
        %dma_wait3A = arith.constant 0 : i32
        %dma_wait3A_1064 = tpu.memref_slice %arg6[%add3A_1059, %dma_wait3A] : memref<10240x128xf32, #tpu.memory_space<vmem_shared>> -> memref<16x128xf32, #tpu.memory_space<vmem_shared>>
        %dma_wait3A_1065 = arith.constant 0 : i32
        %dma_wait3A_1066 = tpu.memref_slice %arg6[%add3A_1059, %dma_wait3A_1065] : memref<10240x128xf32, #tpu.memory_space<vmem_shared>> -> memref<16x128xf32, #tpu.memory_space<vmem_shared>>
        tpu.wait_dma2 semaphore(%run_scoped3A : memref<!tpu.dma_semaphore, #tpu.memory_space<semaphore_mem>>) src(%arg7 : memref<16x128xf32, #tpu.memory_space<vmem>>) dst(%dma_wait3A_1066 : memref<16x128xf32, #tpu.memory_space<vmem_shared>>)
        tpu.yield
      }) : () -> ()
    }
    %scan3A_1040 = arith.constant 40 : i32
    %barrier3A = arith.constant 0 : index
    tpu.barrier barrier_id(%barrier3A)
    %scan3A_1041 = arith.constant 0 : i32
    %scan3A_1042 = arith.constant 40 : i32
    %scan3A_1043 = arith.addi %scan3A_1041, %scan3A_1042 : i32
    %scan3A_1044 = arith.constant 1 : i32
    scf.for %scan3A_1054 = %scan3A_1041 to %scan3A_1043 step %scan3A_1044  : i32 {
      %mul3A_1055 = arith.constant 2 : i32
      %mul3A_1056 = arith.muli %mul3A_1055, %scan3A_1054 : i32
      %dma_wait3A = tpu.memref_slice %arg2[%mul3A_4] : memref<327680xi32, #tpu.memory_space<hbm>> -> memref<128xi32, #tpu.memory_space<hbm>>
      %dma_wait3A_1057 = tpu.memref_slice %arg2[%mul3A_4] : memref<327680xi32, #tpu.memory_space<hbm>> -> memref<128xi32, #tpu.memory_space<hbm>>
      tpu.wait_dma2 semaphore(%arg17 : memref<!tpu.dma_semaphore, #tpu.memory_space<semaphore_mem>>) src(%dma_wait3A_1057 : memref<128xi32, #tpu.memory_space<hbm>>) dst(%arg10 : memref<128xi32, #tpu.memory_space<vmem>>)
      %dma_wait3A_1058 = tpu.memref_slice %arg3[%mul3A_4] : memref<327680xi32, #tpu.memory_space<hbm>> -> memref<128xi32, #tpu.memory_space<hbm>>
      %dma_wait3A_1059 = tpu.memref_slice %arg3[%mul3A_4] : memref<327680xi32, #tpu.memory_space<hbm>> -> memref<128xi32, #tpu.memory_space<hbm>>
      tpu.wait_dma2 semaphore(%arg17 : memref<!tpu.dma_semaphore, #tpu.memory_space<semaphore_mem>>) src(%dma_wait3A_1059 : memref<128xi32, #tpu.memory_space<hbm>>) dst(%arg11 : memref<128xi32, #tpu.memory_space<vmem>>)
      %dma_start3A_1060 = arith.constant 0 : i32
      %dma_start3A_1061 = arith.constant 0 : i32
      %dma_start3A_1062 = tpu.memref_slice %arg4[%dma_start3A_1060, %dma_start3A_1061] : memref<10240x128xf32, #tpu.memory_space<hbm>> -> memref<10240x128xf32, #tpu.memory_space<hbm>>
      tpu.enqueue_indirect_dma source(%dma_start3A_1062 : memref<10240x128xf32, #tpu.memory_space<hbm>>) target(%arg13 : memref<128x128xf32, #tpu.memory_space<vmem>>) offsets(%arg11 : memref<128xi32, #tpu.memory_space<vmem>>) semaphore(%arg15 : memref<!tpu.dma_semaphore, #tpu.memory_space<semaphore_mem>>)
      %dma_wait3A_1063 = arith.constant 0 : i32
      %dma_wait3A_1064 = arith.constant 0 : i32
      %dma_wait3A_1065 = tpu.memref_slice %arg4[%dma_wait3A_1063, %dma_wait3A_1064] : memref<10240x128xf32, #tpu.memory_space<hbm>> -> memref<10240x128xf32, #tpu.memory_space<hbm>>
      tpu.wait_indirect_dma semaphore(%arg14 : memref<!tpu.dma_semaphore, #tpu.memory_space<semaphore_mem>>) src(%dma_wait3A_1065 : memref<10240x128xf32, #tpu.memory_space<hbm>>) dst(%arg12 : memref<128x128xf32, #tpu.memory_space<vmem>>)
      "tpu.region"() ({
        %run_scoped3A = tpu.sem_alloc : memref<!tpu.dma_semaphore, #tpu.memory_space<semaphore_mem>>
        %dma_start3A_1081 = arith.constant 0 : i32
        %dma_start3A_1082 = arith.constant 0 : i32
        %dma_start3A_1083 = tpu.memref_slice %arg6[%dma_start3A_1081, %dma_start3A_1082] : memref<10240x128xf32, #tpu.memory_space<vmem_shared>> -> memref<10240x128xf32, #tpu.memory_space<vmem_shared>>
        tpu.enqueue_indirect_dma source(%arg12 : memref<128x128xf32, #tpu.memory_space<vmem>>) target(%dma_start3A_1083 : memref<10240x128xf32, #tpu.memory_space<vmem_shared>>) offsets(%arg8 : memref<128xi32, #tpu.memory_space<vmem>>) semaphore(%run_scoped3A : memref<!tpu.dma_semaphore, #tpu.memory_space<semaphore_mem>>) {add = true}
        %dma_wait3A_1084 = arith.constant 0 : i32
        %dma_wait3A_1085 = arith.constant 0 : i32
        %dma_wait3A_1086 = tpu.memref_slice %arg6[%dma_wait3A_1084, %dma_wait3A_1085] : memref<10240x128xf32, #tpu.memory_space<vmem_shared>> -> memref<10240x128xf32, #tpu.memory_space<vmem_shared>>
        tpu.wait_indirect_dma semaphore(%run_scoped3A : memref<!tpu.dma_semaphore, #tpu.memory_space<semaphore_mem>>) src(%arg12 : memref<128x128xf32, #tpu.memory_space<vmem>>) dst(%dma_wait3A_1086 : memref<10240x128xf32, #tpu.memory_space<vmem_shared>>)
        tpu.yield
      }) : () -> ()
      %lt3A = arith.constant 39 : i32
      %lt3A_1066 = arith.cmpi slt, %scan3A_1054, %lt3A : i32
      %convert_element_type3A = arith.extui %lt3A_1066 : i1 to i32
      %cond3A = arith.constant 0 : i32
      %cond3A_1067 = arith.cmpi ne, %convert_element_type3A, %cond3A : i32
      scf.if %cond3A_1067 {
        %add3A_1081 = arith.constant 2 : i32
        %add3A_1082 = arith.addi %mul3A_1056, %add3A_1081 : i32
        %mul3A_1083 = arith.constant 128 : i32
        %mul3A_1084 = arith.muli %add3A_1082, %mul3A_1083 : i32
        %add3A_1085 = arith.addi %mul3A_4, %mul3A_1084 : i32
        %dma_start3A_1086 = tpu.memref_slice %arg2[%add3A_1085] : memref<327680xi32, #tpu.memory_space<hbm>> -> memref<128xi32, #tpu.memory_space<hbm>>
        %dma_start3A_1087 = tpu.memref_slice %arg2[%add3A_1085] : memref<327680xi32, #tpu.memory_space<hbm>> -> memref<128xi32, #tpu.memory_space<hbm>>
        tpu.enqueue_dma source(%dma_start3A_1087 : memref<128xi32, #tpu.memory_space<hbm>>) target(%arg8 : memref<128xi32, #tpu.memory_space<vmem>>) target_semaphore(%arg16 : memref<!tpu.dma_semaphore, #tpu.memory_space<semaphore_mem>>)
        %mul3A_1088 = arith.constant 128 : i32
        %mul3A_1089 = arith.muli %add3A_1082, %mul3A_1088 : i32
        %add3A_1090 = arith.addi %mul3A_4, %mul3A_1089 : i32
        %dma_start3A_1091 = tpu.memref_slice %arg3[%add3A_1090] : memref<327680xi32, #tpu.memory_space<hbm>> -> memref<128xi32, #tpu.memory_space<hbm>>
        %dma_start3A_1092 = tpu.memref_slice %arg3[%add3A_1090] : memref<327680xi32, #tpu.memory_space<hbm>> -> memref<128xi32, #tpu.memory_space<hbm>>
        tpu.enqueue_dma source(%dma_start3A_1092 : memref<128xi32, #tpu.memory_space<hbm>>) target(%arg9 : memref<128xi32, #tpu.memory_space<vmem>>) target_semaphore(%arg16 : memref<!tpu.dma_semaphore, #tpu.memory_space<semaphore_mem>>)
      } else {
      }
      %dma_wait3A_1068 = arith.constant 0 : i32
      %dma_wait3A_1069 = arith.constant 0 : i32
      %dma_wait3A_1070 = tpu.memref_slice %arg4[%dma_wait3A_1068, %dma_wait3A_1069] : memref<10240x128xf32, #tpu.memory_space<hbm>> -> memref<10240x128xf32, #tpu.memory_space<hbm>>
      tpu.wait_indirect_dma semaphore(%arg15 : memref<!tpu.dma_semaphore, #tpu.memory_space<semaphore_mem>>) src(%dma_wait3A_1070 : memref<10240x128xf32, #tpu.memory_space<hbm>>) dst(%arg13 : memref<128x128xf32, #tpu.memory_space<vmem>>)
      %lt3A_1071 = arith.constant 39 : i32
      %lt3A_1072 = arith.cmpi slt, %scan3A_1054, %lt3A_1071 : i32
      %convert_element_type3A_1073 = arith.extui %lt3A_1072 : i1 to i32
      %cond3A_1074 = arith.constant 0 : i32
      %cond3A_1075 = arith.cmpi ne, %convert_element_type3A_1073, %cond3A_1074 : i32
      scf.if %cond3A_1075 {
        %dma_wait3A_1081 = tpu.memref_slice %arg2[%mul3A_4] : memref<327680xi32, #tpu.memory_space<hbm>> -> memref<128xi32, #tpu.memory_space<hbm>>
        %dma_wait3A_1082 = tpu.memref_slice %arg2[%mul3A_4] : memref<327680xi32, #tpu.memory_space<hbm>> -> memref<128xi32, #tpu.memory_space<hbm>>
        tpu.wait_dma2 semaphore(%arg16 : memref<!tpu.dma_semaphore, #tpu.memory_space<semaphore_mem>>) src(%dma_wait3A_1082 : memref<128xi32, #tpu.memory_space<hbm>>) dst(%arg8 : memref<128xi32, #tpu.memory_space<vmem>>)
        %dma_wait3A_1083 = tpu.memref_slice %arg3[%mul3A_4] : memref<327680xi32, #tpu.memory_space<hbm>> -> memref<128xi32, #tpu.memory_space<hbm>>
        %dma_wait3A_1084 = tpu.memref_slice %arg3[%mul3A_4] : memref<327680xi32, #tpu.memory_space<hbm>> -> memref<128xi32, #tpu.memory_space<hbm>>
        tpu.wait_dma2 semaphore(%arg16 : memref<!tpu.dma_semaphore, #tpu.memory_space<semaphore_mem>>) src(%dma_wait3A_1084 : memref<128xi32, #tpu.memory_space<hbm>>) dst(%arg9 : memref<128xi32, #tpu.memory_space<vmem>>)
        %dma_start3A_1085 = arith.constant 0 : i32
        %dma_start3A_1086 = arith.constant 0 : i32
        %dma_start3A_1087 = tpu.memref_slice %arg4[%dma_start3A_1085, %dma_start3A_1086] : memref<10240x128xf32, #tpu.memory_space<hbm>> -> memref<10240x128xf32, #tpu.memory_space<hbm>>
        tpu.enqueue_indirect_dma source(%dma_start3A_1087 : memref<10240x128xf32, #tpu.memory_space<hbm>>) target(%arg12 : memref<128x128xf32, #tpu.memory_space<vmem>>) offsets(%arg9 : memref<128xi32, #tpu.memory_space<vmem>>) semaphore(%arg14 : memref<!tpu.dma_semaphore, #tpu.memory_space<semaphore_mem>>)
      } else {
      }
      "tpu.region"() ({
        %run_scoped3A = tpu.sem_alloc : memref<!tpu.dma_semaphore, #tpu.memory_space<semaphore_mem>>
        %dma_start3A_1081 = arith.constant 0 : i32
        %dma_start3A_1082 = arith.constant 0 : i32
        %dma_start3A_1083 = tpu.memref_slice %arg6[%dma_start3A_1081, %dma_start3A_1082] : memref<10240x128xf32, #tpu.memory_space<vmem_shared>> -> memref<10240x128xf32, #tpu.memory_space<vmem_shared>>
        tpu.enqueue_indirect_dma source(%arg13 : memref<128x128xf32, #tpu.memory_space<vmem>>) target(%dma_start3A_1083 : memref<10240x128xf32, #tpu.memory_space<vmem_shared>>) offsets(%arg10 : memref<128xi32, #tpu.memory_space<vmem>>) semaphore(%run_scoped3A : memref<!tpu.dma_semaphore, #tpu.memory_space<semaphore_mem>>) {add = true}
        %dma_wait3A_1084 = arith.constant 0 : i32
        %dma_wait3A_1085 = arith.constant 0 : i32
        %dma_wait3A_1086 = tpu.memref_slice %arg6[%dma_wait3A_1084, %dma_wait3A_1085] : memref<10240x128xf32, #tpu.memory_space<vmem_shared>> -> memref<10240x128xf32, #tpu.memory_space<vmem_shared>>
        tpu.wait_indirect_dma semaphore(%run_scoped3A : memref<!tpu.dma_semaphore, #tpu.memory_space<semaphore_mem>>) src(%arg13 : memref<128x128xf32, #tpu.memory_space<vmem>>) dst(%dma_wait3A_1086 : memref<10240x128xf32, #tpu.memory_space<vmem_shared>>)
        tpu.yield
      }) : () -> ()
      %lt3A_1076 = arith.constant 39 : i32
      %lt3A_1077 = arith.cmpi slt, %scan3A_1054, %lt3A_1076 : i32
      %convert_element_type3A_1078 = arith.extui %lt3A_1077 : i1 to i32
      %cond3A_1079 = arith.constant 0 : i32
      %cond3A_1080 = arith.cmpi ne, %convert_element_type3A_1078, %cond3A_1079 : i32
      scf.if %cond3A_1080 {
        %add3A_1081 = arith.constant 3 : i32
        %add3A_1082 = arith.addi %mul3A_1056, %add3A_1081 : i32
        %mul3A_1083 = arith.constant 128 : i32
        %mul3A_1084 = arith.muli %add3A_1082, %mul3A_1083 : i32
        %add3A_1085 = arith.addi %mul3A_4, %mul3A_1084 : i32
        %dma_start3A_1086 = tpu.memref_slice %arg2[%add3A_1085] : memref<327680xi32, #tpu.memory_space<hbm>> -> memref<128xi32, #tpu.memory_space<hbm>>
        %dma_start3A_1087 = tpu.memref_slice %arg2[%add3A_1085] : memref<327680xi32, #tpu.memory_space<hbm>> -> memref<128xi32, #tpu.memory_space<hbm>>
        tpu.enqueue_dma source(%dma_start3A_1087 : memref<128xi32, #tpu.memory_space<hbm>>) target(%arg10 : memref<128xi32, #tpu.memory_space<vmem>>) target_semaphore(%arg17 : memref<!tpu.dma_semaphore, #tpu.memory_space<semaphore_mem>>)
        %mul3A_1088 = arith.constant 128 : i32
        %mul3A_1089 = arith.muli %add3A_1082, %mul3A_1088 : i32
        %add3A_1090 = arith.addi %mul3A_4, %mul3A_1089 : i32
        %dma_start3A_1091 = tpu.memref_slice %arg3[%add3A_1090] : memref<327680xi32, #tpu.memory_space<hbm>> -> memref<128xi32, #tpu.memory_space<hbm>>
        %dma_start3A_1092 = tpu.memref_slice %arg3[%add3A_1090] : memref<327680xi32, #tpu.memory_space<hbm>> -> memref<128xi32, #tpu.memory_space<hbm>>
        tpu.enqueue_dma source(%dma_start3A_1092 : memref<128xi32, #tpu.memory_space<hbm>>) target(%arg11 : memref<128xi32, #tpu.memory_space<vmem>>) target_semaphore(%arg17 : memref<!tpu.dma_semaphore, #tpu.memory_space<semaphore_mem>>)
      } else {
      }
    }
    %scan3A_1045 = arith.constant 40 : i32
    %barrier3A_1046 = arith.constant 0 : index
    tpu.barrier barrier_id(%barrier3A_1046)
    %mul3A_1047 = arith.constant 640 : i32
    %mul3A_1048 = arith.muli %arg1, %mul3A_1047 : i32
    %mul3A_1049 = arith.constant 10240 : i32
    %mul3A_1050 = arith.muli %arg0, %mul3A_1049 : i32
    %mul3A_1051 = arith.constant 640 : i32
    %mul3A_1052 = arith.muli %arg1, %mul3A_1051 : i32
    %add3A_1053 = arith.addi %mul3A_1050, %mul3A_1052 : i32
    "tpu.region"() ({
      %run_scoped3A = tpu.sem_alloc : memref<!tpu.dma_semaphore, #tpu.memory_space<semaphore_mem>>
      %dma_start3A_1054 = arith.constant 0 : i32
      %dma_start3A_1055 = tpu.memref_slice %arg5[%add3A_1053, %dma_start3A_1054] : memref<20480x128xf32, #tpu.memory_space<hbm>> -> memref<640x128xf32, #tpu.memory_space<hbm>>
      %dma_start3A_1056 = arith.constant 0 : i32
      %dma_start3A_1057 = tpu.memref_slice %arg6[%mul3A_1048, %dma_start3A_1056] : memref<10240x128xf32, #tpu.memory_space<vmem_shared>> -> memref<640x128xf32, #tpu.memory_space<vmem_shared>>
      tpu.enqueue_dma source(%dma_start3A_1057 : memref<640x128xf32, #tpu.memory_space<vmem_shared>>) target(%dma_start3A_1055 : memref<640x128xf32, #tpu.memory_space<hbm>>) target_semaphore(%run_scoped3A : memref<!tpu.dma_semaphore, #tpu.memory_space<semaphore_mem>>)
      %dma_wait3A = arith.constant 0 : i32
      %dma_wait3A_1058 = tpu.memref_slice %arg5[%add3A_1053, %dma_wait3A] : memref<20480x128xf32, #tpu.memory_space<hbm>> -> memref<640x128xf32, #tpu.memory_space<hbm>>
      %dma_wait3A_1059 = arith.constant 0 : i32
      %dma_wait3A_1060 = tpu.memref_slice %arg6[%mul3A_1048, %dma_wait3A_1059] : memref<10240x128xf32, #tpu.memory_space<vmem_shared>> -> memref<640x128xf32, #tpu.memory_space<vmem_shared>>
      tpu.wait_dma2 semaphore(%run_scoped3A : memref<!tpu.dma_semaphore, #tpu.memory_space<semaphore_mem>>) src(%dma_wait3A_1060 : memref<640x128xf32, #tpu.memory_space<vmem_shared>>) dst(%dma_wait3A_1058 : memref<640x128xf32, #tpu.memory_space<hbm>>)
      tpu.yield
    }) : () -> ()
    return
  }
}

#map = affine_map<(d0, d1) -> (0, 0)>
#map1 = affine_map<(d0, d1) -> (0)>
module attributes {stable_mosaic.version = 14 : i64} {
  func.func @deg_y(%arg0: i32, %arg1: i32, %arg2: memref<2560x128xi32, #tpu.memory_space<hbm>>, %arg3: memref<10240x128xf32, #tpu.memory_space<hbm>>, %arg4: memref<10240x128xf32, #tpu.memory_space<hbm>>, %arg5: memref<10240xf32, #tpu.memory_space<hbm>>, %arg6: memref<10240xf32, #tpu.memory_space<vmem_shared>>, %arg7: memref<640xf32, #tpu.memory_space<vmem>>, %arg8: memref<640xf32, #tpu.memory_space<vmem>>, %arg9: memref<128xf32, #tpu.memory_space<vmem>>, %arg10: memref<160x128xi32, #tpu.memory_space<vmem>>, %arg11: memref<320x128xf32, #tpu.memory_space<vmem>>) attributes {dimension_semantics = [#tpu.dimension_semantics<core_parallel>, #tpu.dimension_semantics<subcore_parallel>], iteration_bounds = array<i64: 2, 16>, scalar_prefetch = 0 : i64, scratch_operands = 6 : i64, tpu.core_type = #tpu.core_type<sc_vector_subcore>, window_params = [{transform_indices = #map}, {transform_indices = #map}, {transform_indices = #map}, {transform_indices = #map1}]} {
    %mul3A = arith.constant 160 : i32
    %mul3A_0 = arith.muli %arg1, %mul3A : i32
    "tpu.region"() ({
      %run_scoped3A = tpu.sem_alloc : memref<!tpu.dma_semaphore, #tpu.memory_space<semaphore_mem>>
      %dma_start3A = arith.constant 0 : i32
      %dma_start3A_36 = tpu.memref_slice %arg2[%mul3A_0, %dma_start3A] : memref<2560x128xi32, #tpu.memory_space<hbm>> -> memref<160x128xi32, #tpu.memory_space<hbm>>
      %dma_start3A_37 = arith.constant 0 : i32
      %dma_start3A_38 = tpu.memref_slice %arg2[%mul3A_0, %dma_start3A_37] : memref<2560x128xi32, #tpu.memory_space<hbm>> -> memref<160x128xi32, #tpu.memory_space<hbm>>
      tpu.enqueue_dma source(%dma_start3A_38 : memref<160x128xi32, #tpu.memory_space<hbm>>) target(%arg10 : memref<160x128xi32, #tpu.memory_space<vmem>>) target_semaphore(%run_scoped3A : memref<!tpu.dma_semaphore, #tpu.memory_space<semaphore_mem>>)
      %dma_wait3A = arith.constant 0 : i32
      %dma_wait3A_39 = tpu.memref_slice %arg2[%mul3A_0, %dma_wait3A] : memref<2560x128xi32, #tpu.memory_space<hbm>> -> memref<160x128xi32, #tpu.memory_space<hbm>>
      %dma_wait3A_40 = arith.constant 0 : i32
      %dma_wait3A_41 = tpu.memref_slice %arg2[%mul3A_0, %dma_wait3A_40] : memref<2560x128xi32, #tpu.memory_space<hbm>> -> memref<160x128xi32, #tpu.memory_space<hbm>>
      tpu.wait_dma2 semaphore(%run_scoped3A : memref<!tpu.dma_semaphore, #tpu.memory_space<semaphore_mem>>) src(%dma_wait3A_41 : memref<160x128xi32, #tpu.memory_space<hbm>>) dst(%arg10 : memref<160x128xi32, #tpu.memory_space<vmem>>)
      tpu.yield
    }) : () -> ()
    %scan3A = arith.constant 0 : i32
    %scan3A_1 = arith.constant 40 : i32
    %scan3A_2 = arith.addi %scan3A, %scan3A_1 : i32
    %scan3A_3 = arith.constant 1 : i32
    scf.for %scan3A_36 = %scan3A to %scan3A_2 step %scan3A_3  : i32 {
      %broadcast_in_dim3A = arith.constant 0.000000e+00 : f32
      %broadcast_in_dim3A_37 = vector.broadcast %broadcast_in_dim3A : f32 to vector<16xf32>
      %mul3A_38 = arith.constant 16 : i32
      %mul3A_39 = arith.muli %scan3A_36, %mul3A_38 : i32
      %swap3A = arith.index_cast %mul3A_39 : i32 to index
      %swap3A_40 = tpu.vector_load %arg7[%swap3A] {strides = array<i32>} : memref<640xf32, #tpu.memory_space<vmem>>, vector<16xf32>,
      %swap3A_41 = vector.shape_cast %swap3A_40 : vector<16xf32> to vector<16xf32>
      %swap3A_42 = vector.shape_cast %broadcast_in_dim3A_37 : vector<16xf32> to vector<16xf32>
      tpu.vector_store %arg7[%swap3A], %swap3A_42 {strides = array<i32>} : memref<640xf32, #tpu.memory_space<vmem>>, vector<16xf32>,
    }
    %scan3A_4 = arith.constant 40 : i32
    %mul3A_5 = arith.constant 640 : i32
    %mul3A_6 = arith.muli %arg1, %mul3A_5 : i32
    "tpu.region"() ({
      %run_scoped3A = tpu.sem_alloc : memref<!tpu.dma_semaphore, #tpu.memory_space<semaphore_mem>>
      %dma_start3A = tpu.memref_slice %arg6[%mul3A_6] : memref<10240xf32, #tpu.memory_space<vmem_shared>> -> memref<640xf32, #tpu.memory_space<vmem_shared>>
      %dma_start3A_36 = tpu.memref_slice %arg6[%mul3A_6] : memref<10240xf32, #tpu.memory_space<vmem_shared>> -> memref<640xf32, #tpu.memory_space<vmem_shared>>
      tpu.enqueue_dma source(%arg7 : memref<640xf32, #tpu.memory_space<vmem>>) target(%dma_start3A_36 : memref<640xf32, #tpu.memory_space<vmem_shared>>) target_semaphore(%run_scoped3A : memref<!tpu.dma_semaphore, #tpu.memory_space<semaphore_mem>>)
      %dma_wait3A = tpu.memref_slice %arg6[%mul3A_6] : memref<10240xf32, #tpu.memory_space<vmem_shared>> -> memref<640xf32, #tpu.memory_space<vmem_shared>>
      %dma_wait3A_37 = tpu.memref_slice %arg6[%mul3A_6] : memref<10240xf32, #tpu.memory_space<vmem_shared>> -> memref<640xf32, #tpu.memory_space<vmem_shared>>
      tpu.wait_dma2 semaphore(%run_scoped3A : memref<!tpu.dma_semaphore, #tpu.memory_space<semaphore_mem>>) src(%arg7 : memref<640xf32, #tpu.memory_space<vmem>>) dst(%dma_wait3A_37 : memref<640xf32, #tpu.memory_space<vmem_shared>>)
      tpu.yield
    }) : () -> ()
    %scan3A_7 = arith.constant 0 : i32
    %scan3A_8 = arith.constant 8 : i32
    %scan3A_9 = arith.addi %scan3A_7, %scan3A_8 : i32
    %scan3A_10 = arith.constant 1 : i32
    scf.for %scan3A_36 = %scan3A_7 to %scan3A_9 step %scan3A_10  : i32 {
      %broadcast_in_dim3A = arith.constant 1.000000e+00 : f32
      %broadcast_in_dim3A_37 = vector.broadcast %broadcast_in_dim3A : f32 to vector<16xf32>
      %mul3A_38 = arith.constant 16 : i32
      %mul3A_39 = arith.muli %scan3A_36, %mul3A_38 : i32
      %swap3A = arith.index_cast %mul3A_39 : i32 to index
      %swap3A_40 = tpu.vector_load %arg9[%swap3A] {strides = array<i32>} : memref<128xf32, #tpu.memory_space<vmem>>, vector<16xf32>,
      %swap3A_41 = vector.shape_cast %swap3A_40 : vector<16xf32> to vector<16xf32>
      %swap3A_42 = vector.shape_cast %broadcast_in_dim3A_37 : vector<16xf32> to vector<16xf32>
      tpu.vector_store %arg9[%swap3A], %swap3A_42 {strides = array<i32>} : memref<128xf32, #tpu.memory_space<vmem>>, vector<16xf32>,
    }
    %scan3A_11 = arith.constant 8 : i32
    %barrier3A = arith.constant 0 : index
    tpu.barrier barrier_id(%barrier3A)
    %scan3A_12 = arith.constant 0 : i32
    %scan3A_13 = arith.constant 160 : i32
    %scan3A_14 = arith.addi %scan3A_12, %scan3A_13 : i32
    %scan3A_15 = arith.constant 1 : i32
    scf.for %scan3A_36 = %scan3A_12 to %scan3A_14 step %scan3A_15  : i32 {
      "tpu.region"() ({
        %run_scoped3A = tpu.sem_alloc : memref<!tpu.dma_semaphore, #tpu.memory_space<semaphore_mem>>
        %dma_start3A = arith.constant 0 : i32
        %dma_start3A_37 = tpu.memref_slice %arg10[%scan3A_36, %dma_start3A] : memref<160x128xi32, #tpu.memory_space<vmem>> -> memref<1x128xi32, #tpu.memory_space<vmem>>
        %dma_start3A_38 = tpu.memref_squeeze %dma_start3A_37 : memref<1x128xi32, #tpu.memory_space<vmem>> -> memref<128xi32, #tpu.memory_space<vmem>>
        %dma_start3A_39 = arith.constant 0 : i32
        %dma_start3A_40 = tpu.memref_slice %arg6[%dma_start3A_39] : memref<10240xf32, #tpu.memory_space<vmem_shared>> -> memref<10240xf32, #tpu.memory_space<vmem_shared>>
        tpu.enqueue_indirect_dma source(%arg9 : memref<128xf32, #tpu.memory_space<vmem>>) target(%dma_start3A_40 : memref<10240xf32, #tpu.memory_space<vmem_shared>>) offsets(%dma_start3A_38 : memref<128xi32, #tpu.memory_space<vmem>>) semaphore(%run_scoped3A : memref<!tpu.dma_semaphore, #tpu.memory_space<semaphore_mem>>) {add = true}
        %dma_wait3A = arith.constant 0 : i32
        %dma_wait3A_41 = tpu.memref_slice %arg10[%scan3A_36, %dma_wait3A] : memref<160x128xi32, #tpu.memory_space<vmem>> -> memref<1x128xi32, #tpu.memory_space<vmem>>
        %dma_wait3A_42 = tpu.memref_squeeze %dma_wait3A_41 : memref<1x128xi32, #tpu.memory_space<vmem>> -> memref<128xi32, #tpu.memory_space<vmem>>
        %dma_wait3A_43 = arith.constant 0 : i32
        %dma_wait3A_44 = tpu.memref_slice %arg6[%dma_wait3A_43] : memref<10240xf32, #tpu.memory_space<vmem_shared>> -> memref<10240xf32, #tpu.memory_space<vmem_shared>>
        tpu.wait_indirect_dma semaphore(%run_scoped3A : memref<!tpu.dma_semaphore, #tpu.memory_space<semaphore_mem>>) src(%arg9 : memref<128xf32, #tpu.memory_space<vmem>>) dst(%dma_wait3A_44 : memref<10240xf32, #tpu.memory_space<vmem_shared>>)
        tpu.yield
      }) : () -> ()
    }
    %scan3A_16 = arith.constant 160 : i32
    %barrier3A_17 = arith.constant 0 : index
    tpu.barrier barrier_id(%barrier3A_17)
    %mul3A_18 = arith.constant 640 : i32
    %mul3A_19 = arith.muli %arg1, %mul3A_18 : i32
    "tpu.region"() ({
      %run_scoped3A = tpu.sem_alloc : memref<!tpu.dma_semaphore, #tpu.memory_space<semaphore_mem>>
      %dma_start3A = tpu.memref_slice %arg6[%mul3A_19] : memref<10240xf32, #tpu.memory_space<vmem_shared>> -> memref<640xf32, #tpu.memory_space<vmem_shared>>
      %dma_start3A_36 = tpu.memref_slice %arg6[%mul3A_19] : memref<10240xf32, #tpu.memory_space<vmem_shared>> -> memref<640xf32, #tpu.memory_space<vmem_shared>>
      tpu.enqueue_dma source(%dma_start3A_36 : memref<640xf32, #tpu.memory_space<vmem_shared>>) target(%arg7 : memref<640xf32, #tpu.memory_space<vmem>>) target_semaphore(%run_scoped3A : memref<!tpu.dma_semaphore, #tpu.memory_space<semaphore_mem>>)
      %dma_wait3A = tpu.memref_slice %arg6[%mul3A_19] : memref<10240xf32, #tpu.memory_space<vmem_shared>> -> memref<640xf32, #tpu.memory_space<vmem_shared>>
      %dma_wait3A_37 = tpu.memref_slice %arg6[%mul3A_19] : memref<10240xf32, #tpu.memory_space<vmem_shared>> -> memref<640xf32, #tpu.memory_space<vmem_shared>>
      tpu.wait_dma2 semaphore(%run_scoped3A : memref<!tpu.dma_semaphore, #tpu.memory_space<semaphore_mem>>) src(%dma_wait3A_37 : memref<640xf32, #tpu.memory_space<vmem_shared>>) dst(%arg7 : memref<640xf32, #tpu.memory_space<vmem>>)
      tpu.yield
    }) : () -> ()
    %scan3A_20 = arith.constant 0 : i32
    %scan3A_21 = arith.constant 40 : i32
    %scan3A_22 = arith.addi %scan3A_20, %scan3A_21 : i32
    %scan3A_23 = arith.constant 1 : i32
    scf.for %scan3A_36 = %scan3A_20 to %scan3A_22 step %scan3A_23  : i32 {
      %mul3A_37 = arith.constant 16 : i32
      %mul3A_38 = arith.muli %scan3A_36, %mul3A_37 : i32
      %get3A = arith.index_cast %mul3A_38 : i32 to index
      %get3A_39 = tpu.vector_load %arg7[%get3A] {strides = array<i32>} : memref<640xf32, #tpu.memory_space<vmem>>, vector<16xf32>,
      %get3A_40 = vector.shape_cast %get3A_39 : vector<16xf32> to vector<16xf32>
      %add3A_41 = arith.constant 1.000000e+00 : f32
      %add3A_42 = vector.broadcast %add3A_41 : f32 to vector<16xf32>
      %add3A_43 = arith.addf %get3A_40, %add3A_42 : vector<16xf32>
      %div3A = arith.constant 1.000000e+00 : f32
      %div3A_44 = vector.broadcast %div3A : f32 to vector<16xf32>
      %div3A_45 = arith.divf %div3A_44, %add3A_43 : vector<16xf32>
      %mul3A_46 = arith.constant 16 : i32
      %mul3A_47 = arith.muli %scan3A_36, %mul3A_46 : i32
      %swap3A = arith.index_cast %mul3A_47 : i32 to index
      %swap3A_48 = tpu.vector_load %arg8[%swap3A] {strides = array<i32>} : memref<640xf32, #tpu.memory_space<vmem>>, vector<16xf32>,
      %swap3A_49 = vector.shape_cast %swap3A_48 : vector<16xf32> to vector<16xf32>
      %swap3A_50 = vector.shape_cast %div3A_45 : vector<16xf32> to vector<16xf32>
      tpu.vector_store %arg8[%swap3A], %swap3A_50 {strides = array<i32>} : memref<640xf32, #tpu.memory_space<vmem>>, vector<16xf32>,
    }
    %scan3A_24 = arith.constant 40 : i32
    %eq3A = arith.constant 0 : i32
    %eq3A_25 = arith.cmpi eq, %arg0, %eq3A : i32
    %convert_element_type3A = arith.extui %eq3A_25 : i1 to i32
    %cond3A = arith.constant 0 : i32
    %cond3A_26 = arith.cmpi ne, %convert_element_type3A, %cond3A : i32
    scf.if %cond3A_26 {
      %mul3A_36 = arith.constant 640 : i32
      %mul3A_37 = arith.muli %arg1, %mul3A_36 : i32
      "tpu.region"() ({
        %run_scoped3A = tpu.sem_alloc : memref<!tpu.dma_semaphore, #tpu.memory_space<semaphore_mem>>
        %dma_start3A = tpu.memref_slice %arg5[%mul3A_37] : memref<10240xf32, #tpu.memory_space<hbm>> -> memref<640xf32, #tpu.memory_space<hbm>>
        %dma_start3A_38 = tpu.memref_slice %arg5[%mul3A_37] : memref<10240xf32, #tpu.memory_space<hbm>> -> memref<640xf32, #tpu.memory_space<hbm>>
        tpu.enqueue_dma source(%arg8 : memref<640xf32, #tpu.memory_space<vmem>>) target(%dma_start3A_38 : memref<640xf32, #tpu.memory_space<hbm>>) target_semaphore(%run_scoped3A : memref<!tpu.dma_semaphore, #tpu.memory_space<semaphore_mem>>)
        %dma_wait3A = tpu.memref_slice %arg5[%mul3A_37] : memref<10240xf32, #tpu.memory_space<hbm>> -> memref<640xf32, #tpu.memory_space<hbm>>
        %dma_wait3A_39 = tpu.memref_slice %arg5[%mul3A_37] : memref<10240xf32, #tpu.memory_space<hbm>> -> memref<640xf32, #tpu.memory_space<hbm>>
        tpu.wait_dma2 semaphore(%run_scoped3A : memref<!tpu.dma_semaphore, #tpu.memory_space<semaphore_mem>>) src(%arg8 : memref<640xf32, #tpu.memory_space<vmem>>) dst(%dma_wait3A_39 : memref<640xf32, #tpu.memory_space<hbm>>)
        tpu.yield
      }) : () -> ()
    } else {
    }
    %mul3A_27 = arith.constant 2 : i32
    %mul3A_28 = arith.muli %arg1, %mul3A_27 : i32
    %add3A = arith.addi %mul3A_28, %arg0 : i32
    %mul3A_29 = arith.constant 320 : i32
    %mul3A_30 = arith.muli %add3A, %mul3A_29 : i32
    "tpu.region"() ({
      %run_scoped3A = tpu.sem_alloc : memref<!tpu.dma_semaphore, #tpu.memory_space<semaphore_mem>>
      %dma_start3A = arith.constant 0 : i32
      %dma_start3A_36 = tpu.memref_slice %arg3[%mul3A_30, %dma_start3A] : memref<10240x128xf32, #tpu.memory_space<hbm>> -> memref<320x128xf32, #tpu.memory_space<hbm>>
      %dma_start3A_37 = arith.constant 0 : i32
      %dma_start3A_38 = tpu.memref_slice %arg3[%mul3A_30, %dma_start3A_37] : memref<10240x128xf32, #tpu.memory_space<hbm>> -> memref<320x128xf32, #tpu.memory_space<hbm>>
      tpu.enqueue_dma source(%dma_start3A_38 : memref<320x128xf32, #tpu.memory_space<hbm>>) target(%arg11 : memref<320x128xf32, #tpu.memory_space<vmem>>) target_semaphore(%run_scoped3A : memref<!tpu.dma_semaphore, #tpu.memory_space<semaphore_mem>>)
      %dma_wait3A = arith.constant 0 : i32
      %dma_wait3A_39 = tpu.memref_slice %arg3[%mul3A_30, %dma_wait3A] : memref<10240x128xf32, #tpu.memory_space<hbm>> -> memref<320x128xf32, #tpu.memory_space<hbm>>
      %dma_wait3A_40 = arith.constant 0 : i32
      %dma_wait3A_41 = tpu.memref_slice %arg3[%mul3A_30, %dma_wait3A_40] : memref<10240x128xf32, #tpu.memory_space<hbm>> -> memref<320x128xf32, #tpu.memory_space<hbm>>
      tpu.wait_dma2 semaphore(%run_scoped3A : memref<!tpu.dma_semaphore, #tpu.memory_space<semaphore_mem>>) src(%dma_wait3A_41 : memref<320x128xf32, #tpu.memory_space<hbm>>) dst(%arg11 : memref<320x128xf32, #tpu.memory_space<vmem>>)
      tpu.yield
    }) : () -> ()
    %scan3A_31 = arith.constant 0 : i32
    %scan3A_32 = arith.constant 20 : i32
    %scan3A_33 = arith.addi %scan3A_31, %scan3A_32 : i32
    %scan3A_34 = arith.constant 1 : i32
    scf.for %scan3A_36 = %scan3A_31 to %scan3A_33 step %scan3A_34  : i32 {
      %mul3A_37 = arith.constant 320 : i32
      %mul3A_38 = arith.muli %arg0, %mul3A_37 : i32
      %mul3A_39 = arith.constant 16 : i32
      %mul3A_40 = arith.muli %scan3A_36, %mul3A_39 : i32
      %add3A_41 = arith.addi %mul3A_38, %mul3A_40 : i32
      %get3A = arith.index_cast %add3A_41 : i32 to index
      %get3A_42 = tpu.vector_load %arg8[%get3A] {strides = array<i32>} : memref<640xf32, #tpu.memory_space<vmem>>, vector<16xf32>,
      %get3A_43 = vector.shape_cast %get3A_42 : vector<16xf32> to vector<16xf32>
      %slice3A = vector.extract_strided_slice %get3A_43 {offsets = [0], sizes = [1], strides = [1]} : vector<16xf32> to vector<1xf32>
      %squeeze3A = vector.extract %slice3A[0] : f32 from vector<1xf32>
      %mul3A_44 = arith.constant 16 : i32
      %mul3A_45 = arith.muli %scan3A_36, %mul3A_44 : i32
      %add3A_46 = arith.constant 0 : i32
      %add3A_47 = arith.addi %mul3A_45, %add3A_46 : i32
      %get3A_48 = arith.index_cast %add3A_47 : i32 to index
      %get3A_49 = arith.constant 0 : index
      %get3A_50 = tpu.vector_load %arg11[%get3A_48, %get3A_49] {strides = array<i32>} : memref<320x128xf32, #tpu.memory_space<vmem>>, vector<1x16xf32>,
      %get3A_51 = vector.shape_cast %get3A_50 : vector<1x16xf32> to vector<16xf32>
      %mul3A_52 = vector.broadcast %squeeze3A : f32 to vector<16xf32>
      %mul3A_53 = arith.mulf %get3A_51, %mul3A_52 : vector<16xf32>
      %swap3A = arith.index_cast %add3A_47 : i32 to index
      %swap3A_54 = arith.constant 0 : index
      %swap3A_55 = tpu.vector_load %arg11[%swap3A, %swap3A_54] {strides = array<i32>} : memref<320x128xf32, #tpu.memory_space<vmem>>, vector<1x16xf32>,
      %swap3A_56 = vector.shape_cast %swap3A_55 : vector<1x16xf32> to vector<16xf32>
      %swap3A_57 = vector.shape_cast %mul3A_53 : vector<16xf32> to vector<1x16xf32>
      tpu.vector_store %arg11[%swap3A, %swap3A_54], %swap3A_57 {strides = array<i32>} : memref<320x128xf32, #tpu.memory_space<vmem>>, vector<1x16xf32>,
      %get3A_58 = arith.index_cast %add3A_47 : i32 to index
      %get3A_59 = arith.constant 16 : index
      %get3A_60 = tpu.vector_load %arg11[%get3A_58, %get3A_59] {strides = array<i32>} : memref<320x128xf32, #tpu.memory_space<vmem>>, vector<1x16xf32>,
      %get3A_61 = vector.shape_cast %get3A_60 : vector<1x16xf32> to vector<16xf32>
      %mul3A_62 = vector.broadcast %squeeze3A : f32 to vector<16xf32>
      %mul3A_63 = arith.mulf %get3A_61, %mul3A_62 : vector<16xf32>
      %swap3A_64 = arith.index_cast %add3A_47 : i32 to index
      %swap3A_65 = arith.constant 16 : index
      %swap3A_66 = tpu.vector_load %arg11[%swap3A_64, %swap3A_65] {strides = array<i32>} : memref<320x128xf32, #tpu.memory_space<vmem>>, vector<1x16xf32>,
      %swap3A_67 = vector.shape_cast %swap3A_66 : vector<1x16xf32> to vector<16xf32>
      %swap3A_68 = vector.shape_cast %mul3A_63 : vector<16xf32> to vector<1x16xf32>
      tpu.vector_store %arg11[%swap3A_64, %swap3A_65], %swap3A_68 {strides = array<i32>} : memref<320x128xf32, #tpu.memory_space<vmem>>, vector<1x16xf32>,
      %get3A_69 = arith.index_cast %add3A_47 : i32 to index
      %get3A_70 = arith.constant 32 : index
      %get3A_71 = tpu.vector_load %arg11[%get3A_69, %get3A_70] {strides = array<i32>} : memref<320x128xf32, #tpu.memory_space<vmem>>, vector<1x16xf32>,
      %get3A_72 = vector.shape_cast %get3A_71 : vector<1x16xf32> to vector<16xf32>
      %mul3A_73 = vector.broadcast %squeeze3A : f32 to vector<16xf32>
      %mul3A_74 = arith.mulf %get3A_72, %mul3A_73 : vector<16xf32>
      %swap3A_75 = arith.index_cast %add3A_47 : i32 to index
      %swap3A_76 = arith.constant 32 : index
      %swap3A_77 = tpu.vector_load %arg11[%swap3A_75, %swap3A_76] {strides = array<i32>} : memref<320x128xf32, #tpu.memory_space<vmem>>, vector<1x16xf32>,
      %swap3A_78 = vector.shape_cast %swap3A_77 : vector<1x16xf32> to vector<16xf32>
      %swap3A_79 = vector.shape_cast %mul3A_74 : vector<16xf32> to vector<1x16xf32>
      tpu.vector_store %arg11[%swap3A_75, %swap3A_76], %swap3A_79 {strides = array<i32>} : memref<320x128xf32, #tpu.memory_space<vmem>>, vector<1x16xf32>,
      %get3A_80 = arith.index_cast %add3A_47 : i32 to index
      %get3A_81 = arith.constant 48 : index
      %get3A_82 = tpu.vector_load %arg11[%get3A_80, %get3A_81] {strides = array<i32>} : memref<320x128xf32, #tpu.memory_space<vmem>>, vector<1x16xf32>,
      %get3A_83 = vector.shape_cast %get3A_82 : vector<1x16xf32> to vector<16xf32>
      %mul3A_84 = vector.broadcast %squeeze3A : f32 to vector<16xf32>
      %mul3A_85 = arith.mulf %get3A_83, %mul3A_84 : vector<16xf32>
      %swap3A_86 = arith.index_cast %add3A_47 : i32 to index
      %swap3A_87 = arith.constant 48 : index
      %swap3A_88 = tpu.vector_load %arg11[%swap3A_86, %swap3A_87] {strides = array<i32>} : memref<320x128xf32, #tpu.memory_space<vmem>>, vector<1x16xf32>,
      %swap3A_89 = vector.shape_cast %swap3A_88 : vector<1x16xf32> to vector<16xf32>
      %swap3A_90 = vector.shape_cast %mul3A_85 : vector<16xf32> to vector<1x16xf32>
      tpu.vector_store %arg11[%swap3A_86, %swap3A_87], %swap3A_90 {strides = array<i32>} : memref<320x128xf32, #tpu.memory_space<vmem>>, vector<1x16xf32>,
      %get3A_91 = arith.index_cast %add3A_47 : i32 to index
      %get3A_92 = arith.constant 64 : index
      %get3A_93 = tpu.vector_load %arg11[%get3A_91, %get3A_92] {strides = array<i32>} : memref<320x128xf32, #tpu.memory_space<vmem>>, vector<1x16xf32>,
      %get3A_94 = vector.shape_cast %get3A_93 : vector<1x16xf32> to vector<16xf32>
      %mul3A_95 = vector.broadcast %squeeze3A : f32 to vector<16xf32>
      %mul3A_96 = arith.mulf %get3A_94, %mul3A_95 : vector<16xf32>
      %swap3A_97 = arith.index_cast %add3A_47 : i32 to index
      %swap3A_98 = arith.constant 64 : index
      %swap3A_99 = tpu.vector_load %arg11[%swap3A_97, %swap3A_98] {strides = array<i32>} : memref<320x128xf32, #tpu.memory_space<vmem>>, vector<1x16xf32>,
      %swap3A_100 = vector.shape_cast %swap3A_99 : vector<1x16xf32> to vector<16xf32>
      %swap3A_101 = vector.shape_cast %mul3A_96 : vector<16xf32> to vector<1x16xf32>
      tpu.vector_store %arg11[%swap3A_97, %swap3A_98], %swap3A_101 {strides = array<i32>} : memref<320x128xf32, #tpu.memory_space<vmem>>, vector<1x16xf32>,
      %get3A_102 = arith.index_cast %add3A_47 : i32 to index
      %get3A_103 = arith.constant 80 : index
      %get3A_104 = tpu.vector_load %arg11[%get3A_102, %get3A_103] {strides = array<i32>} : memref<320x128xf32, #tpu.memory_space<vmem>>, vector<1x16xf32>,
      %get3A_105 = vector.shape_cast %get3A_104 : vector<1x16xf32> to vector<16xf32>
      %mul3A_106 = vector.broadcast %squeeze3A : f32 to vector<16xf32>
      %mul3A_107 = arith.mulf %get3A_105, %mul3A_106 : vector<16xf32>
      %swap3A_108 = arith.index_cast %add3A_47 : i32 to index
      %swap3A_109 = arith.constant 80 : index
      %swap3A_110 = tpu.vector_load %arg11[%swap3A_108, %swap3A_109] {strides = array<i32>} : memref<320x128xf32, #tpu.memory_space<vmem>>, vector<1x16xf32>,
      %swap3A_111 = vector.shape_cast %swap3A_110 : vector<1x16xf32> to vector<16xf32>
      %swap3A_112 = vector.shape_cast %mul3A_107 : vector<16xf32> to vector<1x16xf32>
      tpu.vector_store %arg11[%swap3A_108, %swap3A_109], %swap3A_112 {strides = array<i32>} : memref<320x128xf32, #tpu.memory_space<vmem>>, vector<1x16xf32>,
      %get3A_113 = arith.index_cast %add3A_47 : i32 to index
      %get3A_114 = arith.constant 96 : index
      %get3A_115 = tpu.vector_load %arg11[%get3A_113, %get3A_114] {strides = array<i32>} : memref<320x128xf32, #tpu.memory_space<vmem>>, vector<1x16xf32>,
      %get3A_116 = vector.shape_cast %get3A_115 : vector<1x16xf32> to vector<16xf32>
      %mul3A_117 = vector.broadcast %squeeze3A : f32 to vector<16xf32>
      %mul3A_118 = arith.mulf %get3A_116, %mul3A_117 : vector<16xf32>
      %swap3A_119 = arith.index_cast %add3A_47 : i32 to index
      %swap3A_120 = arith.constant 96 : index
      %swap3A_121 = tpu.vector_load %arg11[%swap3A_119, %swap3A_120] {strides = array<i32>} : memref<320x128xf32, #tpu.memory_space<vmem>>, vector<1x16xf32>,
      %swap3A_122 = vector.shape_cast %swap3A_121 : vector<1x16xf32> to vector<16xf32>
      %swap3A_123 = vector.shape_cast %mul3A_118 : vector<16xf32> to vector<1x16xf32>
      tpu.vector_store %arg11[%swap3A_119, %swap3A_120], %swap3A_123 {strides = array<i32>} : memref<320x128xf32, #tpu.memory_space<vmem>>, vector<1x16xf32>,
      %get3A_124 = arith.index_cast %add3A_47 : i32 to index
      %get3A_125 = arith.constant 112 : index
      %get3A_126 = tpu.vector_load %arg11[%get3A_124, %get3A_125] {strides = array<i32>} : memref<320x128xf32, #tpu.memory_space<vmem>>, vector<1x16xf32>,
      %get3A_127 = vector.shape_cast %get3A_126 : vector<1x16xf32> to vector<16xf32>
      %mul3A_128 = vector.broadcast %squeeze3A : f32 to vector<16xf32>
      %mul3A_129 = arith.mulf %get3A_127, %mul3A_128 : vector<16xf32>
      %swap3A_130 = arith.index_cast %add3A_47 : i32 to index
      %swap3A_131 = arith.constant 112 : index
      %swap3A_132 = tpu.vector_load %arg11[%swap3A_130, %swap3A_131] {strides = array<i32>} : memref<320x128xf32, #tpu.memory_space<vmem>>, vector<1x16xf32>,
      %swap3A_133 = vector.shape_cast %swap3A_132 : vector<1x16xf32> to vector<16xf32>
      %swap3A_134 = vector.shape_cast %mul3A_129 : vector<16xf32> to vector<1x16xf32>
      tpu.vector_store %arg11[%swap3A_130, %swap3A_131], %swap3A_134 {strides = array<i32>} : memref<320x128xf32, #tpu.memory_space<vmem>>, vector<1x16xf32>,
      %slice3A_135 = vector.extract_strided_slice %get3A_43 {offsets = [1], sizes = [1], strides = [1]} : vector<16xf32> to vector<1xf32>
      %squeeze3A_136 = vector.extract %slice3A_135[0] : f32 from vector<1xf32>
      %mul3A_137 = arith.constant 16 : i32
      %mul3A_138 = arith.muli %scan3A_36, %mul3A_137 : i32
      %add3A_139 = arith.constant 1 : i32
      %add3A_140 = arith.addi %mul3A_138, %add3A_139 : i32
      %get3A_141 = arith.index_cast %add3A_140 : i32 to index
      %get3A_142 = arith.constant 0 : index
      %get3A_143 = tpu.vector_load %arg11[%get3A_141, %get3A_142] {strides = array<i32>} : memref<320x128xf32, #tpu.memory_space<vmem>>, vector<1x16xf32>,
      %get3A_144 = vector.shape_cast %get3A_143 : vector<1x16xf32> to vector<16xf32>
      %mul3A_145 = vector.broadcast %squeeze3A_136 : f32 to vector<16xf32>
      %mul3A_146 = arith.mulf %get3A_144, %mul3A_145 : vector<16xf32>
      %swap3A_147 = arith.index_cast %add3A_140 : i32 to index
      %swap3A_148 = arith.constant 0 : index
      %swap3A_149 = tpu.vector_load %arg11[%swap3A_147, %swap3A_148] {strides = array<i32>} : memref<320x128xf32, #tpu.memory_space<vmem>>, vector<1x16xf32>,
      %swap3A_150 = vector.shape_cast %swap3A_149 : vector<1x16xf32> to vector<16xf32>
      %swap3A_151 = vector.shape_cast %mul3A_146 : vector<16xf32> to vector<1x16xf32>
      tpu.vector_store %arg11[%swap3A_147, %swap3A_148], %swap3A_151 {strides = array<i32>} : memref<320x128xf32, #tpu.memory_space<vmem>>, vector<1x16xf32>,
      %get3A_152 = arith.index_cast %add3A_140 : i32 to index
      %get3A_153 = arith.constant 16 : index
      %get3A_154 = tpu.vector_load %arg11[%get3A_152, %get3A_153] {strides = array<i32>} : memref<320x128xf32, #tpu.memory_space<vmem>>, vector<1x16xf32>,
      %get3A_155 = vector.shape_cast %get3A_154 : vector<1x16xf32> to vector<16xf32>
      %mul3A_156 = vector.broadcast %squeeze3A_136 : f32 to vector<16xf32>
      %mul3A_157 = arith.mulf %get3A_155, %mul3A_156 : vector<16xf32>
      %swap3A_158 = arith.index_cast %add3A_140 : i32 to index
      %swap3A_159 = arith.constant 16 : index
      %swap3A_160 = tpu.vector_load %arg11[%swap3A_158, %swap3A_159] {strides = array<i32>} : memref<320x128xf32, #tpu.memory_space<vmem>>, vector<1x16xf32>,
      %swap3A_161 = vector.shape_cast %swap3A_160 : vector<1x16xf32> to vector<16xf32>
      %swap3A_162 = vector.shape_cast %mul3A_157 : vector<16xf32> to vector<1x16xf32>
      tpu.vector_store %arg11[%swap3A_158, %swap3A_159], %swap3A_162 {strides = array<i32>} : memref<320x128xf32, #tpu.memory_space<vmem>>, vector<1x16xf32>,
      %get3A_163 = arith.index_cast %add3A_140 : i32 to index
      %get3A_164 = arith.constant 32 : index
      %get3A_165 = tpu.vector_load %arg11[%get3A_163, %get3A_164] {strides = array<i32>} : memref<320x128xf32, #tpu.memory_space<vmem>>, vector<1x16xf32>,
      %get3A_166 = vector.shape_cast %get3A_165 : vector<1x16xf32> to vector<16xf32>
      %mul3A_167 = vector.broadcast %squeeze3A_136 : f32 to vector<16xf32>
      %mul3A_168 = arith.mulf %get3A_166, %mul3A_167 : vector<16xf32>
      %swap3A_169 = arith.index_cast %add3A_140 : i32 to index
      %swap3A_170 = arith.constant 32 : index
      %swap3A_171 = tpu.vector_load %arg11[%swap3A_169, %swap3A_170] {strides = array<i32>} : memref<320x128xf32, #tpu.memory_space<vmem>>, vector<1x16xf32>,
      %swap3A_172 = vector.shape_cast %swap3A_171 : vector<1x16xf32> to vector<16xf32>
      %swap3A_173 = vector.shape_cast %mul3A_168 : vector<16xf32> to vector<1x16xf32>
      tpu.vector_store %arg11[%swap3A_169, %swap3A_170], %swap3A_173 {strides = array<i32>} : memref<320x128xf32, #tpu.memory_space<vmem>>, vector<1x16xf32>,
      %get3A_174 = arith.index_cast %add3A_140 : i32 to index
      %get3A_175 = arith.constant 48 : index
      %get3A_176 = tpu.vector_load %arg11[%get3A_174, %get3A_175] {strides = array<i32>} : memref<320x128xf32, #tpu.memory_space<vmem>>, vector<1x16xf32>,
      %get3A_177 = vector.shape_cast %get3A_176 : vector<1x16xf32> to vector<16xf32>
      %mul3A_178 = vector.broadcast %squeeze3A_136 : f32 to vector<16xf32>
      %mul3A_179 = arith.mulf %get3A_177, %mul3A_178 : vector<16xf32>
      %swap3A_180 = arith.index_cast %add3A_140 : i32 to index
      %swap3A_181 = arith.constant 48 : index
      %swap3A_182 = tpu.vector_load %arg11[%swap3A_180, %swap3A_181] {strides = array<i32>} : memref<320x128xf32, #tpu.memory_space<vmem>>, vector<1x16xf32>,
      %swap3A_183 = vector.shape_cast %swap3A_182 : vector<1x16xf32> to vector<16xf32>
      %swap3A_184 = vector.shape_cast %mul3A_179 : vector<16xf32> to vector<1x16xf32>
      tpu.vector_store %arg11[%swap3A_180, %swap3A_181], %swap3A_184 {strides = array<i32>} : memref<320x128xf32, #tpu.memory_space<vmem>>, vector<1x16xf32>,
      %get3A_185 = arith.index_cast %add3A_140 : i32 to index
      %get3A_186 = arith.constant 64 : index
      %get3A_187 = tpu.vector_load %arg11[%get3A_185, %get3A_186] {strides = array<i32>} : memref<320x128xf32, #tpu.memory_space<vmem>>, vector<1x16xf32>,
      %get3A_188 = vector.shape_cast %get3A_187 : vector<1x16xf32> to vector<16xf32>
      %mul3A_189 = vector.broadcast %squeeze3A_136 : f32 to vector<16xf32>
      %mul3A_190 = arith.mulf %get3A_188, %mul3A_189 : vector<16xf32>
      %swap3A_191 = arith.index_cast %add3A_140 : i32 to index
      %swap3A_192 = arith.constant 64 : index
      %swap3A_193 = tpu.vector_load %arg11[%swap3A_191, %swap3A_192] {strides = array<i32>} : memref<320x128xf32, #tpu.memory_space<vmem>>, vector<1x16xf32>,
      %swap3A_194 = vector.shape_cast %swap3A_193 : vector<1x16xf32> to vector<16xf32>
      %swap3A_195 = vector.shape_cast %mul3A_190 : vector<16xf32> to vector<1x16xf32>
      tpu.vector_store %arg11[%swap3A_191, %swap3A_192], %swap3A_195 {strides = array<i32>} : memref<320x128xf32, #tpu.memory_space<vmem>>, vector<1x16xf32>,
      %get3A_196 = arith.index_cast %add3A_140 : i32 to index
      %get3A_197 = arith.constant 80 : index
      %get3A_198 = tpu.vector_load %arg11[%get3A_196, %get3A_197] {strides = array<i32>} : memref<320x128xf32, #tpu.memory_space<vmem>>, vector<1x16xf32>,
      %get3A_199 = vector.shape_cast %get3A_198 : vector<1x16xf32> to vector<16xf32>
      %mul3A_200 = vector.broadcast %squeeze3A_136 : f32 to vector<16xf32>
      %mul3A_201 = arith.mulf %get3A_199, %mul3A_200 : vector<16xf32>
      %swap3A_202 = arith.index_cast %add3A_140 : i32 to index
      %swap3A_203 = arith.constant 80 : index
      %swap3A_204 = tpu.vector_load %arg11[%swap3A_202, %swap3A_203] {strides = array<i32>} : memref<320x128xf32, #tpu.memory_space<vmem>>, vector<1x16xf32>,
      %swap3A_205 = vector.shape_cast %swap3A_204 : vector<1x16xf32> to vector<16xf32>
      %swap3A_206 = vector.shape_cast %mul3A_201 : vector<16xf32> to vector<1x16xf32>
      tpu.vector_store %arg11[%swap3A_202, %swap3A_203], %swap3A_206 {strides = array<i32>} : memref<320x128xf32, #tpu.memory_space<vmem>>, vector<1x16xf32>,
      %get3A_207 = arith.index_cast %add3A_140 : i32 to index
      %get3A_208 = arith.constant 96 : index
      %get3A_209 = tpu.vector_load %arg11[%get3A_207, %get3A_208] {strides = array<i32>} : memref<320x128xf32, #tpu.memory_space<vmem>>, vector<1x16xf32>,
      %get3A_210 = vector.shape_cast %get3A_209 : vector<1x16xf32> to vector<16xf32>
      %mul3A_211 = vector.broadcast %squeeze3A_136 : f32 to vector<16xf32>
      %mul3A_212 = arith.mulf %get3A_210, %mul3A_211 : vector<16xf32>
      %swap3A_213 = arith.index_cast %add3A_140 : i32 to index
      %swap3A_214 = arith.constant 96 : index
      %swap3A_215 = tpu.vector_load %arg11[%swap3A_213, %swap3A_214] {strides = array<i32>} : memref<320x128xf32, #tpu.memory_space<vmem>>, vector<1x16xf32>,
      %swap3A_216 = vector.shape_cast %swap3A_215 : vector<1x16xf32> to vector<16xf32>
      %swap3A_217 = vector.shape_cast %mul3A_212 : vector<16xf32> to vector<1x16xf32>
      tpu.vector_store %arg11[%swap3A_213, %swap3A_214], %swap3A_217 {strides = array<i32>} : memref<320x128xf32, #tpu.memory_space<vmem>>, vector<1x16xf32>,
      %get3A_218 = arith.index_cast %add3A_140 : i32 to index
      %get3A_219 = arith.constant 112 : index
      %get3A_220 = tpu.vector_load %arg11[%get3A_218, %get3A_219] {strides = array<i32>} : memref<320x128xf32, #tpu.memory_space<vmem>>, vector<1x16xf32>,
      %get3A_221 = vector.shape_cast %get3A_220 : vector<1x16xf32> to vector<16xf32>
      %mul3A_222 = vector.broadcast %squeeze3A_136 : f32 to vector<16xf32>
      %mul3A_223 = arith.mulf %get3A_221, %mul3A_222 : vector<16xf32>
      %swap3A_224 = arith.index_cast %add3A_140 : i32 to index
      %swap3A_225 = arith.constant 112 : index
      %swap3A_226 = tpu.vector_load %arg11[%swap3A_224, %swap3A_225] {strides = array<i32>} : memref<320x128xf32, #tpu.memory_space<vmem>>, vector<1x16xf32>,
      %swap3A_227 = vector.shape_cast %swap3A_226 : vector<1x16xf32> to vector<16xf32>
      %swap3A_228 = vector.shape_cast %mul3A_223 : vector<16xf32> to vector<1x16xf32>
      tpu.vector_store %arg11[%swap3A_224, %swap3A_225], %swap3A_228 {strides = array<i32>} : memref<320x128xf32, #tpu.memory_space<vmem>>, vector<1x16xf32>,
      %slice3A_229 = vector.extract_strided_slice %get3A_43 {offsets = [2], sizes = [1], strides = [1]} : vector<16xf32> to vector<1xf32>
      %squeeze3A_230 = vector.extract %slice3A_229[0] : f32 from vector<1xf32>
      %mul3A_231 = arith.constant 16 : i32
      %mul3A_232 = arith.muli %scan3A_36, %mul3A_231 : i32
      %add3A_233 = arith.constant 2 : i32
      %add3A_234 = arith.addi %mul3A_232, %add3A_233 : i32
      %get3A_235 = arith.index_cast %add3A_234 : i32 to index
      %get3A_236 = arith.constant 0 : index
      %get3A_237 = tpu.vector_load %arg11[%get3A_235, %get3A_236] {strides = array<i32>} : memref<320x128xf32, #tpu.memory_space<vmem>>, vector<1x16xf32>,
      %get3A_238 = vector.shape_cast %get3A_237 : vector<1x16xf32> to vector<16xf32>
      %mul3A_239 = vector.broadcast %squeeze3A_230 : f32 to vector<16xf32>
      %mul3A_240 = arith.mulf %get3A_238, %mul3A_239 : vector<16xf32>
      %swap3A_241 = arith.index_cast %add3A_234 : i32 to index
      %swap3A_242 = arith.constant 0 : index
      %swap3A_243 = tpu.vector_load %arg11[%swap3A_241, %swap3A_242] {strides = array<i32>} : memref<320x128xf32, #tpu.memory_space<vmem>>, vector<1x16xf32>,
      %swap3A_244 = vector.shape_cast %swap3A_243 : vector<1x16xf32> to vector<16xf32>
      %swap3A_245 = vector.shape_cast %mul3A_240 : vector<16xf32> to vector<1x16xf32>
      tpu.vector_store %arg11[%swap3A_241, %swap3A_242], %swap3A_245 {strides = array<i32>} : memref<320x128xf32, #tpu.memory_space<vmem>>, vector<1x16xf32>,
      %get3A_246 = arith.index_cast %add3A_234 : i32 to index
      %get3A_247 = arith.constant 16 : index
      %get3A_248 = tpu.vector_load %arg11[%get3A_246, %get3A_247] {strides = array<i32>} : memref<320x128xf32, #tpu.memory_space<vmem>>, vector<1x16xf32>,
      %get3A_249 = vector.shape_cast %get3A_248 : vector<1x16xf32> to vector<16xf32>
      %mul3A_250 = vector.broadcast %squeeze3A_230 : f32 to vector<16xf32>
      %mul3A_251 = arith.mulf %get3A_249, %mul3A_250 : vector<16xf32>
      %swap3A_252 = arith.index_cast %add3A_234 : i32 to index
      %swap3A_253 = arith.constant 16 : index
      %swap3A_254 = tpu.vector_load %arg11[%swap3A_252, %swap3A_253] {strides = array<i32>} : memref<320x128xf32, #tpu.memory_space<vmem>>, vector<1x16xf32>,
      %swap3A_255 = vector.shape_cast %swap3A_254 : vector<1x16xf32> to vector<16xf32>
      %swap3A_256 = vector.shape_cast %mul3A_251 : vector<16xf32> to vector<1x16xf32>
      tpu.vector_store %arg11[%swap3A_252, %swap3A_253], %swap3A_256 {strides = array<i32>} : memref<320x128xf32, #tpu.memory_space<vmem>>, vector<1x16xf32>,
      %get3A_257 = arith.index_cast %add3A_234 : i32 to index
      %get3A_258 = arith.constant 32 : index
      %get3A_259 = tpu.vector_load %arg11[%get3A_257, %get3A_258] {strides = array<i32>} : memref<320x128xf32, #tpu.memory_space<vmem>>, vector<1x16xf32>,
      %get3A_260 = vector.shape_cast %get3A_259 : vector<1x16xf32> to vector<16xf32>
      %mul3A_261 = vector.broadcast %squeeze3A_230 : f32 to vector<16xf32>
      %mul3A_262 = arith.mulf %get3A_260, %mul3A_261 : vector<16xf32>
      %swap3A_263 = arith.index_cast %add3A_234 : i32 to index
      %swap3A_264 = arith.constant 32 : index
      %swap3A_265 = tpu.vector_load %arg11[%swap3A_263, %swap3A_264] {strides = array<i32>} : memref<320x128xf32, #tpu.memory_space<vmem>>, vector<1x16xf32>,
      %swap3A_266 = vector.shape_cast %swap3A_265 : vector<1x16xf32> to vector<16xf32>
      %swap3A_267 = vector.shape_cast %mul3A_262 : vector<16xf32> to vector<1x16xf32>
      tpu.vector_store %arg11[%swap3A_263, %swap3A_264], %swap3A_267 {strides = array<i32>} : memref<320x128xf32, #tpu.memory_space<vmem>>, vector<1x16xf32>,
      %get3A_268 = arith.index_cast %add3A_234 : i32 to index
      %get3A_269 = arith.constant 48 : index
      %get3A_270 = tpu.vector_load %arg11[%get3A_268, %get3A_269] {strides = array<i32>} : memref<320x128xf32, #tpu.memory_space<vmem>>, vector<1x16xf32>,
      %get3A_271 = vector.shape_cast %get3A_270 : vector<1x16xf32> to vector<16xf32>
      %mul3A_272 = vector.broadcast %squeeze3A_230 : f32 to vector<16xf32>
      %mul3A_273 = arith.mulf %get3A_271, %mul3A_272 : vector<16xf32>
      %swap3A_274 = arith.index_cast %add3A_234 : i32 to index
      %swap3A_275 = arith.constant 48 : index
      %swap3A_276 = tpu.vector_load %arg11[%swap3A_274, %swap3A_275] {strides = array<i32>} : memref<320x128xf32, #tpu.memory_space<vmem>>, vector<1x16xf32>,
      %swap3A_277 = vector.shape_cast %swap3A_276 : vector<1x16xf32> to vector<16xf32>
      %swap3A_278 = vector.shape_cast %mul3A_273 : vector<16xf32> to vector<1x16xf32>
      tpu.vector_store %arg11[%swap3A_274, %swap3A_275], %swap3A_278 {strides = array<i32>} : memref<320x128xf32, #tpu.memory_space<vmem>>, vector<1x16xf32>,
      %get3A_279 = arith.index_cast %add3A_234 : i32 to index
      %get3A_280 = arith.constant 64 : index
      %get3A_281 = tpu.vector_load %arg11[%get3A_279, %get3A_280] {strides = array<i32>} : memref<320x128xf32, #tpu.memory_space<vmem>>, vector<1x16xf32>,
      %get3A_282 = vector.shape_cast %get3A_281 : vector<1x16xf32> to vector<16xf32>
      %mul3A_283 = vector.broadcast %squeeze3A_230 : f32 to vector<16xf32>
      %mul3A_284 = arith.mulf %get3A_282, %mul3A_283 : vector<16xf32>
      %swap3A_285 = arith.index_cast %add3A_234 : i32 to index
      %swap3A_286 = arith.constant 64 : index
      %swap3A_287 = tpu.vector_load %arg11[%swap3A_285, %swap3A_286] {strides = array<i32>} : memref<320x128xf32, #tpu.memory_space<vmem>>, vector<1x16xf32>,
      %swap3A_288 = vector.shape_cast %swap3A_287 : vector<1x16xf32> to vector<16xf32>
      %swap3A_289 = vector.shape_cast %mul3A_284 : vector<16xf32> to vector<1x16xf32>
      tpu.vector_store %arg11[%swap3A_285, %swap3A_286], %swap3A_289 {strides = array<i32>} : memref<320x128xf32, #tpu.memory_space<vmem>>, vector<1x16xf32>,
      %get3A_290 = arith.index_cast %add3A_234 : i32 to index
      %get3A_291 = arith.constant 80 : index
      %get3A_292 = tpu.vector_load %arg11[%get3A_290, %get3A_291] {strides = array<i32>} : memref<320x128xf32, #tpu.memory_space<vmem>>, vector<1x16xf32>,
      %get3A_293 = vector.shape_cast %get3A_292 : vector<1x16xf32> to vector<16xf32>
      %mul3A_294 = vector.broadcast %squeeze3A_230 : f32 to vector<16xf32>
      %mul3A_295 = arith.mulf %get3A_293, %mul3A_294 : vector<16xf32>
      %swap3A_296 = arith.index_cast %add3A_234 : i32 to index
      %swap3A_297 = arith.constant 80 : index
      %swap3A_298 = tpu.vector_load %arg11[%swap3A_296, %swap3A_297] {strides = array<i32>} : memref<320x128xf32, #tpu.memory_space<vmem>>, vector<1x16xf32>,
      %swap3A_299 = vector.shape_cast %swap3A_298 : vector<1x16xf32> to vector<16xf32>
      %swap3A_300 = vector.shape_cast %mul3A_295 : vector<16xf32> to vector<1x16xf32>
      tpu.vector_store %arg11[%swap3A_296, %swap3A_297], %swap3A_300 {strides = array<i32>} : memref<320x128xf32, #tpu.memory_space<vmem>>, vector<1x16xf32>,
      %get3A_301 = arith.index_cast %add3A_234 : i32 to index
      %get3A_302 = arith.constant 96 : index
      %get3A_303 = tpu.vector_load %arg11[%get3A_301, %get3A_302] {strides = array<i32>} : memref<320x128xf32, #tpu.memory_space<vmem>>, vector<1x16xf32>,
      %get3A_304 = vector.shape_cast %get3A_303 : vector<1x16xf32> to vector<16xf32>
      %mul3A_305 = vector.broadcast %squeeze3A_230 : f32 to vector<16xf32>
      %mul3A_306 = arith.mulf %get3A_304, %mul3A_305 : vector<16xf32>
      %swap3A_307 = arith.index_cast %add3A_234 : i32 to index
      %swap3A_308 = arith.constant 96 : index
      %swap3A_309 = tpu.vector_load %arg11[%swap3A_307, %swap3A_308] {strides = array<i32>} : memref<320x128xf32, #tpu.memory_space<vmem>>, vector<1x16xf32>,
      %swap3A_310 = vector.shape_cast %swap3A_309 : vector<1x16xf32> to vector<16xf32>
      %swap3A_311 = vector.shape_cast %mul3A_306 : vector<16xf32> to vector<1x16xf32>
      tpu.vector_store %arg11[%swap3A_307, %swap3A_308], %swap3A_311 {strides = array<i32>} : memref<320x128xf32, #tpu.memory_space<vmem>>, vector<1x16xf32>,
      %get3A_312 = arith.index_cast %add3A_234 : i32 to index
      %get3A_313 = arith.constant 112 : index
      %get3A_314 = tpu.vector_load %arg11[%get3A_312, %get3A_313] {strides = array<i32>} : memref<320x128xf32, #tpu.memory_space<vmem>>, vector<1x16xf32>,
      %get3A_315 = vector.shape_cast %get3A_314 : vector<1x16xf32> to vector<16xf32>
      %mul3A_316 = vector.broadcast %squeeze3A_230 : f32 to vector<16xf32>
      %mul3A_317 = arith.mulf %get3A_315, %mul3A_316 : vector<16xf32>
      %swap3A_318 = arith.index_cast %add3A_234 : i32 to index
      %swap3A_319 = arith.constant 112 : index
      %swap3A_320 = tpu.vector_load %arg11[%swap3A_318, %swap3A_319] {strides = array<i32>} : memref<320x128xf32, #tpu.memory_space<vmem>>, vector<1x16xf32>,
      %swap3A_321 = vector.shape_cast %swap3A_320 : vector<1x16xf32> to vector<16xf32>
      %swap3A_322 = vector.shape_cast %mul3A_317 : vector<16xf32> to vector<1x16xf32>
      tpu.vector_store %arg11[%swap3A_318, %swap3A_319], %swap3A_322 {strides = array<i32>} : memref<320x128xf32, #tpu.memory_space<vmem>>, vector<1x16xf32>,
      %slice3A_323 = vector.extract_strided_slice %get3A_43 {offsets = [3], sizes = [1], strides = [1]} : vector<16xf32> to vector<1xf32>
      %squeeze3A_324 = vector.extract %slice3A_323[0] : f32 from vector<1xf32>
      %mul3A_325 = arith.constant 16 : i32
      %mul3A_326 = arith.muli %scan3A_36, %mul3A_325 : i32
      %add3A_327 = arith.constant 3 : i32
      %add3A_328 = arith.addi %mul3A_326, %add3A_327 : i32
      %get3A_329 = arith.index_cast %add3A_328 : i32 to index
      %get3A_330 = arith.constant 0 : index
      %get3A_331 = tpu.vector_load %arg11[%get3A_329, %get3A_330] {strides = array<i32>} : memref<320x128xf32, #tpu.memory_space<vmem>>, vector<1x16xf32>,
      %get3A_332 = vector.shape_cast %get3A_331 : vector<1x16xf32> to vector<16xf32>
      %mul3A_333 = vector.broadcast %squeeze3A_324 : f32 to vector<16xf32>
      %mul3A_334 = arith.mulf %get3A_332, %mul3A_333 : vector<16xf32>
      %swap3A_335 = arith.index_cast %add3A_328 : i32 to index
      %swap3A_336 = arith.constant 0 : index
      %swap3A_337 = tpu.vector_load %arg11[%swap3A_335, %swap3A_336] {strides = array<i32>} : memref<320x128xf32, #tpu.memory_space<vmem>>, vector<1x16xf32>,
      %swap3A_338 = vector.shape_cast %swap3A_337 : vector<1x16xf32> to vector<16xf32>
      %swap3A_339 = vector.shape_cast %mul3A_334 : vector<16xf32> to vector<1x16xf32>
      tpu.vector_store %arg11[%swap3A_335, %swap3A_336], %swap3A_339 {strides = array<i32>} : memref<320x128xf32, #tpu.memory_space<vmem>>, vector<1x16xf32>,
      %get3A_340 = arith.index_cast %add3A_328 : i32 to index
      %get3A_341 = arith.constant 16 : index
      %get3A_342 = tpu.vector_load %arg11[%get3A_340, %get3A_341] {strides = array<i32>} : memref<320x128xf32, #tpu.memory_space<vmem>>, vector<1x16xf32>,
      %get3A_343 = vector.shape_cast %get3A_342 : vector<1x16xf32> to vector<16xf32>
      %mul3A_344 = vector.broadcast %squeeze3A_324 : f32 to vector<16xf32>
      %mul3A_345 = arith.mulf %get3A_343, %mul3A_344 : vector<16xf32>
      %swap3A_346 = arith.index_cast %add3A_328 : i32 to index
      %swap3A_347 = arith.constant 16 : index
      %swap3A_348 = tpu.vector_load %arg11[%swap3A_346, %swap3A_347] {strides = array<i32>} : memref<320x128xf32, #tpu.memory_space<vmem>>, vector<1x16xf32>,
      %swap3A_349 = vector.shape_cast %swap3A_348 : vector<1x16xf32> to vector<16xf32>
      %swap3A_350 = vector.shape_cast %mul3A_345 : vector<16xf32> to vector<1x16xf32>
      tpu.vector_store %arg11[%swap3A_346, %swap3A_347], %swap3A_350 {strides = array<i32>} : memref<320x128xf32, #tpu.memory_space<vmem>>, vector<1x16xf32>,
      %get3A_351 = arith.index_cast %add3A_328 : i32 to index
      %get3A_352 = arith.constant 32 : index
      %get3A_353 = tpu.vector_load %arg11[%get3A_351, %get3A_352] {strides = array<i32>} : memref<320x128xf32, #tpu.memory_space<vmem>>, vector<1x16xf32>,
      %get3A_354 = vector.shape_cast %get3A_353 : vector<1x16xf32> to vector<16xf32>
      %mul3A_355 = vector.broadcast %squeeze3A_324 : f32 to vector<16xf32>
      %mul3A_356 = arith.mulf %get3A_354, %mul3A_355 : vector<16xf32>
      %swap3A_357 = arith.index_cast %add3A_328 : i32 to index
      %swap3A_358 = arith.constant 32 : index
      %swap3A_359 = tpu.vector_load %arg11[%swap3A_357, %swap3A_358] {strides = array<i32>} : memref<320x128xf32, #tpu.memory_space<vmem>>, vector<1x16xf32>,
      %swap3A_360 = vector.shape_cast %swap3A_359 : vector<1x16xf32> to vector<16xf32>
      %swap3A_361 = vector.shape_cast %mul3A_356 : vector<16xf32> to vector<1x16xf32>
      tpu.vector_store %arg11[%swap3A_357, %swap3A_358], %swap3A_361 {strides = array<i32>} : memref<320x128xf32, #tpu.memory_space<vmem>>, vector<1x16xf32>,
      %get3A_362 = arith.index_cast %add3A_328 : i32 to index
      %get3A_363 = arith.constant 48 : index
      %get3A_364 = tpu.vector_load %arg11[%get3A_362, %get3A_363] {strides = array<i32>} : memref<320x128xf32, #tpu.memory_space<vmem>>, vector<1x16xf32>,
      %get3A_365 = vector.shape_cast %get3A_364 : vector<1x16xf32> to vector<16xf32>
      %mul3A_366 = vector.broadcast %squeeze3A_324 : f32 to vector<16xf32>
      %mul3A_367 = arith.mulf %get3A_365, %mul3A_366 : vector<16xf32>
      %swap3A_368 = arith.index_cast %add3A_328 : i32 to index
      %swap3A_369 = arith.constant 48 : index
      %swap3A_370 = tpu.vector_load %arg11[%swap3A_368, %swap3A_369] {strides = array<i32>} : memref<320x128xf32, #tpu.memory_space<vmem>>, vector<1x16xf32>,
      %swap3A_371 = vector.shape_cast %swap3A_370 : vector<1x16xf32> to vector<16xf32>
      %swap3A_372 = vector.shape_cast %mul3A_367 : vector<16xf32> to vector<1x16xf32>
      tpu.vector_store %arg11[%swap3A_368, %swap3A_369], %swap3A_372 {strides = array<i32>} : memref<320x128xf32, #tpu.memory_space<vmem>>, vector<1x16xf32>,
      %get3A_373 = arith.index_cast %add3A_328 : i32 to index
      %get3A_374 = arith.constant 64 : index
      %get3A_375 = tpu.vector_load %arg11[%get3A_373, %get3A_374] {strides = array<i32>} : memref<320x128xf32, #tpu.memory_space<vmem>>, vector<1x16xf32>,
      %get3A_376 = vector.shape_cast %get3A_375 : vector<1x16xf32> to vector<16xf32>
      %mul3A_377 = vector.broadcast %squeeze3A_324 : f32 to vector<16xf32>
      %mul3A_378 = arith.mulf %get3A_376, %mul3A_377 : vector<16xf32>
      %swap3A_379 = arith.index_cast %add3A_328 : i32 to index
      %swap3A_380 = arith.constant 64 : index
      %swap3A_381 = tpu.vector_load %arg11[%swap3A_379, %swap3A_380] {strides = array<i32>} : memref<320x128xf32, #tpu.memory_space<vmem>>, vector<1x16xf32>,
      %swap3A_382 = vector.shape_cast %swap3A_381 : vector<1x16xf32> to vector<16xf32>
      %swap3A_383 = vector.shape_cast %mul3A_378 : vector<16xf32> to vector<1x16xf32>
      tpu.vector_store %arg11[%swap3A_379, %swap3A_380], %swap3A_383 {strides = array<i32>} : memref<320x128xf32, #tpu.memory_space<vmem>>, vector<1x16xf32>,
      %get3A_384 = arith.index_cast %add3A_328 : i32 to index
      %get3A_385 = arith.constant 80 : index
      %get3A_386 = tpu.vector_load %arg11[%get3A_384, %get3A_385] {strides = array<i32>} : memref<320x128xf32, #tpu.memory_space<vmem>>, vector<1x16xf32>,
      %get3A_387 = vector.shape_cast %get3A_386 : vector<1x16xf32> to vector<16xf32>
      %mul3A_388 = vector.broadcast %squeeze3A_324 : f32 to vector<16xf32>
      %mul3A_389 = arith.mulf %get3A_387, %mul3A_388 : vector<16xf32>
      %swap3A_390 = arith.index_cast %add3A_328 : i32 to index
      %swap3A_391 = arith.constant 80 : index
      %swap3A_392 = tpu.vector_load %arg11[%swap3A_390, %swap3A_391] {strides = array<i32>} : memref<320x128xf32, #tpu.memory_space<vmem>>, vector<1x16xf32>,
      %swap3A_393 = vector.shape_cast %swap3A_392 : vector<1x16xf32> to vector<16xf32>
      %swap3A_394 = vector.shape_cast %mul3A_389 : vector<16xf32> to vector<1x16xf32>
      tpu.vector_store %arg11[%swap3A_390, %swap3A_391], %swap3A_394 {strides = array<i32>} : memref<320x128xf32, #tpu.memory_space<vmem>>, vector<1x16xf32>,
      %get3A_395 = arith.index_cast %add3A_328 : i32 to index
      %get3A_396 = arith.constant 96 : index
      %get3A_397 = tpu.vector_load %arg11[%get3A_395, %get3A_396] {strides = array<i32>} : memref<320x128xf32, #tpu.memory_space<vmem>>, vector<1x16xf32>,
      %get3A_398 = vector.shape_cast %get3A_397 : vector<1x16xf32> to vector<16xf32>
      %mul3A_399 = vector.broadcast %squeeze3A_324 : f32 to vector<16xf32>
      %mul3A_400 = arith.mulf %get3A_398, %mul3A_399 : vector<16xf32>
      %swap3A_401 = arith.index_cast %add3A_328 : i32 to index
      %swap3A_402 = arith.constant 96 : index
      %swap3A_403 = tpu.vector_load %arg11[%swap3A_401, %swap3A_402] {strides = array<i32>} : memref<320x128xf32, #tpu.memory_space<vmem>>, vector<1x16xf32>,
      %swap3A_404 = vector.shape_cast %swap3A_403 : vector<1x16xf32> to vector<16xf32>
      %swap3A_405 = vector.shape_cast %mul3A_400 : vector<16xf32> to vector<1x16xf32>
      tpu.vector_store %arg11[%swap3A_401, %swap3A_402], %swap3A_405 {strides = array<i32>} : memref<320x128xf32, #tpu.memory_space<vmem>>, vector<1x16xf32>,
      %get3A_406 = arith.index_cast %add3A_328 : i32 to index
      %get3A_407 = arith.constant 112 : index
      %get3A_408 = tpu.vector_load %arg11[%get3A_406, %get3A_407] {strides = array<i32>} : memref<320x128xf32, #tpu.memory_space<vmem>>, vector<1x16xf32>,
      %get3A_409 = vector.shape_cast %get3A_408 : vector<1x16xf32> to vector<16xf32>
      %mul3A_410 = vector.broadcast %squeeze3A_324 : f32 to vector<16xf32>
      %mul3A_411 = arith.mulf %get3A_409, %mul3A_410 : vector<16xf32>
      %swap3A_412 = arith.index_cast %add3A_328 : i32 to index
      %swap3A_413 = arith.constant 112 : index
      %swap3A_414 = tpu.vector_load %arg11[%swap3A_412, %swap3A_413] {strides = array<i32>} : memref<320x128xf32, #tpu.memory_space<vmem>>, vector<1x16xf32>,
      %swap3A_415 = vector.shape_cast %swap3A_414 : vector<1x16xf32> to vector<16xf32>
      %swap3A_416 = vector.shape_cast %mul3A_411 : vector<16xf32> to vector<1x16xf32>
      tpu.vector_store %arg11[%swap3A_412, %swap3A_413], %swap3A_416 {strides = array<i32>} : memref<320x128xf32, #tpu.memory_space<vmem>>, vector<1x16xf32>,
      %slice3A_417 = vector.extract_strided_slice %get3A_43 {offsets = [4], sizes = [1], strides = [1]} : vector<16xf32> to vector<1xf32>
      %squeeze3A_418 = vector.extract %slice3A_417[0] : f32 from vector<1xf32>
      %mul3A_419 = arith.constant 16 : i32
      %mul3A_420 = arith.muli %scan3A_36, %mul3A_419 : i32
      %add3A_421 = arith.constant 4 : i32
      %add3A_422 = arith.addi %mul3A_420, %add3A_421 : i32
      %get3A_423 = arith.index_cast %add3A_422 : i32 to index
      %get3A_424 = arith.constant 0 : index
      %get3A_425 = tpu.vector_load %arg11[%get3A_423, %get3A_424] {strides = array<i32>} : memref<320x128xf32, #tpu.memory_space<vmem>>, vector<1x16xf32>,
      %get3A_426 = vector.shape_cast %get3A_425 : vector<1x16xf32> to vector<16xf32>
      %mul3A_427 = vector.broadcast %squeeze3A_418 : f32 to vector<16xf32>
      %mul3A_428 = arith.mulf %get3A_426, %mul3A_427 : vector<16xf32>
      %swap3A_429 = arith.index_cast %add3A_422 : i32 to index
      %swap3A_430 = arith.constant 0 : index
      %swap3A_431 = tpu.vector_load %arg11[%swap3A_429, %swap3A_430] {strides = array<i32>} : memref<320x128xf32, #tpu.memory_space<vmem>>, vector<1x16xf32>,
      %swap3A_432 = vector.shape_cast %swap3A_431 : vector<1x16xf32> to vector<16xf32>
      %swap3A_433 = vector.shape_cast %mul3A_428 : vector<16xf32> to vector<1x16xf32>
      tpu.vector_store %arg11[%swap3A_429, %swap3A_430], %swap3A_433 {strides = array<i32>} : memref<320x128xf32, #tpu.memory_space<vmem>>, vector<1x16xf32>,
      %get3A_434 = arith.index_cast %add3A_422 : i32 to index
      %get3A_435 = arith.constant 16 : index
      %get3A_436 = tpu.vector_load %arg11[%get3A_434, %get3A_435] {strides = array<i32>} : memref<320x128xf32, #tpu.memory_space<vmem>>, vector<1x16xf32>,
      %get3A_437 = vector.shape_cast %get3A_436 : vector<1x16xf32> to vector<16xf32>
      %mul3A_438 = vector.broadcast %squeeze3A_418 : f32 to vector<16xf32>
      %mul3A_439 = arith.mulf %get3A_437, %mul3A_438 : vector<16xf32>
      %swap3A_440 = arith.index_cast %add3A_422 : i32 to index
      %swap3A_441 = arith.constant 16 : index
      %swap3A_442 = tpu.vector_load %arg11[%swap3A_440, %swap3A_441] {strides = array<i32>} : memref<320x128xf32, #tpu.memory_space<vmem>>, vector<1x16xf32>,
      %swap3A_443 = vector.shape_cast %swap3A_442 : vector<1x16xf32> to vector<16xf32>
      %swap3A_444 = vector.shape_cast %mul3A_439 : vector<16xf32> to vector<1x16xf32>
      tpu.vector_store %arg11[%swap3A_440, %swap3A_441], %swap3A_444 {strides = array<i32>} : memref<320x128xf32, #tpu.memory_space<vmem>>, vector<1x16xf32>,
      %get3A_445 = arith.index_cast %add3A_422 : i32 to index
      %get3A_446 = arith.constant 32 : index
      %get3A_447 = tpu.vector_load %arg11[%get3A_445, %get3A_446] {strides = array<i32>} : memref<320x128xf32, #tpu.memory_space<vmem>>, vector<1x16xf32>,
      %get3A_448 = vector.shape_cast %get3A_447 : vector<1x16xf32> to vector<16xf32>
      %mul3A_449 = vector.broadcast %squeeze3A_418 : f32 to vector<16xf32>
      %mul3A_450 = arith.mulf %get3A_448, %mul3A_449 : vector<16xf32>
      %swap3A_451 = arith.index_cast %add3A_422 : i32 to index
      %swap3A_452 = arith.constant 32 : index
      %swap3A_453 = tpu.vector_load %arg11[%swap3A_451, %swap3A_452] {strides = array<i32>} : memref<320x128xf32, #tpu.memory_space<vmem>>, vector<1x16xf32>,
      %swap3A_454 = vector.shape_cast %swap3A_453 : vector<1x16xf32> to vector<16xf32>
      %swap3A_455 = vector.shape_cast %mul3A_450 : vector<16xf32> to vector<1x16xf32>
      tpu.vector_store %arg11[%swap3A_451, %swap3A_452], %swap3A_455 {strides = array<i32>} : memref<320x128xf32, #tpu.memory_space<vmem>>, vector<1x16xf32>,
      %get3A_456 = arith.index_cast %add3A_422 : i32 to index
      %get3A_457 = arith.constant 48 : index
      %get3A_458 = tpu.vector_load %arg11[%get3A_456, %get3A_457] {strides = array<i32>} : memref<320x128xf32, #tpu.memory_space<vmem>>, vector<1x16xf32>,
      %get3A_459 = vector.shape_cast %get3A_458 : vector<1x16xf32> to vector<16xf32>
      %mul3A_460 = vector.broadcast %squeeze3A_418 : f32 to vector<16xf32>
      %mul3A_461 = arith.mulf %get3A_459, %mul3A_460 : vector<16xf32>
      %swap3A_462 = arith.index_cast %add3A_422 : i32 to index
      %swap3A_463 = arith.constant 48 : index
      %swap3A_464 = tpu.vector_load %arg11[%swap3A_462, %swap3A_463] {strides = array<i32>} : memref<320x128xf32, #tpu.memory_space<vmem>>, vector<1x16xf32>,
      %swap3A_465 = vector.shape_cast %swap3A_464 : vector<1x16xf32> to vector<16xf32>
      %swap3A_466 = vector.shape_cast %mul3A_461 : vector<16xf32> to vector<1x16xf32>
      tpu.vector_store %arg11[%swap3A_462, %swap3A_463], %swap3A_466 {strides = array<i32>} : memref<320x128xf32, #tpu.memory_space<vmem>>, vector<1x16xf32>,
      %get3A_467 = arith.index_cast %add3A_422 : i32 to index
      %get3A_468 = arith.constant 64 : index
      %get3A_469 = tpu.vector_load %arg11[%get3A_467, %get3A_468] {strides = array<i32>} : memref<320x128xf32, #tpu.memory_space<vmem>>, vector<1x16xf32>,
      %get3A_470 = vector.shape_cast %get3A_469 : vector<1x16xf32> to vector<16xf32>
      %mul3A_471 = vector.broadcast %squeeze3A_418 : f32 to vector<16xf32>
      %mul3A_472 = arith.mulf %get3A_470, %mul3A_471 : vector<16xf32>
      %swap3A_473 = arith.index_cast %add3A_422 : i32 to index
      %swap3A_474 = arith.constant 64 : index
      %swap3A_475 = tpu.vector_load %arg11[%swap3A_473, %swap3A_474] {strides = array<i32>} : memref<320x128xf32, #tpu.memory_space<vmem>>, vector<1x16xf32>,
      %swap3A_476 = vector.shape_cast %swap3A_475 : vector<1x16xf32> to vector<16xf32>
      %swap3A_477 = vector.shape_cast %mul3A_472 : vector<16xf32> to vector<1x16xf32>
      tpu.vector_store %arg11[%swap3A_473, %swap3A_474], %swap3A_477 {strides = array<i32>} : memref<320x128xf32, #tpu.memory_space<vmem>>, vector<1x16xf32>,
      %get3A_478 = arith.index_cast %add3A_422 : i32 to index
      %get3A_479 = arith.constant 80 : index
      %get3A_480 = tpu.vector_load %arg11[%get3A_478, %get3A_479] {strides = array<i32>} : memref<320x128xf32, #tpu.memory_space<vmem>>, vector<1x16xf32>,
      %get3A_481 = vector.shape_cast %get3A_480 : vector<1x16xf32> to vector<16xf32>
      %mul3A_482 = vector.broadcast %squeeze3A_418 : f32 to vector<16xf32>
      %mul3A_483 = arith.mulf %get3A_481, %mul3A_482 : vector<16xf32>
      %swap3A_484 = arith.index_cast %add3A_422 : i32 to index
      %swap3A_485 = arith.constant 80 : index
      %swap3A_486 = tpu.vector_load %arg11[%swap3A_484, %swap3A_485] {strides = array<i32>} : memref<320x128xf32, #tpu.memory_space<vmem>>, vector<1x16xf32>,
      %swap3A_487 = vector.shape_cast %swap3A_486 : vector<1x16xf32> to vector<16xf32>
      %swap3A_488 = vector.shape_cast %mul3A_483 : vector<16xf32> to vector<1x16xf32>
      tpu.vector_store %arg11[%swap3A_484, %swap3A_485], %swap3A_488 {strides = array<i32>} : memref<320x128xf32, #tpu.memory_space<vmem>>, vector<1x16xf32>,
      %get3A_489 = arith.index_cast %add3A_422 : i32 to index
      %get3A_490 = arith.constant 96 : index
      %get3A_491 = tpu.vector_load %arg11[%get3A_489, %get3A_490] {strides = array<i32>} : memref<320x128xf32, #tpu.memory_space<vmem>>, vector<1x16xf32>,
      %get3A_492 = vector.shape_cast %get3A_491 : vector<1x16xf32> to vector<16xf32>
      %mul3A_493 = vector.broadcast %squeeze3A_418 : f32 to vector<16xf32>
      %mul3A_494 = arith.mulf %get3A_492, %mul3A_493 : vector<16xf32>
      %swap3A_495 = arith.index_cast %add3A_422 : i32 to index
      %swap3A_496 = arith.constant 96 : index
      %swap3A_497 = tpu.vector_load %arg11[%swap3A_495, %swap3A_496] {strides = array<i32>} : memref<320x128xf32, #tpu.memory_space<vmem>>, vector<1x16xf32>,
      %swap3A_498 = vector.shape_cast %swap3A_497 : vector<1x16xf32> to vector<16xf32>
      %swap3A_499 = vector.shape_cast %mul3A_494 : vector<16xf32> to vector<1x16xf32>
      tpu.vector_store %arg11[%swap3A_495, %swap3A_496], %swap3A_499 {strides = array<i32>} : memref<320x128xf32, #tpu.memory_space<vmem>>, vector<1x16xf32>,
      %get3A_500 = arith.index_cast %add3A_422 : i32 to index
      %get3A_501 = arith.constant 112 : index
      %get3A_502 = tpu.vector_load %arg11[%get3A_500, %get3A_501] {strides = array<i32>} : memref<320x128xf32, #tpu.memory_space<vmem>>, vector<1x16xf32>,
      %get3A_503 = vector.shape_cast %get3A_502 : vector<1x16xf32> to vector<16xf32>
      %mul3A_504 = vector.broadcast %squeeze3A_418 : f32 to vector<16xf32>
      %mul3A_505 = arith.mulf %get3A_503, %mul3A_504 : vector<16xf32>
      %swap3A_506 = arith.index_cast %add3A_422 : i32 to index
      %swap3A_507 = arith.constant 112 : index
      %swap3A_508 = tpu.vector_load %arg11[%swap3A_506, %swap3A_507] {strides = array<i32>} : memref<320x128xf32, #tpu.memory_space<vmem>>, vector<1x16xf32>,
      %swap3A_509 = vector.shape_cast %swap3A_508 : vector<1x16xf32> to vector<16xf32>
      %swap3A_510 = vector.shape_cast %mul3A_505 : vector<16xf32> to vector<1x16xf32>
      tpu.vector_store %arg11[%swap3A_506, %swap3A_507], %swap3A_510 {strides = array<i32>} : memref<320x128xf32, #tpu.memory_space<vmem>>, vector<1x16xf32>,
      %slice3A_511 = vector.extract_strided_slice %get3A_43 {offsets = [5], sizes = [1], strides = [1]} : vector<16xf32> to vector<1xf32>
      %squeeze3A_512 = vector.extract %slice3A_511[0] : f32 from vector<1xf32>
      %mul3A_513 = arith.constant 16 : i32
      %mul3A_514 = arith.muli %scan3A_36, %mul3A_513 : i32
      %add3A_515 = arith.constant 5 : i32
      %add3A_516 = arith.addi %mul3A_514, %add3A_515 : i32
      %get3A_517 = arith.index_cast %add3A_516 : i32 to index
      %get3A_518 = arith.constant 0 : index
      %get3A_519 = tpu.vector_load %arg11[%get3A_517, %get3A_518] {strides = array<i32>} : memref<320x128xf32, #tpu.memory_space<vmem>>, vector<1x16xf32>,
      %get3A_520 = vector.shape_cast %get3A_519 : vector<1x16xf32> to vector<16xf32>
      %mul3A_521 = vector.broadcast %squeeze3A_512 : f32 to vector<16xf32>
      %mul3A_522 = arith.mulf %get3A_520, %mul3A_521 : vector<16xf32>
      %swap3A_523 = arith.index_cast %add3A_516 : i32 to index
      %swap3A_524 = arith.constant 0 : index
      %swap3A_525 = tpu.vector_load %arg11[%swap3A_523, %swap3A_524] {strides = array<i32>} : memref<320x128xf32, #tpu.memory_space<vmem>>, vector<1x16xf32>,
      %swap3A_526 = vector.shape_cast %swap3A_525 : vector<1x16xf32> to vector<16xf32>
      %swap3A_527 = vector.shape_cast %mul3A_522 : vector<16xf32> to vector<1x16xf32>
      tpu.vector_store %arg11[%swap3A_523, %swap3A_524], %swap3A_527 {strides = array<i32>} : memref<320x128xf32, #tpu.memory_space<vmem>>, vector<1x16xf32>,
      %get3A_528 = arith.index_cast %add3A_516 : i32 to index
      %get3A_529 = arith.constant 16 : index
      %get3A_530 = tpu.vector_load %arg11[%get3A_528, %get3A_529] {strides = array<i32>} : memref<320x128xf32, #tpu.memory_space<vmem>>, vector<1x16xf32>,
      %get3A_531 = vector.shape_cast %get3A_530 : vector<1x16xf32> to vector<16xf32>
      %mul3A_532 = vector.broadcast %squeeze3A_512 : f32 to vector<16xf32>
      %mul3A_533 = arith.mulf %get3A_531, %mul3A_532 : vector<16xf32>
      %swap3A_534 = arith.index_cast %add3A_516 : i32 to index
      %swap3A_535 = arith.constant 16 : index
      %swap3A_536 = tpu.vector_load %arg11[%swap3A_534, %swap3A_535] {strides = array<i32>} : memref<320x128xf32, #tpu.memory_space<vmem>>, vector<1x16xf32>,
      %swap3A_537 = vector.shape_cast %swap3A_536 : vector<1x16xf32> to vector<16xf32>
      %swap3A_538 = vector.shape_cast %mul3A_533 : vector<16xf32> to vector<1x16xf32>
      tpu.vector_store %arg11[%swap3A_534, %swap3A_535], %swap3A_538 {strides = array<i32>} : memref<320x128xf32, #tpu.memory_space<vmem>>, vector<1x16xf32>,
      %get3A_539 = arith.index_cast %add3A_516 : i32 to index
      %get3A_540 = arith.constant 32 : index
      %get3A_541 = tpu.vector_load %arg11[%get3A_539, %get3A_540] {strides = array<i32>} : memref<320x128xf32, #tpu.memory_space<vmem>>, vector<1x16xf32>,
      %get3A_542 = vector.shape_cast %get3A_541 : vector<1x16xf32> to vector<16xf32>
      %mul3A_543 = vector.broadcast %squeeze3A_512 : f32 to vector<16xf32>
      %mul3A_544 = arith.mulf %get3A_542, %mul3A_543 : vector<16xf32>
      %swap3A_545 = arith.index_cast %add3A_516 : i32 to index
      %swap3A_546 = arith.constant 32 : index
      %swap3A_547 = tpu.vector_load %arg11[%swap3A_545, %swap3A_546] {strides = array<i32>} : memref<320x128xf32, #tpu.memory_space<vmem>>, vector<1x16xf32>,
      %swap3A_548 = vector.shape_cast %swap3A_547 : vector<1x16xf32> to vector<16xf32>
      %swap3A_549 = vector.shape_cast %mul3A_544 : vector<16xf32> to vector<1x16xf32>
      tpu.vector_store %arg11[%swap3A_545, %swap3A_546], %swap3A_549 {strides = array<i32>} : memref<320x128xf32, #tpu.memory_space<vmem>>, vector<1x16xf32>,
      %get3A_550 = arith.index_cast %add3A_516 : i32 to index
      %get3A_551 = arith.constant 48 : index
      %get3A_552 = tpu.vector_load %arg11[%get3A_550, %get3A_551] {strides = array<i32>} : memref<320x128xf32, #tpu.memory_space<vmem>>, vector<1x16xf32>,
      %get3A_553 = vector.shape_cast %get3A_552 : vector<1x16xf32> to vector<16xf32>
      %mul3A_554 = vector.broadcast %squeeze3A_512 : f32 to vector<16xf32>
      %mul3A_555 = arith.mulf %get3A_553, %mul3A_554 : vector<16xf32>
      %swap3A_556 = arith.index_cast %add3A_516 : i32 to index
      %swap3A_557 = arith.constant 48 : index
      %swap3A_558 = tpu.vector_load %arg11[%swap3A_556, %swap3A_557] {strides = array<i32>} : memref<320x128xf32, #tpu.memory_space<vmem>>, vector<1x16xf32>,
      %swap3A_559 = vector.shape_cast %swap3A_558 : vector<1x16xf32> to vector<16xf32>
      %swap3A_560 = vector.shape_cast %mul3A_555 : vector<16xf32> to vector<1x16xf32>
      tpu.vector_store %arg11[%swap3A_556, %swap3A_557], %swap3A_560 {strides = array<i32>} : memref<320x128xf32, #tpu.memory_space<vmem>>, vector<1x16xf32>,
      %get3A_561 = arith.index_cast %add3A_516 : i32 to index
      %get3A_562 = arith.constant 64 : index
      %get3A_563 = tpu.vector_load %arg11[%get3A_561, %get3A_562] {strides = array<i32>} : memref<320x128xf32, #tpu.memory_space<vmem>>, vector<1x16xf32>,
      %get3A_564 = vector.shape_cast %get3A_563 : vector<1x16xf32> to vector<16xf32>
      %mul3A_565 = vector.broadcast %squeeze3A_512 : f32 to vector<16xf32>
      %mul3A_566 = arith.mulf %get3A_564, %mul3A_565 : vector<16xf32>
      %swap3A_567 = arith.index_cast %add3A_516 : i32 to index
      %swap3A_568 = arith.constant 64 : index
      %swap3A_569 = tpu.vector_load %arg11[%swap3A_567, %swap3A_568] {strides = array<i32>} : memref<320x128xf32, #tpu.memory_space<vmem>>, vector<1x16xf32>,
      %swap3A_570 = vector.shape_cast %swap3A_569 : vector<1x16xf32> to vector<16xf32>
      %swap3A_571 = vector.shape_cast %mul3A_566 : vector<16xf32> to vector<1x16xf32>
      tpu.vector_store %arg11[%swap3A_567, %swap3A_568], %swap3A_571 {strides = array<i32>} : memref<320x128xf32, #tpu.memory_space<vmem>>, vector<1x16xf32>,
      %get3A_572 = arith.index_cast %add3A_516 : i32 to index
      %get3A_573 = arith.constant 80 : index
      %get3A_574 = tpu.vector_load %arg11[%get3A_572, %get3A_573] {strides = array<i32>} : memref<320x128xf32, #tpu.memory_space<vmem>>, vector<1x16xf32>,
      %get3A_575 = vector.shape_cast %get3A_574 : vector<1x16xf32> to vector<16xf32>
      %mul3A_576 = vector.broadcast %squeeze3A_512 : f32 to vector<16xf32>
      %mul3A_577 = arith.mulf %get3A_575, %mul3A_576 : vector<16xf32>
      %swap3A_578 = arith.index_cast %add3A_516 : i32 to index
      %swap3A_579 = arith.constant 80 : index
      %swap3A_580 = tpu.vector_load %arg11[%swap3A_578, %swap3A_579] {strides = array<i32>} : memref<320x128xf32, #tpu.memory_space<vmem>>, vector<1x16xf32>,
      %swap3A_581 = vector.shape_cast %swap3A_580 : vector<1x16xf32> to vector<16xf32>
      %swap3A_582 = vector.shape_cast %mul3A_577 : vector<16xf32> to vector<1x16xf32>
      tpu.vector_store %arg11[%swap3A_578, %swap3A_579], %swap3A_582 {strides = array<i32>} : memref<320x128xf32, #tpu.memory_space<vmem>>, vector<1x16xf32>,
      %get3A_583 = arith.index_cast %add3A_516 : i32 to index
      %get3A_584 = arith.constant 96 : index
      %get3A_585 = tpu.vector_load %arg11[%get3A_583, %get3A_584] {strides = array<i32>} : memref<320x128xf32, #tpu.memory_space<vmem>>, vector<1x16xf32>,
      %get3A_586 = vector.shape_cast %get3A_585 : vector<1x16xf32> to vector<16xf32>
      %mul3A_587 = vector.broadcast %squeeze3A_512 : f32 to vector<16xf32>
      %mul3A_588 = arith.mulf %get3A_586, %mul3A_587 : vector<16xf32>
      %swap3A_589 = arith.index_cast %add3A_516 : i32 to index
      %swap3A_590 = arith.constant 96 : index
      %swap3A_591 = tpu.vector_load %arg11[%swap3A_589, %swap3A_590] {strides = array<i32>} : memref<320x128xf32, #tpu.memory_space<vmem>>, vector<1x16xf32>,
      %swap3A_592 = vector.shape_cast %swap3A_591 : vector<1x16xf32> to vector<16xf32>
      %swap3A_593 = vector.shape_cast %mul3A_588 : vector<16xf32> to vector<1x16xf32>
      tpu.vector_store %arg11[%swap3A_589, %swap3A_590], %swap3A_593 {strides = array<i32>} : memref<320x128xf32, #tpu.memory_space<vmem>>, vector<1x16xf32>,
      %get3A_594 = arith.index_cast %add3A_516 : i32 to index
      %get3A_595 = arith.constant 112 : index
      %get3A_596 = tpu.vector_load %arg11[%get3A_594, %get3A_595] {strides = array<i32>} : memref<320x128xf32, #tpu.memory_space<vmem>>, vector<1x16xf32>,
      %get3A_597 = vector.shape_cast %get3A_596 : vector<1x16xf32> to vector<16xf32>
      %mul3A_598 = vector.broadcast %squeeze3A_512 : f32 to vector<16xf32>
      %mul3A_599 = arith.mulf %get3A_597, %mul3A_598 : vector<16xf32>
      %swap3A_600 = arith.index_cast %add3A_516 : i32 to index
      %swap3A_601 = arith.constant 112 : index
      %swap3A_602 = tpu.vector_load %arg11[%swap3A_600, %swap3A_601] {strides = array<i32>} : memref<320x128xf32, #tpu.memory_space<vmem>>, vector<1x16xf32>,
      %swap3A_603 = vector.shape_cast %swap3A_602 : vector<1x16xf32> to vector<16xf32>
      %swap3A_604 = vector.shape_cast %mul3A_599 : vector<16xf32> to vector<1x16xf32>
      tpu.vector_store %arg11[%swap3A_600, %swap3A_601], %swap3A_604 {strides = array<i32>} : memref<320x128xf32, #tpu.memory_space<vmem>>, vector<1x16xf32>,
      %slice3A_605 = vector.extract_strided_slice %get3A_43 {offsets = [6], sizes = [1], strides = [1]} : vector<16xf32> to vector<1xf32>
      %squeeze3A_606 = vector.extract %slice3A_605[0] : f32 from vector<1xf32>
      %mul3A_607 = arith.constant 16 : i32
      %mul3A_608 = arith.muli %scan3A_36, %mul3A_607 : i32
      %add3A_609 = arith.constant 6 : i32
      %add3A_610 = arith.addi %mul3A_608, %add3A_609 : i32
      %get3A_611 = arith.index_cast %add3A_610 : i32 to index
      %get3A_612 = arith.constant 0 : index
      %get3A_613 = tpu.vector_load %arg11[%get3A_611, %get3A_612] {strides = array<i32>} : memref<320x128xf32, #tpu.memory_space<vmem>>, vector<1x16xf32>,
      %get3A_614 = vector.shape_cast %get3A_613 : vector<1x16xf32> to vector<16xf32>
      %mul3A_615 = vector.broadcast %squeeze3A_606 : f32 to vector<16xf32>
      %mul3A_616 = arith.mulf %get3A_614, %mul3A_615 : vector<16xf32>
      %swap3A_617 = arith.index_cast %add3A_610 : i32 to index
      %swap3A_618 = arith.constant 0 : index
      %swap3A_619 = tpu.vector_load %arg11[%swap3A_617, %swap3A_618] {strides = array<i32>} : memref<320x128xf32, #tpu.memory_space<vmem>>, vector<1x16xf32>,
      %swap3A_620 = vector.shape_cast %swap3A_619 : vector<1x16xf32> to vector<16xf32>
      %swap3A_621 = vector.shape_cast %mul3A_616 : vector<16xf32> to vector<1x16xf32>
      tpu.vector_store %arg11[%swap3A_617, %swap3A_618], %swap3A_621 {strides = array<i32>} : memref<320x128xf32, #tpu.memory_space<vmem>>, vector<1x16xf32>,
      %get3A_622 = arith.index_cast %add3A_610 : i32 to index
      %get3A_623 = arith.constant 16 : index
      %get3A_624 = tpu.vector_load %arg11[%get3A_622, %get3A_623] {strides = array<i32>} : memref<320x128xf32, #tpu.memory_space<vmem>>, vector<1x16xf32>,
      %get3A_625 = vector.shape_cast %get3A_624 : vector<1x16xf32> to vector<16xf32>
      %mul3A_626 = vector.broadcast %squeeze3A_606 : f32 to vector<16xf32>
      %mul3A_627 = arith.mulf %get3A_625, %mul3A_626 : vector<16xf32>
      %swap3A_628 = arith.index_cast %add3A_610 : i32 to index
      %swap3A_629 = arith.constant 16 : index
      %swap3A_630 = tpu.vector_load %arg11[%swap3A_628, %swap3A_629] {strides = array<i32>} : memref<320x128xf32, #tpu.memory_space<vmem>>, vector<1x16xf32>,
      %swap3A_631 = vector.shape_cast %swap3A_630 : vector<1x16xf32> to vector<16xf32>
      %swap3A_632 = vector.shape_cast %mul3A_627 : vector<16xf32> to vector<1x16xf32>
      tpu.vector_store %arg11[%swap3A_628, %swap3A_629], %swap3A_632 {strides = array<i32>} : memref<320x128xf32, #tpu.memory_space<vmem>>, vector<1x16xf32>,
      %get3A_633 = arith.index_cast %add3A_610 : i32 to index
      %get3A_634 = arith.constant 32 : index
      %get3A_635 = tpu.vector_load %arg11[%get3A_633, %get3A_634] {strides = array<i32>} : memref<320x128xf32, #tpu.memory_space<vmem>>, vector<1x16xf32>,
      %get3A_636 = vector.shape_cast %get3A_635 : vector<1x16xf32> to vector<16xf32>
      %mul3A_637 = vector.broadcast %squeeze3A_606 : f32 to vector<16xf32>
      %mul3A_638 = arith.mulf %get3A_636, %mul3A_637 : vector<16xf32>
      %swap3A_639 = arith.index_cast %add3A_610 : i32 to index
      %swap3A_640 = arith.constant 32 : index
      %swap3A_641 = tpu.vector_load %arg11[%swap3A_639, %swap3A_640] {strides = array<i32>} : memref<320x128xf32, #tpu.memory_space<vmem>>, vector<1x16xf32>,
      %swap3A_642 = vector.shape_cast %swap3A_641 : vector<1x16xf32> to vector<16xf32>
      %swap3A_643 = vector.shape_cast %mul3A_638 : vector<16xf32> to vector<1x16xf32>
      tpu.vector_store %arg11[%swap3A_639, %swap3A_640], %swap3A_643 {strides = array<i32>} : memref<320x128xf32, #tpu.memory_space<vmem>>, vector<1x16xf32>,
      %get3A_644 = arith.index_cast %add3A_610 : i32 to index
      %get3A_645 = arith.constant 48 : index
      %get3A_646 = tpu.vector_load %arg11[%get3A_644, %get3A_645] {strides = array<i32>} : memref<320x128xf32, #tpu.memory_space<vmem>>, vector<1x16xf32>,
      %get3A_647 = vector.shape_cast %get3A_646 : vector<1x16xf32> to vector<16xf32>
      %mul3A_648 = vector.broadcast %squeeze3A_606 : f32 to vector<16xf32>
      %mul3A_649 = arith.mulf %get3A_647, %mul3A_648 : vector<16xf32>
      %swap3A_650 = arith.index_cast %add3A_610 : i32 to index
      %swap3A_651 = arith.constant 48 : index
      %swap3A_652 = tpu.vector_load %arg11[%swap3A_650, %swap3A_651] {strides = array<i32>} : memref<320x128xf32, #tpu.memory_space<vmem>>, vector<1x16xf32>,
      %swap3A_653 = vector.shape_cast %swap3A_652 : vector<1x16xf32> to vector<16xf32>
      %swap3A_654 = vector.shape_cast %mul3A_649 : vector<16xf32> to vector<1x16xf32>
      tpu.vector_store %arg11[%swap3A_650, %swap3A_651], %swap3A_654 {strides = array<i32>} : memref<320x128xf32, #tpu.memory_space<vmem>>, vector<1x16xf32>,
      %get3A_655 = arith.index_cast %add3A_610 : i32 to index
      %get3A_656 = arith.constant 64 : index
      %get3A_657 = tpu.vector_load %arg11[%get3A_655, %get3A_656] {strides = array<i32>} : memref<320x128xf32, #tpu.memory_space<vmem>>, vector<1x16xf32>,
      %get3A_658 = vector.shape_cast %get3A_657 : vector<1x16xf32> to vector<16xf32>
      %mul3A_659 = vector.broadcast %squeeze3A_606 : f32 to vector<16xf32>
      %mul3A_660 = arith.mulf %get3A_658, %mul3A_659 : vector<16xf32>
      %swap3A_661 = arith.index_cast %add3A_610 : i32 to index
      %swap3A_662 = arith.constant 64 : index
      %swap3A_663 = tpu.vector_load %arg11[%swap3A_661, %swap3A_662] {strides = array<i32>} : memref<320x128xf32, #tpu.memory_space<vmem>>, vector<1x16xf32>,
      %swap3A_664 = vector.shape_cast %swap3A_663 : vector<1x16xf32> to vector<16xf32>
      %swap3A_665 = vector.shape_cast %mul3A_660 : vector<16xf32> to vector<1x16xf32>
      tpu.vector_store %arg11[%swap3A_661, %swap3A_662], %swap3A_665 {strides = array<i32>} : memref<320x128xf32, #tpu.memory_space<vmem>>, vector<1x16xf32>,
      %get3A_666 = arith.index_cast %add3A_610 : i32 to index
      %get3A_667 = arith.constant 80 : index
      %get3A_668 = tpu.vector_load %arg11[%get3A_666, %get3A_667] {strides = array<i32>} : memref<320x128xf32, #tpu.memory_space<vmem>>, vector<1x16xf32>,
      %get3A_669 = vector.shape_cast %get3A_668 : vector<1x16xf32> to vector<16xf32>
      %mul3A_670 = vector.broadcast %squeeze3A_606 : f32 to vector<16xf32>
      %mul3A_671 = arith.mulf %get3A_669, %mul3A_670 : vector<16xf32>
      %swap3A_672 = arith.index_cast %add3A_610 : i32 to index
      %swap3A_673 = arith.constant 80 : index
      %swap3A_674 = tpu.vector_load %arg11[%swap3A_672, %swap3A_673] {strides = array<i32>} : memref<320x128xf32, #tpu.memory_space<vmem>>, vector<1x16xf32>,
      %swap3A_675 = vector.shape_cast %swap3A_674 : vector<1x16xf32> to vector<16xf32>
      %swap3A_676 = vector.shape_cast %mul3A_671 : vector<16xf32> to vector<1x16xf32>
      tpu.vector_store %arg11[%swap3A_672, %swap3A_673], %swap3A_676 {strides = array<i32>} : memref<320x128xf32, #tpu.memory_space<vmem>>, vector<1x16xf32>,
      %get3A_677 = arith.index_cast %add3A_610 : i32 to index
      %get3A_678 = arith.constant 96 : index
      %get3A_679 = tpu.vector_load %arg11[%get3A_677, %get3A_678] {strides = array<i32>} : memref<320x128xf32, #tpu.memory_space<vmem>>, vector<1x16xf32>,
      %get3A_680 = vector.shape_cast %get3A_679 : vector<1x16xf32> to vector<16xf32>
      %mul3A_681 = vector.broadcast %squeeze3A_606 : f32 to vector<16xf32>
      %mul3A_682 = arith.mulf %get3A_680, %mul3A_681 : vector<16xf32>
      %swap3A_683 = arith.index_cast %add3A_610 : i32 to index
      %swap3A_684 = arith.constant 96 : index
      %swap3A_685 = tpu.vector_load %arg11[%swap3A_683, %swap3A_684] {strides = array<i32>} : memref<320x128xf32, #tpu.memory_space<vmem>>, vector<1x16xf32>,
      %swap3A_686 = vector.shape_cast %swap3A_685 : vector<1x16xf32> to vector<16xf32>
      %swap3A_687 = vector.shape_cast %mul3A_682 : vector<16xf32> to vector<1x16xf32>
      tpu.vector_store %arg11[%swap3A_683, %swap3A_684], %swap3A_687 {strides = array<i32>} : memref<320x128xf32, #tpu.memory_space<vmem>>, vector<1x16xf32>,
      %get3A_688 = arith.index_cast %add3A_610 : i32 to index
      %get3A_689 = arith.constant 112 : index
      %get3A_690 = tpu.vector_load %arg11[%get3A_688, %get3A_689] {strides = array<i32>} : memref<320x128xf32, #tpu.memory_space<vmem>>, vector<1x16xf32>,
      %get3A_691 = vector.shape_cast %get3A_690 : vector<1x16xf32> to vector<16xf32>
      %mul3A_692 = vector.broadcast %squeeze3A_606 : f32 to vector<16xf32>
      %mul3A_693 = arith.mulf %get3A_691, %mul3A_692 : vector<16xf32>
      %swap3A_694 = arith.index_cast %add3A_610 : i32 to index
      %swap3A_695 = arith.constant 112 : index
      %swap3A_696 = tpu.vector_load %arg11[%swap3A_694, %swap3A_695] {strides = array<i32>} : memref<320x128xf32, #tpu.memory_space<vmem>>, vector<1x16xf32>,
      %swap3A_697 = vector.shape_cast %swap3A_696 : vector<1x16xf32> to vector<16xf32>
      %swap3A_698 = vector.shape_cast %mul3A_693 : vector<16xf32> to vector<1x16xf32>
      tpu.vector_store %arg11[%swap3A_694, %swap3A_695], %swap3A_698 {strides = array<i32>} : memref<320x128xf32, #tpu.memory_space<vmem>>, vector<1x16xf32>,
      %slice3A_699 = vector.extract_strided_slice %get3A_43 {offsets = [7], sizes = [1], strides = [1]} : vector<16xf32> to vector<1xf32>
      %squeeze3A_700 = vector.extract %slice3A_699[0] : f32 from vector<1xf32>
      %mul3A_701 = arith.constant 16 : i32
      %mul3A_702 = arith.muli %scan3A_36, %mul3A_701 : i32
      %add3A_703 = arith.constant 7 : i32
      %add3A_704 = arith.addi %mul3A_702, %add3A_703 : i32
      %get3A_705 = arith.index_cast %add3A_704 : i32 to index
      %get3A_706 = arith.constant 0 : index
      %get3A_707 = tpu.vector_load %arg11[%get3A_705, %get3A_706] {strides = array<i32>} : memref<320x128xf32, #tpu.memory_space<vmem>>, vector<1x16xf32>,
      %get3A_708 = vector.shape_cast %get3A_707 : vector<1x16xf32> to vector<16xf32>
      %mul3A_709 = vector.broadcast %squeeze3A_700 : f32 to vector<16xf32>
      %mul3A_710 = arith.mulf %get3A_708, %mul3A_709 : vector<16xf32>
      %swap3A_711 = arith.index_cast %add3A_704 : i32 to index
      %swap3A_712 = arith.constant 0 : index
      %swap3A_713 = tpu.vector_load %arg11[%swap3A_711, %swap3A_712] {strides = array<i32>} : memref<320x128xf32, #tpu.memory_space<vmem>>, vector<1x16xf32>,
      %swap3A_714 = vector.shape_cast %swap3A_713 : vector<1x16xf32> to vector<16xf32>
      %swap3A_715 = vector.shape_cast %mul3A_710 : vector<16xf32> to vector<1x16xf32>
      tpu.vector_store %arg11[%swap3A_711, %swap3A_712], %swap3A_715 {strides = array<i32>} : memref<320x128xf32, #tpu.memory_space<vmem>>, vector<1x16xf32>,
      %get3A_716 = arith.index_cast %add3A_704 : i32 to index
      %get3A_717 = arith.constant 16 : index
      %get3A_718 = tpu.vector_load %arg11[%get3A_716, %get3A_717] {strides = array<i32>} : memref<320x128xf32, #tpu.memory_space<vmem>>, vector<1x16xf32>,
      %get3A_719 = vector.shape_cast %get3A_718 : vector<1x16xf32> to vector<16xf32>
      %mul3A_720 = vector.broadcast %squeeze3A_700 : f32 to vector<16xf32>
      %mul3A_721 = arith.mulf %get3A_719, %mul3A_720 : vector<16xf32>
      %swap3A_722 = arith.index_cast %add3A_704 : i32 to index
      %swap3A_723 = arith.constant 16 : index
      %swap3A_724 = tpu.vector_load %arg11[%swap3A_722, %swap3A_723] {strides = array<i32>} : memref<320x128xf32, #tpu.memory_space<vmem>>, vector<1x16xf32>,
      %swap3A_725 = vector.shape_cast %swap3A_724 : vector<1x16xf32> to vector<16xf32>
      %swap3A_726 = vector.shape_cast %mul3A_721 : vector<16xf32> to vector<1x16xf32>
      tpu.vector_store %arg11[%swap3A_722, %swap3A_723], %swap3A_726 {strides = array<i32>} : memref<320x128xf32, #tpu.memory_space<vmem>>, vector<1x16xf32>,
      %get3A_727 = arith.index_cast %add3A_704 : i32 to index
      %get3A_728 = arith.constant 32 : index
      %get3A_729 = tpu.vector_load %arg11[%get3A_727, %get3A_728] {strides = array<i32>} : memref<320x128xf32, #tpu.memory_space<vmem>>, vector<1x16xf32>,
      %get3A_730 = vector.shape_cast %get3A_729 : vector<1x16xf32> to vector<16xf32>
      %mul3A_731 = vector.broadcast %squeeze3A_700 : f32 to vector<16xf32>
      %mul3A_732 = arith.mulf %get3A_730, %mul3A_731 : vector<16xf32>
      %swap3A_733 = arith.index_cast %add3A_704 : i32 to index
      %swap3A_734 = arith.constant 32 : index
      %swap3A_735 = tpu.vector_load %arg11[%swap3A_733, %swap3A_734] {strides = array<i32>} : memref<320x128xf32, #tpu.memory_space<vmem>>, vector<1x16xf32>,
      %swap3A_736 = vector.shape_cast %swap3A_735 : vector<1x16xf32> to vector<16xf32>
      %swap3A_737 = vector.shape_cast %mul3A_732 : vector<16xf32> to vector<1x16xf32>
      tpu.vector_store %arg11[%swap3A_733, %swap3A_734], %swap3A_737 {strides = array<i32>} : memref<320x128xf32, #tpu.memory_space<vmem>>, vector<1x16xf32>,
      %get3A_738 = arith.index_cast %add3A_704 : i32 to index
      %get3A_739 = arith.constant 48 : index
      %get3A_740 = tpu.vector_load %arg11[%get3A_738, %get3A_739] {strides = array<i32>} : memref<320x128xf32, #tpu.memory_space<vmem>>, vector<1x16xf32>,
      %get3A_741 = vector.shape_cast %get3A_740 : vector<1x16xf32> to vector<16xf32>
      %mul3A_742 = vector.broadcast %squeeze3A_700 : f32 to vector<16xf32>
      %mul3A_743 = arith.mulf %get3A_741, %mul3A_742 : vector<16xf32>
      %swap3A_744 = arith.index_cast %add3A_704 : i32 to index
      %swap3A_745 = arith.constant 48 : index
      %swap3A_746 = tpu.vector_load %arg11[%swap3A_744, %swap3A_745] {strides = array<i32>} : memref<320x128xf32, #tpu.memory_space<vmem>>, vector<1x16xf32>,
      %swap3A_747 = vector.shape_cast %swap3A_746 : vector<1x16xf32> to vector<16xf32>
      %swap3A_748 = vector.shape_cast %mul3A_743 : vector<16xf32> to vector<1x16xf32>
      tpu.vector_store %arg11[%swap3A_744, %swap3A_745], %swap3A_748 {strides = array<i32>} : memref<320x128xf32, #tpu.memory_space<vmem>>, vector<1x16xf32>,
      %get3A_749 = arith.index_cast %add3A_704 : i32 to index
      %get3A_750 = arith.constant 64 : index
      %get3A_751 = tpu.vector_load %arg11[%get3A_749, %get3A_750] {strides = array<i32>} : memref<320x128xf32, #tpu.memory_space<vmem>>, vector<1x16xf32>,
      %get3A_752 = vector.shape_cast %get3A_751 : vector<1x16xf32> to vector<16xf32>
      %mul3A_753 = vector.broadcast %squeeze3A_700 : f32 to vector<16xf32>
      %mul3A_754 = arith.mulf %get3A_752, %mul3A_753 : vector<16xf32>
      %swap3A_755 = arith.index_cast %add3A_704 : i32 to index
      %swap3A_756 = arith.constant 64 : index
      %swap3A_757 = tpu.vector_load %arg11[%swap3A_755, %swap3A_756] {strides = array<i32>} : memref<320x128xf32, #tpu.memory_space<vmem>>, vector<1x16xf32>,
      %swap3A_758 = vector.shape_cast %swap3A_757 : vector<1x16xf32> to vector<16xf32>
      %swap3A_759 = vector.shape_cast %mul3A_754 : vector<16xf32> to vector<1x16xf32>
      tpu.vector_store %arg11[%swap3A_755, %swap3A_756], %swap3A_759 {strides = array<i32>} : memref<320x128xf32, #tpu.memory_space<vmem>>, vector<1x16xf32>,
      %get3A_760 = arith.index_cast %add3A_704 : i32 to index
      %get3A_761 = arith.constant 80 : index
      %get3A_762 = tpu.vector_load %arg11[%get3A_760, %get3A_761] {strides = array<i32>} : memref<320x128xf32, #tpu.memory_space<vmem>>, vector<1x16xf32>,
      %get3A_763 = vector.shape_cast %get3A_762 : vector<1x16xf32> to vector<16xf32>
      %mul3A_764 = vector.broadcast %squeeze3A_700 : f32 to vector<16xf32>
      %mul3A_765 = arith.mulf %get3A_763, %mul3A_764 : vector<16xf32>
      %swap3A_766 = arith.index_cast %add3A_704 : i32 to index
      %swap3A_767 = arith.constant 80 : index
      %swap3A_768 = tpu.vector_load %arg11[%swap3A_766, %swap3A_767] {strides = array<i32>} : memref<320x128xf32, #tpu.memory_space<vmem>>, vector<1x16xf32>,
      %swap3A_769 = vector.shape_cast %swap3A_768 : vector<1x16xf32> to vector<16xf32>
      %swap3A_770 = vector.shape_cast %mul3A_765 : vector<16xf32> to vector<1x16xf32>
      tpu.vector_store %arg11[%swap3A_766, %swap3A_767], %swap3A_770 {strides = array<i32>} : memref<320x128xf32, #tpu.memory_space<vmem>>, vector<1x16xf32>,
      %get3A_771 = arith.index_cast %add3A_704 : i32 to index
      %get3A_772 = arith.constant 96 : index
      %get3A_773 = tpu.vector_load %arg11[%get3A_771, %get3A_772] {strides = array<i32>} : memref<320x128xf32, #tpu.memory_space<vmem>>, vector<1x16xf32>,
      %get3A_774 = vector.shape_cast %get3A_773 : vector<1x16xf32> to vector<16xf32>
      %mul3A_775 = vector.broadcast %squeeze3A_700 : f32 to vector<16xf32>
      %mul3A_776 = arith.mulf %get3A_774, %mul3A_775 : vector<16xf32>
      %swap3A_777 = arith.index_cast %add3A_704 : i32 to index
      %swap3A_778 = arith.constant 96 : index
      %swap3A_779 = tpu.vector_load %arg11[%swap3A_777, %swap3A_778] {strides = array<i32>} : memref<320x128xf32, #tpu.memory_space<vmem>>, vector<1x16xf32>,
      %swap3A_780 = vector.shape_cast %swap3A_779 : vector<1x16xf32> to vector<16xf32>
      %swap3A_781 = vector.shape_cast %mul3A_776 : vector<16xf32> to vector<1x16xf32>
      tpu.vector_store %arg11[%swap3A_777, %swap3A_778], %swap3A_781 {strides = array<i32>} : memref<320x128xf32, #tpu.memory_space<vmem>>, vector<1x16xf32>,
      %get3A_782 = arith.index_cast %add3A_704 : i32 to index
      %get3A_783 = arith.constant 112 : index
      %get3A_784 = tpu.vector_load %arg11[%get3A_782, %get3A_783] {strides = array<i32>} : memref<320x128xf32, #tpu.memory_space<vmem>>, vector<1x16xf32>,
      %get3A_785 = vector.shape_cast %get3A_784 : vector<1x16xf32> to vector<16xf32>
      %mul3A_786 = vector.broadcast %squeeze3A_700 : f32 to vector<16xf32>
      %mul3A_787 = arith.mulf %get3A_785, %mul3A_786 : vector<16xf32>
      %swap3A_788 = arith.index_cast %add3A_704 : i32 to index
      %swap3A_789 = arith.constant 112 : index
      %swap3A_790 = tpu.vector_load %arg11[%swap3A_788, %swap3A_789] {strides = array<i32>} : memref<320x128xf32, #tpu.memory_space<vmem>>, vector<1x16xf32>,
      %swap3A_791 = vector.shape_cast %swap3A_790 : vector<1x16xf32> to vector<16xf32>
      %swap3A_792 = vector.shape_cast %mul3A_787 : vector<16xf32> to vector<1x16xf32>
      tpu.vector_store %arg11[%swap3A_788, %swap3A_789], %swap3A_792 {strides = array<i32>} : memref<320x128xf32, #tpu.memory_space<vmem>>, vector<1x16xf32>,
      %slice3A_793 = vector.extract_strided_slice %get3A_43 {offsets = [8], sizes = [1], strides = [1]} : vector<16xf32> to vector<1xf32>
      %squeeze3A_794 = vector.extract %slice3A_793[0] : f32 from vector<1xf32>
      %mul3A_795 = arith.constant 16 : i32
      %mul3A_796 = arith.muli %scan3A_36, %mul3A_795 : i32
      %add3A_797 = arith.constant 8 : i32
      %add3A_798 = arith.addi %mul3A_796, %add3A_797 : i32
      %get3A_799 = arith.index_cast %add3A_798 : i32 to index
      %get3A_800 = arith.constant 0 : index
      %get3A_801 = tpu.vector_load %arg11[%get3A_799, %get3A_800] {strides = array<i32>} : memref<320x128xf32, #tpu.memory_space<vmem>>, vector<1x16xf32>,
      %get3A_802 = vector.shape_cast %get3A_801 : vector<1x16xf32> to vector<16xf32>
      %mul3A_803 = vector.broadcast %squeeze3A_794 : f32 to vector<16xf32>
      %mul3A_804 = arith.mulf %get3A_802, %mul3A_803 : vector<16xf32>
      %swap3A_805 = arith.index_cast %add3A_798 : i32 to index
      %swap3A_806 = arith.constant 0 : index
      %swap3A_807 = tpu.vector_load %arg11[%swap3A_805, %swap3A_806] {strides = array<i32>} : memref<320x128xf32, #tpu.memory_space<vmem>>, vector<1x16xf32>,
      %swap3A_808 = vector.shape_cast %swap3A_807 : vector<1x16xf32> to vector<16xf32>
      %swap3A_809 = vector.shape_cast %mul3A_804 : vector<16xf32> to vector<1x16xf32>
      tpu.vector_store %arg11[%swap3A_805, %swap3A_806], %swap3A_809 {strides = array<i32>} : memref<320x128xf32, #tpu.memory_space<vmem>>, vector<1x16xf32>,
      %get3A_810 = arith.index_cast %add3A_798 : i32 to index
      %get3A_811 = arith.constant 16 : index
      %get3A_812 = tpu.vector_load %arg11[%get3A_810, %get3A_811] {strides = array<i32>} : memref<320x128xf32, #tpu.memory_space<vmem>>, vector<1x16xf32>,
      %get3A_813 = vector.shape_cast %get3A_812 : vector<1x16xf32> to vector<16xf32>
      %mul3A_814 = vector.broadcast %squeeze3A_794 : f32 to vector<16xf32>
      %mul3A_815 = arith.mulf %get3A_813, %mul3A_814 : vector<16xf32>
      %swap3A_816 = arith.index_cast %add3A_798 : i32 to index
      %swap3A_817 = arith.constant 16 : index
      %swap3A_818 = tpu.vector_load %arg11[%swap3A_816, %swap3A_817] {strides = array<i32>} : memref<320x128xf32, #tpu.memory_space<vmem>>, vector<1x16xf32>,
      %swap3A_819 = vector.shape_cast %swap3A_818 : vector<1x16xf32> to vector<16xf32>
      %swap3A_820 = vector.shape_cast %mul3A_815 : vector<16xf32> to vector<1x16xf32>
      tpu.vector_store %arg11[%swap3A_816, %swap3A_817], %swap3A_820 {strides = array<i32>} : memref<320x128xf32, #tpu.memory_space<vmem>>, vector<1x16xf32>,
      %get3A_821 = arith.index_cast %add3A_798 : i32 to index
      %get3A_822 = arith.constant 32 : index
      %get3A_823 = tpu.vector_load %arg11[%get3A_821, %get3A_822] {strides = array<i32>} : memref<320x128xf32, #tpu.memory_space<vmem>>, vector<1x16xf32>,
      %get3A_824 = vector.shape_cast %get3A_823 : vector<1x16xf32> to vector<16xf32>
      %mul3A_825 = vector.broadcast %squeeze3A_794 : f32 to vector<16xf32>
      %mul3A_826 = arith.mulf %get3A_824, %mul3A_825 : vector<16xf32>
      %swap3A_827 = arith.index_cast %add3A_798 : i32 to index
      %swap3A_828 = arith.constant 32 : index
      %swap3A_829 = tpu.vector_load %arg11[%swap3A_827, %swap3A_828] {strides = array<i32>} : memref<320x128xf32, #tpu.memory_space<vmem>>, vector<1x16xf32>,
      %swap3A_830 = vector.shape_cast %swap3A_829 : vector<1x16xf32> to vector<16xf32>
      %swap3A_831 = vector.shape_cast %mul3A_826 : vector<16xf32> to vector<1x16xf32>
      tpu.vector_store %arg11[%swap3A_827, %swap3A_828], %swap3A_831 {strides = array<i32>} : memref<320x128xf32, #tpu.memory_space<vmem>>, vector<1x16xf32>,
      %get3A_832 = arith.index_cast %add3A_798 : i32 to index
      %get3A_833 = arith.constant 48 : index
      %get3A_834 = tpu.vector_load %arg11[%get3A_832, %get3A_833] {strides = array<i32>} : memref<320x128xf32, #tpu.memory_space<vmem>>, vector<1x16xf32>,
      %get3A_835 = vector.shape_cast %get3A_834 : vector<1x16xf32> to vector<16xf32>
      %mul3A_836 = vector.broadcast %squeeze3A_794 : f32 to vector<16xf32>
      %mul3A_837 = arith.mulf %get3A_835, %mul3A_836 : vector<16xf32>
      %swap3A_838 = arith.index_cast %add3A_798 : i32 to index
      %swap3A_839 = arith.constant 48 : index
      %swap3A_840 = tpu.vector_load %arg11[%swap3A_838, %swap3A_839] {strides = array<i32>} : memref<320x128xf32, #tpu.memory_space<vmem>>, vector<1x16xf32>,
      %swap3A_841 = vector.shape_cast %swap3A_840 : vector<1x16xf32> to vector<16xf32>
      %swap3A_842 = vector.shape_cast %mul3A_837 : vector<16xf32> to vector<1x16xf32>
      tpu.vector_store %arg11[%swap3A_838, %swap3A_839], %swap3A_842 {strides = array<i32>} : memref<320x128xf32, #tpu.memory_space<vmem>>, vector<1x16xf32>,
      %get3A_843 = arith.index_cast %add3A_798 : i32 to index
      %get3A_844 = arith.constant 64 : index
      %get3A_845 = tpu.vector_load %arg11[%get3A_843, %get3A_844] {strides = array<i32>} : memref<320x128xf32, #tpu.memory_space<vmem>>, vector<1x16xf32>,
      %get3A_846 = vector.shape_cast %get3A_845 : vector<1x16xf32> to vector<16xf32>
      %mul3A_847 = vector.broadcast %squeeze3A_794 : f32 to vector<16xf32>
      %mul3A_848 = arith.mulf %get3A_846, %mul3A_847 : vector<16xf32>
      %swap3A_849 = arith.index_cast %add3A_798 : i32 to index
      %swap3A_850 = arith.constant 64 : index
      %swap3A_851 = tpu.vector_load %arg11[%swap3A_849, %swap3A_850] {strides = array<i32>} : memref<320x128xf32, #tpu.memory_space<vmem>>, vector<1x16xf32>,
      %swap3A_852 = vector.shape_cast %swap3A_851 : vector<1x16xf32> to vector<16xf32>
      %swap3A_853 = vector.shape_cast %mul3A_848 : vector<16xf32> to vector<1x16xf32>
      tpu.vector_store %arg11[%swap3A_849, %swap3A_850], %swap3A_853 {strides = array<i32>} : memref<320x128xf32, #tpu.memory_space<vmem>>, vector<1x16xf32>,
      %get3A_854 = arith.index_cast %add3A_798 : i32 to index
      %get3A_855 = arith.constant 80 : index
      %get3A_856 = tpu.vector_load %arg11[%get3A_854, %get3A_855] {strides = array<i32>} : memref<320x128xf32, #tpu.memory_space<vmem>>, vector<1x16xf32>,
      %get3A_857 = vector.shape_cast %get3A_856 : vector<1x16xf32> to vector<16xf32>
      %mul3A_858 = vector.broadcast %squeeze3A_794 : f32 to vector<16xf32>
      %mul3A_859 = arith.mulf %get3A_857, %mul3A_858 : vector<16xf32>
      %swap3A_860 = arith.index_cast %add3A_798 : i32 to index
      %swap3A_861 = arith.constant 80 : index
      %swap3A_862 = tpu.vector_load %arg11[%swap3A_860, %swap3A_861] {strides = array<i32>} : memref<320x128xf32, #tpu.memory_space<vmem>>, vector<1x16xf32>,
      %swap3A_863 = vector.shape_cast %swap3A_862 : vector<1x16xf32> to vector<16xf32>
      %swap3A_864 = vector.shape_cast %mul3A_859 : vector<16xf32> to vector<1x16xf32>
      tpu.vector_store %arg11[%swap3A_860, %swap3A_861], %swap3A_864 {strides = array<i32>} : memref<320x128xf32, #tpu.memory_space<vmem>>, vector<1x16xf32>,
      %get3A_865 = arith.index_cast %add3A_798 : i32 to index
      %get3A_866 = arith.constant 96 : index
      %get3A_867 = tpu.vector_load %arg11[%get3A_865, %get3A_866] {strides = array<i32>} : memref<320x128xf32, #tpu.memory_space<vmem>>, vector<1x16xf32>,
      %get3A_868 = vector.shape_cast %get3A_867 : vector<1x16xf32> to vector<16xf32>
      %mul3A_869 = vector.broadcast %squeeze3A_794 : f32 to vector<16xf32>
      %mul3A_870 = arith.mulf %get3A_868, %mul3A_869 : vector<16xf32>
      %swap3A_871 = arith.index_cast %add3A_798 : i32 to index
      %swap3A_872 = arith.constant 96 : index
      %swap3A_873 = tpu.vector_load %arg11[%swap3A_871, %swap3A_872] {strides = array<i32>} : memref<320x128xf32, #tpu.memory_space<vmem>>, vector<1x16xf32>,
      %swap3A_874 = vector.shape_cast %swap3A_873 : vector<1x16xf32> to vector<16xf32>
      %swap3A_875 = vector.shape_cast %mul3A_870 : vector<16xf32> to vector<1x16xf32>
      tpu.vector_store %arg11[%swap3A_871, %swap3A_872], %swap3A_875 {strides = array<i32>} : memref<320x128xf32, #tpu.memory_space<vmem>>, vector<1x16xf32>,
      %get3A_876 = arith.index_cast %add3A_798 : i32 to index
      %get3A_877 = arith.constant 112 : index
      %get3A_878 = tpu.vector_load %arg11[%get3A_876, %get3A_877] {strides = array<i32>} : memref<320x128xf32, #tpu.memory_space<vmem>>, vector<1x16xf32>,
      %get3A_879 = vector.shape_cast %get3A_878 : vector<1x16xf32> to vector<16xf32>
      %mul3A_880 = vector.broadcast %squeeze3A_794 : f32 to vector<16xf32>
      %mul3A_881 = arith.mulf %get3A_879, %mul3A_880 : vector<16xf32>
      %swap3A_882 = arith.index_cast %add3A_798 : i32 to index
      %swap3A_883 = arith.constant 112 : index
      %swap3A_884 = tpu.vector_load %arg11[%swap3A_882, %swap3A_883] {strides = array<i32>} : memref<320x128xf32, #tpu.memory_space<vmem>>, vector<1x16xf32>,
      %swap3A_885 = vector.shape_cast %swap3A_884 : vector<1x16xf32> to vector<16xf32>
      %swap3A_886 = vector.shape_cast %mul3A_881 : vector<16xf32> to vector<1x16xf32>
      tpu.vector_store %arg11[%swap3A_882, %swap3A_883], %swap3A_886 {strides = array<i32>} : memref<320x128xf32, #tpu.memory_space<vmem>>, vector<1x16xf32>,
      %slice3A_887 = vector.extract_strided_slice %get3A_43 {offsets = [9], sizes = [1], strides = [1]} : vector<16xf32> to vector<1xf32>
      %squeeze3A_888 = vector.extract %slice3A_887[0] : f32 from vector<1xf32>
      %mul3A_889 = arith.constant 16 : i32
      %mul3A_890 = arith.muli %scan3A_36, %mul3A_889 : i32
      %add3A_891 = arith.constant 9 : i32
      %add3A_892 = arith.addi %mul3A_890, %add3A_891 : i32
      %get3A_893 = arith.index_cast %add3A_892 : i32 to index
      %get3A_894 = arith.constant 0 : index
      %get3A_895 = tpu.vector_load %arg11[%get3A_893, %get3A_894] {strides = array<i32>} : memref<320x128xf32, #tpu.memory_space<vmem>>, vector<1x16xf32>,
      %get3A_896 = vector.shape_cast %get3A_895 : vector<1x16xf32> to vector<16xf32>
      %mul3A_897 = vector.broadcast %squeeze3A_888 : f32 to vector<16xf32>
      %mul3A_898 = arith.mulf %get3A_896, %mul3A_897 : vector<16xf32>
      %swap3A_899 = arith.index_cast %add3A_892 : i32 to index
      %swap3A_900 = arith.constant 0 : index
      %swap3A_901 = tpu.vector_load %arg11[%swap3A_899, %swap3A_900] {strides = array<i32>} : memref<320x128xf32, #tpu.memory_space<vmem>>, vector<1x16xf32>,
      %swap3A_902 = vector.shape_cast %swap3A_901 : vector<1x16xf32> to vector<16xf32>
      %swap3A_903 = vector.shape_cast %mul3A_898 : vector<16xf32> to vector<1x16xf32>
      tpu.vector_store %arg11[%swap3A_899, %swap3A_900], %swap3A_903 {strides = array<i32>} : memref<320x128xf32, #tpu.memory_space<vmem>>, vector<1x16xf32>,
      %get3A_904 = arith.index_cast %add3A_892 : i32 to index
      %get3A_905 = arith.constant 16 : index
      %get3A_906 = tpu.vector_load %arg11[%get3A_904, %get3A_905] {strides = array<i32>} : memref<320x128xf32, #tpu.memory_space<vmem>>, vector<1x16xf32>,
      %get3A_907 = vector.shape_cast %get3A_906 : vector<1x16xf32> to vector<16xf32>
      %mul3A_908 = vector.broadcast %squeeze3A_888 : f32 to vector<16xf32>
      %mul3A_909 = arith.mulf %get3A_907, %mul3A_908 : vector<16xf32>
      %swap3A_910 = arith.index_cast %add3A_892 : i32 to index
      %swap3A_911 = arith.constant 16 : index
      %swap3A_912 = tpu.vector_load %arg11[%swap3A_910, %swap3A_911] {strides = array<i32>} : memref<320x128xf32, #tpu.memory_space<vmem>>, vector<1x16xf32>,
      %swap3A_913 = vector.shape_cast %swap3A_912 : vector<1x16xf32> to vector<16xf32>
      %swap3A_914 = vector.shape_cast %mul3A_909 : vector<16xf32> to vector<1x16xf32>
      tpu.vector_store %arg11[%swap3A_910, %swap3A_911], %swap3A_914 {strides = array<i32>} : memref<320x128xf32, #tpu.memory_space<vmem>>, vector<1x16xf32>,
      %get3A_915 = arith.index_cast %add3A_892 : i32 to index
      %get3A_916 = arith.constant 32 : index
      %get3A_917 = tpu.vector_load %arg11[%get3A_915, %get3A_916] {strides = array<i32>} : memref<320x128xf32, #tpu.memory_space<vmem>>, vector<1x16xf32>,
      %get3A_918 = vector.shape_cast %get3A_917 : vector<1x16xf32> to vector<16xf32>
      %mul3A_919 = vector.broadcast %squeeze3A_888 : f32 to vector<16xf32>
      %mul3A_920 = arith.mulf %get3A_918, %mul3A_919 : vector<16xf32>
      %swap3A_921 = arith.index_cast %add3A_892 : i32 to index
      %swap3A_922 = arith.constant 32 : index
      %swap3A_923 = tpu.vector_load %arg11[%swap3A_921, %swap3A_922] {strides = array<i32>} : memref<320x128xf32, #tpu.memory_space<vmem>>, vector<1x16xf32>,
      %swap3A_924 = vector.shape_cast %swap3A_923 : vector<1x16xf32> to vector<16xf32>
      %swap3A_925 = vector.shape_cast %mul3A_920 : vector<16xf32> to vector<1x16xf32>
      tpu.vector_store %arg11[%swap3A_921, %swap3A_922], %swap3A_925 {strides = array<i32>} : memref<320x128xf32, #tpu.memory_space<vmem>>, vector<1x16xf32>,
      %get3A_926 = arith.index_cast %add3A_892 : i32 to index
      %get3A_927 = arith.constant 48 : index
      %get3A_928 = tpu.vector_load %arg11[%get3A_926, %get3A_927] {strides = array<i32>} : memref<320x128xf32, #tpu.memory_space<vmem>>, vector<1x16xf32>,
      %get3A_929 = vector.shape_cast %get3A_928 : vector<1x16xf32> to vector<16xf32>
      %mul3A_930 = vector.broadcast %squeeze3A_888 : f32 to vector<16xf32>
      %mul3A_931 = arith.mulf %get3A_929, %mul3A_930 : vector<16xf32>
      %swap3A_932 = arith.index_cast %add3A_892 : i32 to index
      %swap3A_933 = arith.constant 48 : index
      %swap3A_934 = tpu.vector_load %arg11[%swap3A_932, %swap3A_933] {strides = array<i32>} : memref<320x128xf32, #tpu.memory_space<vmem>>, vector<1x16xf32>,
      %swap3A_935 = vector.shape_cast %swap3A_934 : vector<1x16xf32> to vector<16xf32>
      %swap3A_936 = vector.shape_cast %mul3A_931 : vector<16xf32> to vector<1x16xf32>
      tpu.vector_store %arg11[%swap3A_932, %swap3A_933], %swap3A_936 {strides = array<i32>} : memref<320x128xf32, #tpu.memory_space<vmem>>, vector<1x16xf32>,
      %get3A_937 = arith.index_cast %add3A_892 : i32 to index
      %get3A_938 = arith.constant 64 : index
      %get3A_939 = tpu.vector_load %arg11[%get3A_937, %get3A_938] {strides = array<i32>} : memref<320x128xf32, #tpu.memory_space<vmem>>, vector<1x16xf32>,
      %get3A_940 = vector.shape_cast %get3A_939 : vector<1x16xf32> to vector<16xf32>
      %mul3A_941 = vector.broadcast %squeeze3A_888 : f32 to vector<16xf32>
      %mul3A_942 = arith.mulf %get3A_940, %mul3A_941 : vector<16xf32>
      %swap3A_943 = arith.index_cast %add3A_892 : i32 to index
      %swap3A_944 = arith.constant 64 : index
      %swap3A_945 = tpu.vector_load %arg11[%swap3A_943, %swap3A_944] {strides = array<i32>} : memref<320x128xf32, #tpu.memory_space<vmem>>, vector<1x16xf32>,
      %swap3A_946 = vector.shape_cast %swap3A_945 : vector<1x16xf32> to vector<16xf32>
      %swap3A_947 = vector.shape_cast %mul3A_942 : vector<16xf32> to vector<1x16xf32>
      tpu.vector_store %arg11[%swap3A_943, %swap3A_944], %swap3A_947 {strides = array<i32>} : memref<320x128xf32, #tpu.memory_space<vmem>>, vector<1x16xf32>,
      %get3A_948 = arith.index_cast %add3A_892 : i32 to index
      %get3A_949 = arith.constant 80 : index
      %get3A_950 = tpu.vector_load %arg11[%get3A_948, %get3A_949] {strides = array<i32>} : memref<320x128xf32, #tpu.memory_space<vmem>>, vector<1x16xf32>,
      %get3A_951 = vector.shape_cast %get3A_950 : vector<1x16xf32> to vector<16xf32>
      %mul3A_952 = vector.broadcast %squeeze3A_888 : f32 to vector<16xf32>
      %mul3A_953 = arith.mulf %get3A_951, %mul3A_952 : vector<16xf32>
      %swap3A_954 = arith.index_cast %add3A_892 : i32 to index
      %swap3A_955 = arith.constant 80 : index
      %swap3A_956 = tpu.vector_load %arg11[%swap3A_954, %swap3A_955] {strides = array<i32>} : memref<320x128xf32, #tpu.memory_space<vmem>>, vector<1x16xf32>,
      %swap3A_957 = vector.shape_cast %swap3A_956 : vector<1x16xf32> to vector<16xf32>
      %swap3A_958 = vector.shape_cast %mul3A_953 : vector<16xf32> to vector<1x16xf32>
      tpu.vector_store %arg11[%swap3A_954, %swap3A_955], %swap3A_958 {strides = array<i32>} : memref<320x128xf32, #tpu.memory_space<vmem>>, vector<1x16xf32>,
      %get3A_959 = arith.index_cast %add3A_892 : i32 to index
      %get3A_960 = arith.constant 96 : index
      %get3A_961 = tpu.vector_load %arg11[%get3A_959, %get3A_960] {strides = array<i32>} : memref<320x128xf32, #tpu.memory_space<vmem>>, vector<1x16xf32>,
      %get3A_962 = vector.shape_cast %get3A_961 : vector<1x16xf32> to vector<16xf32>
      %mul3A_963 = vector.broadcast %squeeze3A_888 : f32 to vector<16xf32>
      %mul3A_964 = arith.mulf %get3A_962, %mul3A_963 : vector<16xf32>
      %swap3A_965 = arith.index_cast %add3A_892 : i32 to index
      %swap3A_966 = arith.constant 96 : index
      %swap3A_967 = tpu.vector_load %arg11[%swap3A_965, %swap3A_966] {strides = array<i32>} : memref<320x128xf32, #tpu.memory_space<vmem>>, vector<1x16xf32>,
      %swap3A_968 = vector.shape_cast %swap3A_967 : vector<1x16xf32> to vector<16xf32>
      %swap3A_969 = vector.shape_cast %mul3A_964 : vector<16xf32> to vector<1x16xf32>
      tpu.vector_store %arg11[%swap3A_965, %swap3A_966], %swap3A_969 {strides = array<i32>} : memref<320x128xf32, #tpu.memory_space<vmem>>, vector<1x16xf32>,
      %get3A_970 = arith.index_cast %add3A_892 : i32 to index
      %get3A_971 = arith.constant 112 : index
      %get3A_972 = tpu.vector_load %arg11[%get3A_970, %get3A_971] {strides = array<i32>} : memref<320x128xf32, #tpu.memory_space<vmem>>, vector<1x16xf32>,
      %get3A_973 = vector.shape_cast %get3A_972 : vector<1x16xf32> to vector<16xf32>
      %mul3A_974 = vector.broadcast %squeeze3A_888 : f32 to vector<16xf32>
      %mul3A_975 = arith.mulf %get3A_973, %mul3A_974 : vector<16xf32>
      %swap3A_976 = arith.index_cast %add3A_892 : i32 to index
      %swap3A_977 = arith.constant 112 : index
      %swap3A_978 = tpu.vector_load %arg11[%swap3A_976, %swap3A_977] {strides = array<i32>} : memref<320x128xf32, #tpu.memory_space<vmem>>, vector<1x16xf32>,
      %swap3A_979 = vector.shape_cast %swap3A_978 : vector<1x16xf32> to vector<16xf32>
      %swap3A_980 = vector.shape_cast %mul3A_975 : vector<16xf32> to vector<1x16xf32>
      tpu.vector_store %arg11[%swap3A_976, %swap3A_977], %swap3A_980 {strides = array<i32>} : memref<320x128xf32, #tpu.memory_space<vmem>>, vector<1x16xf32>,
      %slice3A_981 = vector.extract_strided_slice %get3A_43 {offsets = [10], sizes = [1], strides = [1]} : vector<16xf32> to vector<1xf32>
      %squeeze3A_982 = vector.extract %slice3A_981[0] : f32 from vector<1xf32>
      %mul3A_983 = arith.constant 16 : i32
      %mul3A_984 = arith.muli %scan3A_36, %mul3A_983 : i32
      %add3A_985 = arith.constant 10 : i32
      %add3A_986 = arith.addi %mul3A_984, %add3A_985 : i32
      %get3A_987 = arith.index_cast %add3A_986 : i32 to index
      %get3A_988 = arith.constant 0 : index
      %get3A_989 = tpu.vector_load %arg11[%get3A_987, %get3A_988] {strides = array<i32>} : memref<320x128xf32, #tpu.memory_space<vmem>>, vector<1x16xf32>,
      %get3A_990 = vector.shape_cast %get3A_989 : vector<1x16xf32> to vector<16xf32>
      %mul3A_991 = vector.broadcast %squeeze3A_982 : f32 to vector<16xf32>
      %mul3A_992 = arith.mulf %get3A_990, %mul3A_991 : vector<16xf32>
      %swap3A_993 = arith.index_cast %add3A_986 : i32 to index
      %swap3A_994 = arith.constant 0 : index
      %swap3A_995 = tpu.vector_load %arg11[%swap3A_993, %swap3A_994] {strides = array<i32>} : memref<320x128xf32, #tpu.memory_space<vmem>>, vector<1x16xf32>,
      %swap3A_996 = vector.shape_cast %swap3A_995 : vector<1x16xf32> to vector<16xf32>
      %swap3A_997 = vector.shape_cast %mul3A_992 : vector<16xf32> to vector<1x16xf32>
      tpu.vector_store %arg11[%swap3A_993, %swap3A_994], %swap3A_997 {strides = array<i32>} : memref<320x128xf32, #tpu.memory_space<vmem>>, vector<1x16xf32>,
      %get3A_998 = arith.index_cast %add3A_986 : i32 to index
      %get3A_999 = arith.constant 16 : index
      %get3A_1000 = tpu.vector_load %arg11[%get3A_998, %get3A_999] {strides = array<i32>} : memref<320x128xf32, #tpu.memory_space<vmem>>, vector<1x16xf32>,
      %get3A_1001 = vector.shape_cast %get3A_1000 : vector<1x16xf32> to vector<16xf32>
      %mul3A_1002 = vector.broadcast %squeeze3A_982 : f32 to vector<16xf32>
      %mul3A_1003 = arith.mulf %get3A_1001, %mul3A_1002 : vector<16xf32>
      %swap3A_1004 = arith.index_cast %add3A_986 : i32 to index
      %swap3A_1005 = arith.constant 16 : index
      %swap3A_1006 = tpu.vector_load %arg11[%swap3A_1004, %swap3A_1005] {strides = array<i32>} : memref<320x128xf32, #tpu.memory_space<vmem>>, vector<1x16xf32>,
      %swap3A_1007 = vector.shape_cast %swap3A_1006 : vector<1x16xf32> to vector<16xf32>
      %swap3A_1008 = vector.shape_cast %mul3A_1003 : vector<16xf32> to vector<1x16xf32>
      tpu.vector_store %arg11[%swap3A_1004, %swap3A_1005], %swap3A_1008 {strides = array<i32>} : memref<320x128xf32, #tpu.memory_space<vmem>>, vector<1x16xf32>,
      %get3A_1009 = arith.index_cast %add3A_986 : i32 to index
      %get3A_1010 = arith.constant 32 : index
      %get3A_1011 = tpu.vector_load %arg11[%get3A_1009, %get3A_1010] {strides = array<i32>} : memref<320x128xf32, #tpu.memory_space<vmem>>, vector<1x16xf32>,
      %get3A_1012 = vector.shape_cast %get3A_1011 : vector<1x16xf32> to vector<16xf32>
      %mul3A_1013 = vector.broadcast %squeeze3A_982 : f32 to vector<16xf32>
      %mul3A_1014 = arith.mulf %get3A_1012, %mul3A_1013 : vector<16xf32>
      %swap3A_1015 = arith.index_cast %add3A_986 : i32 to index
      %swap3A_1016 = arith.constant 32 : index
      %swap3A_1017 = tpu.vector_load %arg11[%swap3A_1015, %swap3A_1016] {strides = array<i32>} : memref<320x128xf32, #tpu.memory_space<vmem>>, vector<1x16xf32>,
      %swap3A_1018 = vector.shape_cast %swap3A_1017 : vector<1x16xf32> to vector<16xf32>
      %swap3A_1019 = vector.shape_cast %mul3A_1014 : vector<16xf32> to vector<1x16xf32>
      tpu.vector_store %arg11[%swap3A_1015, %swap3A_1016], %swap3A_1019 {strides = array<i32>} : memref<320x128xf32, #tpu.memory_space<vmem>>, vector<1x16xf32>,
      %get3A_1020 = arith.index_cast %add3A_986 : i32 to index
      %get3A_1021 = arith.constant 48 : index
      %get3A_1022 = tpu.vector_load %arg11[%get3A_1020, %get3A_1021] {strides = array<i32>} : memref<320x128xf32, #tpu.memory_space<vmem>>, vector<1x16xf32>,
      %get3A_1023 = vector.shape_cast %get3A_1022 : vector<1x16xf32> to vector<16xf32>
      %mul3A_1024 = vector.broadcast %squeeze3A_982 : f32 to vector<16xf32>
      %mul3A_1025 = arith.mulf %get3A_1023, %mul3A_1024 : vector<16xf32>
      %swap3A_1026 = arith.index_cast %add3A_986 : i32 to index
      %swap3A_1027 = arith.constant 48 : index
      %swap3A_1028 = tpu.vector_load %arg11[%swap3A_1026, %swap3A_1027] {strides = array<i32>} : memref<320x128xf32, #tpu.memory_space<vmem>>, vector<1x16xf32>,
      %swap3A_1029 = vector.shape_cast %swap3A_1028 : vector<1x16xf32> to vector<16xf32>
      %swap3A_1030 = vector.shape_cast %mul3A_1025 : vector<16xf32> to vector<1x16xf32>
      tpu.vector_store %arg11[%swap3A_1026, %swap3A_1027], %swap3A_1030 {strides = array<i32>} : memref<320x128xf32, #tpu.memory_space<vmem>>, vector<1x16xf32>,
      %get3A_1031 = arith.index_cast %add3A_986 : i32 to index
      %get3A_1032 = arith.constant 64 : index
      %get3A_1033 = tpu.vector_load %arg11[%get3A_1031, %get3A_1032] {strides = array<i32>} : memref<320x128xf32, #tpu.memory_space<vmem>>, vector<1x16xf32>,
      %get3A_1034 = vector.shape_cast %get3A_1033 : vector<1x16xf32> to vector<16xf32>
      %mul3A_1035 = vector.broadcast %squeeze3A_982 : f32 to vector<16xf32>
      %mul3A_1036 = arith.mulf %get3A_1034, %mul3A_1035 : vector<16xf32>
      %swap3A_1037 = arith.index_cast %add3A_986 : i32 to index
      %swap3A_1038 = arith.constant 64 : index
      %swap3A_1039 = tpu.vector_load %arg11[%swap3A_1037, %swap3A_1038] {strides = array<i32>} : memref<320x128xf32, #tpu.memory_space<vmem>>, vector<1x16xf32>,
      %swap3A_1040 = vector.shape_cast %swap3A_1039 : vector<1x16xf32> to vector<16xf32>
      %swap3A_1041 = vector.shape_cast %mul3A_1036 : vector<16xf32> to vector<1x16xf32>
      tpu.vector_store %arg11[%swap3A_1037, %swap3A_1038], %swap3A_1041 {strides = array<i32>} : memref<320x128xf32, #tpu.memory_space<vmem>>, vector<1x16xf32>,
      %get3A_1042 = arith.index_cast %add3A_986 : i32 to index
      %get3A_1043 = arith.constant 80 : index
      %get3A_1044 = tpu.vector_load %arg11[%get3A_1042, %get3A_1043] {strides = array<i32>} : memref<320x128xf32, #tpu.memory_space<vmem>>, vector<1x16xf32>,
      %get3A_1045 = vector.shape_cast %get3A_1044 : vector<1x16xf32> to vector<16xf32>
      %mul3A_1046 = vector.broadcast %squeeze3A_982 : f32 to vector<16xf32>
      %mul3A_1047 = arith.mulf %get3A_1045, %mul3A_1046 : vector<16xf32>
      %swap3A_1048 = arith.index_cast %add3A_986 : i32 to index
      %swap3A_1049 = arith.constant 80 : index
      %swap3A_1050 = tpu.vector_load %arg11[%swap3A_1048, %swap3A_1049] {strides = array<i32>} : memref<320x128xf32, #tpu.memory_space<vmem>>, vector<1x16xf32>,
      %swap3A_1051 = vector.shape_cast %swap3A_1050 : vector<1x16xf32> to vector<16xf32>
      %swap3A_1052 = vector.shape_cast %mul3A_1047 : vector<16xf32> to vector<1x16xf32>
      tpu.vector_store %arg11[%swap3A_1048, %swap3A_1049], %swap3A_1052 {strides = array<i32>} : memref<320x128xf32, #tpu.memory_space<vmem>>, vector<1x16xf32>,
      %get3A_1053 = arith.index_cast %add3A_986 : i32 to index
      %get3A_1054 = arith.constant 96 : index
      %get3A_1055 = tpu.vector_load %arg11[%get3A_1053, %get3A_1054] {strides = array<i32>} : memref<320x128xf32, #tpu.memory_space<vmem>>, vector<1x16xf32>,
      %get3A_1056 = vector.shape_cast %get3A_1055 : vector<1x16xf32> to vector<16xf32>
      %mul3A_1057 = vector.broadcast %squeeze3A_982 : f32 to vector<16xf32>
      %mul3A_1058 = arith.mulf %get3A_1056, %mul3A_1057 : vector<16xf32>
      %swap3A_1059 = arith.index_cast %add3A_986 : i32 to index
      %swap3A_1060 = arith.constant 96 : index
      %swap3A_1061 = tpu.vector_load %arg11[%swap3A_1059, %swap3A_1060] {strides = array<i32>} : memref<320x128xf32, #tpu.memory_space<vmem>>, vector<1x16xf32>,
      %swap3A_1062 = vector.shape_cast %swap3A_1061 : vector<1x16xf32> to vector<16xf32>
      %swap3A_1063 = vector.shape_cast %mul3A_1058 : vector<16xf32> to vector<1x16xf32>
      tpu.vector_store %arg11[%swap3A_1059, %swap3A_1060], %swap3A_1063 {strides = array<i32>} : memref<320x128xf32, #tpu.memory_space<vmem>>, vector<1x16xf32>,
      %get3A_1064 = arith.index_cast %add3A_986 : i32 to index
      %get3A_1065 = arith.constant 112 : index
      %get3A_1066 = tpu.vector_load %arg11[%get3A_1064, %get3A_1065] {strides = array<i32>} : memref<320x128xf32, #tpu.memory_space<vmem>>, vector<1x16xf32>,
      %get3A_1067 = vector.shape_cast %get3A_1066 : vector<1x16xf32> to vector<16xf32>
      %mul3A_1068 = vector.broadcast %squeeze3A_982 : f32 to vector<16xf32>
      %mul3A_1069 = arith.mulf %get3A_1067, %mul3A_1068 : vector<16xf32>
      %swap3A_1070 = arith.index_cast %add3A_986 : i32 to index
      %swap3A_1071 = arith.constant 112 : index
      %swap3A_1072 = tpu.vector_load %arg11[%swap3A_1070, %swap3A_1071] {strides = array<i32>} : memref<320x128xf32, #tpu.memory_space<vmem>>, vector<1x16xf32>,
      %swap3A_1073 = vector.shape_cast %swap3A_1072 : vector<1x16xf32> to vector<16xf32>
      %swap3A_1074 = vector.shape_cast %mul3A_1069 : vector<16xf32> to vector<1x16xf32>
      tpu.vector_store %arg11[%swap3A_1070, %swap3A_1071], %swap3A_1074 {strides = array<i32>} : memref<320x128xf32, #tpu.memory_space<vmem>>, vector<1x16xf32>,
      %slice3A_1075 = vector.extract_strided_slice %get3A_43 {offsets = [11], sizes = [1], strides = [1]} : vector<16xf32> to vector<1xf32>
      %squeeze3A_1076 = vector.extract %slice3A_1075[0] : f32 from vector<1xf32>
      %mul3A_1077 = arith.constant 16 : i32
      %mul3A_1078 = arith.muli %scan3A_36, %mul3A_1077 : i32
      %add3A_1079 = arith.constant 11 : i32
      %add3A_1080 = arith.addi %mul3A_1078, %add3A_1079 : i32
      %get3A_1081 = arith.index_cast %add3A_1080 : i32 to index
      %get3A_1082 = arith.constant 0 : index
      %get3A_1083 = tpu.vector_load %arg11[%get3A_1081, %get3A_1082] {strides = array<i32>} : memref<320x128xf32, #tpu.memory_space<vmem>>, vector<1x16xf32>,
      %get3A_1084 = vector.shape_cast %get3A_1083 : vector<1x16xf32> to vector<16xf32>
      %mul3A_1085 = vector.broadcast %squeeze3A_1076 : f32 to vector<16xf32>
      %mul3A_1086 = arith.mulf %get3A_1084, %mul3A_1085 : vector<16xf32>
      %swap3A_1087 = arith.index_cast %add3A_1080 : i32 to index
      %swap3A_1088 = arith.constant 0 : index
      %swap3A_1089 = tpu.vector_load %arg11[%swap3A_1087, %swap3A_1088] {strides = array<i32>} : memref<320x128xf32, #tpu.memory_space<vmem>>, vector<1x16xf32>,
      %swap3A_1090 = vector.shape_cast %swap3A_1089 : vector<1x16xf32> to vector<16xf32>
      %swap3A_1091 = vector.shape_cast %mul3A_1086 : vector<16xf32> to vector<1x16xf32>
      tpu.vector_store %arg11[%swap3A_1087, %swap3A_1088], %swap3A_1091 {strides = array<i32>} : memref<320x128xf32, #tpu.memory_space<vmem>>, vector<1x16xf32>,
      %get3A_1092 = arith.index_cast %add3A_1080 : i32 to index
      %get3A_1093 = arith.constant 16 : index
      %get3A_1094 = tpu.vector_load %arg11[%get3A_1092, %get3A_1093] {strides = array<i32>} : memref<320x128xf32, #tpu.memory_space<vmem>>, vector<1x16xf32>,
      %get3A_1095 = vector.shape_cast %get3A_1094 : vector<1x16xf32> to vector<16xf32>
      %mul3A_1096 = vector.broadcast %squeeze3A_1076 : f32 to vector<16xf32>
      %mul3A_1097 = arith.mulf %get3A_1095, %mul3A_1096 : vector<16xf32>
      %swap3A_1098 = arith.index_cast %add3A_1080 : i32 to index
      %swap3A_1099 = arith.constant 16 : index
      %swap3A_1100 = tpu.vector_load %arg11[%swap3A_1098, %swap3A_1099] {strides = array<i32>} : memref<320x128xf32, #tpu.memory_space<vmem>>, vector<1x16xf32>,
      %swap3A_1101 = vector.shape_cast %swap3A_1100 : vector<1x16xf32> to vector<16xf32>
      %swap3A_1102 = vector.shape_cast %mul3A_1097 : vector<16xf32> to vector<1x16xf32>
      tpu.vector_store %arg11[%swap3A_1098, %swap3A_1099], %swap3A_1102 {strides = array<i32>} : memref<320x128xf32, #tpu.memory_space<vmem>>, vector<1x16xf32>,
      %get3A_1103 = arith.index_cast %add3A_1080 : i32 to index
      %get3A_1104 = arith.constant 32 : index
      %get3A_1105 = tpu.vector_load %arg11[%get3A_1103, %get3A_1104] {strides = array<i32>} : memref<320x128xf32, #tpu.memory_space<vmem>>, vector<1x16xf32>,
      %get3A_1106 = vector.shape_cast %get3A_1105 : vector<1x16xf32> to vector<16xf32>
      %mul3A_1107 = vector.broadcast %squeeze3A_1076 : f32 to vector<16xf32>
      %mul3A_1108 = arith.mulf %get3A_1106, %mul3A_1107 : vector<16xf32>
      %swap3A_1109 = arith.index_cast %add3A_1080 : i32 to index
      %swap3A_1110 = arith.constant 32 : index
      %swap3A_1111 = tpu.vector_load %arg11[%swap3A_1109, %swap3A_1110] {strides = array<i32>} : memref<320x128xf32, #tpu.memory_space<vmem>>, vector<1x16xf32>,
      %swap3A_1112 = vector.shape_cast %swap3A_1111 : vector<1x16xf32> to vector<16xf32>
      %swap3A_1113 = vector.shape_cast %mul3A_1108 : vector<16xf32> to vector<1x16xf32>
      tpu.vector_store %arg11[%swap3A_1109, %swap3A_1110], %swap3A_1113 {strides = array<i32>} : memref<320x128xf32, #tpu.memory_space<vmem>>, vector<1x16xf32>,
      %get3A_1114 = arith.index_cast %add3A_1080 : i32 to index
      %get3A_1115 = arith.constant 48 : index
      %get3A_1116 = tpu.vector_load %arg11[%get3A_1114, %get3A_1115] {strides = array<i32>} : memref<320x128xf32, #tpu.memory_space<vmem>>, vector<1x16xf32>,
      %get3A_1117 = vector.shape_cast %get3A_1116 : vector<1x16xf32> to vector<16xf32>
      %mul3A_1118 = vector.broadcast %squeeze3A_1076 : f32 to vector<16xf32>
      %mul3A_1119 = arith.mulf %get3A_1117, %mul3A_1118 : vector<16xf32>
      %swap3A_1120 = arith.index_cast %add3A_1080 : i32 to index
      %swap3A_1121 = arith.constant 48 : index
      %swap3A_1122 = tpu.vector_load %arg11[%swap3A_1120, %swap3A_1121] {strides = array<i32>} : memref<320x128xf32, #tpu.memory_space<vmem>>, vector<1x16xf32>,
      %swap3A_1123 = vector.shape_cast %swap3A_1122 : vector<1x16xf32> to vector<16xf32>
      %swap3A_1124 = vector.shape_cast %mul3A_1119 : vector<16xf32> to vector<1x16xf32>
      tpu.vector_store %arg11[%swap3A_1120, %swap3A_1121], %swap3A_1124 {strides = array<i32>} : memref<320x128xf32, #tpu.memory_space<vmem>>, vector<1x16xf32>,
      %get3A_1125 = arith.index_cast %add3A_1080 : i32 to index
      %get3A_1126 = arith.constant 64 : index
      %get3A_1127 = tpu.vector_load %arg11[%get3A_1125, %get3A_1126] {strides = array<i32>} : memref<320x128xf32, #tpu.memory_space<vmem>>, vector<1x16xf32>,
      %get3A_1128 = vector.shape_cast %get3A_1127 : vector<1x16xf32> to vector<16xf32>
      %mul3A_1129 = vector.broadcast %squeeze3A_1076 : f32 to vector<16xf32>
      %mul3A_1130 = arith.mulf %get3A_1128, %mul3A_1129 : vector<16xf32>
      %swap3A_1131 = arith.index_cast %add3A_1080 : i32 to index
      %swap3A_1132 = arith.constant 64 : index
      %swap3A_1133 = tpu.vector_load %arg11[%swap3A_1131, %swap3A_1132] {strides = array<i32>} : memref<320x128xf32, #tpu.memory_space<vmem>>, vector<1x16xf32>,
      %swap3A_1134 = vector.shape_cast %swap3A_1133 : vector<1x16xf32> to vector<16xf32>
      %swap3A_1135 = vector.shape_cast %mul3A_1130 : vector<16xf32> to vector<1x16xf32>
      tpu.vector_store %arg11[%swap3A_1131, %swap3A_1132], %swap3A_1135 {strides = array<i32>} : memref<320x128xf32, #tpu.memory_space<vmem>>, vector<1x16xf32>,
      %get3A_1136 = arith.index_cast %add3A_1080 : i32 to index
      %get3A_1137 = arith.constant 80 : index
      %get3A_1138 = tpu.vector_load %arg11[%get3A_1136, %get3A_1137] {strides = array<i32>} : memref<320x128xf32, #tpu.memory_space<vmem>>, vector<1x16xf32>,
      %get3A_1139 = vector.shape_cast %get3A_1138 : vector<1x16xf32> to vector<16xf32>
      %mul3A_1140 = vector.broadcast %squeeze3A_1076 : f32 to vector<16xf32>
      %mul3A_1141 = arith.mulf %get3A_1139, %mul3A_1140 : vector<16xf32>
      %swap3A_1142 = arith.index_cast %add3A_1080 : i32 to index
      %swap3A_1143 = arith.constant 80 : index
      %swap3A_1144 = tpu.vector_load %arg11[%swap3A_1142, %swap3A_1143] {strides = array<i32>} : memref<320x128xf32, #tpu.memory_space<vmem>>, vector<1x16xf32>,
      %swap3A_1145 = vector.shape_cast %swap3A_1144 : vector<1x16xf32> to vector<16xf32>
      %swap3A_1146 = vector.shape_cast %mul3A_1141 : vector<16xf32> to vector<1x16xf32>
      tpu.vector_store %arg11[%swap3A_1142, %swap3A_1143], %swap3A_1146 {strides = array<i32>} : memref<320x128xf32, #tpu.memory_space<vmem>>, vector<1x16xf32>,
      %get3A_1147 = arith.index_cast %add3A_1080 : i32 to index
      %get3A_1148 = arith.constant 96 : index
      %get3A_1149 = tpu.vector_load %arg11[%get3A_1147, %get3A_1148] {strides = array<i32>} : memref<320x128xf32, #tpu.memory_space<vmem>>, vector<1x16xf32>,
      %get3A_1150 = vector.shape_cast %get3A_1149 : vector<1x16xf32> to vector<16xf32>
      %mul3A_1151 = vector.broadcast %squeeze3A_1076 : f32 to vector<16xf32>
      %mul3A_1152 = arith.mulf %get3A_1150, %mul3A_1151 : vector<16xf32>
      %swap3A_1153 = arith.index_cast %add3A_1080 : i32 to index
      %swap3A_1154 = arith.constant 96 : index
      %swap3A_1155 = tpu.vector_load %arg11[%swap3A_1153, %swap3A_1154] {strides = array<i32>} : memref<320x128xf32, #tpu.memory_space<vmem>>, vector<1x16xf32>,
      %swap3A_1156 = vector.shape_cast %swap3A_1155 : vector<1x16xf32> to vector<16xf32>
      %swap3A_1157 = vector.shape_cast %mul3A_1152 : vector<16xf32> to vector<1x16xf32>
      tpu.vector_store %arg11[%swap3A_1153, %swap3A_1154], %swap3A_1157 {strides = array<i32>} : memref<320x128xf32, #tpu.memory_space<vmem>>, vector<1x16xf32>,
      %get3A_1158 = arith.index_cast %add3A_1080 : i32 to index
      %get3A_1159 = arith.constant 112 : index
      %get3A_1160 = tpu.vector_load %arg11[%get3A_1158, %get3A_1159] {strides = array<i32>} : memref<320x128xf32, #tpu.memory_space<vmem>>, vector<1x16xf32>,
      %get3A_1161 = vector.shape_cast %get3A_1160 : vector<1x16xf32> to vector<16xf32>
      %mul3A_1162 = vector.broadcast %squeeze3A_1076 : f32 to vector<16xf32>
      %mul3A_1163 = arith.mulf %get3A_1161, %mul3A_1162 : vector<16xf32>
      %swap3A_1164 = arith.index_cast %add3A_1080 : i32 to index
      %swap3A_1165 = arith.constant 112 : index
      %swap3A_1166 = tpu.vector_load %arg11[%swap3A_1164, %swap3A_1165] {strides = array<i32>} : memref<320x128xf32, #tpu.memory_space<vmem>>, vector<1x16xf32>,
      %swap3A_1167 = vector.shape_cast %swap3A_1166 : vector<1x16xf32> to vector<16xf32>
      %swap3A_1168 = vector.shape_cast %mul3A_1163 : vector<16xf32> to vector<1x16xf32>
      tpu.vector_store %arg11[%swap3A_1164, %swap3A_1165], %swap3A_1168 {strides = array<i32>} : memref<320x128xf32, #tpu.memory_space<vmem>>, vector<1x16xf32>,
      %slice3A_1169 = vector.extract_strided_slice %get3A_43 {offsets = [12], sizes = [1], strides = [1]} : vector<16xf32> to vector<1xf32>
      %squeeze3A_1170 = vector.extract %slice3A_1169[0] : f32 from vector<1xf32>
      %mul3A_1171 = arith.constant 16 : i32
      %mul3A_1172 = arith.muli %scan3A_36, %mul3A_1171 : i32
      %add3A_1173 = arith.constant 12 : i32
      %add3A_1174 = arith.addi %mul3A_1172, %add3A_1173 : i32
      %get3A_1175 = arith.index_cast %add3A_1174 : i32 to index
      %get3A_1176 = arith.constant 0 : index
      %get3A_1177 = tpu.vector_load %arg11[%get3A_1175, %get3A_1176] {strides = array<i32>} : memref<320x128xf32, #tpu.memory_space<vmem>>, vector<1x16xf32>,
      %get3A_1178 = vector.shape_cast %get3A_1177 : vector<1x16xf32> to vector<16xf32>
      %mul3A_1179 = vector.broadcast %squeeze3A_1170 : f32 to vector<16xf32>
      %mul3A_1180 = arith.mulf %get3A_1178, %mul3A_1179 : vector<16xf32>
      %swap3A_1181 = arith.index_cast %add3A_1174 : i32 to index
      %swap3A_1182 = arith.constant 0 : index
      %swap3A_1183 = tpu.vector_load %arg11[%swap3A_1181, %swap3A_1182] {strides = array<i32>} : memref<320x128xf32, #tpu.memory_space<vmem>>, vector<1x16xf32>,
      %swap3A_1184 = vector.shape_cast %swap3A_1183 : vector<1x16xf32> to vector<16xf32>
      %swap3A_1185 = vector.shape_cast %mul3A_1180 : vector<16xf32> to vector<1x16xf32>
      tpu.vector_store %arg11[%swap3A_1181, %swap3A_1182], %swap3A_1185 {strides = array<i32>} : memref<320x128xf32, #tpu.memory_space<vmem>>, vector<1x16xf32>,
      %get3A_1186 = arith.index_cast %add3A_1174 : i32 to index
      %get3A_1187 = arith.constant 16 : index
      %get3A_1188 = tpu.vector_load %arg11[%get3A_1186, %get3A_1187] {strides = array<i32>} : memref<320x128xf32, #tpu.memory_space<vmem>>, vector<1x16xf32>,
      %get3A_1189 = vector.shape_cast %get3A_1188 : vector<1x16xf32> to vector<16xf32>
      %mul3A_1190 = vector.broadcast %squeeze3A_1170 : f32 to vector<16xf32>
      %mul3A_1191 = arith.mulf %get3A_1189, %mul3A_1190 : vector<16xf32>
      %swap3A_1192 = arith.index_cast %add3A_1174 : i32 to index
      %swap3A_1193 = arith.constant 16 : index
      %swap3A_1194 = tpu.vector_load %arg11[%swap3A_1192, %swap3A_1193] {strides = array<i32>} : memref<320x128xf32, #tpu.memory_space<vmem>>, vector<1x16xf32>,
      %swap3A_1195 = vector.shape_cast %swap3A_1194 : vector<1x16xf32> to vector<16xf32>
      %swap3A_1196 = vector.shape_cast %mul3A_1191 : vector<16xf32> to vector<1x16xf32>
      tpu.vector_store %arg11[%swap3A_1192, %swap3A_1193], %swap3A_1196 {strides = array<i32>} : memref<320x128xf32, #tpu.memory_space<vmem>>, vector<1x16xf32>,
      %get3A_1197 = arith.index_cast %add3A_1174 : i32 to index
      %get3A_1198 = arith.constant 32 : index
      %get3A_1199 = tpu.vector_load %arg11[%get3A_1197, %get3A_1198] {strides = array<i32>} : memref<320x128xf32, #tpu.memory_space<vmem>>, vector<1x16xf32>,
      %get3A_1200 = vector.shape_cast %get3A_1199 : vector<1x16xf32> to vector<16xf32>
      %mul3A_1201 = vector.broadcast %squeeze3A_1170 : f32 to vector<16xf32>
      %mul3A_1202 = arith.mulf %get3A_1200, %mul3A_1201 : vector<16xf32>
      %swap3A_1203 = arith.index_cast %add3A_1174 : i32 to index
      %swap3A_1204 = arith.constant 32 : index
      %swap3A_1205 = tpu.vector_load %arg11[%swap3A_1203, %swap3A_1204] {strides = array<i32>} : memref<320x128xf32, #tpu.memory_space<vmem>>, vector<1x16xf32>,
      %swap3A_1206 = vector.shape_cast %swap3A_1205 : vector<1x16xf32> to vector<16xf32>
      %swap3A_1207 = vector.shape_cast %mul3A_1202 : vector<16xf32> to vector<1x16xf32>
      tpu.vector_store %arg11[%swap3A_1203, %swap3A_1204], %swap3A_1207 {strides = array<i32>} : memref<320x128xf32, #tpu.memory_space<vmem>>, vector<1x16xf32>,
      %get3A_1208 = arith.index_cast %add3A_1174 : i32 to index
      %get3A_1209 = arith.constant 48 : index
      %get3A_1210 = tpu.vector_load %arg11[%get3A_1208, %get3A_1209] {strides = array<i32>} : memref<320x128xf32, #tpu.memory_space<vmem>>, vector<1x16xf32>,
      %get3A_1211 = vector.shape_cast %get3A_1210 : vector<1x16xf32> to vector<16xf32>
      %mul3A_1212 = vector.broadcast %squeeze3A_1170 : f32 to vector<16xf32>
      %mul3A_1213 = arith.mulf %get3A_1211, %mul3A_1212 : vector<16xf32>
      %swap3A_1214 = arith.index_cast %add3A_1174 : i32 to index
      %swap3A_1215 = arith.constant 48 : index
      %swap3A_1216 = tpu.vector_load %arg11[%swap3A_1214, %swap3A_1215] {strides = array<i32>} : memref<320x128xf32, #tpu.memory_space<vmem>>, vector<1x16xf32>,
      %swap3A_1217 = vector.shape_cast %swap3A_1216 : vector<1x16xf32> to vector<16xf32>
      %swap3A_1218 = vector.shape_cast %mul3A_1213 : vector<16xf32> to vector<1x16xf32>
      tpu.vector_store %arg11[%swap3A_1214, %swap3A_1215], %swap3A_1218 {strides = array<i32>} : memref<320x128xf32, #tpu.memory_space<vmem>>, vector<1x16xf32>,
      %get3A_1219 = arith.index_cast %add3A_1174 : i32 to index
      %get3A_1220 = arith.constant 64 : index
      %get3A_1221 = tpu.vector_load %arg11[%get3A_1219, %get3A_1220] {strides = array<i32>} : memref<320x128xf32, #tpu.memory_space<vmem>>, vector<1x16xf32>,
      %get3A_1222 = vector.shape_cast %get3A_1221 : vector<1x16xf32> to vector<16xf32>
      %mul3A_1223 = vector.broadcast %squeeze3A_1170 : f32 to vector<16xf32>
      %mul3A_1224 = arith.mulf %get3A_1222, %mul3A_1223 : vector<16xf32>
      %swap3A_1225 = arith.index_cast %add3A_1174 : i32 to index
      %swap3A_1226 = arith.constant 64 : index
      %swap3A_1227 = tpu.vector_load %arg11[%swap3A_1225, %swap3A_1226] {strides = array<i32>} : memref<320x128xf32, #tpu.memory_space<vmem>>, vector<1x16xf32>,
      %swap3A_1228 = vector.shape_cast %swap3A_1227 : vector<1x16xf32> to vector<16xf32>
      %swap3A_1229 = vector.shape_cast %mul3A_1224 : vector<16xf32> to vector<1x16xf32>
      tpu.vector_store %arg11[%swap3A_1225, %swap3A_1226], %swap3A_1229 {strides = array<i32>} : memref<320x128xf32, #tpu.memory_space<vmem>>, vector<1x16xf32>,
      %get3A_1230 = arith.index_cast %add3A_1174 : i32 to index
      %get3A_1231 = arith.constant 80 : index
      %get3A_1232 = tpu.vector_load %arg11[%get3A_1230, %get3A_1231] {strides = array<i32>} : memref<320x128xf32, #tpu.memory_space<vmem>>, vector<1x16xf32>,
      %get3A_1233 = vector.shape_cast %get3A_1232 : vector<1x16xf32> to vector<16xf32>
      %mul3A_1234 = vector.broadcast %squeeze3A_1170 : f32 to vector<16xf32>
      %mul3A_1235 = arith.mulf %get3A_1233, %mul3A_1234 : vector<16xf32>
      %swap3A_1236 = arith.index_cast %add3A_1174 : i32 to index
      %swap3A_1237 = arith.constant 80 : index
      %swap3A_1238 = tpu.vector_load %arg11[%swap3A_1236, %swap3A_1237] {strides = array<i32>} : memref<320x128xf32, #tpu.memory_space<vmem>>, vector<1x16xf32>,
      %swap3A_1239 = vector.shape_cast %swap3A_1238 : vector<1x16xf32> to vector<16xf32>
      %swap3A_1240 = vector.shape_cast %mul3A_1235 : vector<16xf32> to vector<1x16xf32>
      tpu.vector_store %arg11[%swap3A_1236, %swap3A_1237], %swap3A_1240 {strides = array<i32>} : memref<320x128xf32, #tpu.memory_space<vmem>>, vector<1x16xf32>,
      %get3A_1241 = arith.index_cast %add3A_1174 : i32 to index
      %get3A_1242 = arith.constant 96 : index
      %get3A_1243 = tpu.vector_load %arg11[%get3A_1241, %get3A_1242] {strides = array<i32>} : memref<320x128xf32, #tpu.memory_space<vmem>>, vector<1x16xf32>,
      %get3A_1244 = vector.shape_cast %get3A_1243 : vector<1x16xf32> to vector<16xf32>
      %mul3A_1245 = vector.broadcast %squeeze3A_1170 : f32 to vector<16xf32>
      %mul3A_1246 = arith.mulf %get3A_1244, %mul3A_1245 : vector<16xf32>
      %swap3A_1247 = arith.index_cast %add3A_1174 : i32 to index
      %swap3A_1248 = arith.constant 96 : index
      %swap3A_1249 = tpu.vector_load %arg11[%swap3A_1247, %swap3A_1248] {strides = array<i32>} : memref<320x128xf32, #tpu.memory_space<vmem>>, vector<1x16xf32>,
      %swap3A_1250 = vector.shape_cast %swap3A_1249 : vector<1x16xf32> to vector<16xf32>
      %swap3A_1251 = vector.shape_cast %mul3A_1246 : vector<16xf32> to vector<1x16xf32>
      tpu.vector_store %arg11[%swap3A_1247, %swap3A_1248], %swap3A_1251 {strides = array<i32>} : memref<320x128xf32, #tpu.memory_space<vmem>>, vector<1x16xf32>,
      %get3A_1252 = arith.index_cast %add3A_1174 : i32 to index
      %get3A_1253 = arith.constant 112 : index
      %get3A_1254 = tpu.vector_load %arg11[%get3A_1252, %get3A_1253] {strides = array<i32>} : memref<320x128xf32, #tpu.memory_space<vmem>>, vector<1x16xf32>,
      %get3A_1255 = vector.shape_cast %get3A_1254 : vector<1x16xf32> to vector<16xf32>
      %mul3A_1256 = vector.broadcast %squeeze3A_1170 : f32 to vector<16xf32>
      %mul3A_1257 = arith.mulf %get3A_1255, %mul3A_1256 : vector<16xf32>
      %swap3A_1258 = arith.index_cast %add3A_1174 : i32 to index
      %swap3A_1259 = arith.constant 112 : index
      %swap3A_1260 = tpu.vector_load %arg11[%swap3A_1258, %swap3A_1259] {strides = array<i32>} : memref<320x128xf32, #tpu.memory_space<vmem>>, vector<1x16xf32>,
      %swap3A_1261 = vector.shape_cast %swap3A_1260 : vector<1x16xf32> to vector<16xf32>
      %swap3A_1262 = vector.shape_cast %mul3A_1257 : vector<16xf32> to vector<1x16xf32>
      tpu.vector_store %arg11[%swap3A_1258, %swap3A_1259], %swap3A_1262 {strides = array<i32>} : memref<320x128xf32, #tpu.memory_space<vmem>>, vector<1x16xf32>,
      %slice3A_1263 = vector.extract_strided_slice %get3A_43 {offsets = [13], sizes = [1], strides = [1]} : vector<16xf32> to vector<1xf32>
      %squeeze3A_1264 = vector.extract %slice3A_1263[0] : f32 from vector<1xf32>
      %mul3A_1265 = arith.constant 16 : i32
      %mul3A_1266 = arith.muli %scan3A_36, %mul3A_1265 : i32
      %add3A_1267 = arith.constant 13 : i32
      %add3A_1268 = arith.addi %mul3A_1266, %add3A_1267 : i32
      %get3A_1269 = arith.index_cast %add3A_1268 : i32 to index
      %get3A_1270 = arith.constant 0 : index
      %get3A_1271 = tpu.vector_load %arg11[%get3A_1269, %get3A_1270] {strides = array<i32>} : memref<320x128xf32, #tpu.memory_space<vmem>>, vector<1x16xf32>,
      %get3A_1272 = vector.shape_cast %get3A_1271 : vector<1x16xf32> to vector<16xf32>
      %mul3A_1273 = vector.broadcast %squeeze3A_1264 : f32 to vector<16xf32>
      %mul3A_1274 = arith.mulf %get3A_1272, %mul3A_1273 : vector<16xf32>
      %swap3A_1275 = arith.index_cast %add3A_1268 : i32 to index
      %swap3A_1276 = arith.constant 0 : index
      %swap3A_1277 = tpu.vector_load %arg11[%swap3A_1275, %swap3A_1276] {strides = array<i32>} : memref<320x128xf32, #tpu.memory_space<vmem>>, vector<1x16xf32>,
      %swap3A_1278 = vector.shape_cast %swap3A_1277 : vector<1x16xf32> to vector<16xf32>
      %swap3A_1279 = vector.shape_cast %mul3A_1274 : vector<16xf32> to vector<1x16xf32>
      tpu.vector_store %arg11[%swap3A_1275, %swap3A_1276], %swap3A_1279 {strides = array<i32>} : memref<320x128xf32, #tpu.memory_space<vmem>>, vector<1x16xf32>,
      %get3A_1280 = arith.index_cast %add3A_1268 : i32 to index
      %get3A_1281 = arith.constant 16 : index
      %get3A_1282 = tpu.vector_load %arg11[%get3A_1280, %get3A_1281] {strides = array<i32>} : memref<320x128xf32, #tpu.memory_space<vmem>>, vector<1x16xf32>,
      %get3A_1283 = vector.shape_cast %get3A_1282 : vector<1x16xf32> to vector<16xf32>
      %mul3A_1284 = vector.broadcast %squeeze3A_1264 : f32 to vector<16xf32>
      %mul3A_1285 = arith.mulf %get3A_1283, %mul3A_1284 : vector<16xf32>
      %swap3A_1286 = arith.index_cast %add3A_1268 : i32 to index
      %swap3A_1287 = arith.constant 16 : index
      %swap3A_1288 = tpu.vector_load %arg11[%swap3A_1286, %swap3A_1287] {strides = array<i32>} : memref<320x128xf32, #tpu.memory_space<vmem>>, vector<1x16xf32>,
      %swap3A_1289 = vector.shape_cast %swap3A_1288 : vector<1x16xf32> to vector<16xf32>
      %swap3A_1290 = vector.shape_cast %mul3A_1285 : vector<16xf32> to vector<1x16xf32>
      tpu.vector_store %arg11[%swap3A_1286, %swap3A_1287], %swap3A_1290 {strides = array<i32>} : memref<320x128xf32, #tpu.memory_space<vmem>>, vector<1x16xf32>,
      %get3A_1291 = arith.index_cast %add3A_1268 : i32 to index
      %get3A_1292 = arith.constant 32 : index
      %get3A_1293 = tpu.vector_load %arg11[%get3A_1291, %get3A_1292] {strides = array<i32>} : memref<320x128xf32, #tpu.memory_space<vmem>>, vector<1x16xf32>,
      %get3A_1294 = vector.shape_cast %get3A_1293 : vector<1x16xf32> to vector<16xf32>
      %mul3A_1295 = vector.broadcast %squeeze3A_1264 : f32 to vector<16xf32>
      %mul3A_1296 = arith.mulf %get3A_1294, %mul3A_1295 : vector<16xf32>
      %swap3A_1297 = arith.index_cast %add3A_1268 : i32 to index
      %swap3A_1298 = arith.constant 32 : index
      %swap3A_1299 = tpu.vector_load %arg11[%swap3A_1297, %swap3A_1298] {strides = array<i32>} : memref<320x128xf32, #tpu.memory_space<vmem>>, vector<1x16xf32>,
      %swap3A_1300 = vector.shape_cast %swap3A_1299 : vector<1x16xf32> to vector<16xf32>
      %swap3A_1301 = vector.shape_cast %mul3A_1296 : vector<16xf32> to vector<1x16xf32>
      tpu.vector_store %arg11[%swap3A_1297, %swap3A_1298], %swap3A_1301 {strides = array<i32>} : memref<320x128xf32, #tpu.memory_space<vmem>>, vector<1x16xf32>,
      %get3A_1302 = arith.index_cast %add3A_1268 : i32 to index
      %get3A_1303 = arith.constant 48 : index
      %get3A_1304 = tpu.vector_load %arg11[%get3A_1302, %get3A_1303] {strides = array<i32>} : memref<320x128xf32, #tpu.memory_space<vmem>>, vector<1x16xf32>,
      %get3A_1305 = vector.shape_cast %get3A_1304 : vector<1x16xf32> to vector<16xf32>
      %mul3A_1306 = vector.broadcast %squeeze3A_1264 : f32 to vector<16xf32>
      %mul3A_1307 = arith.mulf %get3A_1305, %mul3A_1306 : vector<16xf32>
      %swap3A_1308 = arith.index_cast %add3A_1268 : i32 to index
      %swap3A_1309 = arith.constant 48 : index
      %swap3A_1310 = tpu.vector_load %arg11[%swap3A_1308, %swap3A_1309] {strides = array<i32>} : memref<320x128xf32, #tpu.memory_space<vmem>>, vector<1x16xf32>,
      %swap3A_1311 = vector.shape_cast %swap3A_1310 : vector<1x16xf32> to vector<16xf32>
      %swap3A_1312 = vector.shape_cast %mul3A_1307 : vector<16xf32> to vector<1x16xf32>
      tpu.vector_store %arg11[%swap3A_1308, %swap3A_1309], %swap3A_1312 {strides = array<i32>} : memref<320x128xf32, #tpu.memory_space<vmem>>, vector<1x16xf32>,
      %get3A_1313 = arith.index_cast %add3A_1268 : i32 to index
      %get3A_1314 = arith.constant 64 : index
      %get3A_1315 = tpu.vector_load %arg11[%get3A_1313, %get3A_1314] {strides = array<i32>} : memref<320x128xf32, #tpu.memory_space<vmem>>, vector<1x16xf32>,
      %get3A_1316 = vector.shape_cast %get3A_1315 : vector<1x16xf32> to vector<16xf32>
      %mul3A_1317 = vector.broadcast %squeeze3A_1264 : f32 to vector<16xf32>
      %mul3A_1318 = arith.mulf %get3A_1316, %mul3A_1317 : vector<16xf32>
      %swap3A_1319 = arith.index_cast %add3A_1268 : i32 to index
      %swap3A_1320 = arith.constant 64 : index
      %swap3A_1321 = tpu.vector_load %arg11[%swap3A_1319, %swap3A_1320] {strides = array<i32>} : memref<320x128xf32, #tpu.memory_space<vmem>>, vector<1x16xf32>,
      %swap3A_1322 = vector.shape_cast %swap3A_1321 : vector<1x16xf32> to vector<16xf32>
      %swap3A_1323 = vector.shape_cast %mul3A_1318 : vector<16xf32> to vector<1x16xf32>
      tpu.vector_store %arg11[%swap3A_1319, %swap3A_1320], %swap3A_1323 {strides = array<i32>} : memref<320x128xf32, #tpu.memory_space<vmem>>, vector<1x16xf32>,
      %get3A_1324 = arith.index_cast %add3A_1268 : i32 to index
      %get3A_1325 = arith.constant 80 : index
      %get3A_1326 = tpu.vector_load %arg11[%get3A_1324, %get3A_1325] {strides = array<i32>} : memref<320x128xf32, #tpu.memory_space<vmem>>, vector<1x16xf32>,
      %get3A_1327 = vector.shape_cast %get3A_1326 : vector<1x16xf32> to vector<16xf32>
      %mul3A_1328 = vector.broadcast %squeeze3A_1264 : f32 to vector<16xf32>
      %mul3A_1329 = arith.mulf %get3A_1327, %mul3A_1328 : vector<16xf32>
      %swap3A_1330 = arith.index_cast %add3A_1268 : i32 to index
      %swap3A_1331 = arith.constant 80 : index
      %swap3A_1332 = tpu.vector_load %arg11[%swap3A_1330, %swap3A_1331] {strides = array<i32>} : memref<320x128xf32, #tpu.memory_space<vmem>>, vector<1x16xf32>,
      %swap3A_1333 = vector.shape_cast %swap3A_1332 : vector<1x16xf32> to vector<16xf32>
      %swap3A_1334 = vector.shape_cast %mul3A_1329 : vector<16xf32> to vector<1x16xf32>
      tpu.vector_store %arg11[%swap3A_1330, %swap3A_1331], %swap3A_1334 {strides = array<i32>} : memref<320x128xf32, #tpu.memory_space<vmem>>, vector<1x16xf32>,
      %get3A_1335 = arith.index_cast %add3A_1268 : i32 to index
      %get3A_1336 = arith.constant 96 : index
      %get3A_1337 = tpu.vector_load %arg11[%get3A_1335, %get3A_1336] {strides = array<i32>} : memref<320x128xf32, #tpu.memory_space<vmem>>, vector<1x16xf32>,
      %get3A_1338 = vector.shape_cast %get3A_1337 : vector<1x16xf32> to vector<16xf32>
      %mul3A_1339 = vector.broadcast %squeeze3A_1264 : f32 to vector<16xf32>
      %mul3A_1340 = arith.mulf %get3A_1338, %mul3A_1339 : vector<16xf32>
      %swap3A_1341 = arith.index_cast %add3A_1268 : i32 to index
      %swap3A_1342 = arith.constant 96 : index
      %swap3A_1343 = tpu.vector_load %arg11[%swap3A_1341, %swap3A_1342] {strides = array<i32>} : memref<320x128xf32, #tpu.memory_space<vmem>>, vector<1x16xf32>,
      %swap3A_1344 = vector.shape_cast %swap3A_1343 : vector<1x16xf32> to vector<16xf32>
      %swap3A_1345 = vector.shape_cast %mul3A_1340 : vector<16xf32> to vector<1x16xf32>
      tpu.vector_store %arg11[%swap3A_1341, %swap3A_1342], %swap3A_1345 {strides = array<i32>} : memref<320x128xf32, #tpu.memory_space<vmem>>, vector<1x16xf32>,
      %get3A_1346 = arith.index_cast %add3A_1268 : i32 to index
      %get3A_1347 = arith.constant 112 : index
      %get3A_1348 = tpu.vector_load %arg11[%get3A_1346, %get3A_1347] {strides = array<i32>} : memref<320x128xf32, #tpu.memory_space<vmem>>, vector<1x16xf32>,
      %get3A_1349 = vector.shape_cast %get3A_1348 : vector<1x16xf32> to vector<16xf32>
      %mul3A_1350 = vector.broadcast %squeeze3A_1264 : f32 to vector<16xf32>
      %mul3A_1351 = arith.mulf %get3A_1349, %mul3A_1350 : vector<16xf32>
      %swap3A_1352 = arith.index_cast %add3A_1268 : i32 to index
      %swap3A_1353 = arith.constant 112 : index
      %swap3A_1354 = tpu.vector_load %arg11[%swap3A_1352, %swap3A_1353] {strides = array<i32>} : memref<320x128xf32, #tpu.memory_space<vmem>>, vector<1x16xf32>,
      %swap3A_1355 = vector.shape_cast %swap3A_1354 : vector<1x16xf32> to vector<16xf32>
      %swap3A_1356 = vector.shape_cast %mul3A_1351 : vector<16xf32> to vector<1x16xf32>
      tpu.vector_store %arg11[%swap3A_1352, %swap3A_1353], %swap3A_1356 {strides = array<i32>} : memref<320x128xf32, #tpu.memory_space<vmem>>, vector<1x16xf32>,
      %slice3A_1357 = vector.extract_strided_slice %get3A_43 {offsets = [14], sizes = [1], strides = [1]} : vector<16xf32> to vector<1xf32>
      %squeeze3A_1358 = vector.extract %slice3A_1357[0] : f32 from vector<1xf32>
      %mul3A_1359 = arith.constant 16 : i32
      %mul3A_1360 = arith.muli %scan3A_36, %mul3A_1359 : i32
      %add3A_1361 = arith.constant 14 : i32
      %add3A_1362 = arith.addi %mul3A_1360, %add3A_1361 : i32
      %get3A_1363 = arith.index_cast %add3A_1362 : i32 to index
      %get3A_1364 = arith.constant 0 : index
      %get3A_1365 = tpu.vector_load %arg11[%get3A_1363, %get3A_1364] {strides = array<i32>} : memref<320x128xf32, #tpu.memory_space<vmem>>, vector<1x16xf32>,
      %get3A_1366 = vector.shape_cast %get3A_1365 : vector<1x16xf32> to vector<16xf32>
      %mul3A_1367 = vector.broadcast %squeeze3A_1358 : f32 to vector<16xf32>
      %mul3A_1368 = arith.mulf %get3A_1366, %mul3A_1367 : vector<16xf32>
      %swap3A_1369 = arith.index_cast %add3A_1362 : i32 to index
      %swap3A_1370 = arith.constant 0 : index
      %swap3A_1371 = tpu.vector_load %arg11[%swap3A_1369, %swap3A_1370] {strides = array<i32>} : memref<320x128xf32, #tpu.memory_space<vmem>>, vector<1x16xf32>,
      %swap3A_1372 = vector.shape_cast %swap3A_1371 : vector<1x16xf32> to vector<16xf32>
      %swap3A_1373 = vector.shape_cast %mul3A_1368 : vector<16xf32> to vector<1x16xf32>
      tpu.vector_store %arg11[%swap3A_1369, %swap3A_1370], %swap3A_1373 {strides = array<i32>} : memref<320x128xf32, #tpu.memory_space<vmem>>, vector<1x16xf32>,
      %get3A_1374 = arith.index_cast %add3A_1362 : i32 to index
      %get3A_1375 = arith.constant 16 : index
      %get3A_1376 = tpu.vector_load %arg11[%get3A_1374, %get3A_1375] {strides = array<i32>} : memref<320x128xf32, #tpu.memory_space<vmem>>, vector<1x16xf32>,
      %get3A_1377 = vector.shape_cast %get3A_1376 : vector<1x16xf32> to vector<16xf32>
      %mul3A_1378 = vector.broadcast %squeeze3A_1358 : f32 to vector<16xf32>
      %mul3A_1379 = arith.mulf %get3A_1377, %mul3A_1378 : vector<16xf32>
      %swap3A_1380 = arith.index_cast %add3A_1362 : i32 to index
      %swap3A_1381 = arith.constant 16 : index
      %swap3A_1382 = tpu.vector_load %arg11[%swap3A_1380, %swap3A_1381] {strides = array<i32>} : memref<320x128xf32, #tpu.memory_space<vmem>>, vector<1x16xf32>,
      %swap3A_1383 = vector.shape_cast %swap3A_1382 : vector<1x16xf32> to vector<16xf32>
      %swap3A_1384 = vector.shape_cast %mul3A_1379 : vector<16xf32> to vector<1x16xf32>
      tpu.vector_store %arg11[%swap3A_1380, %swap3A_1381], %swap3A_1384 {strides = array<i32>} : memref<320x128xf32, #tpu.memory_space<vmem>>, vector<1x16xf32>,
      %get3A_1385 = arith.index_cast %add3A_1362 : i32 to index
      %get3A_1386 = arith.constant 32 : index
      %get3A_1387 = tpu.vector_load %arg11[%get3A_1385, %get3A_1386] {strides = array<i32>} : memref<320x128xf32, #tpu.memory_space<vmem>>, vector<1x16xf32>,
      %get3A_1388 = vector.shape_cast %get3A_1387 : vector<1x16xf32> to vector<16xf32>
      %mul3A_1389 = vector.broadcast %squeeze3A_1358 : f32 to vector<16xf32>
      %mul3A_1390 = arith.mulf %get3A_1388, %mul3A_1389 : vector<16xf32>
      %swap3A_1391 = arith.index_cast %add3A_1362 : i32 to index
      %swap3A_1392 = arith.constant 32 : index
      %swap3A_1393 = tpu.vector_load %arg11[%swap3A_1391, %swap3A_1392] {strides = array<i32>} : memref<320x128xf32, #tpu.memory_space<vmem>>, vector<1x16xf32>,
      %swap3A_1394 = vector.shape_cast %swap3A_1393 : vector<1x16xf32> to vector<16xf32>
      %swap3A_1395 = vector.shape_cast %mul3A_1390 : vector<16xf32> to vector<1x16xf32>
      tpu.vector_store %arg11[%swap3A_1391, %swap3A_1392], %swap3A_1395 {strides = array<i32>} : memref<320x128xf32, #tpu.memory_space<vmem>>, vector<1x16xf32>,
      %get3A_1396 = arith.index_cast %add3A_1362 : i32 to index
      %get3A_1397 = arith.constant 48 : index
      %get3A_1398 = tpu.vector_load %arg11[%get3A_1396, %get3A_1397] {strides = array<i32>} : memref<320x128xf32, #tpu.memory_space<vmem>>, vector<1x16xf32>,
      %get3A_1399 = vector.shape_cast %get3A_1398 : vector<1x16xf32> to vector<16xf32>
      %mul3A_1400 = vector.broadcast %squeeze3A_1358 : f32 to vector<16xf32>
      %mul3A_1401 = arith.mulf %get3A_1399, %mul3A_1400 : vector<16xf32>
      %swap3A_1402 = arith.index_cast %add3A_1362 : i32 to index
      %swap3A_1403 = arith.constant 48 : index
      %swap3A_1404 = tpu.vector_load %arg11[%swap3A_1402, %swap3A_1403] {strides = array<i32>} : memref<320x128xf32, #tpu.memory_space<vmem>>, vector<1x16xf32>,
      %swap3A_1405 = vector.shape_cast %swap3A_1404 : vector<1x16xf32> to vector<16xf32>
      %swap3A_1406 = vector.shape_cast %mul3A_1401 : vector<16xf32> to vector<1x16xf32>
      tpu.vector_store %arg11[%swap3A_1402, %swap3A_1403], %swap3A_1406 {strides = array<i32>} : memref<320x128xf32, #tpu.memory_space<vmem>>, vector<1x16xf32>,
      %get3A_1407 = arith.index_cast %add3A_1362 : i32 to index
      %get3A_1408 = arith.constant 64 : index
      %get3A_1409 = tpu.vector_load %arg11[%get3A_1407, %get3A_1408] {strides = array<i32>} : memref<320x128xf32, #tpu.memory_space<vmem>>, vector<1x16xf32>,
      %get3A_1410 = vector.shape_cast %get3A_1409 : vector<1x16xf32> to vector<16xf32>
      %mul3A_1411 = vector.broadcast %squeeze3A_1358 : f32 to vector<16xf32>
      %mul3A_1412 = arith.mulf %get3A_1410, %mul3A_1411 : vector<16xf32>
      %swap3A_1413 = arith.index_cast %add3A_1362 : i32 to index
      %swap3A_1414 = arith.constant 64 : index
      %swap3A_1415 = tpu.vector_load %arg11[%swap3A_1413, %swap3A_1414] {strides = array<i32>} : memref<320x128xf32, #tpu.memory_space<vmem>>, vector<1x16xf32>,
      %swap3A_1416 = vector.shape_cast %swap3A_1415 : vector<1x16xf32> to vector<16xf32>
      %swap3A_1417 = vector.shape_cast %mul3A_1412 : vector<16xf32> to vector<1x16xf32>
      tpu.vector_store %arg11[%swap3A_1413, %swap3A_1414], %swap3A_1417 {strides = array<i32>} : memref<320x128xf32, #tpu.memory_space<vmem>>, vector<1x16xf32>,
      %get3A_1418 = arith.index_cast %add3A_1362 : i32 to index
      %get3A_1419 = arith.constant 80 : index
      %get3A_1420 = tpu.vector_load %arg11[%get3A_1418, %get3A_1419] {strides = array<i32>} : memref<320x128xf32, #tpu.memory_space<vmem>>, vector<1x16xf32>,
      %get3A_1421 = vector.shape_cast %get3A_1420 : vector<1x16xf32> to vector<16xf32>
      %mul3A_1422 = vector.broadcast %squeeze3A_1358 : f32 to vector<16xf32>
      %mul3A_1423 = arith.mulf %get3A_1421, %mul3A_1422 : vector<16xf32>
      %swap3A_1424 = arith.index_cast %add3A_1362 : i32 to index
      %swap3A_1425 = arith.constant 80 : index
      %swap3A_1426 = tpu.vector_load %arg11[%swap3A_1424, %swap3A_1425] {strides = array<i32>} : memref<320x128xf32, #tpu.memory_space<vmem>>, vector<1x16xf32>,
      %swap3A_1427 = vector.shape_cast %swap3A_1426 : vector<1x16xf32> to vector<16xf32>
      %swap3A_1428 = vector.shape_cast %mul3A_1423 : vector<16xf32> to vector<1x16xf32>
      tpu.vector_store %arg11[%swap3A_1424, %swap3A_1425], %swap3A_1428 {strides = array<i32>} : memref<320x128xf32, #tpu.memory_space<vmem>>, vector<1x16xf32>,
      %get3A_1429 = arith.index_cast %add3A_1362 : i32 to index
      %get3A_1430 = arith.constant 96 : index
      %get3A_1431 = tpu.vector_load %arg11[%get3A_1429, %get3A_1430] {strides = array<i32>} : memref<320x128xf32, #tpu.memory_space<vmem>>, vector<1x16xf32>,
      %get3A_1432 = vector.shape_cast %get3A_1431 : vector<1x16xf32> to vector<16xf32>
      %mul3A_1433 = vector.broadcast %squeeze3A_1358 : f32 to vector<16xf32>
      %mul3A_1434 = arith.mulf %get3A_1432, %mul3A_1433 : vector<16xf32>
      %swap3A_1435 = arith.index_cast %add3A_1362 : i32 to index
      %swap3A_1436 = arith.constant 96 : index
      %swap3A_1437 = tpu.vector_load %arg11[%swap3A_1435, %swap3A_1436] {strides = array<i32>} : memref<320x128xf32, #tpu.memory_space<vmem>>, vector<1x16xf32>,
      %swap3A_1438 = vector.shape_cast %swap3A_1437 : vector<1x16xf32> to vector<16xf32>
      %swap3A_1439 = vector.shape_cast %mul3A_1434 : vector<16xf32> to vector<1x16xf32>
      tpu.vector_store %arg11[%swap3A_1435, %swap3A_1436], %swap3A_1439 {strides = array<i32>} : memref<320x128xf32, #tpu.memory_space<vmem>>, vector<1x16xf32>,
      %get3A_1440 = arith.index_cast %add3A_1362 : i32 to index
      %get3A_1441 = arith.constant 112 : index
      %get3A_1442 = tpu.vector_load %arg11[%get3A_1440, %get3A_1441] {strides = array<i32>} : memref<320x128xf32, #tpu.memory_space<vmem>>, vector<1x16xf32>,
      %get3A_1443 = vector.shape_cast %get3A_1442 : vector<1x16xf32> to vector<16xf32>
      %mul3A_1444 = vector.broadcast %squeeze3A_1358 : f32 to vector<16xf32>
      %mul3A_1445 = arith.mulf %get3A_1443, %mul3A_1444 : vector<16xf32>
      %swap3A_1446 = arith.index_cast %add3A_1362 : i32 to index
      %swap3A_1447 = arith.constant 112 : index
      %swap3A_1448 = tpu.vector_load %arg11[%swap3A_1446, %swap3A_1447] {strides = array<i32>} : memref<320x128xf32, #tpu.memory_space<vmem>>, vector<1x16xf32>,
      %swap3A_1449 = vector.shape_cast %swap3A_1448 : vector<1x16xf32> to vector<16xf32>
      %swap3A_1450 = vector.shape_cast %mul3A_1445 : vector<16xf32> to vector<1x16xf32>
      tpu.vector_store %arg11[%swap3A_1446, %swap3A_1447], %swap3A_1450 {strides = array<i32>} : memref<320x128xf32, #tpu.memory_space<vmem>>, vector<1x16xf32>,
      %slice3A_1451 = vector.extract_strided_slice %get3A_43 {offsets = [15], sizes = [1], strides = [1]} : vector<16xf32> to vector<1xf32>
      %squeeze3A_1452 = vector.extract %slice3A_1451[0] : f32 from vector<1xf32>
      %mul3A_1453 = arith.constant 16 : i32
      %mul3A_1454 = arith.muli %scan3A_36, %mul3A_1453 : i32
      %add3A_1455 = arith.constant 15 : i32
      %add3A_1456 = arith.addi %mul3A_1454, %add3A_1455 : i32
      %get3A_1457 = arith.index_cast %add3A_1456 : i32 to index
      %get3A_1458 = arith.constant 0 : index
      %get3A_1459 = tpu.vector_load %arg11[%get3A_1457, %get3A_1458] {strides = array<i32>} : memref<320x128xf32, #tpu.memory_space<vmem>>, vector<1x16xf32>,
      %get3A_1460 = vector.shape_cast %get3A_1459 : vector<1x16xf32> to vector<16xf32>
      %mul3A_1461 = vector.broadcast %squeeze3A_1452 : f32 to vector<16xf32>
      %mul3A_1462 = arith.mulf %get3A_1460, %mul3A_1461 : vector<16xf32>
      %swap3A_1463 = arith.index_cast %add3A_1456 : i32 to index
      %swap3A_1464 = arith.constant 0 : index
      %swap3A_1465 = tpu.vector_load %arg11[%swap3A_1463, %swap3A_1464] {strides = array<i32>} : memref<320x128xf32, #tpu.memory_space<vmem>>, vector<1x16xf32>,
      %swap3A_1466 = vector.shape_cast %swap3A_1465 : vector<1x16xf32> to vector<16xf32>
      %swap3A_1467 = vector.shape_cast %mul3A_1462 : vector<16xf32> to vector<1x16xf32>
      tpu.vector_store %arg11[%swap3A_1463, %swap3A_1464], %swap3A_1467 {strides = array<i32>} : memref<320x128xf32, #tpu.memory_space<vmem>>, vector<1x16xf32>,
      %get3A_1468 = arith.index_cast %add3A_1456 : i32 to index
      %get3A_1469 = arith.constant 16 : index
      %get3A_1470 = tpu.vector_load %arg11[%get3A_1468, %get3A_1469] {strides = array<i32>} : memref<320x128xf32, #tpu.memory_space<vmem>>, vector<1x16xf32>,
      %get3A_1471 = vector.shape_cast %get3A_1470 : vector<1x16xf32> to vector<16xf32>
      %mul3A_1472 = vector.broadcast %squeeze3A_1452 : f32 to vector<16xf32>
      %mul3A_1473 = arith.mulf %get3A_1471, %mul3A_1472 : vector<16xf32>
      %swap3A_1474 = arith.index_cast %add3A_1456 : i32 to index
      %swap3A_1475 = arith.constant 16 : index
      %swap3A_1476 = tpu.vector_load %arg11[%swap3A_1474, %swap3A_1475] {strides = array<i32>} : memref<320x128xf32, #tpu.memory_space<vmem>>, vector<1x16xf32>,
      %swap3A_1477 = vector.shape_cast %swap3A_1476 : vector<1x16xf32> to vector<16xf32>
      %swap3A_1478 = vector.shape_cast %mul3A_1473 : vector<16xf32> to vector<1x16xf32>
      tpu.vector_store %arg11[%swap3A_1474, %swap3A_1475], %swap3A_1478 {strides = array<i32>} : memref<320x128xf32, #tpu.memory_space<vmem>>, vector<1x16xf32>,
      %get3A_1479 = arith.index_cast %add3A_1456 : i32 to index
      %get3A_1480 = arith.constant 32 : index
      %get3A_1481 = tpu.vector_load %arg11[%get3A_1479, %get3A_1480] {strides = array<i32>} : memref<320x128xf32, #tpu.memory_space<vmem>>, vector<1x16xf32>,
      %get3A_1482 = vector.shape_cast %get3A_1481 : vector<1x16xf32> to vector<16xf32>
      %mul3A_1483 = vector.broadcast %squeeze3A_1452 : f32 to vector<16xf32>
      %mul3A_1484 = arith.mulf %get3A_1482, %mul3A_1483 : vector<16xf32>
      %swap3A_1485 = arith.index_cast %add3A_1456 : i32 to index
      %swap3A_1486 = arith.constant 32 : index
      %swap3A_1487 = tpu.vector_load %arg11[%swap3A_1485, %swap3A_1486] {strides = array<i32>} : memref<320x128xf32, #tpu.memory_space<vmem>>, vector<1x16xf32>,
      %swap3A_1488 = vector.shape_cast %swap3A_1487 : vector<1x16xf32> to vector<16xf32>
      %swap3A_1489 = vector.shape_cast %mul3A_1484 : vector<16xf32> to vector<1x16xf32>
      tpu.vector_store %arg11[%swap3A_1485, %swap3A_1486], %swap3A_1489 {strides = array<i32>} : memref<320x128xf32, #tpu.memory_space<vmem>>, vector<1x16xf32>,
      %get3A_1490 = arith.index_cast %add3A_1456 : i32 to index
      %get3A_1491 = arith.constant 48 : index
      %get3A_1492 = tpu.vector_load %arg11[%get3A_1490, %get3A_1491] {strides = array<i32>} : memref<320x128xf32, #tpu.memory_space<vmem>>, vector<1x16xf32>,
      %get3A_1493 = vector.shape_cast %get3A_1492 : vector<1x16xf32> to vector<16xf32>
      %mul3A_1494 = vector.broadcast %squeeze3A_1452 : f32 to vector<16xf32>
      %mul3A_1495 = arith.mulf %get3A_1493, %mul3A_1494 : vector<16xf32>
      %swap3A_1496 = arith.index_cast %add3A_1456 : i32 to index
      %swap3A_1497 = arith.constant 48 : index
      %swap3A_1498 = tpu.vector_load %arg11[%swap3A_1496, %swap3A_1497] {strides = array<i32>} : memref<320x128xf32, #tpu.memory_space<vmem>>, vector<1x16xf32>,
      %swap3A_1499 = vector.shape_cast %swap3A_1498 : vector<1x16xf32> to vector<16xf32>
      %swap3A_1500 = vector.shape_cast %mul3A_1495 : vector<16xf32> to vector<1x16xf32>
      tpu.vector_store %arg11[%swap3A_1496, %swap3A_1497], %swap3A_1500 {strides = array<i32>} : memref<320x128xf32, #tpu.memory_space<vmem>>, vector<1x16xf32>,
      %get3A_1501 = arith.index_cast %add3A_1456 : i32 to index
      %get3A_1502 = arith.constant 64 : index
      %get3A_1503 = tpu.vector_load %arg11[%get3A_1501, %get3A_1502] {strides = array<i32>} : memref<320x128xf32, #tpu.memory_space<vmem>>, vector<1x16xf32>,
      %get3A_1504 = vector.shape_cast %get3A_1503 : vector<1x16xf32> to vector<16xf32>
      %mul3A_1505 = vector.broadcast %squeeze3A_1452 : f32 to vector<16xf32>
      %mul3A_1506 = arith.mulf %get3A_1504, %mul3A_1505 : vector<16xf32>
      %swap3A_1507 = arith.index_cast %add3A_1456 : i32 to index
      %swap3A_1508 = arith.constant 64 : index
      %swap3A_1509 = tpu.vector_load %arg11[%swap3A_1507, %swap3A_1508] {strides = array<i32>} : memref<320x128xf32, #tpu.memory_space<vmem>>, vector<1x16xf32>,
      %swap3A_1510 = vector.shape_cast %swap3A_1509 : vector<1x16xf32> to vector<16xf32>
      %swap3A_1511 = vector.shape_cast %mul3A_1506 : vector<16xf32> to vector<1x16xf32>
      tpu.vector_store %arg11[%swap3A_1507, %swap3A_1508], %swap3A_1511 {strides = array<i32>} : memref<320x128xf32, #tpu.memory_space<vmem>>, vector<1x16xf32>,
      %get3A_1512 = arith.index_cast %add3A_1456 : i32 to index
      %get3A_1513 = arith.constant 80 : index
      %get3A_1514 = tpu.vector_load %arg11[%get3A_1512, %get3A_1513] {strides = array<i32>} : memref<320x128xf32, #tpu.memory_space<vmem>>, vector<1x16xf32>,
      %get3A_1515 = vector.shape_cast %get3A_1514 : vector<1x16xf32> to vector<16xf32>
      %mul3A_1516 = vector.broadcast %squeeze3A_1452 : f32 to vector<16xf32>
      %mul3A_1517 = arith.mulf %get3A_1515, %mul3A_1516 : vector<16xf32>
      %swap3A_1518 = arith.index_cast %add3A_1456 : i32 to index
      %swap3A_1519 = arith.constant 80 : index
      %swap3A_1520 = tpu.vector_load %arg11[%swap3A_1518, %swap3A_1519] {strides = array<i32>} : memref<320x128xf32, #tpu.memory_space<vmem>>, vector<1x16xf32>,
      %swap3A_1521 = vector.shape_cast %swap3A_1520 : vector<1x16xf32> to vector<16xf32>
      %swap3A_1522 = vector.shape_cast %mul3A_1517 : vector<16xf32> to vector<1x16xf32>
      tpu.vector_store %arg11[%swap3A_1518, %swap3A_1519], %swap3A_1522 {strides = array<i32>} : memref<320x128xf32, #tpu.memory_space<vmem>>, vector<1x16xf32>,
      %get3A_1523 = arith.index_cast %add3A_1456 : i32 to index
      %get3A_1524 = arith.constant 96 : index
      %get3A_1525 = tpu.vector_load %arg11[%get3A_1523, %get3A_1524] {strides = array<i32>} : memref<320x128xf32, #tpu.memory_space<vmem>>, vector<1x16xf32>,
      %get3A_1526 = vector.shape_cast %get3A_1525 : vector<1x16xf32> to vector<16xf32>
      %mul3A_1527 = vector.broadcast %squeeze3A_1452 : f32 to vector<16xf32>
      %mul3A_1528 = arith.mulf %get3A_1526, %mul3A_1527 : vector<16xf32>
      %swap3A_1529 = arith.index_cast %add3A_1456 : i32 to index
      %swap3A_1530 = arith.constant 96 : index
      %swap3A_1531 = tpu.vector_load %arg11[%swap3A_1529, %swap3A_1530] {strides = array<i32>} : memref<320x128xf32, #tpu.memory_space<vmem>>, vector<1x16xf32>,
      %swap3A_1532 = vector.shape_cast %swap3A_1531 : vector<1x16xf32> to vector<16xf32>
      %swap3A_1533 = vector.shape_cast %mul3A_1528 : vector<16xf32> to vector<1x16xf32>
      tpu.vector_store %arg11[%swap3A_1529, %swap3A_1530], %swap3A_1533 {strides = array<i32>} : memref<320x128xf32, #tpu.memory_space<vmem>>, vector<1x16xf32>,
      %get3A_1534 = arith.index_cast %add3A_1456 : i32 to index
      %get3A_1535 = arith.constant 112 : index
      %get3A_1536 = tpu.vector_load %arg11[%get3A_1534, %get3A_1535] {strides = array<i32>} : memref<320x128xf32, #tpu.memory_space<vmem>>, vector<1x16xf32>,
      %get3A_1537 = vector.shape_cast %get3A_1536 : vector<1x16xf32> to vector<16xf32>
      %mul3A_1538 = vector.broadcast %squeeze3A_1452 : f32 to vector<16xf32>
      %mul3A_1539 = arith.mulf %get3A_1537, %mul3A_1538 : vector<16xf32>
      %swap3A_1540 = arith.index_cast %add3A_1456 : i32 to index
      %swap3A_1541 = arith.constant 112 : index
      %swap3A_1542 = tpu.vector_load %arg11[%swap3A_1540, %swap3A_1541] {strides = array<i32>} : memref<320x128xf32, #tpu.memory_space<vmem>>, vector<1x16xf32>,
      %swap3A_1543 = vector.shape_cast %swap3A_1542 : vector<1x16xf32> to vector<16xf32>
      %swap3A_1544 = vector.shape_cast %mul3A_1539 : vector<16xf32> to vector<1x16xf32>
      tpu.vector_store %arg11[%swap3A_1540, %swap3A_1541], %swap3A_1544 {strides = array<i32>} : memref<320x128xf32, #tpu.memory_space<vmem>>, vector<1x16xf32>,
    }
    %scan3A_35 = arith.constant 20 : i32
    "tpu.region"() ({
      %run_scoped3A = tpu.sem_alloc : memref<!tpu.dma_semaphore, #tpu.memory_space<semaphore_mem>>
      %dma_start3A = arith.constant 0 : i32
      %dma_start3A_36 = tpu.memref_slice %arg4[%mul3A_30, %dma_start3A] : memref<10240x128xf32, #tpu.memory_space<hbm>> -> memref<320x128xf32, #tpu.memory_space<hbm>>
      %dma_start3A_37 = arith.constant 0 : i32
      %dma_start3A_38 = tpu.memref_slice %arg4[%mul3A_30, %dma_start3A_37] : memref<10240x128xf32, #tpu.memory_space<hbm>> -> memref<320x128xf32, #tpu.memory_space<hbm>>
      tpu.enqueue_dma source(%arg11 : memref<320x128xf32, #tpu.memory_space<vmem>>) target(%dma_start3A_38 : memref<320x128xf32, #tpu.memory_space<hbm>>) target_semaphore(%run_scoped3A : memref<!tpu.dma_semaphore, #tpu.memory_space<semaphore_mem>>)
      %dma_wait3A = arith.constant 0 : i32
      %dma_wait3A_39 = tpu.memref_slice %arg4[%mul3A_30, %dma_wait3A] : memref<10240x128xf32, #tpu.memory_space<hbm>> -> memref<320x128xf32, #tpu.memory_space<hbm>>
      %dma_wait3A_40 = arith.constant 0 : i32
      %dma_wait3A_41 = tpu.memref_slice %arg4[%mul3A_30, %dma_wait3A_40] : memref<10240x128xf32, #tpu.memory_space<hbm>> -> memref<320x128xf32, #tpu.memory_space<hbm>>
      tpu.wait_dma2 semaphore(%run_scoped3A : memref<!tpu.dma_semaphore, #tpu.memory_space<semaphore_mem>>) src(%arg11 : memref<320x128xf32, #tpu.memory_space<vmem>>) dst(%dma_wait3A_41 : memref<320x128xf32, #tpu.memory_space<hbm>>)
      tpu.yield
    }) : () -> ()
    return
  }
}

module attributes {stable_mosaic.version = 14 : i64} {
  func.func @_combine_body(%arg0: i32, %arg1: memref<1024x128xf32, #tpu.memory_space<vmem>>, %arg2: memref<1024x128xf32, #tpu.memory_space<vmem>>, %arg3: memref<1024x128xf32, #tpu.memory_space<vmem>>, %arg4: memref<1024x1xf32, #tpu.memory_space<vmem>>, %arg5: memref<128x128xf32, #tpu.memory_space<vmem>>, %arg6: memref<1x128xf32, #tpu.memory_space<vmem>>, %arg7: memref<1024x128xf32, #tpu.memory_space<vmem>>) attributes {dimension_semantics = [#tpu.dimension_semantics<arbitrary>], iteration_bounds = array<i64: 10>, scalar_prefetch = 0 : i64, scratch_operands = 0 : i64, tpu.core_type = #tpu.core_type<tc>, window_params = [{transform_indices = @transform_0, window_bounds = array<i64: 1024, 128>}, {transform_indices = @transform_1, window_bounds = array<i64: 1024, 128>}, {transform_indices = @transform_2, window_bounds = array<i64: 1024, 128>}, {transform_indices = @transform_3, window_bounds = array<i64: 1024, 1>}, {pipeline_mode = #tpu.pipeline_mode<synchronous>, transform_indices = @transform_4, window_bounds = array<i64: 128, 128>}, {pipeline_mode = #tpu.pipeline_mode<synchronous>, transform_indices = @transform_5, window_bounds = array<i64: 1, 128>}, {transform_indices = @transform_6, window_bounds = array<i64: 1024, 128>}]} {
    %get3A = arith.constant 0 : index
    %get3A_0 = arith.constant 0 : index
    %get3A_1 = vector.load %arg4[%get3A, %get3A_0] : memref<1024x1xf32, #tpu.memory_space<vmem>>, vector<1024x1xf32>
    %get3A_2 = arith.constant 0 : index
    %get3A_3 = arith.constant 0 : index
    %get3A_4 = vector.load %arg2[%get3A_2, %get3A_3] : memref<1024x128xf32, #tpu.memory_space<vmem>>, vector<1024x128xf32>
    %get3A_5 = arith.constant 0 : index
    %get3A_6 = arith.constant 0 : index
    %get3A_7 = vector.load %arg3[%get3A_5, %get3A_6] : memref<1024x128xf32, #tpu.memory_space<vmem>>, vector<1024x128xf32>
    %add3A = arith.addf %get3A_4, %get3A_7 : vector<1024x128xf32>
    %mul3A = vector.broadcast %get3A_1 : vector<1024x1xf32> to vector<1024x128xf32>
    %mul3A_8 = arith.mulf %add3A, %mul3A : vector<1024x128xf32>
    %mul3A_9 = arith.mulf %get3A_1, %get3A_1 : vector<1024x1xf32>
    %get3A_10 = arith.constant 0 : index
    %get3A_11 = arith.constant 0 : index
    %get3A_12 = vector.load %arg1[%get3A_10, %get3A_11] : memref<1024x128xf32, #tpu.memory_space<vmem>>, vector<1024x128xf32>
    %mul3A_13 = vector.broadcast %mul3A_9 : vector<1024x1xf32> to vector<1024x128xf32>
    %mul3A_14 = arith.mulf %mul3A_13, %get3A_12 : vector<1024x128xf32>
    %add3A_15 = arith.addf %mul3A_8, %mul3A_14 : vector<1024x128xf32>
    %get3A_16 = arith.constant 0 : index
    %get3A_17 = arith.constant 0 : index
    %get3A_18 = vector.load %arg5[%get3A_16, %get3A_17] : memref<128x128xf32, #tpu.memory_space<vmem>>, vector<128x128xf32>
    %dot_general3A = arith.constant dense<0.000000e+00> : vector<1024x128xf32>
    %dot_general3A_19 = tpu.matmul %add3A_15, %get3A_18, %dot_general3A {dimension_numbers = #tpu.dot_dimension_numbers<[1], [1], [0], [0], [0, 0, 1, 0], [], []>, transpose_lhs_hint = false} : vector<1024x128xf32>, vector<128x128xf32>, vector<1024x128xf32> -> vector<1024x128xf32>
    %get3A_20 = arith.constant 0 : index
    %get3A_21 = arith.constant 0 : index
    %get3A_22 = vector.load %arg6[%get3A_20, %get3A_21] : memref<1x128xf32, #tpu.memory_space<vmem>>, vector<1x128xf32>
    %add3A_23 = vector.broadcast %get3A_22 : vector<1x128xf32> to vector<1024x128xf32>
    %add3A_24 = arith.addf %dot_general3A_19, %add3A_23 : vector<1024x128xf32>
    %swap3A = arith.constant 0 : index
    %swap3A_25 = arith.constant 0 : index
    %swap3A_26 = vector.load %arg7[%swap3A, %swap3A_25] : memref<1024x128xf32, #tpu.memory_space<vmem>>, vector<1024x128xf32>
    tpu.vector_store %arg7[%swap3A, %swap3A_25], %add3A_24 {strides = array<i32>} : memref<1024x128xf32, #tpu.memory_space<vmem>>, vector<1024x128xf32>,
    return
  }
  func.func @transform_0(%arg0: i32) -> (i32, i32) {
    %c0_i32 = arith.constant 0 : i32
    %c0_i32_0 = arith.constant 0 : i32
    return %arg0, %c0_i32 : i32, i32
  }
  func.func @transform_1(%arg0: i32) -> (i32, i32) {
    %c0_i32 = arith.constant 0 : i32
    %c0_i32_0 = arith.constant 0 : i32
    return %arg0, %c0_i32 : i32, i32
  }
  func.func @transform_2(%arg0: i32) -> (i32, i32) {
    %c0_i32 = arith.constant 0 : i32
    %c0_i32_0 = arith.constant 0 : i32
    return %arg0, %c0_i32 : i32, i32
  }
  func.func @transform_3(%arg0: i32) -> (i32, i32) {
    %c0_i32 = arith.constant 0 : i32
    %c0_i32_0 = arith.constant 0 : i32
    return %arg0, %c0_i32 : i32, i32
  }
  func.func @transform_4(%arg0: i32) -> (i32, i32) {
    %c0_i32 = arith.constant 0 : i32
    %c0_i32_0 = arith.constant 0 : i32
    %c0_i32_1 = arith.constant 0 : i32
    return %c0_i32, %c0_i32_0 : i32, i32
  }
  func.func @transform_5(%arg0: i32) -> (i32, i32) {
    %c0_i32 = arith.constant 0 : i32
    %c0_i32_0 = arith.constant 0 : i32
    %c0_i32_1 = arith.constant 0 : i32
    return %c0_i32, %c0_i32_0 : i32, i32
  }
  func.func @transform_6(%arg0: i32) -> (i32, i32) {
    %c0_i32 = arith.constant 0 : i32
    %c0_i32_0 = arith.constant 0 : i32
    return %arg0, %c0_i32 : i32, i32
  }
}

</mosaic_0001>

<sc_bundles>
// kernel: kernel.5.cloned.1.call-start
scs
__scs_entry_jumppad:
0x0: {  	(pc) =	sbr.rel $0x88, $3  }
0x1: {  	(tag) =	ssettag $0x0;
	lr =	simm.s32 $0x1  }
0x2: {  	[smem:$0x3F9D] =	sst lr;
	_ =	strace $0xD0000000  }
0x3: {  	_ = 	snop  }
0x4: {  	_ = 	snop  }
0x5: {  	_ = 	snop  }
0x6: {  	_ = 	snop  }
0x7: {  	_ = 	snop  }
__scs_overlays_trampoline_lowered:
0x8: {  	[smem:$0x3FAC] =	sst s0  }
0x9: {  	[smem:$0x3FAD] =	sst s1  }
0xa: {  	[smem:$0x3FAE] =	sst s2  }
0xb: {  	[smem:$0x3FAF] =	sst s3  }
0xc: {  	[smem:$0x3FB0] =	sst s4  }
0xd: {  	[smem:$0x3FB1] =	sst s5  }
0xe: {  	[smem:$0x3FB2] =	sst s6  }
0xf: {  	[smem:$0x3FB3] =	sst s7  }
0x10: {  	[smem:$0x3FB4] =	sst s8  }
0x11: {  	[smem:$0x3FB5] =	sst s9;
	s0 =	simm.s32 @!p0 $0x0  }
0x12: {  	s1 =	sld [smem:$0x3F9B];
	s0 =	simm.s32 @p0 $0x1  }
0x13: {  	[smem:$0x3FB6] =	sst s0;
	s0 =	simm.s32 @!p1 $0x0  }
0x14: {  	s2 =	sld [smem:$0x3F9A];
	s0 =	simm.s32 @p1 $0x1  }
0x15: {  	[smem:$0x3FB7] =	sst s0;
	s0 =	simm.s32 @!p2 $0x0  }
0x16: {  	s3 =	sld [smem:$0x3FDB];
	s0 =	simm.s32 @p2 $0x1  }
0x17: {  	s4 =	simm.s32 $0x1BF5;
	[smem:$0x3FB9] =	sst s0  }
0x18: {  	s0 =	sld [smem:$0x3F9C];
	_ =	swait.ge [sflag:s4], $0x0  }
0x19: {  	s7 =	sld [smem:$0x3F9D]  }
0x1a: {  	s8 =	sadd.s32 $0xFFFFE003, lr  }
0x1b: {  	s9 =	sadd.s32 $0xFFFFFEF7, lr;
	s5 =	simm.s32 $0xFFFFFFFF;
	p2 =	slt.u32 s8, $0xFFFFF086  }
0x1c: {  	p1 =	slt.u32 s9, $0xF7A;
	s5 =	simm.s32 @!p2 $0x0  }
0x1d: {  	s5 =	simm.s32 @p1 $0x1;
	p0 =	seq.s32 s7, s2  }
0x1e: {  	s7 =	smul.u32 @!p0 $0xF7A, s2;
	p2 =	seq.s32 @!p0 s5, $0x0  }
0x1f: {  	s9 =	smul.u32 $0xF7A, s1;
	s8 =	simm.s32 @!p0 $0x1BF5;
	p2 =	por !p2, p0  }
0x20: {  	[sflag:s8] =	ssyncset.s32 @!p0 $0xFFFFF086;
	s6 =	sadd.s32 @!p0 s3, s7;
	s7 =	simm.s32 @!p0 $0x108  }
0x21: {  	s3 =	sadd.s32 s3, s9;
	s6 =	sadd.s32 @!p0 $0x88, s6;
	s7 =	simm.s32 @p2 $0x1082  }
0x22: {  	[simem:s7], [sflag:s8] =	dma.local @!p0 [hbm:s6], $0xF7A  }
0x23: {  	s9 =	sor.u32 $0xD0000000, s2;
	s6 =	simm.s32 $0x108;
	_ =	swait.ge @!p0 [sflag:s8], $0x0  }
0x24: {  	s3 =	sadd.s32 $0x88, s3;
	s6 =	simm.s32 @!p1 $0x1082;
	[sflag:s4] =	ssyncset.s32 $0xFFFFF086  }
0x25: {  	[simem:s6], [sflag:s4] =	dma.local [hbm:s3], $0xF7A  }
0x26: {  	[smem:$0x3F9D] =	sst s1;
	(tag) =	ssettag s2;
	_ =	strace s9  }
0x27: {  	s1 =	sld [smem:$0x3FAD]  }
0x28: {  	s2 =	sld [smem:$0x3FAE]  }
0x29: {  	s4 =	sld [smem:$0x3FB0]  }
0x2a: {  	p0 =	seq.s32 s5, $0x0;
	s5 =	sld [smem:$0x3FB1]  }
0x2b: {  	s6 =	sld [smem:$0x3FB2]  }
0x2c: {  	s7 =	sld [smem:$0x3FB3]  }
0x2d: {  	s3 =	simm.s32 $0x108;
	s8 =	sld [smem:$0x3FB4]  }
0x2e: {  	s3 =	simm.s32 @!p0 $0x1082;
	s9 =	sld [smem:$0x3FB5]  }
0x2f: {  	lr =	sadd.s32 s0, s3;
	s0 =	sld [smem:$0x3FAC]  }
0x30: {  	s3 =	sld [smem:$0x3FAF]  }
0x31: {  	[smem:$0x3FB8] =	sst s10  }
0x32: {  	s10 =	sld [smem:$0x3FB6];
	_ =	sdelay $0x3  }
0x33: {  	p0 =	seq.s32 s10, $0x1;
	s10 =	sld [smem:$0x3FB8];
	_ =	sdelay $0x3  }
0x34: {  	[smem:$0x3FB8] =	sst s10  }
0x35: {  	s10 =	sld [smem:$0x3FB7];
	_ =	sdelay $0x3  }
0x36: {  	p1 =	seq.s32 s10, $0x1;
	s10 =	sld [smem:$0x3FB8];
	_ =	sdelay $0x3  }
0x37: {  	[smem:$0x3FB8] =	sst s10  }
0x38: {  	s10 =	sld [smem:$0x3FB9]  }
0x39: {  	_ = 	snop;
	(pc) =	sbr.ind lr, $3  }
0x3a: {  	_ = 	snop  }
0x3b: {  	_ = 	snop  }
0x3c: {  	p2 =	seq.s32 s10, $0x1;
	s10 =	sld [smem:$0x3FB8]  }
0x3d: {  	_ =	shalt  }
0x3e: {  	_ =	shalt  }
0x3f: {  	_ =	shalt  }
0x40: {  	_ =	shalt  }
0x41: {  	_ =	shalt  }
0x42: {  	_ =	shalt  }
0x43: {  	_ =	shalt  }
0x44: {  	_ =	shalt  }
0x45: {  	_ =	shalt  }
0x46: {  	_ =	shalt  }
0x47: {  	_ =	shalt  }
0x48: {  	_ =	shalt  }
0x49: {  	_ =	shalt  }
0x4a: {  	_ =	shalt  }
0x4b: {  	_ =	shalt  }
0x4c: {  	_ =	shalt  }
0x4d: {  	_ =	shalt  }
0x4e: {  	_ =	shalt  }
0x4f: {  	_ =	shalt  }
0x50: {  	_ =	shalt  }
0x51: {  	_ =	shalt  }
0x52: {  	_ =	shalt  }
0x53: {  	_ =	shalt  }
0x54: {  	_ =	shalt  }
0x55: {  	_ =	shalt  }
0x56: {  	_ =	shalt  }
0x57: {  	_ =	shalt  }
0x58: {  	_ =	shalt  }
0x59: {  	_ =	shalt  }
0x5a: {  	_ =	shalt  }
0x5b: {  	_ =	shalt  }
0x5c: {  	_ =	shalt  }
0x5d: {  	_ =	shalt  }
0x5e: {  	_ =	shalt  }
0x5f: {  	_ =	shalt  }
0x60: {  	_ =	shalt  }
0x61: {  	_ =	shalt  }
0x62: {  	_ =	shalt  }
0x63: {  	_ =	shalt  }
0x64: {  	_ =	shalt  }
0x65: {  	_ =	shalt  }
0x66: {  	_ =	shalt  }
0x67: {  	_ =	shalt  }
0x68: {  	_ =	shalt  }
0x69: {  	_ =	shalt  }
0x6a: {  	_ =	shalt  }
0x6b: {  	_ =	shalt  }
0x6c: {  	_ =	shalt  }
0x6d: {  	_ =	shalt  }
0x6e: {  	_ =	shalt  }
0x6f: {  	_ =	shalt  }
0x70: {  	_ =	shalt  }
0x71: {  	_ =	shalt  }
0x72: {  	_ =	shalt  }
0x73: {  	_ =	shalt  }
0x74: {  	_ =	shalt  }
0x75: {  	_ =	shalt  }
0x76: {  	_ =	shalt  }
0x77: {  	_ =	shalt  }
0x78: {  	_ =	shalt  }
0x79: {  	_ =	shalt  }
0x7a: {  	_ =	shalt  }
0x7b: {  	_ =	shalt  }
0x7c: {  	_ =	shalt  }
0x7d: {  	_ =	shalt  }
0x7e: {  	_ =	shalt  }
0x7f: {  	_ =	shalt  }
0x80: {  	_ =	shalt  }
0x81: {  	_ =	shalt  }
0x82: {  	_ =	shalt  }
0x83: {  	_ =	shalt  }
0x84: {  	_ =	shalt  }
0x85: {  	_ =	shalt  }
0x86: {  	_ =	shalt  }
0x87: {  	_ =	shalt  }
.Lfunc_end0:
.L_simem_size_0:
called_computation_lowered:
.L_overlay_start_0:
0x88: {  	s2 =	sld [smem:$0x3FD9]  }
0x89: {  	s3 =	sld [smem:$0x3FFE];
	_ =	sdelay $0x1  }
0x8a: {  	s1 =	srdreg.scid  }
0x8b: {  	s0 =	sand.u32 $0x1, s1  }
0x8c: {  	s16 =	sshll.u32 s0, $0xA;
	s2 =	sadd.s32 s3, s2  }
0x8d: {  	s2 =	sadd.s32 s2, s16  }
0x8e: {  	[smem:$0x3FC4] =	sst s2  }
0x8f: {  	_ = 	snop  }
0x90: {  	(tm) =	ssettm $0x1  }
0x91: {  	s17 =	sld [smem:$0x3FFB];
	_ =	sdelay $0x3  }
0x92: {  	_ =	strace s17  }
0x93: {  	s2 =	sld [smem:$0x3FFC];
	_ =	sdelay $0x3  }
0x94: {  	_ =	strace s2  }
0x95: {  	s2 =	sld [smem:$0x3FFD];
	_ =	sdelay $0x3  }
0x96: {  	_ =	strace s2  }
0x97: {  	_ =	strace $0x8FFFFFFF  }
0x98: {  	s18 =	sld [smem:$0x3FDB];
	_ =	sdelay $0x1  }
0x99: {  	s19 =	simm.s32 $_scs_section_size  }
0x9a: {  	s4 =	simm.s32 $_size__tile_overlayer_lowered;
	s5 =	simm.s32 $_tile_overlayer_lowered  }
0x9b: {  	s22 =	simm.s32 $0x1BFF;
	s21 =	sshll.u32 s5, $0x1;
	s2 =	sadd.s32 s19, s18  }
0x9c: {  	s6 =	simm.s32 $0x0;
	s20 =	sshll.u32 s4, $0x1;
	s4 =	sadd.s32 s21, s2  }
0x9d: {  	[timem:s6], [sflag:s22] =	dma.local [hbm:s4], s20  }
0x9e: {  	_ =	swait.ge [sflag:s22], s20  }
0x9f: {  	s3 =	ssub.s32 $0x0, s20;
	[sflag:s22] =	ssyncset.done $0x0  }
0xa0: {  	[sflag:s22] =	ssyncadd.s32 s3;
	_ =	sdelay $0x1  }
0xa1: {  	s23 =	simm.s32 $0x1B8B  }
0xa2: {  	_ =	swait.ge [sflag:s23], $0x1  }
0xa3: {  	[sflag:s23] =	ssyncset.done $0x0  }
0xa4: {  	s25 =	simm.s32 $0x1B8E;
	s24 =	sld [smem:$0x3FFE];
	[sflag:s23] =	ssyncadd.s32 $0xFFFFFFFF  }
0xa5: {  	s26 =	simm.s32 $execute0_lowered;
	[smem:$0x3FD2] =	sst s25  }
0xa6: {  	s4 =	sshll.u32 s26, $0x1;
	_ =	strace $0x80000046;
	[dreg:$0x1] =	wrdreg $0xFFFFFFFF  }
0xa7: {  	s28 =	simm.s32 $_size_execute0_lowered;
	s2 =	sadd.s32 s2, s4;
	[dreg:$0x0] =	wrdreg $0x0  }
0xa8: {  	s4 =	sshll.u32 s28, $0x1;
	[dreg:$0x2] =	wrdreg s2  }
0xa9: {  	[dreg:$0x3] =	wrdreg s4  }
0xaa: {  	[dreg:$0x4] =	wrdreg $0xC0  }
0xab: {  	_ =	task [dreg:s6], $0x5FFFF  }
0xac: {  	[dreg:$0x1] =	wrdreg $0xFFFFFFFF  }
0xad: {  	[dreg:$0x0] =	wrdreg $0x60  }
0xae: {  	[dreg:$0x2] =	wrdreg s24  }
0xaf: {  	[dreg:$0x3] =	wrdreg $0x0  }
0xb0: {  	[dreg:$0x4] =	wrdreg $0x9  }
0xb1: {  	_ =	task.clear_ibuf [dreg:s6], $0x5FFFF;
	_ =	strace $0x90000046  }
0xb2: {  	s29 =	simm.s32 $0x9;
	_ =	strace $0x80000048  }
0xb3: {  	_ =	swait.ge [sflag:s29], $0x1  }
0xb4: {  	[sflag:s29] =	ssyncadd.s32 $0xFFFFFFFF  }
0xb5: {  	_ =	strace $0x90000048  }
0xb6: {  	_ =	sfence  }
0xb7: {  	s30 =	sld [smem:$0x0];
	_ =	sdelay $0x2  }
0xb8: {  	s31 =	sshll.u32 s1, $0xD;
	s1 =	sshrl.u32 s1, $0x2  }
0xb9: {  	s3 =	sand.u32 $0x4000, s31;
	s1 =	sadd.s32 s1, s30  }
0xba: {  	s0 =	sor.u32 s3, s0;
	s1 =	sshll.u32 s1, $0x11  }
0xbb: {  	s0 =	sor.u32 s1, s0  }
0xbc: {  	s0 =	sadd.s32 $0x8F2B, s0  }
0xbd: {  	[sflag:s0] =	ssyncadd.remote.s32 $0x1  }
0xbe: {  	_ =	sfence.sel $0xFFFF  }
0xbf: {  	[dreg:$0x0] =	wrdreg $0xFFFFFFFF;
	(pc) =	sbr.abs _section_cstart, $3  }
0xc0: {  	[dreg:$0x1] =	wrdreg $0xFFFFFFFF  }
0xc1: {  	_ =	task.clear_ibuf [dreg:s6], $0x2FFFF;
	_ =	strace $0x9FFFFFFF  }
0xc2: {  	(tm) =	ssettm $0x7FFFFFFF  }
0xc3: {  	_ =	shalt  }
tec
execute0_lowered:
.L_overlay_start_1:
0x0: {  	(tag) =	ssettag $0x1  }
0x1: {  	s4 =	rddreg [dreg:$0x0]  }
0x2: {  	s2 =	rddreg [dreg:$0x1];
	s1 =	stileid.u32  }
0x3: {  	s3 =	srdreg.scid;
	s0 =	rddreg [dreg:$0x2]  }
0x4: {  	s12 =	simm.s32 $0x280;
	s13 =	simm.s32 $0x80;
	s14 =	simm.s32 $0x780  }
0x5: {  	s15 =	sand.u32 $0x1, s3;
	s5 =	sshll.u32 s1, $0x1;
	s6 =	smul.u32 $0xA00, s1  }
0x6: {  	s3 =	simm.s32 $0x0;
	s7 =	smul.u32 $0x280, s1;
	s5 =	sor.u32 s15, s5  }
0x7: {  	[smem:$0x7FF] =	sst s3;
	s30 =	ssub.s32 $0x2, s15;
	s11 =	smul.u32 $0x500, s15  }
0x8: {  	p0 =	sne.s32 s15, $0x0;
	s15 =	simm.s32 $0x5800;
	s5 =	smul.u32 $0x1400, s5  }
0x9: {  	_ =	strace $0x80000047;
	s9 =	sshrl.u32 s7, $0x3;
	s10 =	sshrl.u32 s30, $0x1  }
0xa: {  	s6 =	sadd.s32 s6, s4;
	s9 =	sadd.s32 s9, s4;
	s10 =	ssub.s32 s30, s10  }
0xb: {  	s31 =	sshrl.u32 s11, $0x2;
	s11 =	simm.s32 $0x1;
	s8 =	sadd.s32 s5, s4  }
0xc: {  	s4 =	sadd.s32 $0x29800, s6;
	s5 =	sadd.s32 s7, s2;
	s16 =	sadd.s32 $0x500, s31  }
0xd: {  	s6 =	sadd.s32 $0x33800, s9;
	s9 =	smax.u32 s10, $0x1;
	s10 =	simm.s32 $0x800;
	v2 =	vmov s16  }
0xe: {  	v0 =	vimm.f32 $0.0e+00;
	v1 =	vimm.f32 $1.000000000e+00;
	s7 =	sadd.s32 $0x1800, s8;
	s8 =	sadd.s32 $0x33E00, s8;
	s16 =	simm.s32 $0x0  }
.LBB2_1:
0xf: {  	[tilespmem:s10], [sflag:$0x1] =	stream.linear.gather [hbm4b:s4+s3], $0x5000, $0x38;
	[tilespmem:$0xF800] =	vst v63  }
0x10: {  	_ =	swait.ge [sflag:s11], $0x5000  }
0x11: {  	[sflag:s11] =	ssyncset.done $0x0  }
0x12: {  	[sflag:s11] =	ssyncadd.s32 $0xFFFFB000  }
0x13: {  	[tilespmem:$0x280] =	vst v0  }
0x14: {  	[tilespmem:$0x290] =	vst v0  }
0x15: {  	[tilespmem:$0x2A0] =	vst v0  }
0x16: {  	[tilespmem:$0x2B0] =	vst v0  }
0x17: {  	[tilespmem:$0x2C0] =	vst v0  }
0x18: {  	[tilespmem:$0x2D0] =	vst v0  }
0x19: {  	[tilespmem:$0x2E0] =	vst v0  }
0x1a: {  	[tilespmem:$0x2F0] =	vst v0  }
0x1b: {  	[tilespmem:$0x300] =	vst v0  }
0x1c: {  	[tilespmem:$0x310] =	vst v0  }
0x1d: {  	[tilespmem:$0x320] =	vst v0  }
0x1e: {  	[tilespmem:$0x330] =	vst v0  }
0x1f: {  	[tilespmem:$0x340] =	vst v0  }
0x20: {  	[tilespmem:$0x350] =	vst v0  }
0x21: {  	[tilespmem:$0x360] =	vst v0  }
0x22: {  	[tilespmem:$0x370] =	vst v0  }
0x23: {  	[tilespmem:$0x380] =	vst v0  }
0x24: {  	[tilespmem:$0x390] =	vst v0  }
0x25: {  	[tilespmem:$0x3A0] =	vst v0  }
0x26: {  	[tilespmem:$0x3B0] =	vst v0  }
0x27: {  	[tilespmem:$0x3C0] =	vst v0  }
0x28: {  	[tilespmem:$0x3D0] =	vst v0  }
0x29: {  	[tilespmem:$0x3E0] =	vst v0  }
0x2a: {  	[tilespmem:$0x3F0] =	vst v0  }
0x2b: {  	[tilespmem:$0x400] =	vst v0  }
0x2c: {  	[tilespmem:$0x410] =	vst v0  }
0x2d: {  	[tilespmem:$0x420] =	vst v0  }
0x2e: {  	[tilespmem:$0x430] =	vst v0  }
0x2f: {  	[tilespmem:$0x440] =	vst v0  }
0x30: {  	[tilespmem:$0x450] =	vst v0  }
0x31: {  	[tilespmem:$0x460] =	vst v0  }
0x32: {  	[tilespmem:$0x470] =	vst v0  }
0x33: {  	[tilespmem:$0x480] =	vst v0  }
0x34: {  	[tilespmem:$0x490] =	vst v0  }
0x35: {  	[tilespmem:$0x4A0] =	vst v0  }
0x36: {  	[tilespmem:$0x4B0] =	vst v0  }
0x37: {  	[tilespmem:$0x4C0] =	vst v0  }
0x38: {  	[tilespmem:$0x4D0] =	vst v0  }
0x39: {  	[tilespmem:$0x4E0] =	vst v0  }
0x3a: {  	[tilespmem:$0x4F0] =	vst v0  }
0x3b: {  	[spmem:s5] =	stream.linear.scatter [tilespmem:s12], [sflag:$0x1], $0x280, $0x38;
	[tilespmem:$0xF800] =	vst v63  }
0x3c: {  	_ =	swait.ge [sflag:s11], $0x280  }
0x3d: {  	[sflag:s11] =	ssyncset.done $0x0  }
0x3e: {  	[sflag:s11] =	ssyncadd.s32 $0xFFFFFD80  }
0x3f: {  	[tilespmem:$0x780] =	vst v1  }
0x40: {  	[tilespmem:$0x790] =	vst v1  }
0x41: {  	[tilespmem:$0x7A0] =	vst v1  }
0x42: {  	[tilespmem:$0x7B0] =	vst v1  }
0x43: {  	[tilespmem:$0x7C0] =	vst v1  }
0x44: {  	[tilespmem:$0x7D0] =	vst v1  }
0x45: {  	[tilespmem:$0x7E0] =	vst v1  }
0x46: {  	[tilespmem:$0x7F0] =	vst v1  }
0x47: {  	s17 =	simm.s32 $0x800;
	[bflag:$0x0] =	sbarrier.arrive $0xFFFF  }
0x48: {  	[spmem:s2] =	stream.indirect.scatter.add.f32 [tilespmem:s14], [sflag:$0x1], $0x1, s17, s13, $0xb8;
	[tilespmem:$0xF800] =	vst v63  }
0x49: {  	s17 =	simm.s32 $0x200;
	_ =	swait.ge [sflag:s11], $0x80  }
.LBB2_2:
0x4a: {  	s18 =	sshra.s32 s17, $0x2;
	[sflag:s11] =	ssyncset.done $0x0;
	p1 =	sne.s32 s17, $0x13E00  }
.Ltmp0:
0x4b: {  	s18 =	sadd.s32 $0x800, s18;
	[sflag:s11] =	ssyncadd.s32 $0xFFFFFF80;
	(pc) =	sbr.rel @p1 .LBB2_2-.Ltmp0, $3  }
0x4c: {  	[spmem:s2] =	stream.indirect.scatter.add.f32 [tilespmem:s14], [sflag:$0x1], $0x1, s18, s13, $0xb8;
	[tilespmem:$0xF800] =	vst v63  }
0x4d: {  	s17 =	sadd.s32 $0x200, s17;
	_ =	sdelay $0x1  }
0x4e: {  	_ =	swait.ge [sflag:s11], $0x80  }
0x4f: {  	[sflag:s11] =	ssyncset.done $0x0  }
0x50: {  	[sflag:s11] =	ssyncadd.s32 $0xFFFFFF80  }
0x51: {  	[bflag:$0x0] =	sbarrier.arrive $0xFFFF  }
0x52: {  	[tilespmem:s12], [sflag:$0x1] =	stream.linear.gather [spmem:s5], $0x280, $0x38;
	[tilespmem:$0xF800] =	vst v63  }
0x53: {  	_ =	swait.ge [sflag:s11], $0x280  }
0x54: {  	[sflag:s11] =	ssyncset.done $0x0  }
0x55: {  	s17 =	simm.s32 $0x0;
	[sflag:s11] =	ssyncadd.s32 $0xFFFFFD80  }
0x56: {  	v3 =	vld [tilespmem:s17+$0x280];
	_ =	sdelay $0x4  }
0x57: {  	v3 =	vadd.f32 $1.000000000e+00, v3  }
0x58: {  	s18 =	simm.s32 $0x10  }
0x59: {  	(erf) = vrcp.f32 v3;
	v3 =	vld [tilespmem:s18+$0x280];
	_ =	sdelay $0x4  }
0x5a: {  	s19 =	simm.s32 $0x20;
	v4 =	vadd.f32 $1.000000000e+00, v3  }
0x5b: {  	v3 =	vld [tilespmem:s19+$0x280]  }
0x5c: {  	(erf) = vrcp.f32 v4;
	_ =	sdelay $0x2  }
0x5d: {  	s20 =	simm.s32 $0xC0;
	v4 =	vpop (erf)  }
.LBB2_4:
0x5e: {  	s21 =	sshra.s32 s20, $0x2;
	p1 =	sne.s32 s20, $0x9C0;
	s20 =	sadd.s32 $0x40, s20;
	v5 =	vadd.f32 $1.000000000e+00, v3;
	[tilespmem:s17+$0x500] =	vst v4  }
.Ltmp1:
0x5f: {  	s17 =	smov.u32 s18;
	s18 =	smov.u32 s19;
	v3 =	vld [tilespmem:s21+$0x280];
	(pc) =	sbr.rel @p1 .LBB2_4-.Ltmp1, $2  }
0x60: {  	s19 =	smov.u32 s21;
	(erf) = vrcp.f32 v5;
	_ =	sdelay $0x2  }
0x61: {  	v4 =	vpop (erf)  }
0x62: {  	v3 =	vadd.f32 $1.000000000e+00, v3;
	_ =	sdelay $0x1  }
0x63: {  	(erf) = vrcp.f32 v3;
	_ =	sdelay $0x7  }
0x64: {  	[tilespmem:s17+$0x500] =	vst v4;
	v3 =	vpop (erf)  }
0x65: {  	[tilespmem:s18+$0x500] =	vst v3;
	v3 =	vpop (erf)  }
0x66: {  	s17 =	simm.s32 @!p0 $0x0;
	s18 =	simm.s32 @!p0 $0x500;
	[tilespmem:s19+$0x500] =	vst v3  }
0x67: {  	[hbm4b:s6+s17] =	stream.linear.scatter @!p0 [tilespmem:s18], [sflag:$0x1], $0x280, $0x38;
	[tilespmem:$0xF800] =	vst v63  }
0x68: {  	s17 =	simm.s32 @!p0 $0x1  }
0x69: {  	_ =	swait.ge @!p0 [sflag:s17], $0x280  }
0x6a: {  	[sflag:s17] =	ssyncset.done @!p0 $0x0  }
0x6b: {  	s29 =	simm.s32 $0x0;
	[sflag:s17] =	ssyncadd.s32 @!p0 $0xFFFFFD80  }
0x6c: {  	[tilespmem:s15], [sflag:$0x1] =	stream.linear.gather [hbm4b:s7+s29], $0xA000, $0x38;
	[tilespmem:$0xF800] =	vst v63  }
0x6d: {  	_ =	swait.ge [sflag:s11], $0xA000  }
0x6e: {  	s30 =	simm.s32 $0x0;
	[sflag:s11] =	ssyncset.done $0x0  }
0x6f: {  	s31 =	simm.s32 $0x0;
	s17 =	sand.u32 $0x3FFFFFF0, s30;
	[sflag:s11] =	ssyncadd.s32 $0xFFFF6000  }
0x70: {  	v3 =	vld.idx.msk [tilespmem:v2+s17+$0x0 ss:$0x1], $0xffff;
	s17 =	sand.u32 $0x3FFFF800, s31  }
0x71: {  	v9 =	vld [tilespmem:s17+$0x58C0]  }
0x72: {  	v10 =	vld [tilespmem:s17+$0x58D0]  }
0x73: {  	v11 =	vld [tilespmem:s17+$0x58B0]  }
0x74: {  	v5 =	vld [tilespmem:s17+$0x5820]  }
0x75: {  	v6 =	vld [tilespmem:s17+$0x5830]  }
0x76: {  	v12 =	vld [tilespmem:s17+$0x5860]  }
0x77: {  	v13 =	vld [tilespmem:s17+$0x5870];
	v4 =	vbroadcast v3, $0x0  }
0x78: {  	v14 =	vld [tilespmem:s17+$0x5880]  }
0x79: {  	v15 =	vld [tilespmem:s17+$0x5890];
	v5 =	vmul.f32 v5, v4  }
0x7a: {  	v16 =	vld [tilespmem:s17+$0x58A0];
	v6 =	vmul.f32 v6, v4  }
0x7b: {  	v8 =	vld [tilespmem:s17+$0x5D70];
	v27 =	vbroadcast v3, $0x1;
	v26 =	vmul.f32 v12, v4;
	[tilespmem:s17+$0x5820] =	vst v5  }
0x7c: {  	v28 =	vld [tilespmem:s17+$0x58E0];
	v13 =	vmul.f32 v13, v4;
	[tilespmem:s17+$0x5830] =	vst v6  }
0x7d: {  	v29 =	vld [tilespmem:s17+$0x58F0];
	v14 =	vmul.f32 v14, v27;
	[tilespmem:s17+$0x5860] =	vst v26  }
0x7e: {  	v30 =	vld [tilespmem:s17+$0x5900];
	v15 =	vmul.f32 v15, v27;
	[tilespmem:s17+$0x5870] =	vst v13  }
0x7f: {  	v31 =	vld [tilespmem:s17+$0x5910];
	v16 =	vmul.f32 v16, v27;
	[tilespmem:s17+$0x5880] =	vst v14  }
0x80: {  	v32 =	vld [tilespmem:s17+$0x5920];
	v11 =	vmul.f32 v11, v27;
	[tilespmem:s17+$0x5890] =	vst v15  }
0x81: {  	v33 =	vld [tilespmem:s17+$0x5930];
	v9 =	vmul.f32 v9, v27;
	[tilespmem:s17+$0x58A0] =	vst v16  }
0x82: {  	v34 =	vld [tilespmem:s17+$0x5940];
	v17 =	vbroadcast v3, $0x2;
	v10 =	vmul.f32 v10, v27;
	[tilespmem:s17+$0x58B0] =	vst v11  }
0x83: {  	v35 =	vld [tilespmem:s17+$0x5950];
	v12 =	vmul.f32 v29, v27;
	[tilespmem:s17+$0x58C0] =	vst v9  }
0x84: {  	v37 =	vld [tilespmem:s17+$0x5960];
	v7 =	vbroadcast v3, $0xA;
	v36 =	vmul.f32 v30, v17;
	[tilespmem:s17+$0x58D0] =	vst v10  }
0x85: {  	v39 =	vld [tilespmem:s17+$0x5970];
	v38 =	vmul.f32 v31, v17;
	[tilespmem:s17+$0x58F0] =	vst v12  }
0x86: {  	v40 =	vld [tilespmem:s17+$0x5980];
	v5 =	vmul.f32 v8, v7;
	[tilespmem:s17+$0x5900] =	vst v36  }
0x87: {  	v41 =	vld [tilespmem:s17+$0x5990];
	v13 =	vmul.f32 v28, v27;
	[tilespmem:s17+$0x5910] =	vst v38  }
0x88: {  	v42 =	vld [tilespmem:s17+$0x59A0];
	v11 =	vmul.f32 v32, v17;
	[tilespmem:s17+$0x5D70] =	vst v5  }
0x89: {  	v43 =	vld [tilespmem:s17+$0x59B0];
	v9 =	vmul.f32 v33, v17;
	[tilespmem:s17+$0x58E0] =	vst v13  }
0x8a: {  	v44 =	vld [tilespmem:s17+$0x59C0];
	v10 =	vmul.f32 v34, v17;
	[tilespmem:s17+$0x5920] =	vst v11  }
0x8b: {  	v46 =	vld [tilespmem:s17+$0x59D0];
	v45 =	vbroadcast v3, $0x3;
	v12 =	vmul.f32 v37, v17;
	[tilespmem:s17+$0x5930] =	vst v9  }
0x8c: {  	v47 =	vld [tilespmem:s17+$0x59E0];
	v14 =	vmul.f32 v39, v17;
	[tilespmem:s17+$0x5940] =	vst v10  }
0x8d: {  	v48 =	vld [tilespmem:s17+$0x59F0];
	v15 =	vmul.f32 v40, v45;
	[tilespmem:s17+$0x5960] =	vst v12  }
0x8e: {  	v49 =	vld [tilespmem:s17+$0x5A00];
	v13 =	vmul.f32 v35, v17;
	[tilespmem:s17+$0x5970] =	vst v14  }
0x8f: {  	v50 =	vld [tilespmem:s17+$0x5A10];
	v11 =	vmul.f32 v41, v45;
	[tilespmem:s17+$0x5980] =	vst v15  }
0x90: {  	v51 =	vld [tilespmem:s17+$0x5A20];
	v9 =	vmul.f32 v42, v45;
	[tilespmem:s17+$0x5950] =	vst v13  }
0x91: {  	v52 =	vld [tilespmem:s17+$0x5A30];
	v10 =	vmul.f32 v43, v45;
	[tilespmem:s17+$0x5990] =	vst v11  }
0x92: {  	v53 =	vld [tilespmem:s17+$0x5A40];
	v12 =	vmul.f32 v46, v45;
	[tilespmem:s17+$0x59A0] =	vst v9  }
0x93: {  	v55 =	vld [tilespmem:s17+$0x5A50];
	v14 =	vmul.f32 v47, v45;
	[tilespmem:s17+$0x59B0] =	vst v10  }
0x94: {  	v56 =	vld [tilespmem:s17+$0x5A60];
	v54 =	vbroadcast v3, $0x4;
	v15 =	vmul.f32 v48, v45;
	[tilespmem:s17+$0x59D0] =	vst v12  }
0x95: {  	v57 =	vld [tilespmem:s17+$0x5A70];
	v13 =	vmul.f32 v44, v45;
	[tilespmem:s17+$0x59E0] =	vst v14  }
0x96: {  	v58 =	vld [tilespmem:s17+$0x5A80];
	v11 =	vmul.f32 v49, v54;
	[tilespmem:s17+$0x59F0] =	vst v15  }
0x97: {  	v59 =	vld [tilespmem:s17+$0x5A90];
	v9 =	vmul.f32 v50, v54;
	[tilespmem:s17+$0x59C0] =	vst v13  }
0x98: {  	v60 =	vld [tilespmem:s17+$0x5AA0];
	v10 =	vmul.f32 v51, v54;
	[tilespmem:s17+$0x5A00] =	vst v11  }
0x99: {  	v61 =	vld [tilespmem:s17+$0x5AB0];
	v12 =	vmul.f32 v53, v54;
	[tilespmem:s17+$0x5A10] =	vst v9  }
0x9a: {  	v62 =	vld [tilespmem:s17+$0x5AC0];
	v14 =	vmul.f32 v55, v54;
	[tilespmem:s17+$0x5A20] =	vst v10  }
0x9b: {  	v20 =	vld [tilespmem:s17+$0x5AD0];
	v15 =	vmul.f32 v56, v54;
	[tilespmem:s17+$0x5A40] =	vst v12  }
0x9c: {  	v21 =	vld [tilespmem:s17+$0x5AE0];
	v63 =	vbroadcast v3, $0x5;
	v13 =	vmul.f32 v52, v54;
	[tilespmem:s17+$0x5A50] =	vst v14  }
0x9d: {  	v22 =	vld [tilespmem:s17+$0x5AF0];
	v11 =	vmul.f32 v57, v54;
	[tilespmem:s17+$0x5A60] =	vst v15  }
0x9e: {  	v23 =	vld [tilespmem:s17+$0x5B00];
	v9 =	vmul.f32 v58, v63;
	[tilespmem:s17+$0x5A30] =	vst v13  }
0x9f: {  	v24 =	vld [tilespmem:s17+$0x5B10];
	v10 =	vmul.f32 v59, v63;
	[tilespmem:s17+$0x5A70] =	vst v11  }
0xa0: {  	v25 =	vld [tilespmem:s17+$0x5B20];
	v12 =	vmul.f32 v61, v63;
	[tilespmem:s17+$0x5A80] =	vst v9  }
0xa1: {  	v29 =	vld [tilespmem:s17+$0x5B50];
	v14 =	vmul.f32 v62, v63;
	[tilespmem:s17+$0x5A90] =	vst v10  }
0xa2: {  	v30 =	vld [tilespmem:s17+$0x5B60];
	v15 =	vmul.f32 v20, v63;
	[tilespmem:s17+$0x5AB0] =	vst v12  }
0xa3: {  	v26 =	vld [tilespmem:s17+$0x5B30];
	v13 =	vmul.f32 v60, v63;
	[tilespmem:s17+$0x5AC0] =	vst v14  }
0xa4: {  	v27 =	vld [tilespmem:s17+$0x5B40];
	v28 =	vbroadcast v3, $0x6;
	v11 =	vmul.f32 v21, v63;
	[tilespmem:s17+$0x5AD0] =	vst v15  }
0xa5: {  	v31 =	vld [tilespmem:s17+$0x5B70];
	v9 =	vmul.f32 v22, v63;
	[tilespmem:s17+$0x5AA0] =	vst v13  }
0xa6: {  	v6 =	vld [tilespmem:s17+$0x5D80];
	v10 =	vmul.f32 v23, v28;
	[tilespmem:s17+$0x5AE0] =	vst v11  }
0xa7: {  	v8 =	vld [tilespmem:s17+$0x5D90];
	v12 =	vmul.f32 v25, v28;
	[tilespmem:s17+$0x5AF0] =	vst v9  }
0xa8: {  	v32 =	vld [tilespmem:s17+$0x5B80];
	v14 =	vmul.f32 v26, v28;
	[tilespmem:s17+$0x5B00] =	vst v10  }
0xa9: {  	v33 =	vld [tilespmem:s17+$0x5B90];
	v15 =	vmul.f32 v27, v28;
	[tilespmem:s17+$0x5B20] =	vst v12  }
0xaa: {  	v34 =	vld [tilespmem:s17+$0x5BA0];
	v13 =	vmul.f32 v24, v28;
	[tilespmem:s17+$0x5B30] =	vst v14  }
0xab: {  	v35 =	vld [tilespmem:s17+$0x5BB0];
	v11 =	vmul.f32 v29, v28;
	[tilespmem:s17+$0x5B40] =	vst v15  }
0xac: {  	v37 =	vbroadcast v3, $0x7;
	v59 =	vld [tilespmem:s17+$0x5D00];
	v9 =	vmul.f32 v30, v28;
	[tilespmem:s17+$0x5B10] =	vst v13  }
0xad: {  	v20 =	vld [tilespmem:s17+$0x5D50];
	v10 =	vmul.f32 v31, v28;
	[tilespmem:s17+$0x5B50] =	vst v11  }
0xae: {  	v36 =	vld [tilespmem:s17+$0x5BC0];
	v12 =	vmul.f32 v33, v37;
	[tilespmem:s17+$0x5B60] =	vst v9  }
0xaf: {  	v38 =	vld [tilespmem:s17+$0x5BD0];
	v14 =	vmul.f32 v34, v37;
	[tilespmem:s17+$0x5B70] =	vst v10  }
0xb0: {  	v39 =	vld [tilespmem:s17+$0x5BE0];
	v15 =	vmul.f32 v35, v37;
	[tilespmem:s17+$0x5B90] =	vst v12  }
0xb1: {  	v40 =	vld [tilespmem:s17+$0x5BF0];
	v21 =	vmul.f32 v59, v7;
	[tilespmem:s17+$0x5BA0] =	vst v14  }
0xb2: {  	v41 =	vld [tilespmem:s17+$0x5C00];
	v28 =	vmul.f32 v20, v7;
	[tilespmem:s17+$0x5BB0] =	vst v15  }
0xb3: {  	v42 =	vld [tilespmem:s17+$0x5C10];
	v13 =	vmul.f32 v32, v37;
	[tilespmem:s17+$0x5D00] =	vst v21  }
0xb4: {  	v43 =	vld [tilespmem:s17+$0x5C20];
	v11 =	vmul.f32 v36, v37;
	[tilespmem:s17+$0x5D50] =	vst v28  }
0xb5: {  	v5 =	vld [tilespmem:s17+$0x5FD0];
	v46 =	vbroadcast v3, $0x8;
	v9 =	vmul.f32 v38, v37;
	[tilespmem:s17+$0x5B80] =	vst v13  }
0xb6: {  	v47 =	vld [tilespmem:s17+$0x5C50];
	v10 =	vmul.f32 v39, v37;
	[tilespmem:s17+$0x5BC0] =	vst v11  }
0xb7: {  	v63 =	vld [tilespmem:s17+$0x5D40];
	v12 =	vmul.f32 v41, v46;
	[tilespmem:s17+$0x5BD0] =	vst v9  }
0xb8: {  	v23 =	vld [tilespmem:s17+$0x5800];
	v31 =	vbroadcast v3, $0xB;
	v14 =	vmul.f32 v42, v46;
	[tilespmem:s17+$0x5BE0] =	vst v10  }
0xb9: {  	v48 =	vld [tilespmem:s17+$0x5C60];
	v15 =	vmul.f32 v43, v46;
	[tilespmem:s17+$0x5C00] =	vst v12  }
0xba: {  	v44 =	vld [tilespmem:s17+$0x5C30];
	v6 =	vmul.f32 v6, v31;
	[tilespmem:s17+$0x5C10] =	vst v14  }
0xbb: {  	v45 =	vld [tilespmem:s17+$0x5C40];
	v8 =	vmul.f32 v8, v31;
	[tilespmem:s17+$0x5C20] =	vst v15  }
0xbc: {  	v49 =	vld [tilespmem:s17+$0x5C70];
	v26 =	vmul.f32 v63, v7;
	[tilespmem:s17+$0x5D80] =	vst v6  }
0xbd: {  	v50 =	vld [tilespmem:s17+$0x5C80];
	v32 =	vmul.f32 v4, v23;
	[tilespmem:s17+$0x5D90] =	vst v8  }
0xbe: {  	v51 =	vld [tilespmem:s17+$0x5C90];
	v13 =	vmul.f32 v40, v37;
	[tilespmem:s17+$0x5D40] =	vst v26  }
0xbf: {  	v53 =	vld [tilespmem:s17+$0x5CB0];
	v11 =	vmul.f32 v44, v46;
	[tilespmem:s17+$0x5800] =	vst v32  }
0xc0: {  	v33 =	vld [tilespmem:s17+$0x5DD0];
	v9 =	vmul.f32 v45, v46;
	[tilespmem:s17+$0x5BF0] =	vst v13  }
0xc1: {  	v55 =	vbroadcast v3, $0x9;
	v34 =	vld [tilespmem:s17+$0x5DE0];
	v10 =	vmul.f32 v47, v46;
	[tilespmem:s17+$0x5C30] =	vst v11  }
0xc2: {  	v35 =	vld [tilespmem:s17+$0x5DF0];
	v12 =	vmul.f32 v49, v46;
	[tilespmem:s17+$0x5C40] =	vst v9  }
0xc3: {  	v52 =	vld [tilespmem:s17+$0x5CA0];
	v14 =	vmul.f32 v50, v55;
	[tilespmem:s17+$0x5C50] =	vst v10  }
0xc4: {  	v54 =	vld [tilespmem:s17+$0x5CC0];
	v15 =	vmul.f32 v51, v55;
	[tilespmem:s17+$0x5C70] =	vst v12  }
0xc5: {  	v57 =	vld [tilespmem:s17+$0x5CE0];
	v38 =	vmul.f32 v33, v31;
	[tilespmem:s17+$0x5C80] =	vst v14  }
0xc6: {  	v58 =	vld [tilespmem:s17+$0x5CF0];
	v45 =	vmul.f32 v34, v31;
	[tilespmem:s17+$0x5C90] =	vst v15  }
0xc7: {  	v61 =	vld [tilespmem:s17+$0x5D20];
	v8 =	vmul.f32 v35, v31;
	[tilespmem:s17+$0x5DD0] =	vst v38  }
0xc8: {  	v62 =	vld [tilespmem:s17+$0x5D30];
	v13 =	vmul.f32 v48, v46;
	[tilespmem:s17+$0x5DE0] =	vst v45  }
0xc9: {  	v36 =	vld [tilespmem:s17+$0x5E00];
	v11 =	vmul.f32 v52, v55;
	[tilespmem:s17+$0x5DF0] =	vst v8  }
0xca: {  	v60 =	vld [tilespmem:s17+$0x5D10];
	v9 =	vmul.f32 v53, v55;
	[tilespmem:s17+$0x5C60] =	vst v13  }
0xcb: {  	v22 =	vld [tilespmem:s17+$0x5D60];
	v41 =	vbroadcast v3, $0xC;
	v10 =	vmul.f32 v54, v55;
	[tilespmem:s17+$0x5CA0] =	vst v11  }
0xcc: {  	v56 =	vld [tilespmem:s17+$0x5CD0];
	v6 =	vbroadcast v3, $0xF;
	v12 =	vmul.f32 v57, v55;
	[tilespmem:s17+$0x5CB0] =	vst v9  }
0xcd: {  	v14 =	vmul.f32 v58, v55;
	[tilespmem:s17+$0x5CC0] =	vst v10  }
0xce: {  	v5 =	vmul.f32 v5, v6;
	v17 =	vmul.f32 v36, v41;
	[tilespmem:s17+$0x5CE0] =	vst v12  }
0xcf: {  	[tilespmem:s17+$0x5CF0] =	vst v14;
	v11 =	vmul.f32 v60, v7;
	v9 =	vmul.f32 v61, v7  }
0xd0: {  	v24 =	vld [tilespmem:s17+$0x5810];
	v10 =	vmul.f32 v62, v7;
	v7 =	vmul.f32 v22, v7;
	[tilespmem:s17+$0x5FD0] =	vst v5  }
0xd1: {  	v25 =	vld [tilespmem:s17+$0x5840];
	v13 =	vmul.f32 v56, v55;
	[tilespmem:s17+$0x5E00] =	vst v17  }
0xd2: {  	[tilespmem:s17+$0x5D60] =	vst v7;
	v7 =	vld [tilespmem:s17+$0x5DC0]  }
0xd3: {  	v27 =	vld [tilespmem:s17+$0x5850];
	[tilespmem:s17+$0x5CD0] =	vst v13  }
0xd4: {  	v43 =	vld [tilespmem:s17+$0x5E70];
	[tilespmem:s17+$0x5D10] =	vst v11  }
0xd5: {  	v50 =	vld [tilespmem:s17+$0x5EE0];
	v14 =	vmul.f32 v24, v4;
	[tilespmem:s17+$0x5D20] =	vst v9  }
0xd6: {  	v29 =	vld [tilespmem:s17+$0x5DA0];
	v5 =	vmul.f32 v25, v4;
	[tilespmem:s17+$0x5D30] =	vst v10  }
0xd7: {  	v30 =	vld [tilespmem:s17+$0x5DB0];
	[tilespmem:s17+$0x5810] =	vst v14;
	v7 =	vmul.f32 v7, v31  }
0xd8: {  	v37 =	vld [tilespmem:s17+$0x5E10];
	v49 =	vbroadcast v3, $0xD;
	v4 =	vmul.f32 v27, v4;
	[tilespmem:s17+$0x5840] =	vst v5  }
0xd9: {  	v17 =	vmul.f32 v43, v41;
	[tilespmem:s17+$0x5DC0] =	vst v7;
	v7 =	vld [tilespmem:s17+$0x5E60]  }
0xda: {  	v40 =	vld [tilespmem:s17+$0x5E40];
	v55 =	vmul.f32 v50, v49;
	[tilespmem:s17+$0x5850] =	vst v4  }
0xdb: {  	v46 =	vld [tilespmem:s17+$0x5EA0];
	v9 =	vmul.f32 v29, v31;
	[tilespmem:s17+$0x5E70] =	vst v17  }
0xdc: {  	v10 =	vmul.f32 v30, v31;
	v4 =	vld [tilespmem:s17+$0x5E90];
	[tilespmem:s17+$0x5EE0] =	vst v55  }
0xdd: {  	v53 =	vld [tilespmem:s17+$0x5F20];
	v11 =	vmul.f32 v37, v41;
	[tilespmem:s17+$0x5DA0] =	vst v9  }
0xde: {  	v54 =	vld [tilespmem:s17+$0x5F30];
	[tilespmem:s17+$0x5DB0] =	vst v10;
	v7 =	vmul.f32 v7, v41  }
0xdf: {  	v42 =	vld [tilespmem:s17+$0x5E50];
	v14 =	vmul.f32 v40, v41;
	[tilespmem:s17+$0x5E10] =	vst v11  }
0xe0: {  	v3 =	vbroadcast v3, $0xE;
	v13 =	vmul.f32 v46, v49;
	[tilespmem:s17+$0x5E60] =	vst v7;
	v7 =	vld [tilespmem:s17+$0x5ED0]  }
0xe1: {  	v44 =	vld [tilespmem:s17+$0x5E80];
	[tilespmem:s17+$0x5E40] =	vst v14;
	v4 =	vmul.f32 v4, v49  }
0xe2: {  	v47 =	vld [tilespmem:s17+$0x5EB0];
	v12 =	vmul.f32 v53, v3;
	[tilespmem:s17+$0x5EA0] =	vst v13  }
0xe3: {  	v8 =	vmul.f32 v54, v3;
	[tilespmem:s17+$0x5E90] =	vst v4;
	v4 =	vld [tilespmem:s17+$0x5F00]  }
0xe4: {  	v52 =	vld [tilespmem:s17+$0x5F10];
	v10 =	vmul.f32 v42, v41;
	[tilespmem:s17+$0x5F20] =	vst v12  }
0xe5: {  	v60 =	vld [tilespmem:s17+$0x5FA0];
	[tilespmem:s17+$0x5F30] =	vst v8;
	v7 =	vmul.f32 v7, v49  }
0xe6: {  	v51 =	vld [tilespmem:s17+$0x5EF0];
	v11 =	vmul.f32 v44, v49;
	[tilespmem:s17+$0x5E50] =	vst v10  }
0xe7: {  	v14 =	vmul.f32 v47, v49;
	[tilespmem:s17+$0x5ED0] =	vst v7;
	v7 =	vld [tilespmem:s17+$0x5F40]  }
0xe8: {  	v48 =	vld [tilespmem:s17+$0x5EC0];
	[tilespmem:s17+$0x5E80] =	vst v11;
	v4 =	vmul.f32 v4, v3  }
0xe9: {  	v58 =	vld [tilespmem:s17+$0x5F80];
	v13 =	vmul.f32 v52, v3;
	[tilespmem:s17+$0x5EB0] =	vst v14  }
0xea: {  	v8 =	vmul.f32 v60, v6;
	[tilespmem:s17+$0x5F00] =	vst v4;
	v4 =	vld [tilespmem:s17+$0x5F70]  }
0xeb: {  	v57 =	vld [tilespmem:s17+$0x5F60];
	v11 =	vmul.f32 v51, v49;
	[tilespmem:s17+$0x5F10] =	vst v13  }
0xec: {  	v59 =	vld [tilespmem:s17+$0x5F90];
	[tilespmem:s17+$0x5FA0] =	vst v8;
	v7 =	vmul.f32 v7, v3  }
0xed: {  	v56 =	vld [tilespmem:s17+$0x5F50];
	v10 =	vmul.f32 v48, v49;
	[tilespmem:s17+$0x5EF0] =	vst v11  }
0xee: {  	v13 =	vmul.f32 v58, v6;
	[tilespmem:s17+$0x5F40] =	vst v7;
	v7 =	vld [tilespmem:s17+$0x5FB0]  }
0xef: {  	v39 =	vld [tilespmem:s17+$0x5E30];
	[tilespmem:s17+$0x5EC0] =	vst v10;
	v4 =	vmul.f32 v4, v3  }
0xf0: {  	v61 =	vld [tilespmem:s17+$0x5FC0];
	v11 =	vmul.f32 v57, v3;
	[tilespmem:s17+$0x5F80] =	vst v13  }
0xf1: {  	v63 =	vld [tilespmem:s17+$0x5FF0];
	[tilespmem:s17+$0x5F70] =	vst v4;
	v4 =	vmul.f32 v59, v6  }
0xf2: {  	v62 =	vld [tilespmem:s17+$0x5FE0];
	[tilespmem:s17+$0x5F60] =	vst v11;
	v3 =	vmul.f32 v56, v3  }
0xf3: {  	[tilespmem:s17+$0x5F90] =	vst v4;
	v4 =	vmul.f32 v7, v6  }
0xf4: {  	v5 =	vld [tilespmem:s17+$0x5E20];
	[tilespmem:s17+$0x5F50] =	vst v3;
	v7 =	vmul.f32 v39, v41  }
0xf5: {  	[tilespmem:s17+$0x5FB0] =	vst v4;
	v4 =	vmul.f32 v61, v6  }
0xf6: {  	[tilespmem:s17+$0x5E30] =	vst v7;
	v7 =	vmul.f32 v63, v6  }
0xf7: {  	v6 =	vmul.f32 v62, v6;
	[tilespmem:s17+$0x5FC0] =	vst v4  }
0xf8: {  	[tilespmem:s17+$0x5FF0] =	vst v7  }
0xf9: {  	s18 =	simm.s32 $0x1;
	v4 =	vmul.f32 v5, v41;
	[tilespmem:s17+$0x5FE0] =	vst v6  }
.LBB2_6:
0xfa: {  	s19 =	sshll.u32 s18, $0x4  }
0xfb: {  	p1 =	sne.s32 s18, $0x13;
	[tilespmem:s17+$0x5E20] =	vst v4;
	s17 =	smov.u32 s18;
	s18 =	sadd.s32 $0x1, s18  }
0xfc: {  	s19 =	sand.u32 $0x3FFFFFF0, s19  }
0xfd: {  	v3 =	vld.idx.msk [tilespmem:v2+s19+$0x0 ss:$0x1], $0xffff  }
0xfe: {  	s17 =	sshll.u32 s17, $0xB  }
0xff: {  	s17 =	sand.u32 $0x3FFFF800, s17  }
0x100: {  	v10 =	vld [tilespmem:s17+$0x58C0]  }
0x101: {  	v11 =	vld [tilespmem:s17+$0x58D0]  }
0x102: {  	v12 =	vld [tilespmem:s17+$0x58B0]  }
0x103: {  	v4 =	vbroadcast v3, $0x0;
	v9 =	vbroadcast v3, $0x4;
	v5 =	vld [tilespmem:s17+$0x5820]  }
0x104: {  	v7 =	vld [tilespmem:s17+$0x5830]  }
0x105: {  	v8 =	vld [tilespmem:s17+$0x5D70]  }
0x106: {  	v13 =	vld [tilespmem:s17+$0x5860]  }
0x107: {  	v14 =	vld [tilespmem:s17+$0x5870]  }
0x108: {  	v6 =	vbroadcast v3, $0xA;
	v5 =	vmul.f32 v5, v4;
	v15 =	vld [tilespmem:s17+$0x5880]  }
0x109: {  	v7 =	vmul.f32 v7, v4;
	v16 =	vld [tilespmem:s17+$0x5890]  }
0x10a: {  	[tilespmem:s17+$0x5820] =	vst v5;
	v17 =	vld [tilespmem:s17+$0x58A0];
	v5 =	vmul.f32 v8, v6  }
0x10b: {  	[tilespmem:s17+$0x5830] =	vst v7;
	v8 =	vmul.f32 v13, v4;
	v13 =	vbroadcast v3, $0x1;
	v7 =	vld [tilespmem:s17+$0x5D80]  }
0x10c: {  	v14 =	vmul.f32 v14, v4;
	[tilespmem:s17+$0x5D70] =	vst v5;
	v5 =	vld [tilespmem:s17+$0x5FD0]  }
0x10d: {  	[tilespmem:s17+$0x5860] =	vst v8;
	v15 =	vmul.f32 v15, v13;
	v8 =	vld [tilespmem:s17+$0x5D90]  }
0x10e: {  	[tilespmem:s17+$0x5870] =	vst v14;
	v14 =	vmul.f32 v16, v13;
	v16 =	vld [tilespmem:s17+$0x58E0]  }
0x10f: {  	[tilespmem:s17+$0x5880] =	vst v15;
	v15 =	vmul.f32 v17, v13;
	v17 =	vld [tilespmem:s17+$0x58F0]  }
0x110: {  	v12 =	vmul.f32 v12, v13;
	[tilespmem:s17+$0x5890] =	vst v14;
	v14 =	vld [tilespmem:s17+$0x5900]  }
0x111: {  	v10 =	vmul.f32 v10, v13;
	[tilespmem:s17+$0x58A0] =	vst v15;
	v15 =	vld [tilespmem:s17+$0x5910]  }
0x112: {  	v11 =	vmul.f32 v11, v13;
	[tilespmem:s17+$0x58B0] =	vst v12;
	v12 =	vld [tilespmem:s17+$0x5920]  }
0x113: {  	[tilespmem:s17+$0x58C0] =	vst v10;
	v10 =	vmul.f32 v16, v13;
	v16 =	vbroadcast v3, $0x2;
	v18 =	vld [tilespmem:s17+$0x5930]  }
0x114: {  	[tilespmem:s17+$0x58D0] =	vst v11;
	v11 =	vmul.f32 v17, v13;
	v13 =	vld [tilespmem:s17+$0x5940]  }
0x115: {  	[tilespmem:s17+$0x58E0] =	vst v10;
	v10 =	vmul.f32 v14, v16;
	v14 =	vld [tilespmem:s17+$0x5950]  }
0x116: {  	[tilespmem:s17+$0x58F0] =	vst v11;
	v11 =	vmul.f32 v15, v16;
	v15 =	vld [tilespmem:s17+$0x5960]  }
0x117: {  	[tilespmem:s17+$0x5900] =	vst v10;
	v10 =	vmul.f32 v12, v16;
	v12 =	vld [tilespmem:s17+$0x5970]  }
0x118: {  	[tilespmem:s17+$0x5910] =	vst v11;
	v11 =	vmul.f32 v18, v16;
	v17 =	vld [tilespmem:s17+$0x5980]  }
0x119: {  	[tilespmem:s17+$0x5920] =	vst v10;
	v10 =	vmul.f32 v13, v16;
	v13 =	vld [tilespmem:s17+$0x5990]  }
0x11a: {  	[tilespmem:s17+$0x5930] =	vst v11;
	v11 =	vmul.f32 v14, v16;
	v14 =	vld [tilespmem:s17+$0x59A0]  }
0x11b: {  	[tilespmem:s17+$0x5940] =	vst v10;
	v10 =	vmul.f32 v15, v16;
	v15 =	vbroadcast v3, $0x3;
	v18 =	vld [tilespmem:s17+$0x59B0]  }
0x11c: {  	[tilespmem:s17+$0x5950] =	vst v11;
	v11 =	vmul.f32 v12, v16;
	v12 =	vld [tilespmem:s17+$0x59C0]  }
0x11d: {  	[tilespmem:s17+$0x5960] =	vst v10;
	v10 =	vmul.f32 v17, v15;
	v16 =	vld [tilespmem:s17+$0x59D0]  }
0x11e: {  	[tilespmem:s17+$0x5970] =	vst v11;
	v11 =	vmul.f32 v13, v15;
	v13 =	vld [tilespmem:s17+$0x59E0]  }
0x11f: {  	[tilespmem:s17+$0x5980] =	vst v10;
	v10 =	vmul.f32 v14, v15;
	v14 =	vld [tilespmem:s17+$0x59F0]  }
0x120: {  	[tilespmem:s17+$0x5990] =	vst v11;
	v11 =	vmul.f32 v18, v15;
	v17 =	vld [tilespmem:s17+$0x5A00]  }
0x121: {  	[tilespmem:s17+$0x59A0] =	vst v10;
	v10 =	vmul.f32 v12, v15;
	v12 =	vld [tilespmem:s17+$0x5A10]  }
0x122: {  	[tilespmem:s17+$0x59B0] =	vst v11;
	v11 =	vmul.f32 v16, v15;
	v16 =	vld [tilespmem:s17+$0x5A20]  }
0x123: {  	[tilespmem:s17+$0x59C0] =	vst v10;
	v10 =	vmul.f32 v13, v15;
	v13 =	vld [tilespmem:s17+$0x5A30]  }
0x124: {  	[tilespmem:s17+$0x59D0] =	vst v11;
	v11 =	vmul.f32 v14, v15;
	v14 =	vld [tilespmem:s17+$0x5A40]  }
0x125: {  	[tilespmem:s17+$0x59E0] =	vst v10;
	v10 =	vmul.f32 v17, v9;
	v15 =	vld [tilespmem:s17+$0x5A50]  }
0x126: {  	[tilespmem:s17+$0x59F0] =	vst v11;
	v11 =	vmul.f32 v12, v9;
	v12 =	vld [tilespmem:s17+$0x5A60]  }
0x127: {  	[tilespmem:s17+$0x5A00] =	vst v10;
	v10 =	vmul.f32 v16, v9;
	v16 =	vld [tilespmem:s17+$0x5A70]  }
0x128: {  	[tilespmem:s17+$0x5A10] =	vst v11;
	v11 =	vmul.f32 v13, v9;
	v13 =	vld [tilespmem:s17+$0x5A80]  }
0x129: {  	[tilespmem:s17+$0x5A20] =	vst v10;
	v10 =	vmul.f32 v14, v9;
	v14 =	vld [tilespmem:s17+$0x5A90]  }
0x12a: {  	[tilespmem:s17+$0x5A30] =	vst v11;
	v11 =	vmul.f32 v15, v9;
	v15 =	vld [tilespmem:s17+$0x5AA0]  }
0x12b: {  	[tilespmem:s17+$0x5A40] =	vst v10;
	v10 =	vmul.f32 v12, v9;
	v12 =	vbroadcast v3, $0x5;
	v17 =	vld [tilespmem:s17+$0x5AB0]  }
0x12c: {  	[tilespmem:s17+$0x5A50] =	vst v11;
	v9 =	vmul.f32 v16, v9;
	v11 =	vld [tilespmem:s17+$0x5AC0]  }
0x12d: {  	[tilespmem:s17+$0x5A60] =	vst v10;
	v10 =	vmul.f32 v13, v12;
	v13 =	vld [tilespmem:s17+$0x5AD0]  }
0x12e: {  	[tilespmem:s17+$0x5A70] =	vst v9;
	v9 =	vmul.f32 v14, v12;
	v14 =	vld [tilespmem:s17+$0x5AE0]  }
0x12f: {  	[tilespmem:s17+$0x5A80] =	vst v10;
	v10 =	vmul.f32 v15, v12;
	v15 =	vld [tilespmem:s17+$0x5AF0]  }
0x130: {  	[tilespmem:s17+$0x5A90] =	vst v9;
	v9 =	vmul.f32 v17, v12;
	v16 =	vld [tilespmem:s17+$0x5B00]  }
0x131: {  	[tilespmem:s17+$0x5AA0] =	vst v10;
	v10 =	vmul.f32 v11, v12;
	v11 =	vld [tilespmem:s17+$0x5B10]  }
0x132: {  	[tilespmem:s17+$0x5AB0] =	vst v9;
	v9 =	vmul.f32 v13, v12;
	v13 =	vld [tilespmem:s17+$0x5B20]  }
0x133: {  	[tilespmem:s17+$0x5AC0] =	vst v10;
	v10 =	vmul.f32 v14, v12;
	v14 =	vbroadcast v3, $0x6;
	v17 =	vld [tilespmem:s17+$0x5B30]  }
0x134: {  	[tilespmem:s17+$0x5AD0] =	vst v9;
	v9 =	vmul.f32 v15, v12;
	v12 =	vld [tilespmem:s17+$0x5B40]  }
0x135: {  	[tilespmem:s17+$0x5AE0] =	vst v10;
	v10 =	vmul.f32 v16, v14;
	v15 =	vld [tilespmem:s17+$0x5B50]  }
0x136: {  	[tilespmem:s17+$0x5AF0] =	vst v9;
	v9 =	vmul.f32 v11, v14;
	v11 =	vld [tilespmem:s17+$0x5B60]  }
0x137: {  	[tilespmem:s17+$0x5B00] =	vst v10;
	v10 =	vmul.f32 v13, v14;
	v13 =	vld [tilespmem:s17+$0x5B70]  }
0x138: {  	[tilespmem:s17+$0x5B10] =	vst v9;
	v9 =	vmul.f32 v17, v14;
	v16 =	vld [tilespmem:s17+$0x5B80]  }
0x139: {  	[tilespmem:s17+$0x5B20] =	vst v10;
	v10 =	vmul.f32 v12, v14;
	v12 =	vld [tilespmem:s17+$0x5B90]  }
0x13a: {  	[tilespmem:s17+$0x5B30] =	vst v9;
	v9 =	vmul.f32 v15, v14;
	v15 =	vld [tilespmem:s17+$0x5BA0]  }
0x13b: {  	[tilespmem:s17+$0x5B40] =	vst v10;
	v10 =	vmul.f32 v11, v14;
	v11 =	vbroadcast v3, $0x7;
	v17 =	vld [tilespmem:s17+$0x5BB0]  }
0x13c: {  	[tilespmem:s17+$0x5B50] =	vst v9;
	v9 =	vmul.f32 v13, v14;
	v13 =	vld [tilespmem:s17+$0x5BC0]  }
0x13d: {  	[tilespmem:s17+$0x5B60] =	vst v10;
	v10 =	vmul.f32 v16, v11;
	v14 =	vld [tilespmem:s17+$0x5BD0]  }
0x13e: {  	[tilespmem:s17+$0x5B70] =	vst v9;
	v9 =	vmul.f32 v12, v11;
	v12 =	vld [tilespmem:s17+$0x5BE0]  }
0x13f: {  	[tilespmem:s17+$0x5B80] =	vst v10;
	v10 =	vmul.f32 v15, v11;
	v15 =	vld [tilespmem:s17+$0x5BF0]  }
0x140: {  	[tilespmem:s17+$0x5B90] =	vst v9;
	v9 =	vmul.f32 v17, v11;
	v16 =	vld [tilespmem:s17+$0x5C00]  }
0x141: {  	[tilespmem:s17+$0x5BA0] =	vst v10;
	v10 =	vmul.f32 v13, v11;
	v13 =	vld [tilespmem:s17+$0x5C10]  }
0x142: {  	[tilespmem:s17+$0x5BB0] =	vst v9;
	v9 =	vmul.f32 v14, v11;
	v14 =	vld [tilespmem:s17+$0x5C20]  }
0x143: {  	[tilespmem:s17+$0x5BC0] =	vst v10;
	v10 =	vmul.f32 v12, v11;
	v12 =	vbroadcast v3, $0x8;
	v17 =	vld [tilespmem:s17+$0x5C30]  }
0x144: {  	[tilespmem:s17+$0x5BD0] =	vst v9;
	v9 =	vmul.f32 v15, v11;
	v11 =	vld [tilespmem:s17+$0x5C40]  }
0x145: {  	[tilespmem:s17+$0x5BE0] =	vst v10;
	v10 =	vmul.f32 v16, v12;
	v15 =	vld [tilespmem:s17+$0x5C50]  }
0x146: {  	[tilespmem:s17+$0x5BF0] =	vst v9;
	v9 =	vmul.f32 v13, v12;
	v13 =	vld [tilespmem:s17+$0x5C60]  }
0x147: {  	[tilespmem:s17+$0x5C00] =	vst v10;
	v10 =	vmul.f32 v14, v12;
	v14 =	vld [tilespmem:s17+$0x5C70]  }
0x148: {  	[tilespmem:s17+$0x5C10] =	vst v9;
	v9 =	vmul.f32 v17, v12;
	v16 =	vld [tilespmem:s17+$0x5C80]  }
0x149: {  	[tilespmem:s17+$0x5C20] =	vst v10;
	v10 =	vmul.f32 v11, v12;
	v11 =	vld [tilespmem:s17+$0x5C90]  }
0x14a: {  	[tilespmem:s17+$0x5C30] =	vst v9;
	v9 =	vmul.f32 v15, v12;
	v15 =	vld [tilespmem:s17+$0x5CA0]  }
0x14b: {  	[tilespmem:s17+$0x5C40] =	vst v10;
	v10 =	vmul.f32 v13, v12;
	v13 =	vbroadcast v3, $0x9;
	v17 =	vld [tilespmem:s17+$0x5CB0]  }
0x14c: {  	[tilespmem:s17+$0x5C50] =	vst v9;
	v9 =	vmul.f32 v14, v12;
	v12 =	vld [tilespmem:s17+$0x5CC0]  }
0x14d: {  	[tilespmem:s17+$0x5C60] =	vst v10;
	v10 =	vmul.f32 v16, v13;
	v14 =	vld [tilespmem:s17+$0x5CD0]  }
0x14e: {  	[tilespmem:s17+$0x5C70] =	vst v9;
	v9 =	vmul.f32 v11, v13;
	v11 =	vld [tilespmem:s17+$0x5CE0]  }
0x14f: {  	[tilespmem:s17+$0x5C80] =	vst v10;
	v10 =	vmul.f32 v15, v13;
	v15 =	vld [tilespmem:s17+$0x5CF0]  }
0x150: {  	[tilespmem:s17+$0x5C90] =	vst v9;
	v9 =	vmul.f32 v17, v13;
	v16 =	vld [tilespmem:s17+$0x5D00]  }
0x151: {  	[tilespmem:s17+$0x5CA0] =	vst v10;
	v10 =	vmul.f32 v12, v13;
	v12 =	vld [tilespmem:s17+$0x5D10]  }
0x152: {  	[tilespmem:s17+$0x5CB0] =	vst v9;
	v9 =	vmul.f32 v14, v13;
	v14 =	vld [tilespmem:s17+$0x5D20]  }
0x153: {  	[tilespmem:s17+$0x5CC0] =	vst v10;
	v10 =	vmul.f32 v11, v13;
	v11 =	vld [tilespmem:s17+$0x5D30]  }
0x154: {  	[tilespmem:s17+$0x5CD0] =	vst v9;
	v9 =	vmul.f32 v15, v13;
	v13 =	vld [tilespmem:s17+$0x5D40]  }
0x155: {  	[tilespmem:s17+$0x5CE0] =	vst v10;
	v10 =	vmul.f32 v16, v6;
	v15 =	vld [tilespmem:s17+$0x5D50]  }
0x156: {  	[tilespmem:s17+$0x5CF0] =	vst v9;
	v9 =	vmul.f32 v12, v6;
	v12 =	vld [tilespmem:s17+$0x5D60]  }
0x157: {  	v16 =	vld [tilespmem:s17+$0x5800];
	[tilespmem:s17+$0x5D00] =	vst v10;
	v10 =	vmul.f32 v14, v6  }
0x158: {  	v14 =	vld [tilespmem:s17+$0x5810];
	[tilespmem:s17+$0x5D10] =	vst v9;
	v9 =	vmul.f32 v11, v6  }
0x159: {  	v11 =	vld [tilespmem:s17+$0x5840];
	[tilespmem:s17+$0x5D20] =	vst v10;
	v10 =	vmul.f32 v13, v6  }
0x15a: {  	v13 =	vld [tilespmem:s17+$0x5850];
	[tilespmem:s17+$0x5D30] =	vst v9;
	v9 =	vmul.f32 v15, v6  }
0x15b: {  	[tilespmem:s17+$0x5D40] =	vst v10;
	v10 =	vmul.f32 v12, v6;
	v12 =	vbroadcast v3, $0xB;
	v15 =	vld [tilespmem:s17+$0x5DA0]  }
0x15c: {  	v6 =	vbroadcast v3, $0xF;
	v16 =	vmul.f32 v4, v16;
	[tilespmem:s17+$0x5D50] =	vst v9;
	v9 =	vld [tilespmem:s17+$0x5DB0]  }
0x15d: {  	v14 =	vmul.f32 v14, v4;
	[tilespmem:s17+$0x5D60] =	vst v10;
	v7 =	vmul.f32 v7, v12;
	v10 =	vld [tilespmem:s17+$0x5DC0]  }
0x15e: {  	v8 =	vmul.f32 v8, v12;
	[tilespmem:s17+$0x5800] =	vst v16;
	v11 =	vmul.f32 v11, v4;
	v16 =	vld [tilespmem:s17+$0x5DD0]  }
0x15f: {  	v5 =	vmul.f32 v5, v6;
	v13 =	vmul.f32 v13, v4;
	[tilespmem:s17+$0x5D80] =	vst v7;
	v4 =	vld [tilespmem:s17+$0x5DE0]  }
0x160: {  	[tilespmem:s17+$0x5D90] =	vst v8;
	v7 =	vmul.f32 v15, v12;
	v8 =	vld [tilespmem:s17+$0x5DF0]  }
0x161: {  	v9 =	vmul.f32 v9, v12;
	v15 =	vld [tilespmem:s17+$0x5E00];
	[tilespmem:s17+$0x5FD0] =	vst v5  }
0x162: {  	[tilespmem:s17+$0x5810] =	vst v14;
	v5 =	vmul.f32 v10, v12;
	v10 =	vld [tilespmem:s17+$0x5E10]  }
0x163: {  	[tilespmem:s17+$0x5840] =	vst v11;
	v11 =	vmul.f32 v16, v12;
	v14 =	vld [tilespmem:s17+$0x5E20]  }
0x164: {  	v16 =	vbroadcast v3, $0xC;
	[tilespmem:s17+$0x5DA0] =	vst v7;
	v7 =	vmul.f32 v4, v12;
	v17 =	vld [tilespmem:s17+$0x5E30]  }
0x165: {  	[tilespmem:s17+$0x5DD0] =	vst v11;
	v8 =	vmul.f32 v8, v12;
	v11 =	vld [tilespmem:s17+$0x5E40]  }
0x166: {  	[tilespmem:s17+$0x5DB0] =	vst v9;
	v4 =	vmul.f32 v15, v16;
	v9 =	vld [tilespmem:s17+$0x5E50]  }
0x167: {  	[tilespmem:s17+$0x5DC0] =	vst v5;
	v5 =	vmul.f32 v10, v16;
	v10 =	vld [tilespmem:s17+$0x5E60]  }
0x168: {  	[tilespmem:s17+$0x5E00] =	vst v4;
	v4 =	vmul.f32 v14, v16;
	v12 =	vld [tilespmem:s17+$0x5E70]  }
0x169: {  	[tilespmem:s17+$0x5E10] =	vst v5;
	v5 =	vld [tilespmem:s17+$0x5E80]  }
0x16a: {  	[tilespmem:s17+$0x5850] =	vst v13;
	v11 =	vmul.f32 v11, v16;
	v13 =	vld [tilespmem:s17+$0x5E90]  }
0x16b: {  	[tilespmem:s17+$0x5DE0] =	vst v7;
	v7 =	vmul.f32 v9, v16;
	v9 =	vld [tilespmem:s17+$0x5EA0]  }
0x16c: {  	[tilespmem:s17+$0x5E40] =	vst v11;
	v10 =	vmul.f32 v10, v16;
	v11 =	vbroadcast v3, $0xD;
	v14 =	vld [tilespmem:s17+$0x5EB0]  }
0x16d: {  	[tilespmem:s17+$0x5E50] =	vst v7;
	v7 =	vmul.f32 v12, v16;
	v12 =	vld [tilespmem:s17+$0x5EC0]  }
0x16e: {  	[tilespmem:s17+$0x5E60] =	vst v10;
	v5 =	vmul.f32 v5, v11;
	v10 =	vld [tilespmem:s17+$0x5ED0]  }
0x16f: {  	[tilespmem:s17+$0x5E70] =	vst v7;
	v7 =	vmul.f32 v13, v11;
	v13 =	vld [tilespmem:s17+$0x5EE0]  }
0x170: {  	[tilespmem:s17+$0x5E80] =	vst v5;
	v5 =	vmul.f32 v9, v11;
	v9 =	vld [tilespmem:s17+$0x5EF0]  }
0x171: {  	[tilespmem:s17+$0x5E90] =	vst v7;
	v7 =	vmul.f32 v14, v11;
	v14 =	vld [tilespmem:s17+$0x5F00]  }
0x172: {  	[tilespmem:s17+$0x5EA0] =	vst v5;
	v5 =	vmul.f32 v12, v11;
	v12 =	vld [tilespmem:s17+$0x5F10]  }
0x173: {  	[tilespmem:s17+$0x5EB0] =	vst v7;
	v7 =	vmul.f32 v10, v11;
	v10 =	vld [tilespmem:s17+$0x5F20]  }
0x174: {  	v3 =	vbroadcast v3, $0xE;
	[tilespmem:s17+$0x5DF0] =	vst v8;
	v8 =	vmul.f32 v13, v11;
	v13 =	vld [tilespmem:s17+$0x5F30]  }
0x175: {  	[tilespmem:s17+$0x5ED0] =	vst v7;
	v7 =	vmul.f32 v9, v11;
	v9 =	vld [tilespmem:s17+$0x5F40]  }
0x176: {  	[tilespmem:s17+$0x5EE0] =	vst v8;
	v8 =	vmul.f32 v14, v3;
	v11 =	vld [tilespmem:s17+$0x5F50]  }
0x177: {  	[tilespmem:s17+$0x5EF0] =	vst v7;
	v7 =	vmul.f32 v12, v3;
	v12 =	vld [tilespmem:s17+$0x5F60]  }
0x178: {  	[tilespmem:s17+$0x5F00] =	vst v8;
	v8 =	vmul.f32 v10, v3;
	v10 =	vld [tilespmem:s17+$0x5F70]  }
0x179: {  	[tilespmem:s17+$0x5F10] =	vst v7;
	v7 =	vmul.f32 v13, v3;
	v13 =	vld [tilespmem:s17+$0x5F80]  }
0x17a: {  	[tilespmem:s17+$0x5F20] =	vst v8;
	v8 =	vmul.f32 v9, v3;
	v9 =	vld [tilespmem:s17+$0x5F90]  }
0x17b: {  	[tilespmem:s17+$0x5F30] =	vst v7;
	v7 =	vmul.f32 v11, v3;
	v11 =	vld [tilespmem:s17+$0x5FA0]  }
0x17c: {  	[tilespmem:s17+$0x5F40] =	vst v8;
	v8 =	vmul.f32 v12, v3;
	v12 =	vld [tilespmem:s17+$0x5FB0]  }
0x17d: {  	[tilespmem:s17+$0x5EC0] =	vst v5;
	v3 =	vmul.f32 v10, v3;
	v5 =	vld [tilespmem:s17+$0x5FC0]  }
0x17e: {  	[tilespmem:s17+$0x5F60] =	vst v8;
	v8 =	vmul.f32 v13, v6;
	v10 =	vld [tilespmem:s17+$0x5FE0]  }
0x17f: {  	[tilespmem:s17+$0x5F70] =	vst v3;
	v3 =	vmul.f32 v9, v6;
	v9 =	vld [tilespmem:s17+$0x5FF0]  }
0x180: {  	[tilespmem:s17+$0x5F80] =	vst v8;
	v8 =	vmul.f32 v11, v6  }
0x181: {  	[tilespmem:s17+$0x5F90] =	vst v3;
	v3 =	vmul.f32 v12, v6  }
0x182: {  	v11 =	vmul.f32 v17, v16;
	[tilespmem:s17+$0x5FA0] =	vst v8  }
0x183: {  	[tilespmem:s17+$0x5FB0] =	vst v3;
	v3 =	vmul.f32 v5, v6  }
.Ltmp2:
0x184: {  	[tilespmem:s17+$0x5E30] =	vst v11;
	v5 =	vmul.f32 v9, v6;
	(pc) =	sbr.rel @p1 .LBB2_6-.Ltmp2, $4  }
0x185: {  	[tilespmem:s17+$0x5FC0] =	vst v3  }
0x186: {  	v3 =	vmul.f32 v10, v6;
	[tilespmem:s17+$0x5FF0] =	vst v5  }
0x187: {  	[tilespmem:s17+$0x5F50] =	vst v7  }
0x188: {  	[tilespmem:s17+$0x5FE0] =	vst v3  }
0x189: {  	s16 =	sadd.s32 $0x1, s16  }
0x18a: {  	p1 =	sne.s32 s16, s9  }
.Ltmp3:
0x18b: {  	[tilespmem:s17+$0x5E20] =	vst v4;
	(pc) =	sbr.rel @p1 .LBB2_1-.Ltmp3, $4  }
0x18c: {  	[hbm4b:s8+s3] =	stream.linear.scatter [tilespmem:s15], [sflag:$0x1], $0xA000, $0x38;
	[tilespmem:$0xF800] =	vst v63  }
0x18d: {  	_ =	swait.ge [sflag:s11], $0xA000  }
0x18e: {  	[sflag:s11] =	ssyncset.done $0x0  }
0x18f: {  	[sflag:s11] =	ssyncadd.s32 $0xFFFF6000  }
0x190: {  	_ =	sfence.sel $0x180000  }
0x191: {  	[bflag:$0x0] =	sbarrier.arrive $0xFFFF  }
0x192: {  	p0 =	sne.s32 s1, $0x0;
	_ =	strace $0x90000047  }
0x193: {  	s0 =	sadd.s32 @!p0 $0x100000, s0;
	[bflag:$0x2] =	sbarrier.arrive $0xFFFF  }
0x194: {  	[sflag:s0] =	ssyncadd.tile.s32 @!p0 $0x1;
	_ =	shalt  }
.Lfunc_end2:
_tile_overlayer_lowered:
.L_overlay_start_2:
0x195: {  	(tag) =	ssettag $0x2  }
0x196: {  	s0 =	rddreg [dreg:$0x0];
	s2 =	stileid.u32  }
0x197: {  	s1 =	rddreg [dreg:$0x1];
	p0 =	sne.s32 s2, $0x0  }
0x198: {  	s3 =	rddreg [dreg:$0x2];
	[bflag:$0x3] =	sbarrier.arrive $0xFFFF;
	s2 =	simm.s32 @!p0 $0x1C01  }
0x199: {  	[timem:s3], [sflag:s2] =	dma.local @!p0 [hbm:s0], s1  }
0x19a: {  	s0 =	simm.s32 @!p0 $0x1  }
0x19b: {  	_ =	swait.ge @!p0 [sflag:s0], s1  }
0x19c: {  	s1 =	ssub.s32 @!p0 $0x0, s1;
	[sflag:s0] =	ssyncset.done @!p0 $0x0  }
0x19d: {  	[sflag:s0] =	ssyncadd.s32 @!p0 s1  }
0x19e: {  	[bflag:$0x3] =	sbarrier.arrive $0xFFFF  }
0x19f: {  	_ =	shalt  }

// kernel: kernel.8.cloned.1.call-start
scs
__scs_entry_jumppad:
0x0: {  	(pc) =	sbr.rel $0x88, $3  }
0x1: {  	(tag) =	ssettag $0x0;
	lr =	simm.s32 $0x1  }
0x2: {  	[smem:$0x3F9D] =	sst lr;
	_ =	strace $0xD0000000  }
0x3: {  	_ = 	snop  }
0x4: {  	_ = 	snop  }
0x5: {  	_ = 	snop  }
0x6: {  	_ = 	snop  }
0x7: {  	_ = 	snop  }
__scs_overlays_trampoline_lowered:
0x8: {  	[smem:$0x3FAC] =	sst s0  }
0x9: {  	[smem:$0x3FAD] =	sst s1  }
0xa: {  	[smem:$0x3FAE] =	sst s2  }
0xb: {  	[smem:$0x3FAF] =	sst s3  }
0xc: {  	[smem:$0x3FB0] =	sst s4  }
0xd: {  	[smem:$0x3FB1] =	sst s5  }
0xe: {  	[smem:$0x3FB2] =	sst s6  }
0xf: {  	[smem:$0x3FB3] =	sst s7  }
0x10: {  	[smem:$0x3FB4] =	sst s8  }
0x11: {  	[smem:$0x3FB5] =	sst s9;
	s0 =	simm.s32 @!p0 $0x0  }
0x12: {  	s1 =	sld [smem:$0x3F9B];
	s0 =	simm.s32 @p0 $0x1  }
0x13: {  	[smem:$0x3FB6] =	sst s0;
	s0 =	simm.s32 @!p1 $0x0  }
0x14: {  	s2 =	sld [smem:$0x3F9A];
	s0 =	simm.s32 @p1 $0x1  }
0x15: {  	[smem:$0x3FB7] =	sst s0;
	s0 =	simm.s32 @!p2 $0x0  }
0x16: {  	s3 =	sld [smem:$0x3FDB];
	s0 =	simm.s32 @p2 $0x1  }
0x17: {  	s4 =	simm.s32 $0x1BF5;
	[smem:$0x3FB9] =	sst s0  }
0x18: {  	s0 =	sld [smem:$0x3F9C];
	_ =	swait.ge [sflag:s4], $0x0  }
0x19: {  	s7 =	sld [smem:$0x3F9D]  }
0x1a: {  	s8 =	sadd.s32 $0xFFFFE003, lr  }
0x1b: {  	s9 =	sadd.s32 $0xFFFFFEF7, lr;
	s5 =	simm.s32 $0xFFFFFFFF;
	p2 =	slt.u32 s8, $0xFFFFF086  }
0x1c: {  	p1 =	slt.u32 s9, $0xF7A;
	s5 =	simm.s32 @!p2 $0x0  }
0x1d: {  	s5 =	simm.s32 @p1 $0x1;
	p0 =	seq.s32 s7, s2  }
0x1e: {  	s7 =	smul.u32 @!p0 $0xF7A, s2;
	p2 =	seq.s32 @!p0 s5, $0x0  }
0x1f: {  	s9 =	smul.u32 $0xF7A, s1;
	s8 =	simm.s32 @!p0 $0x1BF5;
	p2 =	por !p2, p0  }
0x20: {  	[sflag:s8] =	ssyncset.s32 @!p0 $0xFFFFF086;
	s6 =	sadd.s32 @!p0 s3, s7;
	s7 =	simm.s32 @!p0 $0x108  }
0x21: {  	s3 =	sadd.s32 s3, s9;
	s6 =	sadd.s32 @!p0 $0x88, s6;
	s7 =	simm.s32 @p2 $0x1082  }
0x22: {  	[simem:s7], [sflag:s8] =	dma.local @!p0 [hbm:s6], $0xF7A  }
0x23: {  	s9 =	sor.u32 $0xD0000000, s2;
	s6 =	simm.s32 $0x108;
	_ =	swait.ge @!p0 [sflag:s8], $0x0  }
0x24: {  	s3 =	sadd.s32 $0x88, s3;
	s6 =	simm.s32 @!p1 $0x1082;
	[sflag:s4] =	ssyncset.s32 $0xFFFFF086  }
0x25: {  	[simem:s6], [sflag:s4] =	dma.local [hbm:s3], $0xF7A  }
0x26: {  	[smem:$0x3F9D] =	sst s1;
	(tag) =	ssettag s2;
	_ =	strace s9  }
0x27: {  	s1 =	sld [smem:$0x3FAD]  }
0x28: {  	s2 =	sld [smem:$0x3FAE]  }
0x29: {  	s4 =	sld [smem:$0x3FB0]  }
0x2a: {  	p0 =	seq.s32 s5, $0x0;
	s5 =	sld [smem:$0x3FB1]  }
0x2b: {  	s6 =	sld [smem:$0x3FB2]  }
0x2c: {  	s7 =	sld [smem:$0x3FB3]  }
0x2d: {  	s3 =	simm.s32 $0x108;
	s8 =	sld [smem:$0x3FB4]  }
0x2e: {  	s3 =	simm.s32 @!p0 $0x1082;
	s9 =	sld [smem:$0x3FB5]  }
0x2f: {  	lr =	sadd.s32 s0, s3;
	s0 =	sld [smem:$0x3FAC]  }
0x30: {  	s3 =	sld [smem:$0x3FAF]  }
0x31: {  	[smem:$0x3FB8] =	sst s10  }
0x32: {  	s10 =	sld [smem:$0x3FB6];
	_ =	sdelay $0x3  }
0x33: {  	p0 =	seq.s32 s10, $0x1;
	s10 =	sld [smem:$0x3FB8];
	_ =	sdelay $0x3  }
0x34: {  	[smem:$0x3FB8] =	sst s10  }
0x35: {  	s10 =	sld [smem:$0x3FB7];
	_ =	sdelay $0x3  }
0x36: {  	p1 =	seq.s32 s10, $0x1;
	s10 =	sld [smem:$0x3FB8];
	_ =	sdelay $0x3  }
0x37: {  	[smem:$0x3FB8] =	sst s10  }
0x38: {  	s10 =	sld [smem:$0x3FB9]  }
0x39: {  	_ = 	snop;
	(pc) =	sbr.ind lr, $3  }
0x3a: {  	_ = 	snop  }
0x3b: {  	_ = 	snop  }
0x3c: {  	p2 =	seq.s32 s10, $0x1;
	s10 =	sld [smem:$0x3FB8]  }
0x3d: {  	_ =	shalt  }
0x3e: {  	_ =	shalt  }
0x3f: {  	_ =	shalt  }
0x40: {  	_ =	shalt  }
0x41: {  	_ =	shalt  }
0x42: {  	_ =	shalt  }
0x43: {  	_ =	shalt  }
0x44: {  	_ =	shalt  }
0x45: {  	_ =	shalt  }
0x46: {  	_ =	shalt  }
0x47: {  	_ =	shalt  }
0x48: {  	_ =	shalt  }
0x49: {  	_ =	shalt  }
0x4a: {  	_ =	shalt  }
0x4b: {  	_ =	shalt  }
0x4c: {  	_ =	shalt  }
0x4d: {  	_ =	shalt  }
0x4e: {  	_ =	shalt  }
0x4f: {  	_ =	shalt  }
0x50: {  	_ =	shalt  }
0x51: {  	_ =	shalt  }
0x52: {  	_ =	shalt  }
0x53: {  	_ =	shalt  }
0x54: {  	_ =	shalt  }
0x55: {  	_ =	shalt  }
0x56: {  	_ =	shalt  }
0x57: {  	_ =	shalt  }
0x58: {  	_ =	shalt  }
0x59: {  	_ =	shalt  }
0x5a: {  	_ =	shalt  }
0x5b: {  	_ =	shalt  }
0x5c: {  	_ =	shalt  }
0x5d: {  	_ =	shalt  }
0x5e: {  	_ =	shalt  }
0x5f: {  	_ =	shalt  }
0x60: {  	_ =	shalt  }
0x61: {  	_ =	shalt  }
0x62: {  	_ =	shalt  }
0x63: {  	_ =	shalt  }
0x64: {  	_ =	shalt  }
0x65: {  	_ =	shalt  }
0x66: {  	_ =	shalt  }
0x67: {  	_ =	shalt  }
0x68: {  	_ =	shalt  }
0x69: {  	_ =	shalt  }
0x6a: {  	_ =	shalt  }
0x6b: {  	_ =	shalt  }
0x6c: {  	_ =	shalt  }
0x6d: {  	_ =	shalt  }
0x6e: {  	_ =	shalt  }
0x6f: {  	_ =	shalt  }
0x70: {  	_ =	shalt  }
0x71: {  	_ =	shalt  }
0x72: {  	_ =	shalt  }
0x73: {  	_ =	shalt  }
0x74: {  	_ =	shalt  }
0x75: {  	_ =	shalt  }
0x76: {  	_ =	shalt  }
0x77: {  	_ =	shalt  }
0x78: {  	_ =	shalt  }
0x79: {  	_ =	shalt  }
0x7a: {  	_ =	shalt  }
0x7b: {  	_ =	shalt  }
0x7c: {  	_ =	shalt  }
0x7d: {  	_ =	shalt  }
0x7e: {  	_ =	shalt  }
0x7f: {  	_ =	shalt  }
0x80: {  	_ =	shalt  }
0x81: {  	_ =	shalt  }
0x82: {  	_ =	shalt  }
0x83: {  	_ =	shalt  }
0x84: {  	_ =	shalt  }
0x85: {  	_ =	shalt  }
0x86: {  	_ =	shalt  }
0x87: {  	_ =	shalt  }
.Lfunc_end0:
.L_simem_size_0:
called_computation.1_lowered:
.L_overlay_start_0:
0x88: {  	s2 =	sld [smem:$0x3FD9]  }
0x89: {  	s3 =	sld [smem:$0x3FFE];
	_ =	sdelay $0x1  }
0x8a: {  	s1 =	srdreg.scid  }
0x8b: {  	s0 =	sand.u32 $0x1, s1  }
0x8c: {  	s17 =	sshll.u32 s0, $0xA;
	s2 =	sadd.s32 s3, s2  }
0x8d: {  	s2 =	sadd.s32 s2, s17  }
0x8e: {  	[smem:$0x3FC4] =	sst s2  }
0x8f: {  	_ = 	snop  }
0x90: {  	s2 =	sld [smem:$0x3FD0];
	(tm) =	ssettm $0x1  }
0x91: {  	s18 =	sld [smem:$0x3FFB];
	_ =	sdelay $0x3  }
0x92: {  	_ =	strace s18  }
0x93: {  	s3 =	sld [smem:$0x3FFC];
	_ =	sdelay $0x3  }
0x94: {  	_ =	strace s3  }
0x95: {  	s3 =	sld [smem:$0x3FFD];
	_ =	sdelay $0x3  }
0x96: {  	_ =	strace s3  }
0x97: {  	_ =	strace $0x8FFFFFFF  }
0x98: {  	s19 =	sld [smem:$0x3FDB];
	_ =	sdelay $0x1  }
0x99: {  	s4 =	simm.s32 $_scs_section_size  }
0x9a: {  	s5 =	simm.s32 $_size__tile_overlayer_lowered;
	s6 =	simm.s32 $_tile_overlayer_lowered  }
0x9b: {  	s22 =	simm.s32 $0x1BFF;
	s21 =	sshll.u32 s6, $0x1;
	s3 =	sadd.s32 s4, s19  }
0x9c: {  	s7 =	simm.s32 $0x0;
	s20 =	sshll.u32 s5, $0x1;
	s5 =	sadd.s32 s21, s3  }
0x9d: {  	[timem:s7], [sflag:s22] =	dma.local [hbm:s5], s20  }
0x9e: {  	_ =	swait.ge [sflag:s22], s20  }
0x9f: {  	s4 =	ssub.s32 $0x0, s20;
	[sflag:s22] =	ssyncset.done $0x0  }
0xa0: {  	[sflag:s22] =	ssyncadd.s32 s4;
	_ =	sdelay $0x1  }
0xa1: {  	s23 =	simm.s32 $0x1B8B  }
0xa2: {  	_ =	swait.ge [sflag:s23], $0x1  }
0xa3: {  	[sflag:s23] =	ssyncset.done $0x0  }
0xa4: {  	s25 =	simm.s32 $0x1B8E;
	s24 =	sld [smem:$0x3FFE];
	[sflag:s23] =	ssyncadd.s32 $0xFFFFFFFF  }
0xa5: {  	s26 =	simm.s32 $execute0_lowered;
	[smem:$0x3FD2] =	sst s25  }
0xa6: {  	s5 =	sshll.u32 s26, $0x1;
	_ =	strace $0x80000049;
	[dreg:$0x1] =	wrdreg $0xFFFFFFFF  }
0xa7: {  	s28 =	simm.s32 $_size_execute0_lowered;
	s3 =	sadd.s32 s3, s5;
	[dreg:$0x0] =	wrdreg $0x0  }
0xa8: {  	s5 =	sshll.u32 s28, $0x1;
	[dreg:$0x2] =	wrdreg s3  }
0xa9: {  	[dreg:$0x3] =	wrdreg s5  }
0xaa: {  	[dreg:$0x4] =	wrdreg $0xC0  }
0xab: {  	_ =	task [dreg:s7], $0x5FFFF  }
0xac: {  	[dreg:$0x1] =	wrdreg $0xFFFFFFFF  }
0xad: {  	[dreg:$0x0] =	wrdreg $0x60  }
0xae: {  	[dreg:$0x2] =	wrdreg s24  }
0xaf: {  	[dreg:$0x3] =	wrdreg s2  }
0xb0: {  	[dreg:$0x4] =	wrdreg $0x0  }
0xb1: {  	[dreg:$0x5] =	wrdreg $0x9  }
0xb2: {  	_ =	task.clear_ibuf [dreg:s7], $0x6FFFF;
	_ =	strace $0x90000049  }
0xb3: {  	s29 =	simm.s32 $0x9;
	_ =	strace $0x8000004B  }
0xb4: {  	_ =	swait.ge [sflag:s29], $0x1  }
0xb5: {  	[sflag:s29] =	ssyncadd.s32 $0xFFFFFFFF  }
0xb6: {  	_ =	strace $0x9000004B  }
0xb7: {  	_ =	sfence  }
0xb8: {  	s30 =	sld [smem:$0x0];
	_ =	sdelay $0x2  }
0xb9: {  	s31 =	sshll.u32 s1, $0xD;
	s1 =	sshrl.u32 s1, $0x2  }
0xba: {  	s3 =	sand.u32 $0x4000, s31;
	s1 =	sadd.s32 s1, s30  }
0xbb: {  	s0 =	sor.u32 s3, s0;
	s1 =	sshll.u32 s1, $0x11  }
0xbc: {  	s0 =	sor.u32 s1, s0  }
0xbd: {  	s0 =	sadd.s32 $0x8F2B, s0  }
0xbe: {  	[sflag:s0] =	ssyncadd.remote.s32 $0x1  }
0xbf: {  	_ =	sfence.sel $0xFFFF  }
0xc0: {  	[dreg:$0x0] =	wrdreg $0xFFFFFFFF;
	(pc) =	sbr.abs _section_cstart, $3  }
0xc1: {  	[dreg:$0x1] =	wrdreg $0xFFFFFFFF  }
0xc2: {  	_ =	task.clear_ibuf [dreg:s7], $0x2FFFF;
	_ =	strace $0x9FFFFFFF  }
0xc3: {  	(tm) =	ssettm $0x7FFFFFFF  }
tec
execute0_lowered:
.L_overlay_start_1:
0x0: {  	(tag) =	ssettag $0x1  }
0x1: {  	s0 =	rddreg [dreg:$0x0]  }
0x2: {  	s14 =	rddreg [dreg:$0x1]  }
0x3: {  	s1 =	rddreg [dreg:$0x2]  }
0x4: {  	s3 =	simm.s32 $0x0;
	s2 =	srdreg.scid;
	s23 =	stileid.u32  }
0x5: {  	s17 =	simm.s32 $0x5;
	s18 =	simm.s32 $0x14880;
	s19 =	simm.s32 $0x80  }
0x6: {  	s20 =	simm.s32 $0x14A00;
	s21 =	simm.s32 $0x14900;
	s22 =	simm.s32 $0x14980  }
0x7: {  	s28 =	simm.s32 $0x2;
	s29 =	simm.s32 $0x3;
	s7 =	smul.u32 $0x2800, s23  }
0x8: {  	s30 =	simm.s32 $0x0;
	[smem:$0x7FF] =	sst s3;
	s9 =	smul.u32 $0x50000, s23  }
0x9: {  	s6 =	sand.u32 $0x1, s2;
	s8 =	sshll.u32 s23, $0x1;
	s10 =	smul.u32 $0x5000, s23  }
0xa: {  	s15 =	sadd.s32 $0x29800, s0;
	s4 =	sadd.s32 $0x33E00, s0;
	s5 =	smul.u32 $0x28000, s6  }
0xb: {  	s23 =	simm.s32 $0x14000;
	s8 =	sor.u32 s6, s8;
	s12 =	smul.u32 $0x2800, s6  }
0xc: {  	_ =	strace $0x8000004A;
	s24 =	ssub.s32 $0x2, s6;
	s8 =	smul.u32 $0x2800, s8  }
0xd: {  	s25 =	sshrl.u32 s24, $0x1;
	s9 =	sshrl.u32 s9, $0x2;
	s5 =	sadd.s32 s7, s5  }
0xe: {  	s11 =	ssub.s32 s24, s25;
	s9 =	sadd.s32 s9, s1;
	s12 =	sadd.s32 s12, s10  }
0xf: {  	s24 =	simm.s32 $0x4;
	s25 =	simm.s32 $0x18A00;
	s0 =	sadd.s32 s5, s0  }
0x10: {  	s26 =	sshrl.u32 s8, $0x3;
	s31 =	sor.u32 $0x180, s12;
	s12 =	sor.u32 $0x100, s12  }
0x11: {  	s11 =	smax.u32 s11, $0x1;
	s5 =	sadd.s32 s15, s26;
	s8 =	sor.u32 $0x10, s26  }
0x12: {  	s6 =	sadd.s32 s14, s26;
	s10 =	sadd.s32 $0x5BE00, s0;
	s0 =	sshrl.u32 s31, $0x3  }
0x13: {  	s16 =	sshrl.u32 s12, $0x3;
	s26 =	simm.s32 $0x1;
	s7 =	sadd.s32 s15, s8  }
0x14: {  	s8 =	sadd.s32 s14, s8;
	s12 =	sadd.s32 s0, s14;
	s13 =	sadd.s32 s0, s15  }
0x15: {  	v0 =	vimm.f32 $0.0e+00;
	s14 =	sadd.s32 s16, s14;
	s15 =	sadd.s32 s16, s15;
	s16 =	simm.s32 $0x14800  }
.LBB2_1:
0x16: {  	[tilespmem:s16], [sflag:$0x5] =	stream.linear.gather [hbm4b:s5+s3], $0x80, $0x38;
	[tilespmem:$0x1CA00] =	vst v63  }
0x17: {  	_ =	swait.ge [sflag:s17], $0x80  }
0x18: {  	[sflag:s17] =	ssyncset.done $0x0  }
0x19: {  	[sflag:s17] =	ssyncadd.s32 $0xFFFFFF80  }
0x1a: {  	[tilespmem:s18], [sflag:$0x5] =	stream.linear.gather [hbm4b:s6+s3], $0x80, $0x38;
	[tilespmem:$0x1CA00] =	vst v63  }
0x1b: {  	_ =	swait.ge [sflag:s17], $0x80  }
0x1c: {  	[sflag:s17] =	ssyncset.done $0x0  }
0x1d: {  	[sflag:s17] =	ssyncadd.s32 $0xFFFFFF80  }
0x1e: {  	[tilespmem:s20], [sflag:$0x1] =	stream.indirect.gather [hbm4b:s4+s19], $0x80, s18, s19, $0xb8;
	[tilespmem:$0x1CA00] =	vst v63  }
0x1f: {  	_ = 	snop  }
0x20: {  	[tilespmem:s21], [sflag:$0x4] =	stream.linear.gather [hbm4b:s7+s3], $0x80, $0x38;
	[tilespmem:$0x1CA00] =	vst v63  }
0x21: {  	_ = 	snop  }
0x22: {  	[tilespmem:s22], [sflag:$0x4] =	stream.linear.gather [hbm4b:s8+s3], $0x80, $0x38;
	[tilespmem:$0x1CA00] =	vst v63  }
0x23: {  	[tilespmem:$0x14000] =	vst v0  }
0x24: {  	[tilespmem:$0x14010] =	vst v0  }
0x25: {  	[tilespmem:$0x14020] =	vst v0  }
0x26: {  	[tilespmem:$0x14030] =	vst v0  }
0x27: {  	[tilespmem:$0x14040] =	vst v0  }
0x28: {  	[tilespmem:$0x14050] =	vst v0  }
0x29: {  	[tilespmem:$0x14060] =	vst v0  }
0x2a: {  	[tilespmem:$0x14070] =	vst v0  }
0x2b: {  	[tilespmem:$0x14080] =	vst v0  }
0x2c: {  	[tilespmem:$0x14090] =	vst v0  }
0x2d: {  	[tilespmem:$0x140A0] =	vst v0  }
0x2e: {  	[tilespmem:$0x140B0] =	vst v0  }
0x2f: {  	[tilespmem:$0x140C0] =	vst v0  }
0x30: {  	[tilespmem:$0x140D0] =	vst v0  }
0x31: {  	[tilespmem:$0x140E0] =	vst v0  }
0x32: {  	[tilespmem:$0x140F0] =	vst v0  }
0x33: {  	[tilespmem:$0x14100] =	vst v0  }
0x34: {  	[tilespmem:$0x14110] =	vst v0  }
0x35: {  	[tilespmem:$0x14120] =	vst v0  }
0x36: {  	[tilespmem:$0x14130] =	vst v0  }
0x37: {  	[tilespmem:$0x14140] =	vst v0  }
0x38: {  	[tilespmem:$0x14150] =	vst v0  }
0x39: {  	[tilespmem:$0x14160] =	vst v0  }
0x3a: {  	[tilespmem:$0x14170] =	vst v0  }
0x3b: {  	[tilespmem:$0x14180] =	vst v0  }
0x3c: {  	[tilespmem:$0x14190] =	vst v0  }
0x3d: {  	[tilespmem:$0x141A0] =	vst v0  }
0x3e: {  	[tilespmem:$0x141B0] =	vst v0  }
0x3f: {  	[tilespmem:$0x141C0] =	vst v0  }
0x40: {  	[tilespmem:$0x141D0] =	vst v0  }
0x41: {  	[tilespmem:$0x141E0] =	vst v0  }
0x42: {  	[tilespmem:$0x141F0] =	vst v0  }
0x43: {  	[tilespmem:$0x14200] =	vst v0  }
0x44: {  	[tilespmem:$0x14210] =	vst v0  }
0x45: {  	[tilespmem:$0x14220] =	vst v0  }
0x46: {  	[tilespmem:$0x14230] =	vst v0  }
0x47: {  	[tilespmem:$0x14240] =	vst v0  }
0x48: {  	[tilespmem:$0x14250] =	vst v0  }
0x49: {  	[tilespmem:$0x14260] =	vst v0  }
0x4a: {  	[tilespmem:$0x14270] =	vst v0  }
0x4b: {  	[tilespmem:$0x14280] =	vst v0  }
0x4c: {  	[tilespmem:$0x14290] =	vst v0  }
0x4d: {  	[tilespmem:$0x142A0] =	vst v0  }
0x4e: {  	[tilespmem:$0x142B0] =	vst v0  }
0x4f: {  	[tilespmem:$0x142C0] =	vst v0  }
0x50: {  	[tilespmem:$0x142D0] =	vst v0  }
0x51: {  	[tilespmem:$0x142E0] =	vst v0  }
0x52: {  	[tilespmem:$0x142F0] =	vst v0  }
0x53: {  	[tilespmem:$0x14300] =	vst v0  }
0x54: {  	[tilespmem:$0x14310] =	vst v0  }
0x55: {  	[tilespmem:$0x14320] =	vst v0  }
0x56: {  	[tilespmem:$0x14330] =	vst v0  }
0x57: {  	[tilespmem:$0x14340] =	vst v0  }
0x58: {  	[tilespmem:$0x14350] =	vst v0  }
0x59: {  	[tilespmem:$0x14360] =	vst v0  }
0x5a: {  	[tilespmem:$0x14370] =	vst v0  }
0x5b: {  	[tilespmem:$0x14380] =	vst v0  }
0x5c: {  	[tilespmem:$0x14390] =	vst v0  }
0x5d: {  	[tilespmem:$0x143A0] =	vst v0  }
0x5e: {  	[tilespmem:$0x143B0] =	vst v0  }
0x5f: {  	[tilespmem:$0x143C0] =	vst v0  }
0x60: {  	[tilespmem:$0x143D0] =	vst v0  }
0x61: {  	[tilespmem:$0x143E0] =	vst v0  }
0x62: {  	[tilespmem:$0x143F0] =	vst v0  }
0x63: {  	[tilespmem:$0x14400] =	vst v0  }
0x64: {  	[tilespmem:$0x14410] =	vst v0  }
0x65: {  	[tilespmem:$0x14420] =	vst v0  }
0x66: {  	[tilespmem:$0x14430] =	vst v0  }
0x67: {  	[tilespmem:$0x14440] =	vst v0  }
0x68: {  	[tilespmem:$0x14450] =	vst v0  }
0x69: {  	[tilespmem:$0x14460] =	vst v0  }
0x6a: {  	[tilespmem:$0x14470] =	vst v0  }
0x6b: {  	[tilespmem:$0x14480] =	vst v0  }
0x6c: {  	[tilespmem:$0x14490] =	vst v0  }
0x6d: {  	[tilespmem:$0x144A0] =	vst v0  }
0x6e: {  	[tilespmem:$0x144B0] =	vst v0  }
0x6f: {  	[tilespmem:$0x144C0] =	vst v0  }
0x70: {  	[tilespmem:$0x144D0] =	vst v0  }
0x71: {  	[tilespmem:$0x144E0] =	vst v0  }
0x72: {  	[tilespmem:$0x144F0] =	vst v0  }
0x73: {  	[tilespmem:$0x14500] =	vst v0  }
0x74: {  	[tilespmem:$0x14510] =	vst v0  }
0x75: {  	[tilespmem:$0x14520] =	vst v0  }
0x76: {  	[tilespmem:$0x14530] =	vst v0  }
0x77: {  	[tilespmem:$0x14540] =	vst v0  }
0x78: {  	[tilespmem:$0x14550] =	vst v0  }
0x79: {  	[tilespmem:$0x14560] =	vst v0  }
0x7a: {  	[tilespmem:$0x14570] =	vst v0  }
0x7b: {  	[tilespmem:$0x14580] =	vst v0  }
0x7c: {  	[tilespmem:$0x14590] =	vst v0  }
0x7d: {  	[tilespmem:$0x145A0] =	vst v0  }
0x7e: {  	[tilespmem:$0x145B0] =	vst v0  }
0x7f: {  	[tilespmem:$0x145C0] =	vst v0  }
0x80: {  	[tilespmem:$0x145D0] =	vst v0  }
0x81: {  	[tilespmem:$0x145E0] =	vst v0  }
0x82: {  	[tilespmem:$0x145F0] =	vst v0  }
0x83: {  	[tilespmem:$0x14600] =	vst v0  }
0x84: {  	[tilespmem:$0x14610] =	vst v0  }
0x85: {  	[tilespmem:$0x14620] =	vst v0  }
0x86: {  	[tilespmem:$0x14630] =	vst v0  }
0x87: {  	[tilespmem:$0x14640] =	vst v0  }
0x88: {  	[tilespmem:$0x14650] =	vst v0  }
0x89: {  	[tilespmem:$0x14660] =	vst v0  }
0x8a: {  	[tilespmem:$0x14670] =	vst v0  }
0x8b: {  	[tilespmem:$0x14680] =	vst v0  }
0x8c: {  	[tilespmem:$0x14690] =	vst v0  }
0x8d: {  	[tilespmem:$0x146A0] =	vst v0  }
0x8e: {  	[tilespmem:$0x146B0] =	vst v0  }
0x8f: {  	[tilespmem:$0x146C0] =	vst v0  }
0x90: {  	[tilespmem:$0x146D0] =	vst v0  }
0x91: {  	[tilespmem:$0x146E0] =	vst v0  }
0x92: {  	[tilespmem:$0x146F0] =	vst v0  }
0x93: {  	[tilespmem:$0x14700] =	vst v0  }
0x94: {  	[tilespmem:$0x14710] =	vst v0  }
0x95: {  	[tilespmem:$0x14720] =	vst v0  }
0x96: {  	[tilespmem:$0x14730] =	vst v0  }
0x97: {  	[tilespmem:$0x14740] =	vst v0  }
0x98: {  	[tilespmem:$0x14750] =	vst v0  }
0x99: {  	[tilespmem:$0x14760] =	vst v0  }
0x9a: {  	[tilespmem:$0x14770] =	vst v0  }
0x9b: {  	[tilespmem:$0x14780] =	vst v0  }
0x9c: {  	[tilespmem:$0x14790] =	vst v0  }
0x9d: {  	[tilespmem:$0x147A0] =	vst v0  }
0x9e: {  	[tilespmem:$0x147B0] =	vst v0  }
0x9f: {  	[tilespmem:$0x147C0] =	vst v0  }
0xa0: {  	[tilespmem:$0x147D0] =	vst v0  }
0xa1: {  	[tilespmem:$0x147E0] =	vst v0  }
0xa2: {  	s0 =	sadd.s32 $0x0, s9;
	[tilespmem:$0x147F0] =	vst v0  }
0xa3: {  	[spmem:s0] =	stream.linear.scatter [tilespmem:s23], [sflag:$0x5], $0x800, $0x38;
	[tilespmem:$0x1CA00] =	vst v63  }
0xa4: {  	s0 =	simm.s32 $0x2000;
	_ =	swait.ge [sflag:s17], $0x800  }
.LBB2_2:
0xa5: {  	s31 =	sshra.s32 s0, $0x2;
	[sflag:s17] =	ssyncset.done $0x0;
	p0 =	sne.s32 s0, $0x4E000  }
.Ltmp0:
0xa6: {  	s31 =	sadd.s32 s31, s9;
	[sflag:s17] =	ssyncadd.s32 $0xFFFFF800;
	(pc) =	sbr.rel @p0 .LBB2_2-.Ltmp0, $3  }
0xa7: {  	[spmem:s31] =	stream.linear.scatter [tilespmem:s23], [sflag:$0x5], $0x800, $0x38;
	[tilespmem:$0x1CA00] =	vst v63  }
0xa8: {  	s0 =	sadd.s32 $0x2000, s0;
	_ =	sdelay $0x1  }
0xa9: {  	_ =	swait.ge [sflag:s17], $0x800  }
0xaa: {  	[sflag:s17] =	ssyncset.done $0x0  }
0xab: {  	[sflag:s17] =	ssyncadd.s32 $0xFFFFF800  }
0xac: {  	[bflag:$0x0] =	sbarrier.arrive $0xFFFF  }
0xad: {  	_ =	swait.ge [sflag:s24], $0x80  }
0xae: {  	[sflag:s24] =	ssyncset.done $0x0  }
0xaf: {  	[sflag:s24] =	ssyncadd.s32 $0xFFFFFF80  }
0xb0: {  	_ =	swait.ge [sflag:s24], $0x80  }
0xb1: {  	[sflag:s24] =	ssyncset.done $0x0  }
0xb2: {  	[sflag:s24] =	ssyncadd.s32 $0xFFFFFF80  }
0xb3: {  	[tilespmem:s25], [sflag:$0x2] =	stream.indirect.gather [hbm4b:s4+s19], $0x80, s22, s19, $0xb8;
	[tilespmem:$0x1CA00] =	vst v63  }
0xb4: {  	_ =	swait.ge [sflag:s26], $0x4000  }
0xb5: {  	[sflag:s26] =	ssyncset.done $0x0  }
0xb6: {  	[sflag:s26] =	ssyncadd.s32 $0xFFFFC000  }
0xb7: {  	[spmem:s1] =	stream.indirect.scatter.add.f32 [tilespmem:s20], [sflag:$0x5], $0x80, s16, s19, $0xb8;
	[tilespmem:$0x1CA00] =	vst v63  }
0xb8: {  	_ =	swait.ge [sflag:s17], $0x4000  }
0xb9: {  	[sflag:s17] =	ssyncset.done $0x0  }
0xba: {  	s0 =	sadd.s32 $0x0, s15;
	[sflag:s17] =	ssyncadd.s32 $0xFFFFC000  }
0xbb: {  	[tilespmem:s16], [sflag:$0x3] =	stream.linear.gather [hbm4b:s0+s3], $0x80, $0x38;
	[tilespmem:$0x1CA00] =	vst v63  }
0xbc: {  	s2 =	sadd.s32 $0x0, s14  }
0xbd: {  	[tilespmem:s18], [sflag:$0x3] =	stream.linear.gather [hbm4b:s2+s3], $0x80, $0x38;
	[tilespmem:$0x1CA00] =	vst v63  }
0xbe: {  	_ =	swait.ge [sflag:s28], $0x4000  }
0xbf: {  	[sflag:s28] =	ssyncset.done $0x0  }
0xc0: {  	[sflag:s28] =	ssyncadd.s32 $0xFFFFC000  }
0xc1: {  	_ =	swait.ge [sflag:s29], $0x80  }
0xc2: {  	[sflag:s29] =	ssyncset.done $0x0  }
0xc3: {  	[sflag:s29] =	ssyncadd.s32 $0xFFFFFF80  }
0xc4: {  	_ =	swait.ge [sflag:s29], $0x80  }
0xc5: {  	[sflag:s29] =	ssyncset.done $0x0  }
0xc6: {  	[sflag:s29] =	ssyncadd.s32 $0xFFFFFF80  }
0xc7: {  	[tilespmem:s20], [sflag:$0x1] =	stream.indirect.gather [hbm4b:s4+s19], $0x80, s18, s19, $0xb8;
	[tilespmem:$0x1CA00] =	vst v63  }
0xc8: {  	_ = 	snop  }
0xc9: {  	[spmem:s1] =	stream.indirect.scatter.add.f32 [tilespmem:s25], [sflag:$0x5], $0x80, s21, s19, $0xb8;
	[tilespmem:$0x1CA00] =	vst v63  }
0xca: {  	_ =	swait.ge [sflag:s17], $0x4000  }
0xcb: {  	s31 =	simm.s32 $0x20;
	[sflag:s17] =	ssyncset.done $0x0  }
0xcc: {  	s0 =	sadd.s32 $0x0, s12;
	s2 =	sadd.s32 $0x0, s13;
	[sflag:s17] =	ssyncadd.s32 $0xFFFFC000  }
0xcd: {  	[tilespmem:s21], [sflag:$0x4] =	stream.linear.gather [hbm4b:s2+s3], $0x80, $0x38;
	[tilespmem:$0x1CA00] =	vst v63  }
.LBB2_4:
0xce: {  	[tilespmem:s22], [sflag:$0x4] =	stream.linear.gather [hbm4b:s0+s3], $0x80, $0x38;
	[tilespmem:$0x1CA00] =	vst v63  }
0xcf: {  	s0 =	smov.u32 s31  }
0xd0: {  	p0 =	sne.s32 s31, $0x4C0;
	s31 =	sadd.s32 $0x20, s31;
	_ =	swait.ge [sflag:s24], $0x80  }
0xd1: {  	[sflag:s24] =	ssyncset.done $0x0  }
0xd2: {  	[sflag:s24] =	ssyncadd.s32 $0xFFFFFF80  }
0xd3: {  	_ =	swait.ge [sflag:s24], $0x80  }
0xd4: {  	[sflag:s24] =	ssyncset.done $0x0  }
0xd5: {  	[sflag:s24] =	ssyncadd.s32 $0xFFFFFF80  }
0xd6: {  	[tilespmem:s25], [sflag:$0x2] =	stream.indirect.gather [hbm4b:s4+s19], $0x80, s22, s19, $0xb8;
	[tilespmem:$0x1CA00] =	vst v63  }
0xd7: {  	_ =	swait.ge [sflag:s26], $0x4000  }
0xd8: {  	[sflag:s26] =	ssyncset.done $0x0  }
0xd9: {  	[sflag:s26] =	ssyncadd.s32 $0xFFFFC000  }
0xda: {  	[spmem:s1] =	stream.indirect.scatter.add.f32 [tilespmem:s20], [sflag:$0x5], $0x80, s16, s19, $0xb8;
	[tilespmem:$0x1CA00] =	vst v63  }
0xdb: {  	_ =	swait.ge [sflag:s17], $0x4000  }
0xdc: {  	[sflag:s17] =	ssyncset.done $0x0  }
0xdd: {  	s2 =	sadd.s32 s0, s15;
	[sflag:s17] =	ssyncadd.s32 $0xFFFFC000  }
0xde: {  	[tilespmem:s16], [sflag:$0x3] =	stream.linear.gather [hbm4b:s2+s3], $0x80, $0x38;
	[tilespmem:$0x1CA00] =	vst v63  }
0xdf: {  	s2 =	sadd.s32 s0, s14  }
0xe0: {  	[tilespmem:s18], [sflag:$0x3] =	stream.linear.gather [hbm4b:s2+s3], $0x80, $0x38;
	[tilespmem:$0x1CA00] =	vst v63  }
0xe1: {  	_ =	swait.ge [sflag:s28], $0x4000  }
0xe2: {  	[sflag:s28] =	ssyncset.done $0x0  }
0xe3: {  	[sflag:s28] =	ssyncadd.s32 $0xFFFFC000  }
0xe4: {  	_ =	swait.ge [sflag:s29], $0x80  }
0xe5: {  	[sflag:s29] =	ssyncset.done $0x0  }
0xe6: {  	[sflag:s29] =	ssyncadd.s32 $0xFFFFFF80  }
0xe7: {  	_ =	swait.ge [sflag:s29], $0x80  }
0xe8: {  	[sflag:s29] =	ssyncset.done $0x0  }
0xe9: {  	[sflag:s29] =	ssyncadd.s32 $0xFFFFFF80  }
0xea: {  	[tilespmem:s20], [sflag:$0x1] =	stream.indirect.gather [hbm4b:s4+s19], $0x80, s18, s19, $0xb8;
	[tilespmem:$0x1CA00] =	vst v63  }
0xeb: {  	_ = 	snop  }
0xec: {  	[spmem:s1] =	stream.indirect.scatter.add.f32 [tilespmem:s25], [sflag:$0x5], $0x80, s21, s19, $0xb8;
	[tilespmem:$0x1CA00] =	vst v63  }
.Ltmp1:
0xed: {  	_ =	swait.ge [sflag:s17], $0x4000;
	(pc) =	sbr.rel @p0 .LBB2_4-.Ltmp1, $4  }
0xee: {  	[sflag:s17] =	ssyncset.done $0x0  }
0xef: {  	s2 =	sadd.s32 s0, s13;
	[sflag:s17] =	ssyncadd.s32 $0xFFFFC000  }
0xf0: {  	[tilespmem:s21], [sflag:$0x4] =	stream.linear.gather [hbm4b:s2+s3], $0x80, $0x38;
	[tilespmem:$0x1CA00] =	vst v63  }
0xf1: {  	s0 =	sadd.s32 s0, s12  }
0xf2: {  	[tilespmem:s22], [sflag:$0x4] =	stream.linear.gather [hbm4b:s0+s3], $0x80, $0x38;
	[tilespmem:$0x1CA00] =	vst v63  }
0xf3: {  	_ =	swait.ge [sflag:s24], $0x80  }
0xf4: {  	[sflag:s24] =	ssyncset.done $0x0  }
0xf5: {  	[sflag:s24] =	ssyncadd.s32 $0xFFFFFF80  }
0xf6: {  	_ =	swait.ge [sflag:s24], $0x80  }
0xf7: {  	[sflag:s24] =	ssyncset.done $0x0  }
0xf8: {  	[sflag:s24] =	ssyncadd.s32 $0xFFFFFF80  }
0xf9: {  	[tilespmem:s25], [sflag:$0x2] =	stream.indirect.gather [hbm4b:s4+s19], $0x80, s22, s19, $0xb8;
	[tilespmem:$0x1CA00] =	vst v63  }
0xfa: {  	_ =	swait.ge [sflag:s26], $0x4000  }
0xfb: {  	[sflag:s26] =	ssyncset.done $0x0  }
0xfc: {  	[sflag:s26] =	ssyncadd.s32 $0xFFFFC000  }
0xfd: {  	[spmem:s1] =	stream.indirect.scatter.add.f32 [tilespmem:s20], [sflag:$0x5], $0x80, s16, s19, $0xb8;
	[tilespmem:$0x1CA00] =	vst v63  }
0xfe: {  	_ =	swait.ge [sflag:s17], $0x4000  }
0xff: {  	[sflag:s17] =	ssyncset.done $0x0  }
0x100: {  	[sflag:s17] =	ssyncadd.s32 $0xFFFFC000  }
0x101: {  	_ =	swait.ge [sflag:s28], $0x4000  }
0x102: {  	[sflag:s28] =	ssyncset.done $0x0  }
0x103: {  	[sflag:s28] =	ssyncadd.s32 $0xFFFFC000  }
0x104: {  	[spmem:s1] =	stream.indirect.scatter.add.f32 [tilespmem:s25], [sflag:$0x5], $0x80, s21, s19, $0xb8;
	[tilespmem:$0x1CA00] =	vst v63  }
0x105: {  	s31 =	stileid.u32;
	_ =	swait.ge [sflag:s17], $0x4000  }
0x106: {  	s2 =	sshrl.u32 s9, $0x3;
	s30 =	sadd.s32 $0x1, s30;
	[sflag:s17] =	ssyncset.done $0x0  }
0x107: {  	s0 =	sshll.u32 s31, $0x6;
	p0 =	sne.s32 s30, s11;
	[sflag:s17] =	ssyncadd.s32 $0xFFFFC000  }
.Ltmp2:
0x108: {  	s0 =	sor.u32 $0x1C05, s0;
	[bflag:$0x0] =	sbarrier.arrive $0xFFFF;
	(pc) =	sbr.rel @p0 .LBB2_1-.Ltmp2, $4  }
0x109: {  	[hbm:s10], [sflag:s0] =	dma.local [spmem:s2], $0x2800  }
0x10a: {  	_ =	swait.ge [sflag:s17], $0x2800  }
0x10b: {  	[sflag:s17] =	ssyncset.done $0x0  }
0x10c: {  	[sflag:s17] =	ssyncadd.s32 $0xFFFFD800  }
0x10d: {  	_ =	sfence.sel $0x180000  }
0x10e: {  	[bflag:$0x0] =	sbarrier.arrive $0xFFFF  }
0x10f: {  	_ =	strace $0x9000004A  }
0x110: {  	s0 =	stileid.u32;
	[bflag:$0x2] =	sbarrier.arrive $0xFFFF  }
0x111: {  	p0 =	sne.s32 s0, $0x0;
	s0 =	rddreg [dreg:$0x3]  }
0x112: {  	s0 =	sadd.s32 @!p0 $0x100000, s0  }
0x113: {  	[sflag:s0] =	ssyncadd.tile.s32 @!p0 $0x1;
	_ =	shalt  }
.Lfunc_end2:
_tile_overlayer_lowered:
.L_overlay_start_2:
0x114: {  	(tag) =	ssettag $0x2  }
0x115: {  	s0 =	rddreg [dreg:$0x0];
	s2 =	stileid.u32  }
0x116: {  	s1 =	rddreg [dreg:$0x1];
	p0 =	sne.s32 s2, $0x0  }
0x117: {  	s3 =	rddreg [dreg:$0x2];
	[bflag:$0x3] =	sbarrier.arrive $0xFFFF;
	s2 =	simm.s32 @!p0 $0x1C05  }
0x118: {  	[timem:s3], [sflag:s2] =	dma.local @!p0 [hbm:s0], s1  }
0x119: {  	s0 =	simm.s32 @!p0 $0x5  }
0x11a: {  	_ =	swait.ge @!p0 [sflag:s0], s1  }
0x11b: {  	s1 =	ssub.s32 @!p0 $0x0, s1;
	[sflag:s0] =	ssyncset.done @!p0 $0x0  }
0x11c: {  	[sflag:s0] =	ssyncadd.s32 @!p0 s1  }
0x11d: {  	[bflag:$0x3] =	sbarrier.arrive $0xFFFF  }
0x11e: {  	_ =	shalt  }

</sc_bundles>
